<compile_context>
chip_gen: v7x
topology: tpu7x:2x2x1
jax: 0.10.2.dev20260603
libtpu: 0.0.44.dev20260713+nightly
codegen_flags: <defaults>
</compile_context>

<pallas_src>
import jax
import jax.numpy as jnp
from jax import lax
from jax.experimental import pallas as pl
from jax.experimental.pallas import tpu as pltpu
from jax.experimental.pallas import tpu_sc as plsc

VOCAB = 1000000
EMBED_DIM = 32
BATCH = 16384
HIST = 200

_NC = 2
_NS = 16
_NW = _NC * _NS
_HT = HIST // 8
_BTW = (BATCH // 128) // _NW
_NU = _HT * _BTW


def _gather_body(x2_hbm, table_hbm, out_hbm,
                 idx0, idx1, rows0, rows1, sg0, sg1, so0, so1):
    idxb = (idx0, idx1)
    rows = (rows0, rows1)
    sg = (sg0, sg1)
    so = (so0, so1)
    wid = lax.axis_index("s") * _NC + lax.axis_index("c")

    def unit_decode(t):
        btl = t // _HT
        ht = t % _HT
        return _BTW * wid + btl, ht

    def load_idx(t, p):
        bt, ht = unit_decode(t)
        pltpu.sync_copy(x2_hbm.at[pl.ds((ht * 128 + bt) * 8, 8), :], idxb[p])

    def fire_gathers(p):
        for h0 in range(8):
            pltpu.async_copy(table_hbm.at[idxb[p].at[h0]], rows[p].at[h0], sg[p])

    def wait_gathers(p):
        for h0 in range(8):
            pltpu.make_async_copy(
                table_hbm.at[idxb[p].at[h0]], rows[p].at[h0], sg[p]).wait()

    def fire_stores(t, p):
        bt, ht = unit_decode(t)
        for h0 in range(8):
            pltpu.async_copy(
                rows[p].at[h0],
                out_hbm.at[pl.ds(bt * 128, 128), 8 * ht + h0, :], so[p])

    def wait_stores(p):
        for h0 in range(8):
            pltpu.make_async_copy(
                rows[p].at[h0],
                out_hbm.at[pl.ds(0, 128), h0, :], so[p]).wait()

    load_idx(0, 0)
    fire_gathers(0)
    load_idx(1, 1)
    fire_gathers(1)
    wait_gathers(0)
    fire_stores(0, 0)

    def group(g, c):
        for p in (0, 1):
            t = 2 * g + p
            load_idx(t, p)
            wait_stores(p)
            fire_gathers(p)
            wait_gathers(1 - p)
            fire_stores(t - 1, 1 - p)
        return c

    lax.fori_loop(1, _NU // 2, group, 0)

    wait_gathers(1)
    fire_stores(_NU - 1, 1)
    wait_stores(0)
    wait_stores(1)


@jax.jit
def _run(x2d, table):
    mesh = plsc.VectorSubcoreMesh(core_axis_name="c", subcore_axis_name="s")
    f = pl.kernel(
        _gather_body,
        out_type=jax.ShapeDtypeStruct((BATCH, HIST, EMBED_DIM), jnp.float32),
        mesh=mesh,
        scratch_types=[
            pltpu.VMEM((8, 128), jnp.int32),
            pltpu.VMEM((8, 128), jnp.int32),
            pltpu.VMEM((8, 128, EMBED_DIM), jnp.float32),
            pltpu.VMEM((8, 128, EMBED_DIM), jnp.float32),
            pltpu.SemaphoreType.DMA,
            pltpu.SemaphoreType.DMA,
            pltpu.SemaphoreType.DMA,
            pltpu.SemaphoreType.DMA,
        ],
        compiler_params=pltpu.CompilerParams(use_tc_tiling_on_sc=False),
    )
    return f(x2d, table)


def kernel(x, table):
    x2d = (x.T.reshape(_HT, 8, 128, 128)
           .transpose((0, 2, 1, 3))
           .reshape(_HT * 1024, 128))
    return _run(x2d, table)

# --- scband reference (transcript-rebuilt; emitter-appended) ---
"""Pipeline reference for scband-word-pretrained-embbedings-68736656605616 (READ-ONLY COPY).

The authoritative reference and input builder live on the scoring server;
editing this copy changes nothing except your own understanding.
"""

import jax, jax.numpy as jnp
import numpy as np

VOCAB = 1000000
EMBED_DIM = 32
BATCH = 16384
HIST = 200

def setup_inputs(seed: int = 0) -> dict:
    key = jax.random.key(seed)
    k1, k2 = jax.random.split(key)
    table = jax.random.normal(k1, (VOCAB, EMBED_DIM), dtype=jnp.float32)
    # padding_idx=0 -> row 0 is zeros in nn.Embedding.from_pretrained
    table = table.at[0].set(0.0)
    x = jax.random.randint(k2, (BATCH, HIST), 0, VOCAB, dtype=jnp.int32)
    return {"x": x, "table": table}

def reference(x, table):
    # nn.Embedding lookup == row gather from the pretrained table
    return jnp.take(table, x, axis=0)

if __name__ == "__main__":
    import jax
    _d = setup_inputs()
    print(jax.jit(kernel)(*tuple(_d.values())))

</pallas_src>

<mosaic_0001>
#map = affine_map<(d0, d1) -> (0, 0)>
#map1 = affine_map<(d0, d1) -> (0, 0, 0)>
module attributes {stable_mosaic.version = 14 : i64} {
  func.func @_gather_body(%arg0: i32, %arg1: i32, %arg2: memref<25600x128xi32, #tpu.memory_space<hbm>>, %arg3: memref<1000000x32xf32, #tpu.memory_space<hbm>>, %arg4: memref<16384x200x32xf32, #tpu.memory_space<hbm>>, %arg5: memref<8x128xi32, #tpu.memory_space<vmem>>, %arg6: memref<8x128xi32, #tpu.memory_space<vmem>>, %arg7: memref<8x128x32xf32, #tpu.memory_space<vmem>>, %arg8: memref<8x128x32xf32, #tpu.memory_space<vmem>>, %arg9: memref<!tpu.dma_semaphore, #tpu.memory_space<semaphore_mem>>, %arg10: memref<!tpu.dma_semaphore, #tpu.memory_space<semaphore_mem>>, %arg11: memref<!tpu.dma_semaphore, #tpu.memory_space<semaphore_mem>>, %arg12: memref<!tpu.dma_semaphore, #tpu.memory_space<semaphore_mem>>) attributes {dimension_semantics = [#tpu.dimension_semantics<core_parallel>, #tpu.dimension_semantics<subcore_parallel>], iteration_bounds = array<i64: 2, 16>, scalar_prefetch = 0 : i64, scratch_operands = 8 : i64, tpu.core_type = #tpu.core_type<sc_vector_subcore>, window_params = [{transform_indices = #map}, {transform_indices = #map}, {transform_indices = #map1}]} {
    %mul3A = arith.constant 2 : i32
    %mul3A_0 = arith.muli %arg1, %mul3A : i32
    %add3A = arith.addi %mul3A_0, %arg0 : i32
    %mul3A_1 = arith.constant 4 : i32
    %mul3A_2 = arith.muli %mul3A_1, %add3A : i32
    %add3A_3 = arith.constant 0 : i32
    %add3A_4 = arith.addi %mul3A_2, %add3A_3 : i32
    %add3A_5 = arith.constant 0 : i32
    %add3A_6 = arith.addi %add3A_5, %add3A_4 : i32
    %mul3A_7 = arith.constant 8 : i32
    %mul3A_8 = arith.muli %add3A_6, %mul3A_7 : i32
    "tpu.region"() ({
      %run_scoped3A = tpu.sem_alloc : memref<!tpu.dma_semaphore, #tpu.memory_space<semaphore_mem>>
      %dma_start3A_988 = arith.constant 0 : i32
      %dma_start3A_989 = tpu.memref_slice %arg2[%mul3A_8, %dma_start3A_988] : memref<25600x128xi32, #tpu.memory_space<hbm>> -> memref<8x128xi32, #tpu.memory_space<hbm>>
      %dma_start3A_990 = arith.constant 0 : i32
      %dma_start3A_991 = tpu.memref_slice %arg2[%mul3A_8, %dma_start3A_990] : memref<25600x128xi32, #tpu.memory_space<hbm>> -> memref<8x128xi32, #tpu.memory_space<hbm>>
      tpu.enqueue_dma source(%dma_start3A_991 : memref<8x128xi32, #tpu.memory_space<hbm>>) target(%arg5 : memref<8x128xi32, #tpu.memory_space<vmem>>) target_semaphore(%run_scoped3A : memref<!tpu.dma_semaphore, #tpu.memory_space<semaphore_mem>>)
      %dma_wait3A_992 = arith.constant 0 : i32
      %dma_wait3A_993 = tpu.memref_slice %arg2[%mul3A_8, %dma_wait3A_992] : memref<25600x128xi32, #tpu.memory_space<hbm>> -> memref<8x128xi32, #tpu.memory_space<hbm>>
      %dma_wait3A_994 = arith.constant 0 : i32
      %dma_wait3A_995 = tpu.memref_slice %arg2[%mul3A_8, %dma_wait3A_994] : memref<25600x128xi32, #tpu.memory_space<hbm>> -> memref<8x128xi32, #tpu.memory_space<hbm>>
      tpu.wait_dma2 semaphore(%run_scoped3A : memref<!tpu.dma_semaphore, #tpu.memory_space<semaphore_mem>>) src(%dma_wait3A_995 : memref<8x128xi32, #tpu.memory_space<hbm>>) dst(%arg5 : memref<8x128xi32, #tpu.memory_space<vmem>>)
      tpu.yield
    }) : () -> ()
    %dma_start3A = arith.constant 0 : i32
    %dma_start3A_9 = arith.constant 0 : i32
    %dma_start3A_10 = arith.constant 0 : i32
    %dma_start3A_11 = arith.constant 0 : i32
    %dma_start3A_12 = tpu.memref_slice %arg7[%dma_start3A_9, %dma_start3A_10, %dma_start3A_11] : memref<8x128x32xf32, #tpu.memory_space<vmem>> -> memref<1x128x32xf32, #tpu.memory_space<vmem>>
    %dma_start3A_13 = tpu.memref_squeeze %dma_start3A_12 : memref<1x128x32xf32, #tpu.memory_space<vmem>> -> memref<128x32xf32, #tpu.memory_space<vmem>>
    %dma_start3A_14 = arith.constant 0 : i32
    %dma_start3A_15 = tpu.memref_slice %arg5[%dma_start3A, %dma_start3A_14] : memref<8x128xi32, #tpu.memory_space<vmem>> -> memref<1x128xi32, #tpu.memory_space<vmem>>
    %dma_start3A_16 = tpu.memref_squeeze %dma_start3A_15 : memref<1x128xi32, #tpu.memory_space<vmem>> -> memref<128xi32, #tpu.memory_space<vmem>>
    %dma_start3A_17 = arith.constant 0 : i32
    %dma_start3A_18 = arith.constant 0 : i32
    %dma_start3A_19 = tpu.memref_slice %arg3[%dma_start3A_17, %dma_start3A_18] : memref<1000000x32xf32, #tpu.memory_space<hbm>> -> memref<1000000x32xf32, #tpu.memory_space<hbm>>
    tpu.enqueue_indirect_dma source(%dma_start3A_19 : memref<1000000x32xf32, #tpu.memory_space<hbm>>) target(%dma_start3A_13 : memref<128x32xf32, #tpu.memory_space<vmem>>) offsets(%dma_start3A_16 : memref<128xi32, #tpu.memory_space<vmem>>) semaphore(%arg9 : memref<!tpu.dma_semaphore, #tpu.memory_space<semaphore_mem>>)
    %dma_start3A_20 = arith.constant 1 : i32
    %dma_start3A_21 = arith.constant 1 : i32
    %dma_start3A_22 = arith.constant 0 : i32
    %dma_start3A_23 = arith.constant 0 : i32
    %dma_start3A_24 = tpu.memref_slice %arg7[%dma_start3A_21, %dma_start3A_22, %dma_start3A_23] : memref<8x128x32xf32, #tpu.memory_space<vmem>> -> memref<1x128x32xf32, #tpu.memory_space<vmem>>
    %dma_start3A_25 = tpu.memref_squeeze %dma_start3A_24 : memref<1x128x32xf32, #tpu.memory_space<vmem>> -> memref<128x32xf32, #tpu.memory_space<vmem>>
    %dma_start3A_26 = arith.constant 0 : i32
    %dma_start3A_27 = tpu.memref_slice %arg5[%dma_start3A_20, %dma_start3A_26] : memref<8x128xi32, #tpu.memory_space<vmem>> -> memref<1x128xi32, #tpu.memory_space<vmem>>
    %dma_start3A_28 = tpu.memref_squeeze %dma_start3A_27 : memref<1x128xi32, #tpu.memory_space<vmem>> -> memref<128xi32, #tpu.memory_space<vmem>>
    %dma_start3A_29 = arith.constant 0 : i32
    %dma_start3A_30 = arith.constant 0 : i32
    %dma_start3A_31 = tpu.memref_slice %arg3[%dma_start3A_29, %dma_start3A_30] : memref<1000000x32xf32, #tpu.memory_space<hbm>> -> memref<1000000x32xf32, #tpu.memory_space<hbm>>
    tpu.enqueue_indirect_dma source(%dma_start3A_31 : memref<1000000x32xf32, #tpu.memory_space<hbm>>) target(%dma_start3A_25 : memref<128x32xf32, #tpu.memory_space<vmem>>) offsets(%dma_start3A_28 : memref<128xi32, #tpu.memory_space<vmem>>) semaphore(%arg9 : memref<!tpu.dma_semaphore, #tpu.memory_space<semaphore_mem>>)
    %dma_start3A_32 = arith.constant 2 : i32
    %dma_start3A_33 = arith.constant 2 : i32
    %dma_start3A_34 = arith.constant 0 : i32
    %dma_start3A_35 = arith.constant 0 : i32
    %dma_start3A_36 = tpu.memref_slice %arg7[%dma_start3A_33, %dma_start3A_34, %dma_start3A_35] : memref<8x128x32xf32, #tpu.memory_space<vmem>> -> memref<1x128x32xf32, #tpu.memory_space<vmem>>
    %dma_start3A_37 = tpu.memref_squeeze %dma_start3A_36 : memref<1x128x32xf32, #tpu.memory_space<vmem>> -> memref<128x32xf32, #tpu.memory_space<vmem>>
    %dma_start3A_38 = arith.constant 0 : i32
    %dma_start3A_39 = tpu.memref_slice %arg5[%dma_start3A_32, %dma_start3A_38] : memref<8x128xi32, #tpu.memory_space<vmem>> -> memref<1x128xi32, #tpu.memory_space<vmem>>
    %dma_start3A_40 = tpu.memref_squeeze %dma_start3A_39 : memref<1x128xi32, #tpu.memory_space<vmem>> -> memref<128xi32, #tpu.memory_space<vmem>>
    %dma_start3A_41 = arith.constant 0 : i32
    %dma_start3A_42 = arith.constant 0 : i32
    %dma_start3A_43 = tpu.memref_slice %arg3[%dma_start3A_41, %dma_start3A_42] : memref<1000000x32xf32, #tpu.memory_space<hbm>> -> memref<1000000x32xf32, #tpu.memory_space<hbm>>
    tpu.enqueue_indirect_dma source(%dma_start3A_43 : memref<1000000x32xf32, #tpu.memory_space<hbm>>) target(%dma_start3A_37 : memref<128x32xf32, #tpu.memory_space<vmem>>) offsets(%dma_start3A_40 : memref<128xi32, #tpu.memory_space<vmem>>) semaphore(%arg9 : memref<!tpu.dma_semaphore, #tpu.memory_space<semaphore_mem>>)
    %dma_start3A_44 = arith.constant 3 : i32
    %dma_start3A_45 = arith.constant 3 : i32
    %dma_start3A_46 = arith.constant 0 : i32
    %dma_start3A_47 = arith.constant 0 : i32
    %dma_start3A_48 = tpu.memref_slice %arg7[%dma_start3A_45, %dma_start3A_46, %dma_start3A_47] : memref<8x128x32xf32, #tpu.memory_space<vmem>> -> memref<1x128x32xf32, #tpu.memory_space<vmem>>
    %dma_start3A_49 = tpu.memref_squeeze %dma_start3A_48 : memref<1x128x32xf32, #tpu.memory_space<vmem>> -> memref<128x32xf32, #tpu.memory_space<vmem>>
    %dma_start3A_50 = arith.constant 0 : i32
    %dma_start3A_51 = tpu.memref_slice %arg5[%dma_start3A_44, %dma_start3A_50] : memref<8x128xi32, #tpu.memory_space<vmem>> -> memref<1x128xi32, #tpu.memory_space<vmem>>
    %dma_start3A_52 = tpu.memref_squeeze %dma_start3A_51 : memref<1x128xi32, #tpu.memory_space<vmem>> -> memref<128xi32, #tpu.memory_space<vmem>>
    %dma_start3A_53 = arith.constant 0 : i32
    %dma_start3A_54 = arith.constant 0 : i32
    %dma_start3A_55 = tpu.memref_slice %arg3[%dma_start3A_53, %dma_start3A_54] : memref<1000000x32xf32, #tpu.memory_space<hbm>> -> memref<1000000x32xf32, #tpu.memory_space<hbm>>
    tpu.enqueue_indirect_dma source(%dma_start3A_55 : memref<1000000x32xf32, #tpu.memory_space<hbm>>) target(%dma_start3A_49 : memref<128x32xf32, #tpu.memory_space<vmem>>) offsets(%dma_start3A_52 : memref<128xi32, #tpu.memory_space<vmem>>) semaphore(%arg9 : memref<!tpu.dma_semaphore, #tpu.memory_space<semaphore_mem>>)
    %dma_start3A_56 = arith.constant 4 : i32
    %dma_start3A_57 = arith.constant 4 : i32
    %dma_start3A_58 = arith.constant 0 : i32
    %dma_start3A_59 = arith.constant 0 : i32
    %dma_start3A_60 = tpu.memref_slice %arg7[%dma_start3A_57, %dma_start3A_58, %dma_start3A_59] : memref<8x128x32xf32, #tpu.memory_space<vmem>> -> memref<1x128x32xf32, #tpu.memory_space<vmem>>
    %dma_start3A_61 = tpu.memref_squeeze %dma_start3A_60 : memref<1x128x32xf32, #tpu.memory_space<vmem>> -> memref<128x32xf32, #tpu.memory_space<vmem>>
    %dma_start3A_62 = arith.constant 0 : i32
    %dma_start3A_63 = tpu.memref_slice %arg5[%dma_start3A_56, %dma_start3A_62] : memref<8x128xi32, #tpu.memory_space<vmem>> -> memref<1x128xi32, #tpu.memory_space<vmem>>
    %dma_start3A_64 = tpu.memref_squeeze %dma_start3A_63 : memref<1x128xi32, #tpu.memory_space<vmem>> -> memref<128xi32, #tpu.memory_space<vmem>>
    %dma_start3A_65 = arith.constant 0 : i32
    %dma_start3A_66 = arith.constant 0 : i32
    %dma_start3A_67 = tpu.memref_slice %arg3[%dma_start3A_65, %dma_start3A_66] : memref<1000000x32xf32, #tpu.memory_space<hbm>> -> memref<1000000x32xf32, #tpu.memory_space<hbm>>
    tpu.enqueue_indirect_dma source(%dma_start3A_67 : memref<1000000x32xf32, #tpu.memory_space<hbm>>) target(%dma_start3A_61 : memref<128x32xf32, #tpu.memory_space<vmem>>) offsets(%dma_start3A_64 : memref<128xi32, #tpu.memory_space<vmem>>) semaphore(%arg9 : memref<!tpu.dma_semaphore, #tpu.memory_space<semaphore_mem>>)
    %dma_start3A_68 = arith.constant 5 : i32
    %dma_start3A_69 = arith.constant 5 : i32
    %dma_start3A_70 = arith.constant 0 : i32
    %dma_start3A_71 = arith.constant 0 : i32
    %dma_start3A_72 = tpu.memref_slice %arg7[%dma_start3A_69, %dma_start3A_70, %dma_start3A_71] : memref<8x128x32xf32, #tpu.memory_space<vmem>> -> memref<1x128x32xf32, #tpu.memory_space<vmem>>
    %dma_start3A_73 = tpu.memref_squeeze %dma_start3A_72 : memref<1x128x32xf32, #tpu.memory_space<vmem>> -> memref<128x32xf32, #tpu.memory_space<vmem>>
    %dma_start3A_74 = arith.constant 0 : i32
    %dma_start3A_75 = tpu.memref_slice %arg5[%dma_start3A_68, %dma_start3A_74] : memref<8x128xi32, #tpu.memory_space<vmem>> -> memref<1x128xi32, #tpu.memory_space<vmem>>
    %dma_start3A_76 = tpu.memref_squeeze %dma_start3A_75 : memref<1x128xi32, #tpu.memory_space<vmem>> -> memref<128xi32, #tpu.memory_space<vmem>>
    %dma_start3A_77 = arith.constant 0 : i32
    %dma_start3A_78 = arith.constant 0 : i32
    %dma_start3A_79 = tpu.memref_slice %arg3[%dma_start3A_77, %dma_start3A_78] : memref<1000000x32xf32, #tpu.memory_space<hbm>> -> memref<1000000x32xf32, #tpu.memory_space<hbm>>
    tpu.enqueue_indirect_dma source(%dma_start3A_79 : memref<1000000x32xf32, #tpu.memory_space<hbm>>) target(%dma_start3A_73 : memref<128x32xf32, #tpu.memory_space<vmem>>) offsets(%dma_start3A_76 : memref<128xi32, #tpu.memory_space<vmem>>) semaphore(%arg9 : memref<!tpu.dma_semaphore, #tpu.memory_space<semaphore_mem>>)
    %dma_start3A_80 = arith.constant 6 : i32
    %dma_start3A_81 = arith.constant 6 : i32
    %dma_start3A_82 = arith.constant 0 : i32
    %dma_start3A_83 = arith.constant 0 : i32
    %dma_start3A_84 = tpu.memref_slice %arg7[%dma_start3A_81, %dma_start3A_82, %dma_start3A_83] : memref<8x128x32xf32, #tpu.memory_space<vmem>> -> memref<1x128x32xf32, #tpu.memory_space<vmem>>
    %dma_start3A_85 = tpu.memref_squeeze %dma_start3A_84 : memref<1x128x32xf32, #tpu.memory_space<vmem>> -> memref<128x32xf32, #tpu.memory_space<vmem>>
    %dma_start3A_86 = arith.constant 0 : i32
    %dma_start3A_87 = tpu.memref_slice %arg5[%dma_start3A_80, %dma_start3A_86] : memref<8x128xi32, #tpu.memory_space<vmem>> -> memref<1x128xi32, #tpu.memory_space<vmem>>
    %dma_start3A_88 = tpu.memref_squeeze %dma_start3A_87 : memref<1x128xi32, #tpu.memory_space<vmem>> -> memref<128xi32, #tpu.memory_space<vmem>>
    %dma_start3A_89 = arith.constant 0 : i32
    %dma_start3A_90 = arith.constant 0 : i32
    %dma_start3A_91 = tpu.memref_slice %arg3[%dma_start3A_89, %dma_start3A_90] : memref<1000000x32xf32, #tpu.memory_space<hbm>> -> memref<1000000x32xf32, #tpu.memory_space<hbm>>
    tpu.enqueue_indirect_dma source(%dma_start3A_91 : memref<1000000x32xf32, #tpu.memory_space<hbm>>) target(%dma_start3A_85 : memref<128x32xf32, #tpu.memory_space<vmem>>) offsets(%dma_start3A_88 : memref<128xi32, #tpu.memory_space<vmem>>) semaphore(%arg9 : memref<!tpu.dma_semaphore, #tpu.memory_space<semaphore_mem>>)
    %dma_start3A_92 = arith.constant 7 : i32
    %dma_start3A_93 = arith.constant 7 : i32
    %dma_start3A_94 = arith.constant 0 : i32
    %dma_start3A_95 = arith.constant 0 : i32
    %dma_start3A_96 = tpu.memref_slice %arg7[%dma_start3A_93, %dma_start3A_94, %dma_start3A_95] : memref<8x128x32xf32, #tpu.memory_space<vmem>> -> memref<1x128x32xf32, #tpu.memory_space<vmem>>
    %dma_start3A_97 = tpu.memref_squeeze %dma_start3A_96 : memref<1x128x32xf32, #tpu.memory_space<vmem>> -> memref<128x32xf32, #tpu.memory_space<vmem>>
    %dma_start3A_98 = arith.constant 0 : i32
    %dma_start3A_99 = tpu.memref_slice %arg5[%dma_start3A_92, %dma_start3A_98] : memref<8x128xi32, #tpu.memory_space<vmem>> -> memref<1x128xi32, #tpu.memory_space<vmem>>
    %dma_start3A_100 = tpu.memref_squeeze %dma_start3A_99 : memref<1x128xi32, #tpu.memory_space<vmem>> -> memref<128xi32, #tpu.memory_space<vmem>>
    %dma_start3A_101 = arith.constant 0 : i32
    %dma_start3A_102 = arith.constant 0 : i32
    %dma_start3A_103 = tpu.memref_slice %arg3[%dma_start3A_101, %dma_start3A_102] : memref<1000000x32xf32, #tpu.memory_space<hbm>> -> memref<1000000x32xf32, #tpu.memory_space<hbm>>
    tpu.enqueue_indirect_dma source(%dma_start3A_103 : memref<1000000x32xf32, #tpu.memory_space<hbm>>) target(%dma_start3A_97 : memref<128x32xf32, #tpu.memory_space<vmem>>) offsets(%dma_start3A_100 : memref<128xi32, #tpu.memory_space<vmem>>) semaphore(%arg9 : memref<!tpu.dma_semaphore, #tpu.memory_space<semaphore_mem>>)
    %mul3A_104 = arith.constant 4 : i32
    %mul3A_105 = arith.muli %mul3A_104, %add3A : i32
    %add3A_106 = arith.constant 0 : i32
    %add3A_107 = arith.addi %mul3A_105, %add3A_106 : i32
    %add3A_108 = arith.constant 128 : i32
    %add3A_109 = arith.addi %add3A_108, %add3A_107 : i32
    %mul3A_110 = arith.constant 8 : i32
    %mul3A_111 = arith.muli %add3A_109, %mul3A_110 : i32
    "tpu.region"() ({
      %run_scoped3A = tpu.sem_alloc : memref<!tpu.dma_semaphore, #tpu.memory_space<semaphore_mem>>
      %dma_start3A_988 = arith.constant 0 : i32
      %dma_start3A_989 = tpu.memref_slice %arg2[%mul3A_111, %dma_start3A_988] : memref<25600x128xi32, #tpu.memory_space<hbm>> -> memref<8x128xi32, #tpu.memory_space<hbm>>
      %dma_start3A_990 = arith.constant 0 : i32
      %dma_start3A_991 = tpu.memref_slice %arg2[%mul3A_111, %dma_start3A_990] : memref<25600x128xi32, #tpu.memory_space<hbm>> -> memref<8x128xi32, #tpu.memory_space<hbm>>
      tpu.enqueue_dma source(%dma_start3A_991 : memref<8x128xi32, #tpu.memory_space<hbm>>) target(%arg6 : memref<8x128xi32, #tpu.memory_space<vmem>>) target_semaphore(%run_scoped3A : memref<!tpu.dma_semaphore, #tpu.memory_space<semaphore_mem>>)
      %dma_wait3A_992 = arith.constant 0 : i32
      %dma_wait3A_993 = tpu.memref_slice %arg2[%mul3A_111, %dma_wait3A_992] : memref<25600x128xi32, #tpu.memory_space<hbm>> -> memref<8x128xi32, #tpu.memory_space<hbm>>
      %dma_wait3A_994 = arith.constant 0 : i32
      %dma_wait3A_995 = tpu.memref_slice %arg2[%mul3A_111, %dma_wait3A_994] : memref<25600x128xi32, #tpu.memory_space<hbm>> -> memref<8x128xi32, #tpu.memory_space<hbm>>
      tpu.wait_dma2 semaphore(%run_scoped3A : memref<!tpu.dma_semaphore, #tpu.memory_space<semaphore_mem>>) src(%dma_wait3A_995 : memref<8x128xi32, #tpu.memory_space<hbm>>) dst(%arg6 : memref<8x128xi32, #tpu.memory_space<vmem>>)
      tpu.yield
    }) : () -> ()
    %dma_start3A_112 = arith.constant 0 : i32
    %dma_start3A_113 = arith.constant 0 : i32
    %dma_start3A_114 = arith.constant 0 : i32
    %dma_start3A_115 = arith.constant 0 : i32
    %dma_start3A_116 = tpu.memref_slice %arg8[%dma_start3A_113, %dma_start3A_114, %dma_start3A_115] : memref<8x128x32xf32, #tpu.memory_space<vmem>> -> memref<1x128x32xf32, #tpu.memory_space<vmem>>
    %dma_start3A_117 = tpu.memref_squeeze %dma_start3A_116 : memref<1x128x32xf32, #tpu.memory_space<vmem>> -> memref<128x32xf32, #tpu.memory_space<vmem>>
    %dma_start3A_118 = arith.constant 0 : i32
    %dma_start3A_119 = tpu.memref_slice %arg6[%dma_start3A_112, %dma_start3A_118] : memref<8x128xi32, #tpu.memory_space<vmem>> -> memref<1x128xi32, #tpu.memory_space<vmem>>
    %dma_start3A_120 = tpu.memref_squeeze %dma_start3A_119 : memref<1x128xi32, #tpu.memory_space<vmem>> -> memref<128xi32, #tpu.memory_space<vmem>>
    %dma_start3A_121 = arith.constant 0 : i32
    %dma_start3A_122 = arith.constant 0 : i32
    %dma_start3A_123 = tpu.memref_slice %arg3[%dma_start3A_121, %dma_start3A_122] : memref<1000000x32xf32, #tpu.memory_space<hbm>> -> memref<1000000x32xf32, #tpu.memory_space<hbm>>
    tpu.enqueue_indirect_dma source(%dma_start3A_123 : memref<1000000x32xf32, #tpu.memory_space<hbm>>) target(%dma_start3A_117 : memref<128x32xf32, #tpu.memory_space<vmem>>) offsets(%dma_start3A_120 : memref<128xi32, #tpu.memory_space<vmem>>) semaphore(%arg10 : memref<!tpu.dma_semaphore, #tpu.memory_space<semaphore_mem>>)
    %dma_start3A_124 = arith.constant 1 : i32
    %dma_start3A_125 = arith.constant 1 : i32
    %dma_start3A_126 = arith.constant 0 : i32
    %dma_start3A_127 = arith.constant 0 : i32
    %dma_start3A_128 = tpu.memref_slice %arg8[%dma_start3A_125, %dma_start3A_126, %dma_start3A_127] : memref<8x128x32xf32, #tpu.memory_space<vmem>> -> memref<1x128x32xf32, #tpu.memory_space<vmem>>
    %dma_start3A_129 = tpu.memref_squeeze %dma_start3A_128 : memref<1x128x32xf32, #tpu.memory_space<vmem>> -> memref<128x32xf32, #tpu.memory_space<vmem>>
    %dma_start3A_130 = arith.constant 0 : i32
    %dma_start3A_131 = tpu.memref_slice %arg6[%dma_start3A_124, %dma_start3A_130] : memref<8x128xi32, #tpu.memory_space<vmem>> -> memref<1x128xi32, #tpu.memory_space<vmem>>
    %dma_start3A_132 = tpu.memref_squeeze %dma_start3A_131 : memref<1x128xi32, #tpu.memory_space<vmem>> -> memref<128xi32, #tpu.memory_space<vmem>>
    %dma_start3A_133 = arith.constant 0 : i32
    %dma_start3A_134 = arith.constant 0 : i32
    %dma_start3A_135 = tpu.memref_slice %arg3[%dma_start3A_133, %dma_start3A_134] : memref<1000000x32xf32, #tpu.memory_space<hbm>> -> memref<1000000x32xf32, #tpu.memory_space<hbm>>
    tpu.enqueue_indirect_dma source(%dma_start3A_135 : memref<1000000x32xf32, #tpu.memory_space<hbm>>) target(%dma_start3A_129 : memref<128x32xf32, #tpu.memory_space<vmem>>) offsets(%dma_start3A_132 : memref<128xi32, #tpu.memory_space<vmem>>) semaphore(%arg10 : memref<!tpu.dma_semaphore, #tpu.memory_space<semaphore_mem>>)
    %dma_start3A_136 = arith.constant 2 : i32
    %dma_start3A_137 = arith.constant 2 : i32
    %dma_start3A_138 = arith.constant 0 : i32
    %dma_start3A_139 = arith.constant 0 : i32
    %dma_start3A_140 = tpu.memref_slice %arg8[%dma_start3A_137, %dma_start3A_138, %dma_start3A_139] : memref<8x128x32xf32, #tpu.memory_space<vmem>> -> memref<1x128x32xf32, #tpu.memory_space<vmem>>
    %dma_start3A_141 = tpu.memref_squeeze %dma_start3A_140 : memref<1x128x32xf32, #tpu.memory_space<vmem>> -> memref<128x32xf32, #tpu.memory_space<vmem>>
    %dma_start3A_142 = arith.constant 0 : i32
    %dma_start3A_143 = tpu.memref_slice %arg6[%dma_start3A_136, %dma_start3A_142] : memref<8x128xi32, #tpu.memory_space<vmem>> -> memref<1x128xi32, #tpu.memory_space<vmem>>
    %dma_start3A_144 = tpu.memref_squeeze %dma_start3A_143 : memref<1x128xi32, #tpu.memory_space<vmem>> -> memref<128xi32, #tpu.memory_space<vmem>>
    %dma_start3A_145 = arith.constant 0 : i32
    %dma_start3A_146 = arith.constant 0 : i32
    %dma_start3A_147 = tpu.memref_slice %arg3[%dma_start3A_145, %dma_start3A_146] : memref<1000000x32xf32, #tpu.memory_space<hbm>> -> memref<1000000x32xf32, #tpu.memory_space<hbm>>
    tpu.enqueue_indirect_dma source(%dma_start3A_147 : memref<1000000x32xf32, #tpu.memory_space<hbm>>) target(%dma_start3A_141 : memref<128x32xf32, #tpu.memory_space<vmem>>) offsets(%dma_start3A_144 : memref<128xi32, #tpu.memory_space<vmem>>) semaphore(%arg10 : memref<!tpu.dma_semaphore, #tpu.memory_space<semaphore_mem>>)
    %dma_start3A_148 = arith.constant 3 : i32
    %dma_start3A_149 = arith.constant 3 : i32
    %dma_start3A_150 = arith.constant 0 : i32
    %dma_start3A_151 = arith.constant 0 : i32
    %dma_start3A_152 = tpu.memref_slice %arg8[%dma_start3A_149, %dma_start3A_150, %dma_start3A_151] : memref<8x128x32xf32, #tpu.memory_space<vmem>> -> memref<1x128x32xf32, #tpu.memory_space<vmem>>
    %dma_start3A_153 = tpu.memref_squeeze %dma_start3A_152 : memref<1x128x32xf32, #tpu.memory_space<vmem>> -> memref<128x32xf32, #tpu.memory_space<vmem>>
    %dma_start3A_154 = arith.constant 0 : i32
    %dma_start3A_155 = tpu.memref_slice %arg6[%dma_start3A_148, %dma_start3A_154] : memref<8x128xi32, #tpu.memory_space<vmem>> -> memref<1x128xi32, #tpu.memory_space<vmem>>
    %dma_start3A_156 = tpu.memref_squeeze %dma_start3A_155 : memref<1x128xi32, #tpu.memory_space<vmem>> -> memref<128xi32, #tpu.memory_space<vmem>>
    %dma_start3A_157 = arith.constant 0 : i32
    %dma_start3A_158 = arith.constant 0 : i32
    %dma_start3A_159 = tpu.memref_slice %arg3[%dma_start3A_157, %dma_start3A_158] : memref<1000000x32xf32, #tpu.memory_space<hbm>> -> memref<1000000x32xf32, #tpu.memory_space<hbm>>
    tpu.enqueue_indirect_dma source(%dma_start3A_159 : memref<1000000x32xf32, #tpu.memory_space<hbm>>) target(%dma_start3A_153 : memref<128x32xf32, #tpu.memory_space<vmem>>) offsets(%dma_start3A_156 : memref<128xi32, #tpu.memory_space<vmem>>) semaphore(%arg10 : memref<!tpu.dma_semaphore, #tpu.memory_space<semaphore_mem>>)
    %dma_start3A_160 = arith.constant 4 : i32
    %dma_start3A_161 = arith.constant 4 : i32
    %dma_start3A_162 = arith.constant 0 : i32
    %dma_start3A_163 = arith.constant 0 : i32
    %dma_start3A_164 = tpu.memref_slice %arg8[%dma_start3A_161, %dma_start3A_162, %dma_start3A_163] : memref<8x128x32xf32, #tpu.memory_space<vmem>> -> memref<1x128x32xf32, #tpu.memory_space<vmem>>
    %dma_start3A_165 = tpu.memref_squeeze %dma_start3A_164 : memref<1x128x32xf32, #tpu.memory_space<vmem>> -> memref<128x32xf32, #tpu.memory_space<vmem>>
    %dma_start3A_166 = arith.constant 0 : i32
    %dma_start3A_167 = tpu.memref_slice %arg6[%dma_start3A_160, %dma_start3A_166] : memref<8x128xi32, #tpu.memory_space<vmem>> -> memref<1x128xi32, #tpu.memory_space<vmem>>
    %dma_start3A_168 = tpu.memref_squeeze %dma_start3A_167 : memref<1x128xi32, #tpu.memory_space<vmem>> -> memref<128xi32, #tpu.memory_space<vmem>>
    %dma_start3A_169 = arith.constant 0 : i32
    %dma_start3A_170 = arith.constant 0 : i32
    %dma_start3A_171 = tpu.memref_slice %arg3[%dma_start3A_169, %dma_start3A_170] : memref<1000000x32xf32, #tpu.memory_space<hbm>> -> memref<1000000x32xf32, #tpu.memory_space<hbm>>
    tpu.enqueue_indirect_dma source(%dma_start3A_171 : memref<1000000x32xf32, #tpu.memory_space<hbm>>) target(%dma_start3A_165 : memref<128x32xf32, #tpu.memory_space<vmem>>) offsets(%dma_start3A_168 : memref<128xi32, #tpu.memory_space<vmem>>) semaphore(%arg10 : memref<!tpu.dma_semaphore, #tpu.memory_space<semaphore_mem>>)
    %dma_start3A_172 = arith.constant 5 : i32
    %dma_start3A_173 = arith.constant 5 : i32
    %dma_start3A_174 = arith.constant 0 : i32
    %dma_start3A_175 = arith.constant 0 : i32
    %dma_start3A_176 = tpu.memref_slice %arg8[%dma_start3A_173, %dma_start3A_174, %dma_start3A_175] : memref<8x128x32xf32, #tpu.memory_space<vmem>> -> memref<1x128x32xf32, #tpu.memory_space<vmem>>
    %dma_start3A_177 = tpu.memref_squeeze %dma_start3A_176 : memref<1x128x32xf32, #tpu.memory_space<vmem>> -> memref<128x32xf32, #tpu.memory_space<vmem>>
    %dma_start3A_178 = arith.constant 0 : i32
    %dma_start3A_179 = tpu.memref_slice %arg6[%dma_start3A_172, %dma_start3A_178] : memref<8x128xi32, #tpu.memory_space<vmem>> -> memref<1x128xi32, #tpu.memory_space<vmem>>
    %dma_start3A_180 = tpu.memref_squeeze %dma_start3A_179 : memref<1x128xi32, #tpu.memory_space<vmem>> -> memref<128xi32, #tpu.memory_space<vmem>>
    %dma_start3A_181 = arith.constant 0 : i32
    %dma_start3A_182 = arith.constant 0 : i32
    %dma_start3A_183 = tpu.memref_slice %arg3[%dma_start3A_181, %dma_start3A_182] : memref<1000000x32xf32, #tpu.memory_space<hbm>> -> memref<1000000x32xf32, #tpu.memory_space<hbm>>
    tpu.enqueue_indirect_dma source(%dma_start3A_183 : memref<1000000x32xf32, #tpu.memory_space<hbm>>) target(%dma_start3A_177 : memref<128x32xf32, #tpu.memory_space<vmem>>) offsets(%dma_start3A_180 : memref<128xi32, #tpu.memory_space<vmem>>) semaphore(%arg10 : memref<!tpu.dma_semaphore, #tpu.memory_space<semaphore_mem>>)
    %dma_start3A_184 = arith.constant 6 : i32
    %dma_start3A_185 = arith.constant 6 : i32
    %dma_start3A_186 = arith.constant 0 : i32
    %dma_start3A_187 = arith.constant 0 : i32
    %dma_start3A_188 = tpu.memref_slice %arg8[%dma_start3A_185, %dma_start3A_186, %dma_start3A_187] : memref<8x128x32xf32, #tpu.memory_space<vmem>> -> memref<1x128x32xf32, #tpu.memory_space<vmem>>
    %dma_start3A_189 = tpu.memref_squeeze %dma_start3A_188 : memref<1x128x32xf32, #tpu.memory_space<vmem>> -> memref<128x32xf32, #tpu.memory_space<vmem>>
    %dma_start3A_190 = arith.constant 0 : i32
    %dma_start3A_191 = tpu.memref_slice %arg6[%dma_start3A_184, %dma_start3A_190] : memref<8x128xi32, #tpu.memory_space<vmem>> -> memref<1x128xi32, #tpu.memory_space<vmem>>
    %dma_start3A_192 = tpu.memref_squeeze %dma_start3A_191 : memref<1x128xi32, #tpu.memory_space<vmem>> -> memref<128xi32, #tpu.memory_space<vmem>>
    %dma_start3A_193 = arith.constant 0 : i32
    %dma_start3A_194 = arith.constant 0 : i32
    %dma_start3A_195 = tpu.memref_slice %arg3[%dma_start3A_193, %dma_start3A_194] : memref<1000000x32xf32, #tpu.memory_space<hbm>> -> memref<1000000x32xf32, #tpu.memory_space<hbm>>
    tpu.enqueue_indirect_dma source(%dma_start3A_195 : memref<1000000x32xf32, #tpu.memory_space<hbm>>) target(%dma_start3A_189 : memref<128x32xf32, #tpu.memory_space<vmem>>) offsets(%dma_start3A_192 : memref<128xi32, #tpu.memory_space<vmem>>) semaphore(%arg10 : memref<!tpu.dma_semaphore, #tpu.memory_space<semaphore_mem>>)
    %dma_start3A_196 = arith.constant 7 : i32
    %dma_start3A_197 = arith.constant 7 : i32
    %dma_start3A_198 = arith.constant 0 : i32
    %dma_start3A_199 = arith.constant 0 : i32
    %dma_start3A_200 = tpu.memref_slice %arg8[%dma_start3A_197, %dma_start3A_198, %dma_start3A_199] : memref<8x128x32xf32, #tpu.memory_space<vmem>> -> memref<1x128x32xf32, #tpu.memory_space<vmem>>
    %dma_start3A_201 = tpu.memref_squeeze %dma_start3A_200 : memref<1x128x32xf32, #tpu.memory_space<vmem>> -> memref<128x32xf32, #tpu.memory_space<vmem>>
    %dma_start3A_202 = arith.constant 0 : i32
    %dma_start3A_203 = tpu.memref_slice %arg6[%dma_start3A_196, %dma_start3A_202] : memref<8x128xi32, #tpu.memory_space<vmem>> -> memref<1x128xi32, #tpu.memory_space<vmem>>
    %dma_start3A_204 = tpu.memref_squeeze %dma_start3A_203 : memref<1x128xi32, #tpu.memory_space<vmem>> -> memref<128xi32, #tpu.memory_space<vmem>>
    %dma_start3A_205 = arith.constant 0 : i32
    %dma_start3A_206 = arith.constant 0 : i32
    %dma_start3A_207 = tpu.memref_slice %arg3[%dma_start3A_205, %dma_start3A_206] : memref<1000000x32xf32, #tpu.memory_space<hbm>> -> memref<1000000x32xf32, #tpu.memory_space<hbm>>
    tpu.enqueue_indirect_dma source(%dma_start3A_207 : memref<1000000x32xf32, #tpu.memory_space<hbm>>) target(%dma_start3A_201 : memref<128x32xf32, #tpu.memory_space<vmem>>) offsets(%dma_start3A_204 : memref<128xi32, #tpu.memory_space<vmem>>) semaphore(%arg10 : memref<!tpu.dma_semaphore, #tpu.memory_space<semaphore_mem>>)
    %dma_wait3A = arith.constant 0 : i32
    %dma_wait3A_208 = arith.constant 0 : i32
    %dma_wait3A_209 = arith.constant 0 : i32
    %dma_wait3A_210 = arith.constant 0 : i32
    %dma_wait3A_211 = tpu.memref_slice %arg7[%dma_wait3A_208, %dma_wait3A_209, %dma_wait3A_210] : memref<8x128x32xf32, #tpu.memory_space<vmem>> -> memref<1x128x32xf32, #tpu.memory_space<vmem>>
    %dma_wait3A_212 = tpu.memref_squeeze %dma_wait3A_211 : memref<1x128x32xf32, #tpu.memory_space<vmem>> -> memref<128x32xf32, #tpu.memory_space<vmem>>
    %dma_wait3A_213 = arith.constant 0 : i32
    %dma_wait3A_214 = tpu.memref_slice %arg5[%dma_wait3A, %dma_wait3A_213] : memref<8x128xi32, #tpu.memory_space<vmem>> -> memref<1x128xi32, #tpu.memory_space<vmem>>
    %dma_wait3A_215 = tpu.memref_squeeze %dma_wait3A_214 : memref<1x128xi32, #tpu.memory_space<vmem>> -> memref<128xi32, #tpu.memory_space<vmem>>
    %dma_wait3A_216 = arith.constant 0 : i32
    %dma_wait3A_217 = arith.constant 0 : i32
    %dma_wait3A_218 = tpu.memref_slice %arg3[%dma_wait3A_216, %dma_wait3A_217] : memref<1000000x32xf32, #tpu.memory_space<hbm>> -> memref<1000000x32xf32, #tpu.memory_space<hbm>>
    tpu.wait_indirect_dma semaphore(%arg9 : memref<!tpu.dma_semaphore, #tpu.memory_space<semaphore_mem>>) src(%dma_wait3A_218 : memref<1000000x32xf32, #tpu.memory_space<hbm>>) dst(%dma_wait3A_212 : memref<128x32xf32, #tpu.memory_space<vmem>>)
    %dma_wait3A_219 = arith.constant 1 : i32
    %dma_wait3A_220 = arith.constant 1 : i32
    %dma_wait3A_221 = arith.constant 0 : i32
    %dma_wait3A_222 = arith.constant 0 : i32
    %dma_wait3A_223 = tpu.memref_slice %arg7[%dma_wait3A_220, %dma_wait3A_221, %dma_wait3A_222] : memref<8x128x32xf32, #tpu.memory_space<vmem>> -> memref<1x128x32xf32, #tpu.memory_space<vmem>>
    %dma_wait3A_224 = tpu.memref_squeeze %dma_wait3A_223 : memref<1x128x32xf32, #tpu.memory_space<vmem>> -> memref<128x32xf32, #tpu.memory_space<vmem>>
    %dma_wait3A_225 = arith.constant 0 : i32
    %dma_wait3A_226 = tpu.memref_slice %arg5[%dma_wait3A_219, %dma_wait3A_225] : memref<8x128xi32, #tpu.memory_space<vmem>> -> memref<1x128xi32, #tpu.memory_space<vmem>>
    %dma_wait3A_227 = tpu.memref_squeeze %dma_wait3A_226 : memref<1x128xi32, #tpu.memory_space<vmem>> -> memref<128xi32, #tpu.memory_space<vmem>>
    %dma_wait3A_228 = arith.constant 0 : i32
    %dma_wait3A_229 = arith.constant 0 : i32
    %dma_wait3A_230 = tpu.memref_slice %arg3[%dma_wait3A_228, %dma_wait3A_229] : memref<1000000x32xf32, #tpu.memory_space<hbm>> -> memref<1000000x32xf32, #tpu.memory_space<hbm>>
    tpu.wait_indirect_dma semaphore(%arg9 : memref<!tpu.dma_semaphore, #tpu.memory_space<semaphore_mem>>) src(%dma_wait3A_230 : memref<1000000x32xf32, #tpu.memory_space<hbm>>) dst(%dma_wait3A_224 : memref<128x32xf32, #tpu.memory_space<vmem>>)
    %dma_wait3A_231 = arith.constant 2 : i32
    %dma_wait3A_232 = arith.constant 2 : i32
    %dma_wait3A_233 = arith.constant 0 : i32
    %dma_wait3A_234 = arith.constant 0 : i32
    %dma_wait3A_235 = tpu.memref_slice %arg7[%dma_wait3A_232, %dma_wait3A_233, %dma_wait3A_234] : memref<8x128x32xf32, #tpu.memory_space<vmem>> -> memref<1x128x32xf32, #tpu.memory_space<vmem>>
    %dma_wait3A_236 = tpu.memref_squeeze %dma_wait3A_235 : memref<1x128x32xf32, #tpu.memory_space<vmem>> -> memref<128x32xf32, #tpu.memory_space<vmem>>
    %dma_wait3A_237 = arith.constant 0 : i32
    %dma_wait3A_238 = tpu.memref_slice %arg5[%dma_wait3A_231, %dma_wait3A_237] : memref<8x128xi32, #tpu.memory_space<vmem>> -> memref<1x128xi32, #tpu.memory_space<vmem>>
    %dma_wait3A_239 = tpu.memref_squeeze %dma_wait3A_238 : memref<1x128xi32, #tpu.memory_space<vmem>> -> memref<128xi32, #tpu.memory_space<vmem>>
    %dma_wait3A_240 = arith.constant 0 : i32
    %dma_wait3A_241 = arith.constant 0 : i32
    %dma_wait3A_242 = tpu.memref_slice %arg3[%dma_wait3A_240, %dma_wait3A_241] : memref<1000000x32xf32, #tpu.memory_space<hbm>> -> memref<1000000x32xf32, #tpu.memory_space<hbm>>
    tpu.wait_indirect_dma semaphore(%arg9 : memref<!tpu.dma_semaphore, #tpu.memory_space<semaphore_mem>>) src(%dma_wait3A_242 : memref<1000000x32xf32, #tpu.memory_space<hbm>>) dst(%dma_wait3A_236 : memref<128x32xf32, #tpu.memory_space<vmem>>)
    %dma_wait3A_243 = arith.constant 3 : i32
    %dma_wait3A_244 = arith.constant 3 : i32
    %dma_wait3A_245 = arith.constant 0 : i32
    %dma_wait3A_246 = arith.constant 0 : i32
    %dma_wait3A_247 = tpu.memref_slice %arg7[%dma_wait3A_244, %dma_wait3A_245, %dma_wait3A_246] : memref<8x128x32xf32, #tpu.memory_space<vmem>> -> memref<1x128x32xf32, #tpu.memory_space<vmem>>
    %dma_wait3A_248 = tpu.memref_squeeze %dma_wait3A_247 : memref<1x128x32xf32, #tpu.memory_space<vmem>> -> memref<128x32xf32, #tpu.memory_space<vmem>>
    %dma_wait3A_249 = arith.constant 0 : i32
    %dma_wait3A_250 = tpu.memref_slice %arg5[%dma_wait3A_243, %dma_wait3A_249] : memref<8x128xi32, #tpu.memory_space<vmem>> -> memref<1x128xi32, #tpu.memory_space<vmem>>
    %dma_wait3A_251 = tpu.memref_squeeze %dma_wait3A_250 : memref<1x128xi32, #tpu.memory_space<vmem>> -> memref<128xi32, #tpu.memory_space<vmem>>
    %dma_wait3A_252 = arith.constant 0 : i32
    %dma_wait3A_253 = arith.constant 0 : i32
    %dma_wait3A_254 = tpu.memref_slice %arg3[%dma_wait3A_252, %dma_wait3A_253] : memref<1000000x32xf32, #tpu.memory_space<hbm>> -> memref<1000000x32xf32, #tpu.memory_space<hbm>>
    tpu.wait_indirect_dma semaphore(%arg9 : memref<!tpu.dma_semaphore, #tpu.memory_space<semaphore_mem>>) src(%dma_wait3A_254 : memref<1000000x32xf32, #tpu.memory_space<hbm>>) dst(%dma_wait3A_248 : memref<128x32xf32, #tpu.memory_space<vmem>>)
    %dma_wait3A_255 = arith.constant 4 : i32
    %dma_wait3A_256 = arith.constant 4 : i32
    %dma_wait3A_257 = arith.constant 0 : i32
    %dma_wait3A_258 = arith.constant 0 : i32
    %dma_wait3A_259 = tpu.memref_slice %arg7[%dma_wait3A_256, %dma_wait3A_257, %dma_wait3A_258] : memref<8x128x32xf32, #tpu.memory_space<vmem>> -> memref<1x128x32xf32, #tpu.memory_space<vmem>>
    %dma_wait3A_260 = tpu.memref_squeeze %dma_wait3A_259 : memref<1x128x32xf32, #tpu.memory_space<vmem>> -> memref<128x32xf32, #tpu.memory_space<vmem>>
    %dma_wait3A_261 = arith.constant 0 : i32
    %dma_wait3A_262 = tpu.memref_slice %arg5[%dma_wait3A_255, %dma_wait3A_261] : memref<8x128xi32, #tpu.memory_space<vmem>> -> memref<1x128xi32, #tpu.memory_space<vmem>>
    %dma_wait3A_263 = tpu.memref_squeeze %dma_wait3A_262 : memref<1x128xi32, #tpu.memory_space<vmem>> -> memref<128xi32, #tpu.memory_space<vmem>>
    %dma_wait3A_264 = arith.constant 0 : i32
    %dma_wait3A_265 = arith.constant 0 : i32
    %dma_wait3A_266 = tpu.memref_slice %arg3[%dma_wait3A_264, %dma_wait3A_265] : memref<1000000x32xf32, #tpu.memory_space<hbm>> -> memref<1000000x32xf32, #tpu.memory_space<hbm>>
    tpu.wait_indirect_dma semaphore(%arg9 : memref<!tpu.dma_semaphore, #tpu.memory_space<semaphore_mem>>) src(%dma_wait3A_266 : memref<1000000x32xf32, #tpu.memory_space<hbm>>) dst(%dma_wait3A_260 : memref<128x32xf32, #tpu.memory_space<vmem>>)
    %dma_wait3A_267 = arith.constant 5 : i32
    %dma_wait3A_268 = arith.constant 5 : i32
    %dma_wait3A_269 = arith.constant 0 : i32
    %dma_wait3A_270 = arith.constant 0 : i32
    %dma_wait3A_271 = tpu.memref_slice %arg7[%dma_wait3A_268, %dma_wait3A_269, %dma_wait3A_270] : memref<8x128x32xf32, #tpu.memory_space<vmem>> -> memref<1x128x32xf32, #tpu.memory_space<vmem>>
    %dma_wait3A_272 = tpu.memref_squeeze %dma_wait3A_271 : memref<1x128x32xf32, #tpu.memory_space<vmem>> -> memref<128x32xf32, #tpu.memory_space<vmem>>
    %dma_wait3A_273 = arith.constant 0 : i32
    %dma_wait3A_274 = tpu.memref_slice %arg5[%dma_wait3A_267, %dma_wait3A_273] : memref<8x128xi32, #tpu.memory_space<vmem>> -> memref<1x128xi32, #tpu.memory_space<vmem>>
    %dma_wait3A_275 = tpu.memref_squeeze %dma_wait3A_274 : memref<1x128xi32, #tpu.memory_space<vmem>> -> memref<128xi32, #tpu.memory_space<vmem>>
    %dma_wait3A_276 = arith.constant 0 : i32
    %dma_wait3A_277 = arith.constant 0 : i32
    %dma_wait3A_278 = tpu.memref_slice %arg3[%dma_wait3A_276, %dma_wait3A_277] : memref<1000000x32xf32, #tpu.memory_space<hbm>> -> memref<1000000x32xf32, #tpu.memory_space<hbm>>
    tpu.wait_indirect_dma semaphore(%arg9 : memref<!tpu.dma_semaphore, #tpu.memory_space<semaphore_mem>>) src(%dma_wait3A_278 : memref<1000000x32xf32, #tpu.memory_space<hbm>>) dst(%dma_wait3A_272 : memref<128x32xf32, #tpu.memory_space<vmem>>)
    %dma_wait3A_279 = arith.constant 6 : i32
    %dma_wait3A_280 = arith.constant 6 : i32
    %dma_wait3A_281 = arith.constant 0 : i32
    %dma_wait3A_282 = arith.constant 0 : i32
    %dma_wait3A_283 = tpu.memref_slice %arg7[%dma_wait3A_280, %dma_wait3A_281, %dma_wait3A_282] : memref<8x128x32xf32, #tpu.memory_space<vmem>> -> memref<1x128x32xf32, #tpu.memory_space<vmem>>
    %dma_wait3A_284 = tpu.memref_squeeze %dma_wait3A_283 : memref<1x128x32xf32, #tpu.memory_space<vmem>> -> memref<128x32xf32, #tpu.memory_space<vmem>>
    %dma_wait3A_285 = arith.constant 0 : i32
    %dma_wait3A_286 = tpu.memref_slice %arg5[%dma_wait3A_279, %dma_wait3A_285] : memref<8x128xi32, #tpu.memory_space<vmem>> -> memref<1x128xi32, #tpu.memory_space<vmem>>
    %dma_wait3A_287 = tpu.memref_squeeze %dma_wait3A_286 : memref<1x128xi32, #tpu.memory_space<vmem>> -> memref<128xi32, #tpu.memory_space<vmem>>
    %dma_wait3A_288 = arith.constant 0 : i32
    %dma_wait3A_289 = arith.constant 0 : i32
    %dma_wait3A_290 = tpu.memref_slice %arg3[%dma_wait3A_288, %dma_wait3A_289] : memref<1000000x32xf32, #tpu.memory_space<hbm>> -> memref<1000000x32xf32, #tpu.memory_space<hbm>>
    tpu.wait_indirect_dma semaphore(%arg9 : memref<!tpu.dma_semaphore, #tpu.memory_space<semaphore_mem>>) src(%dma_wait3A_290 : memref<1000000x32xf32, #tpu.memory_space<hbm>>) dst(%dma_wait3A_284 : memref<128x32xf32, #tpu.memory_space<vmem>>)
    %dma_wait3A_291 = arith.constant 7 : i32
    %dma_wait3A_292 = arith.constant 7 : i32
    %dma_wait3A_293 = arith.constant 0 : i32
    %dma_wait3A_294 = arith.constant 0 : i32
    %dma_wait3A_295 = tpu.memref_slice %arg7[%dma_wait3A_292, %dma_wait3A_293, %dma_wait3A_294] : memref<8x128x32xf32, #tpu.memory_space<vmem>> -> memref<1x128x32xf32, #tpu.memory_space<vmem>>
    %dma_wait3A_296 = tpu.memref_squeeze %dma_wait3A_295 : memref<1x128x32xf32, #tpu.memory_space<vmem>> -> memref<128x32xf32, #tpu.memory_space<vmem>>
    %dma_wait3A_297 = arith.constant 0 : i32
    %dma_wait3A_298 = tpu.memref_slice %arg5[%dma_wait3A_291, %dma_wait3A_297] : memref<8x128xi32, #tpu.memory_space<vmem>> -> memref<1x128xi32, #tpu.memory_space<vmem>>
    %dma_wait3A_299 = tpu.memref_squeeze %dma_wait3A_298 : memref<1x128xi32, #tpu.memory_space<vmem>> -> memref<128xi32, #tpu.memory_space<vmem>>
    %dma_wait3A_300 = arith.constant 0 : i32
    %dma_wait3A_301 = arith.constant 0 : i32
    %dma_wait3A_302 = tpu.memref_slice %arg3[%dma_wait3A_300, %dma_wait3A_301] : memref<1000000x32xf32, #tpu.memory_space<hbm>> -> memref<1000000x32xf32, #tpu.memory_space<hbm>>
    tpu.wait_indirect_dma semaphore(%arg9 : memref<!tpu.dma_semaphore, #tpu.memory_space<semaphore_mem>>) src(%dma_wait3A_302 : memref<1000000x32xf32, #tpu.memory_space<hbm>>) dst(%dma_wait3A_296 : memref<128x32xf32, #tpu.memory_space<vmem>>)
    %mul3A_303 = arith.constant 4 : i32
    %mul3A_304 = arith.muli %mul3A_303, %add3A : i32
    %add3A_305 = arith.constant 0 : i32
    %add3A_306 = arith.addi %mul3A_304, %add3A_305 : i32
    %mul3A_307 = arith.constant 128 : i32
    %mul3A_308 = arith.muli %add3A_306, %mul3A_307 : i32
    %dma_start3A_309 = arith.constant 0 : i32
    %dma_start3A_310 = arith.constant 0 : i32
    %dma_start3A_311 = arith.constant 0 : i32
    %dma_start3A_312 = arith.constant 0 : i32
    %dma_start3A_313 = tpu.memref_slice %arg7[%dma_start3A_309, %dma_start3A_311, %dma_start3A_312] : memref<8x128x32xf32, #tpu.memory_space<vmem>> -> memref<1x128x32xf32, #tpu.memory_space<vmem>>
    %dma_start3A_314 = tpu.memref_squeeze %dma_start3A_313 : memref<1x128x32xf32, #tpu.memory_space<vmem>> -> memref<128x32xf32, #tpu.memory_space<vmem>>
    %dma_start3A_315 = arith.constant 0 : i32
    %dma_start3A_316 = tpu.memref_slice %arg4[%mul3A_308, %dma_start3A_310, %dma_start3A_315] : memref<16384x200x32xf32, #tpu.memory_space<hbm>> -> memref<128x1x32xf32, #tpu.memory_space<hbm>>
    %dma_start3A_317 = tpu.memref_squeeze %dma_start3A_316 : memref<128x1x32xf32, #tpu.memory_space<hbm>> -> memref<128x32xf32, #tpu.memory_space<hbm>>
    %dma_start3A_318 = arith.constant 0 : i32
    %dma_start3A_319 = tpu.memref_slice %arg4[%mul3A_308, %dma_start3A_310, %dma_start3A_318] : memref<16384x200x32xf32, #tpu.memory_space<hbm>> -> memref<128x1x32xf32, #tpu.memory_space<hbm>>
    %dma_start3A_320 = tpu.memref_squeeze %dma_start3A_319 : memref<128x1x32xf32, #tpu.memory_space<hbm>> -> memref<128x32xf32, #tpu.memory_space<hbm>>
    %dma_start3A_321 = arith.constant 0 : i32
    %dma_start3A_322 = arith.constant 0 : i32
    %dma_start3A_323 = tpu.memref_slice %arg7[%dma_start3A_309, %dma_start3A_321, %dma_start3A_322] : memref<8x128x32xf32, #tpu.memory_space<vmem>> -> memref<1x128x32xf32, #tpu.memory_space<vmem>>
    %dma_start3A_324 = tpu.memref_squeeze %dma_start3A_323 : memref<1x128x32xf32, #tpu.memory_space<vmem>> -> memref<128x32xf32, #tpu.memory_space<vmem>>
    tpu.enqueue_dma source(%dma_start3A_324 : memref<128x32xf32, #tpu.memory_space<vmem>>) target(%dma_start3A_320 : memref<128x32xf32, #tpu.memory_space<hbm>>) target_semaphore(%arg11 : memref<!tpu.dma_semaphore, #tpu.memory_space<semaphore_mem>>)
    %mul3A_325 = arith.constant 128 : i32
    %mul3A_326 = arith.muli %add3A_306, %mul3A_325 : i32
    %dma_start3A_327 = arith.constant 1 : i32
    %dma_start3A_328 = arith.constant 1 : i32
    %dma_start3A_329 = arith.constant 0 : i32
    %dma_start3A_330 = arith.constant 0 : i32
    %dma_start3A_331 = tpu.memref_slice %arg7[%dma_start3A_327, %dma_start3A_329, %dma_start3A_330] : memref<8x128x32xf32, #tpu.memory_space<vmem>> -> memref<1x128x32xf32, #tpu.memory_space<vmem>>
    %dma_start3A_332 = tpu.memref_squeeze %dma_start3A_331 : memref<1x128x32xf32, #tpu.memory_space<vmem>> -> memref<128x32xf32, #tpu.memory_space<vmem>>
    %dma_start3A_333 = arith.constant 0 : i32
    %dma_start3A_334 = tpu.memref_slice %arg4[%mul3A_326, %dma_start3A_328, %dma_start3A_333] : memref<16384x200x32xf32, #tpu.memory_space<hbm>> -> memref<128x1x32xf32, #tpu.memory_space<hbm>>
    %dma_start3A_335 = tpu.memref_squeeze %dma_start3A_334 : memref<128x1x32xf32, #tpu.memory_space<hbm>> -> memref<128x32xf32, #tpu.memory_space<hbm>>
    %dma_start3A_336 = arith.constant 0 : i32
    %dma_start3A_337 = tpu.memref_slice %arg4[%mul3A_326, %dma_start3A_328, %dma_start3A_336] : memref<16384x200x32xf32, #tpu.memory_space<hbm>> -> memref<128x1x32xf32, #tpu.memory_space<hbm>>
    %dma_start3A_338 = tpu.memref_squeeze %dma_start3A_337 : memref<128x1x32xf32, #tpu.memory_space<hbm>> -> memref<128x32xf32, #tpu.memory_space<hbm>>
    %dma_start3A_339 = arith.constant 0 : i32
    %dma_start3A_340 = arith.constant 0 : i32
    %dma_start3A_341 = tpu.memref_slice %arg7[%dma_start3A_327, %dma_start3A_339, %dma_start3A_340] : memref<8x128x32xf32, #tpu.memory_space<vmem>> -> memref<1x128x32xf32, #tpu.memory_space<vmem>>
    %dma_start3A_342 = tpu.memref_squeeze %dma_start3A_341 : memref<1x128x32xf32, #tpu.memory_space<vmem>> -> memref<128x32xf32, #tpu.memory_space<vmem>>
    tpu.enqueue_dma source(%dma_start3A_342 : memref<128x32xf32, #tpu.memory_space<vmem>>) target(%dma_start3A_338 : memref<128x32xf32, #tpu.memory_space<hbm>>) target_semaphore(%arg11 : memref<!tpu.dma_semaphore, #tpu.memory_space<semaphore_mem>>)
    %mul3A_343 = arith.constant 128 : i32
    %mul3A_344 = arith.muli %add3A_306, %mul3A_343 : i32
    %dma_start3A_345 = arith.constant 2 : i32
    %dma_start3A_346 = arith.constant 2 : i32
    %dma_start3A_347 = arith.constant 0 : i32
    %dma_start3A_348 = arith.constant 0 : i32
    %dma_start3A_349 = tpu.memref_slice %arg7[%dma_start3A_345, %dma_start3A_347, %dma_start3A_348] : memref<8x128x32xf32, #tpu.memory_space<vmem>> -> memref<1x128x32xf32, #tpu.memory_space<vmem>>
    %dma_start3A_350 = tpu.memref_squeeze %dma_start3A_349 : memref<1x128x32xf32, #tpu.memory_space<vmem>> -> memref<128x32xf32, #tpu.memory_space<vmem>>
    %dma_start3A_351 = arith.constant 0 : i32
    %dma_start3A_352 = tpu.memref_slice %arg4[%mul3A_344, %dma_start3A_346, %dma_start3A_351] : memref<16384x200x32xf32, #tpu.memory_space<hbm>> -> memref<128x1x32xf32, #tpu.memory_space<hbm>>
    %dma_start3A_353 = tpu.memref_squeeze %dma_start3A_352 : memref<128x1x32xf32, #tpu.memory_space<hbm>> -> memref<128x32xf32, #tpu.memory_space<hbm>>
    %dma_start3A_354 = arith.constant 0 : i32
    %dma_start3A_355 = tpu.memref_slice %arg4[%mul3A_344, %dma_start3A_346, %dma_start3A_354] : memref<16384x200x32xf32, #tpu.memory_space<hbm>> -> memref<128x1x32xf32, #tpu.memory_space<hbm>>
    %dma_start3A_356 = tpu.memref_squeeze %dma_start3A_355 : memref<128x1x32xf32, #tpu.memory_space<hbm>> -> memref<128x32xf32, #tpu.memory_space<hbm>>
    %dma_start3A_357 = arith.constant 0 : i32
    %dma_start3A_358 = arith.constant 0 : i32
    %dma_start3A_359 = tpu.memref_slice %arg7[%dma_start3A_345, %dma_start3A_357, %dma_start3A_358] : memref<8x128x32xf32, #tpu.memory_space<vmem>> -> memref<1x128x32xf32, #tpu.memory_space<vmem>>
    %dma_start3A_360 = tpu.memref_squeeze %dma_start3A_359 : memref<1x128x32xf32, #tpu.memory_space<vmem>> -> memref<128x32xf32, #tpu.memory_space<vmem>>
    tpu.enqueue_dma source(%dma_start3A_360 : memref<128x32xf32, #tpu.memory_space<vmem>>) target(%dma_start3A_356 : memref<128x32xf32, #tpu.memory_space<hbm>>) target_semaphore(%arg11 : memref<!tpu.dma_semaphore, #tpu.memory_space<semaphore_mem>>)
    %mul3A_361 = arith.constant 128 : i32
    %mul3A_362 = arith.muli %add3A_306, %mul3A_361 : i32
    %dma_start3A_363 = arith.constant 3 : i32
    %dma_start3A_364 = arith.constant 3 : i32
    %dma_start3A_365 = arith.constant 0 : i32
    %dma_start3A_366 = arith.constant 0 : i32
    %dma_start3A_367 = tpu.memref_slice %arg7[%dma_start3A_363, %dma_start3A_365, %dma_start3A_366] : memref<8x128x32xf32, #tpu.memory_space<vmem>> -> memref<1x128x32xf32, #tpu.memory_space<vmem>>
    %dma_start3A_368 = tpu.memref_squeeze %dma_start3A_367 : memref<1x128x32xf32, #tpu.memory_space<vmem>> -> memref<128x32xf32, #tpu.memory_space<vmem>>
    %dma_start3A_369 = arith.constant 0 : i32
    %dma_start3A_370 = tpu.memref_slice %arg4[%mul3A_362, %dma_start3A_364, %dma_start3A_369] : memref<16384x200x32xf32, #tpu.memory_space<hbm>> -> memref<128x1x32xf32, #tpu.memory_space<hbm>>
    %dma_start3A_371 = tpu.memref_squeeze %dma_start3A_370 : memref<128x1x32xf32, #tpu.memory_space<hbm>> -> memref<128x32xf32, #tpu.memory_space<hbm>>
    %dma_start3A_372 = arith.constant 0 : i32
    %dma_start3A_373 = tpu.memref_slice %arg4[%mul3A_362, %dma_start3A_364, %dma_start3A_372] : memref<16384x200x32xf32, #tpu.memory_space<hbm>> -> memref<128x1x32xf32, #tpu.memory_space<hbm>>
    %dma_start3A_374 = tpu.memref_squeeze %dma_start3A_373 : memref<128x1x32xf32, #tpu.memory_space<hbm>> -> memref<128x32xf32, #tpu.memory_space<hbm>>
    %dma_start3A_375 = arith.constant 0 : i32
    %dma_start3A_376 = arith.constant 0 : i32
    %dma_start3A_377 = tpu.memref_slice %arg7[%dma_start3A_363, %dma_start3A_375, %dma_start3A_376] : memref<8x128x32xf32, #tpu.memory_space<vmem>> -> memref<1x128x32xf32, #tpu.memory_space<vmem>>
    %dma_start3A_378 = tpu.memref_squeeze %dma_start3A_377 : memref<1x128x32xf32, #tpu.memory_space<vmem>> -> memref<128x32xf32, #tpu.memory_space<vmem>>
    tpu.enqueue_dma source(%dma_start3A_378 : memref<128x32xf32, #tpu.memory_space<vmem>>) target(%dma_start3A_374 : memref<128x32xf32, #tpu.memory_space<hbm>>) target_semaphore(%arg11 : memref<!tpu.dma_semaphore, #tpu.memory_space<semaphore_mem>>)
    %mul3A_379 = arith.constant 128 : i32
    %mul3A_380 = arith.muli %add3A_306, %mul3A_379 : i32
    %dma_start3A_381 = arith.constant 4 : i32
    %dma_start3A_382 = arith.constant 4 : i32
    %dma_start3A_383 = arith.constant 0 : i32
    %dma_start3A_384 = arith.constant 0 : i32
    %dma_start3A_385 = tpu.memref_slice %arg7[%dma_start3A_381, %dma_start3A_383, %dma_start3A_384] : memref<8x128x32xf32, #tpu.memory_space<vmem>> -> memref<1x128x32xf32, #tpu.memory_space<vmem>>
    %dma_start3A_386 = tpu.memref_squeeze %dma_start3A_385 : memref<1x128x32xf32, #tpu.memory_space<vmem>> -> memref<128x32xf32, #tpu.memory_space<vmem>>
    %dma_start3A_387 = arith.constant 0 : i32
    %dma_start3A_388 = tpu.memref_slice %arg4[%mul3A_380, %dma_start3A_382, %dma_start3A_387] : memref<16384x200x32xf32, #tpu.memory_space<hbm>> -> memref<128x1x32xf32, #tpu.memory_space<hbm>>
    %dma_start3A_389 = tpu.memref_squeeze %dma_start3A_388 : memref<128x1x32xf32, #tpu.memory_space<hbm>> -> memref<128x32xf32, #tpu.memory_space<hbm>>
    %dma_start3A_390 = arith.constant 0 : i32
    %dma_start3A_391 = tpu.memref_slice %arg4[%mul3A_380, %dma_start3A_382, %dma_start3A_390] : memref<16384x200x32xf32, #tpu.memory_space<hbm>> -> memref<128x1x32xf32, #tpu.memory_space<hbm>>
    %dma_start3A_392 = tpu.memref_squeeze %dma_start3A_391 : memref<128x1x32xf32, #tpu.memory_space<hbm>> -> memref<128x32xf32, #tpu.memory_space<hbm>>
    %dma_start3A_393 = arith.constant 0 : i32
    %dma_start3A_394 = arith.constant 0 : i32
    %dma_start3A_395 = tpu.memref_slice %arg7[%dma_start3A_381, %dma_start3A_393, %dma_start3A_394] : memref<8x128x32xf32, #tpu.memory_space<vmem>> -> memref<1x128x32xf32, #tpu.memory_space<vmem>>
    %dma_start3A_396 = tpu.memref_squeeze %dma_start3A_395 : memref<1x128x32xf32, #tpu.memory_space<vmem>> -> memref<128x32xf32, #tpu.memory_space<vmem>>
    tpu.enqueue_dma source(%dma_start3A_396 : memref<128x32xf32, #tpu.memory_space<vmem>>) target(%dma_start3A_392 : memref<128x32xf32, #tpu.memory_space<hbm>>) target_semaphore(%arg11 : memref<!tpu.dma_semaphore, #tpu.memory_space<semaphore_mem>>)
    %mul3A_397 = arith.constant 128 : i32
    %mul3A_398 = arith.muli %add3A_306, %mul3A_397 : i32
    %dma_start3A_399 = arith.constant 5 : i32
    %dma_start3A_400 = arith.constant 5 : i32
    %dma_start3A_401 = arith.constant 0 : i32
    %dma_start3A_402 = arith.constant 0 : i32
    %dma_start3A_403 = tpu.memref_slice %arg7[%dma_start3A_399, %dma_start3A_401, %dma_start3A_402] : memref<8x128x32xf32, #tpu.memory_space<vmem>> -> memref<1x128x32xf32, #tpu.memory_space<vmem>>
    %dma_start3A_404 = tpu.memref_squeeze %dma_start3A_403 : memref<1x128x32xf32, #tpu.memory_space<vmem>> -> memref<128x32xf32, #tpu.memory_space<vmem>>
    %dma_start3A_405 = arith.constant 0 : i32
    %dma_start3A_406 = tpu.memref_slice %arg4[%mul3A_398, %dma_start3A_400, %dma_start3A_405] : memref<16384x200x32xf32, #tpu.memory_space<hbm>> -> memref<128x1x32xf32, #tpu.memory_space<hbm>>
    %dma_start3A_407 = tpu.memref_squeeze %dma_start3A_406 : memref<128x1x32xf32, #tpu.memory_space<hbm>> -> memref<128x32xf32, #tpu.memory_space<hbm>>
    %dma_start3A_408 = arith.constant 0 : i32
    %dma_start3A_409 = tpu.memref_slice %arg4[%mul3A_398, %dma_start3A_400, %dma_start3A_408] : memref<16384x200x32xf32, #tpu.memory_space<hbm>> -> memref<128x1x32xf32, #tpu.memory_space<hbm>>
    %dma_start3A_410 = tpu.memref_squeeze %dma_start3A_409 : memref<128x1x32xf32, #tpu.memory_space<hbm>> -> memref<128x32xf32, #tpu.memory_space<hbm>>
    %dma_start3A_411 = arith.constant 0 : i32
    %dma_start3A_412 = arith.constant 0 : i32
    %dma_start3A_413 = tpu.memref_slice %arg7[%dma_start3A_399, %dma_start3A_411, %dma_start3A_412] : memref<8x128x32xf32, #tpu.memory_space<vmem>> -> memref<1x128x32xf32, #tpu.memory_space<vmem>>
    %dma_start3A_414 = tpu.memref_squeeze %dma_start3A_413 : memref<1x128x32xf32, #tpu.memory_space<vmem>> -> memref<128x32xf32, #tpu.memory_space<vmem>>
    tpu.enqueue_dma source(%dma_start3A_414 : memref<128x32xf32, #tpu.memory_space<vmem>>) target(%dma_start3A_410 : memref<128x32xf32, #tpu.memory_space<hbm>>) target_semaphore(%arg11 : memref<!tpu.dma_semaphore, #tpu.memory_space<semaphore_mem>>)
    %mul3A_415 = arith.constant 128 : i32
    %mul3A_416 = arith.muli %add3A_306, %mul3A_415 : i32
    %dma_start3A_417 = arith.constant 6 : i32
    %dma_start3A_418 = arith.constant 6 : i32
    %dma_start3A_419 = arith.constant 0 : i32
    %dma_start3A_420 = arith.constant 0 : i32
    %dma_start3A_421 = tpu.memref_slice %arg7[%dma_start3A_417, %dma_start3A_419, %dma_start3A_420] : memref<8x128x32xf32, #tpu.memory_space<vmem>> -> memref<1x128x32xf32, #tpu.memory_space<vmem>>
    %dma_start3A_422 = tpu.memref_squeeze %dma_start3A_421 : memref<1x128x32xf32, #tpu.memory_space<vmem>> -> memref<128x32xf32, #tpu.memory_space<vmem>>
    %dma_start3A_423 = arith.constant 0 : i32
    %dma_start3A_424 = tpu.memref_slice %arg4[%mul3A_416, %dma_start3A_418, %dma_start3A_423] : memref<16384x200x32xf32, #tpu.memory_space<hbm>> -> memref<128x1x32xf32, #tpu.memory_space<hbm>>
    %dma_start3A_425 = tpu.memref_squeeze %dma_start3A_424 : memref<128x1x32xf32, #tpu.memory_space<hbm>> -> memref<128x32xf32, #tpu.memory_space<hbm>>
    %dma_start3A_426 = arith.constant 0 : i32
    %dma_start3A_427 = tpu.memref_slice %arg4[%mul3A_416, %dma_start3A_418, %dma_start3A_426] : memref<16384x200x32xf32, #tpu.memory_space<hbm>> -> memref<128x1x32xf32, #tpu.memory_space<hbm>>
    %dma_start3A_428 = tpu.memref_squeeze %dma_start3A_427 : memref<128x1x32xf32, #tpu.memory_space<hbm>> -> memref<128x32xf32, #tpu.memory_space<hbm>>
    %dma_start3A_429 = arith.constant 0 : i32
    %dma_start3A_430 = arith.constant 0 : i32
    %dma_start3A_431 = tpu.memref_slice %arg7[%dma_start3A_417, %dma_start3A_429, %dma_start3A_430] : memref<8x128x32xf32, #tpu.memory_space<vmem>> -> memref<1x128x32xf32, #tpu.memory_space<vmem>>
    %dma_start3A_432 = tpu.memref_squeeze %dma_start3A_431 : memref<1x128x32xf32, #tpu.memory_space<vmem>> -> memref<128x32xf32, #tpu.memory_space<vmem>>
    tpu.enqueue_dma source(%dma_start3A_432 : memref<128x32xf32, #tpu.memory_space<vmem>>) target(%dma_start3A_428 : memref<128x32xf32, #tpu.memory_space<hbm>>) target_semaphore(%arg11 : memref<!tpu.dma_semaphore, #tpu.memory_space<semaphore_mem>>)
    %mul3A_433 = arith.constant 128 : i32
    %mul3A_434 = arith.muli %add3A_306, %mul3A_433 : i32
    %dma_start3A_435 = arith.constant 7 : i32
    %dma_start3A_436 = arith.constant 7 : i32
    %dma_start3A_437 = arith.constant 0 : i32
    %dma_start3A_438 = arith.constant 0 : i32
    %dma_start3A_439 = tpu.memref_slice %arg7[%dma_start3A_435, %dma_start3A_437, %dma_start3A_438] : memref<8x128x32xf32, #tpu.memory_space<vmem>> -> memref<1x128x32xf32, #tpu.memory_space<vmem>>
    %dma_start3A_440 = tpu.memref_squeeze %dma_start3A_439 : memref<1x128x32xf32, #tpu.memory_space<vmem>> -> memref<128x32xf32, #tpu.memory_space<vmem>>
    %dma_start3A_441 = arith.constant 0 : i32
    %dma_start3A_442 = tpu.memref_slice %arg4[%mul3A_434, %dma_start3A_436, %dma_start3A_441] : memref<16384x200x32xf32, #tpu.memory_space<hbm>> -> memref<128x1x32xf32, #tpu.memory_space<hbm>>
    %dma_start3A_443 = tpu.memref_squeeze %dma_start3A_442 : memref<128x1x32xf32, #tpu.memory_space<hbm>> -> memref<128x32xf32, #tpu.memory_space<hbm>>
    %dma_start3A_444 = arith.constant 0 : i32
    %dma_start3A_445 = tpu.memref_slice %arg4[%mul3A_434, %dma_start3A_436, %dma_start3A_444] : memref<16384x200x32xf32, #tpu.memory_space<hbm>> -> memref<128x1x32xf32, #tpu.memory_space<hbm>>
    %dma_start3A_446 = tpu.memref_squeeze %dma_start3A_445 : memref<128x1x32xf32, #tpu.memory_space<hbm>> -> memref<128x32xf32, #tpu.memory_space<hbm>>
    %dma_start3A_447 = arith.constant 0 : i32
    %dma_start3A_448 = arith.constant 0 : i32
    %dma_start3A_449 = tpu.memref_slice %arg7[%dma_start3A_435, %dma_start3A_447, %dma_start3A_448] : memref<8x128x32xf32, #tpu.memory_space<vmem>> -> memref<1x128x32xf32, #tpu.memory_space<vmem>>
    %dma_start3A_450 = tpu.memref_squeeze %dma_start3A_449 : memref<1x128x32xf32, #tpu.memory_space<vmem>> -> memref<128x32xf32, #tpu.memory_space<vmem>>
    tpu.enqueue_dma source(%dma_start3A_450 : memref<128x32xf32, #tpu.memory_space<vmem>>) target(%dma_start3A_446 : memref<128x32xf32, #tpu.memory_space<hbm>>) target_semaphore(%arg11 : memref<!tpu.dma_semaphore, #tpu.memory_space<semaphore_mem>>)
    %scan3A = arith.constant 0 : i32
    %scan3A_451 = arith.constant 1 : i32
    %scan3A_452 = arith.constant 49 : i32
    %scan3A_453 = arith.addi %scan3A_451, %scan3A_452 : i32
    %scan3A_454 = arith.constant 1 : i32
    scf.for %scan3A_988 = %scan3A_451 to %scan3A_453 step %scan3A_454  : i32 {
      %mul3A_989 = arith.constant 2 : i32
      %mul3A_990 = arith.muli %mul3A_989, %scan3A_988 : i32
      %add3A_991 = arith.constant 0 : i32
      %add3A_992 = arith.addi %mul3A_990, %add3A_991 : i32
      %jit3A = arith.constant 25 : i32
      %div3A = arith.divsi %add3A_992, %jit3A : i32
      %sign3A = arith.constant 0 : i32
      %sign3A_993 = arith.cmpi sgt, %add3A_992, %sign3A : i32
      %sign3A_994 = arith.extui %sign3A_993 : i1 to i32
      %sign3A_995 = arith.constant 0 : i32
      %sign3A_996 = arith.cmpi slt, %add3A_992, %sign3A_995 : i32
      %sign3A_997 = arith.extui %sign3A_996 : i1 to i32
      %sign3A_998 = arith.subi %sign3A_994, %sign3A_997 : i32
      %sign3A_999 = arith.constant 0 : i32
      %sign3A_1000 = arith.cmpi sgt, %jit3A, %sign3A_999 : i32
      %sign3A_1001 = arith.extui %sign3A_1000 : i1 to i32
      %sign3A_1002 = arith.constant 0 : i32
      %sign3A_1003 = arith.cmpi slt, %jit3A, %sign3A_1002 : i32
      %sign3A_1004 = arith.extui %sign3A_1003 : i1 to i32
      %sign3A_1005 = arith.subi %sign3A_1001, %sign3A_1004 : i32
      %ne3A = arith.cmpi ne, %sign3A_998, %sign3A_1005 : i32
      %rem3A = arith.remsi %add3A_992, %jit3A : i32
      %ne3A_1006 = arith.constant 0 : i32
      %ne3A_1007 = arith.cmpi ne, %rem3A, %ne3A_1006 : i32
      %and3A = arith.andi %ne3A, %ne3A_1007 : i1
      %sub3A = arith.constant 1 : i32
      %sub3A_1008 = arith.subi %div3A, %sub3A : i32
      %select_n3A = arith.select %and3A, %sub3A_1008, %div3A : i32
      %jit3A_1009 = arith.constant 25 : i32
      %eq3A = arith.constant 0 : i32
      %eq3A_1010 = arith.cmpi eq, %jit3A_1009, %eq3A : i32
      %jit3A_1011 = arith.constant 1 : i32
      %select_n3A_1012 = arith.select %eq3A_1010, %jit3A_1011, %jit3A_1009 : i32
      %rem3A_1013 = arith.remsi %add3A_992, %select_n3A_1012 : i32
      %ne3A_1014 = arith.constant 0 : i32
      %ne3A_1015 = arith.cmpi ne, %rem3A_1013, %ne3A_1014 : i32
      %lt3A = arith.constant 0 : i32
      %lt3A_1016 = arith.cmpi slt, %rem3A_1013, %lt3A : i32
      %lt3A_1017 = arith.constant 0 : i32
      %lt3A_1018 = arith.cmpi slt, %select_n3A_1012, %lt3A_1017 : i32
      %ne3A_1019 = arith.xori %lt3A_1016, %lt3A_1018 : i1
      %and3A_1020 = arith.andi %ne3A_1019, %ne3A_1015 : i1
      %add3A_1021 = arith.addi %rem3A_1013, %select_n3A_1012 : i32
      %select_n3A_1022 = arith.select %and3A_1020, %add3A_1021, %rem3A_1013 : i32
      %mul3A_1023 = arith.constant 4 : i32
      %mul3A_1024 = arith.muli %mul3A_1023, %add3A : i32
      %add3A_1025 = arith.addi %mul3A_1024, %select_n3A : i32
      %mul3A_1026 = arith.constant 128 : i32
      %mul3A_1027 = arith.muli %select_n3A_1022, %mul3A_1026 : i32
      %add3A_1028 = arith.addi %mul3A_1027, %add3A_1025 : i32
      %mul3A_1029 = arith.constant 8 : i32
      %mul3A_1030 = arith.muli %add3A_1028, %mul3A_1029 : i32
      "tpu.region"() ({
        %run_scoped3A = tpu.sem_alloc : memref<!tpu.dma_semaphore, #tpu.memory_space<semaphore_mem>>
        %dma_start3A_2181 = arith.constant 0 : i32
        %dma_start3A_2182 = tpu.memref_slice %arg2[%mul3A_1030, %dma_start3A_2181] : memref<25600x128xi32, #tpu.memory_space<hbm>> -> memref<8x128xi32, #tpu.memory_space<hbm>>
        %dma_start3A_2183 = arith.constant 0 : i32
        %dma_start3A_2184 = tpu.memref_slice %arg2[%mul3A_1030, %dma_start3A_2183] : memref<25600x128xi32, #tpu.memory_space<hbm>> -> memref<8x128xi32, #tpu.memory_space<hbm>>
        tpu.enqueue_dma source(%dma_start3A_2184 : memref<8x128xi32, #tpu.memory_space<hbm>>) target(%arg5 : memref<8x128xi32, #tpu.memory_space<vmem>>) target_semaphore(%run_scoped3A : memref<!tpu.dma_semaphore, #tpu.memory_space<semaphore_mem>>)
        %dma_wait3A_2185 = arith.constant 0 : i32
        %dma_wait3A_2186 = tpu.memref_slice %arg2[%mul3A_1030, %dma_wait3A_2185] : memref<25600x128xi32, #tpu.memory_space<hbm>> -> memref<8x128xi32, #tpu.memory_space<hbm>>
        %dma_wait3A_2187 = arith.constant 0 : i32
        %dma_wait3A_2188 = tpu.memref_slice %arg2[%mul3A_1030, %dma_wait3A_2187] : memref<25600x128xi32, #tpu.memory_space<hbm>> -> memref<8x128xi32, #tpu.memory_space<hbm>>
        tpu.wait_dma2 semaphore(%run_scoped3A : memref<!tpu.dma_semaphore, #tpu.memory_space<semaphore_mem>>) src(%dma_wait3A_2188 : memref<8x128xi32, #tpu.memory_space<hbm>>) dst(%arg5 : memref<8x128xi32, #tpu.memory_space<vmem>>)
        tpu.yield
      }) : () -> ()
      %dma_wait3A_1031 = arith.constant 0 : i32
      %dma_wait3A_1032 = arith.constant 0 : i32
      %dma_wait3A_1033 = arith.constant 0 : i32
      %dma_wait3A_1034 = arith.constant 0 : i32
      %dma_wait3A_1035 = tpu.memref_slice %arg7[%dma_wait3A_1031, %dma_wait3A_1033, %dma_wait3A_1034] : memref<8x128x32xf32, #tpu.memory_space<vmem>> -> memref<1x128x32xf32, #tpu.memory_space<vmem>>
      %dma_wait3A_1036 = tpu.memref_squeeze %dma_wait3A_1035 : memref<1x128x32xf32, #tpu.memory_space<vmem>> -> memref<128x32xf32, #tpu.memory_space<vmem>>
      %dma_wait3A_1037 = arith.constant 0 : i32
      %dma_wait3A_1038 = arith.constant 0 : i32
      %dma_wait3A_1039 = tpu.memref_slice %arg4[%dma_wait3A_1037, %dma_wait3A_1032, %dma_wait3A_1038] : memref<16384x200x32xf32, #tpu.memory_space<hbm>> -> memref<128x1x32xf32, #tpu.memory_space<hbm>>
      %dma_wait3A_1040 = tpu.memref_squeeze %dma_wait3A_1039 : memref<128x1x32xf32, #tpu.memory_space<hbm>> -> memref<128x32xf32, #tpu.memory_space<hbm>>
      %dma_wait3A_1041 = arith.constant 0 : i32
      %dma_wait3A_1042 = arith.constant 0 : i32
      %dma_wait3A_1043 = tpu.memref_slice %arg4[%dma_wait3A_1041, %dma_wait3A_1032, %dma_wait3A_1042] : memref<16384x200x32xf32, #tpu.memory_space<hbm>> -> memref<128x1x32xf32, #tpu.memory_space<hbm>>
      %dma_wait3A_1044 = tpu.memref_squeeze %dma_wait3A_1043 : memref<128x1x32xf32, #tpu.memory_space<hbm>> -> memref<128x32xf32, #tpu.memory_space<hbm>>
      %dma_wait3A_1045 = arith.constant 0 : i32
      %dma_wait3A_1046 = arith.constant 0 : i32
      %dma_wait3A_1047 = tpu.memref_slice %arg7[%dma_wait3A_1031, %dma_wait3A_1045, %dma_wait3A_1046] : memref<8x128x32xf32, #tpu.memory_space<vmem>> -> memref<1x128x32xf32, #tpu.memory_space<vmem>>
      %dma_wait3A_1048 = tpu.memref_squeeze %dma_wait3A_1047 : memref<1x128x32xf32, #tpu.memory_space<vmem>> -> memref<128x32xf32, #tpu.memory_space<vmem>>
      tpu.wait_dma2 semaphore(%arg11 : memref<!tpu.dma_semaphore, #tpu.memory_space<semaphore_mem>>) src(%dma_wait3A_1048 : memref<128x32xf32, #tpu.memory_space<vmem>>) dst(%dma_wait3A_1044 : memref<128x32xf32, #tpu.memory_space<hbm>>)
      %dma_wait3A_1049 = arith.constant 1 : i32
      %dma_wait3A_1050 = arith.constant 1 : i32
      %dma_wait3A_1051 = arith.constant 0 : i32
      %dma_wait3A_1052 = arith.constant 0 : i32
      %dma_wait3A_1053 = tpu.memref_slice %arg7[%dma_wait3A_1049, %dma_wait3A_1051, %dma_wait3A_1052] : memref<8x128x32xf32, #tpu.memory_space<vmem>> -> memref<1x128x32xf32, #tpu.memory_space<vmem>>
      %dma_wait3A_1054 = tpu.memref_squeeze %dma_wait3A_1053 : memref<1x128x32xf32, #tpu.memory_space<vmem>> -> memref<128x32xf32, #tpu.memory_space<vmem>>
      %dma_wait3A_1055 = arith.constant 0 : i32
      %dma_wait3A_1056 = arith.constant 0 : i32
      %dma_wait3A_1057 = tpu.memref_slice %arg4[%dma_wait3A_1055, %dma_wait3A_1050, %dma_wait3A_1056] : memref<16384x200x32xf32, #tpu.memory_space<hbm>> -> memref<128x1x32xf32, #tpu.memory_space<hbm>>
      %dma_wait3A_1058 = tpu.memref_squeeze %dma_wait3A_1057 : memref<128x1x32xf32, #tpu.memory_space<hbm>> -> memref<128x32xf32, #tpu.memory_space<hbm>>
      %dma_wait3A_1059 = arith.constant 0 : i32
      %dma_wait3A_1060 = arith.constant 0 : i32
      %dma_wait3A_1061 = tpu.memref_slice %arg4[%dma_wait3A_1059, %dma_wait3A_1050, %dma_wait3A_1060] : memref<16384x200x32xf32, #tpu.memory_space<hbm>> -> memref<128x1x32xf32, #tpu.memory_space<hbm>>
      %dma_wait3A_1062 = tpu.memref_squeeze %dma_wait3A_1061 : memref<128x1x32xf32, #tpu.memory_space<hbm>> -> memref<128x32xf32, #tpu.memory_space<hbm>>
      %dma_wait3A_1063 = arith.constant 0 : i32
      %dma_wait3A_1064 = arith.constant 0 : i32
      %dma_wait3A_1065 = tpu.memref_slice %arg7[%dma_wait3A_1049, %dma_wait3A_1063, %dma_wait3A_1064] : memref<8x128x32xf32, #tpu.memory_space<vmem>> -> memref<1x128x32xf32, #tpu.memory_space<vmem>>
      %dma_wait3A_1066 = tpu.memref_squeeze %dma_wait3A_1065 : memref<1x128x32xf32, #tpu.memory_space<vmem>> -> memref<128x32xf32, #tpu.memory_space<vmem>>
      tpu.wait_dma2 semaphore(%arg11 : memref<!tpu.dma_semaphore, #tpu.memory_space<semaphore_mem>>) src(%dma_wait3A_1066 : memref<128x32xf32, #tpu.memory_space<vmem>>) dst(%dma_wait3A_1062 : memref<128x32xf32, #tpu.memory_space<hbm>>)
      %dma_wait3A_1067 = arith.constant 2 : i32
      %dma_wait3A_1068 = arith.constant 2 : i32
      %dma_wait3A_1069 = arith.constant 0 : i32
      %dma_wait3A_1070 = arith.constant 0 : i32
      %dma_wait3A_1071 = tpu.memref_slice %arg7[%dma_wait3A_1067, %dma_wait3A_1069, %dma_wait3A_1070] : memref<8x128x32xf32, #tpu.memory_space<vmem>> -> memref<1x128x32xf32, #tpu.memory_space<vmem>>
      %dma_wait3A_1072 = tpu.memref_squeeze %dma_wait3A_1071 : memref<1x128x32xf32, #tpu.memory_space<vmem>> -> memref<128x32xf32, #tpu.memory_space<vmem>>
      %dma_wait3A_1073 = arith.constant 0 : i32
      %dma_wait3A_1074 = arith.constant 0 : i32
      %dma_wait3A_1075 = tpu.memref_slice %arg4[%dma_wait3A_1073, %dma_wait3A_1068, %dma_wait3A_1074] : memref<16384x200x32xf32, #tpu.memory_space<hbm>> -> memref<128x1x32xf32, #tpu.memory_space<hbm>>
      %dma_wait3A_1076 = tpu.memref_squeeze %dma_wait3A_1075 : memref<128x1x32xf32, #tpu.memory_space<hbm>> -> memref<128x32xf32, #tpu.memory_space<hbm>>
      %dma_wait3A_1077 = arith.constant 0 : i32
      %dma_wait3A_1078 = arith.constant 0 : i32
      %dma_wait3A_1079 = tpu.memref_slice %arg4[%dma_wait3A_1077, %dma_wait3A_1068, %dma_wait3A_1078] : memref<16384x200x32xf32, #tpu.memory_space<hbm>> -> memref<128x1x32xf32, #tpu.memory_space<hbm>>
      %dma_wait3A_1080 = tpu.memref_squeeze %dma_wait3A_1079 : memref<128x1x32xf32, #tpu.memory_space<hbm>> -> memref<128x32xf32, #tpu.memory_space<hbm>>
      %dma_wait3A_1081 = arith.constant 0 : i32
      %dma_wait3A_1082 = arith.constant 0 : i32
      %dma_wait3A_1083 = tpu.memref_slice %arg7[%dma_wait3A_1067, %dma_wait3A_1081, %dma_wait3A_1082] : memref<8x128x32xf32, #tpu.memory_space<vmem>> -> memref<1x128x32xf32, #tpu.memory_space<vmem>>
      %dma_wait3A_1084 = tpu.memref_squeeze %dma_wait3A_1083 : memref<1x128x32xf32, #tpu.memory_space<vmem>> -> memref<128x32xf32, #tpu.memory_space<vmem>>
      tpu.wait_dma2 semaphore(%arg11 : memref<!tpu.dma_semaphore, #tpu.memory_space<semaphore_mem>>) src(%dma_wait3A_1084 : memref<128x32xf32, #tpu.memory_space<vmem>>) dst(%dma_wait3A_1080 : memref<128x32xf32, #tpu.memory_space<hbm>>)
      %dma_wait3A_1085 = arith.constant 3 : i32
      %dma_wait3A_1086 = arith.constant 3 : i32
      %dma_wait3A_1087 = arith.constant 0 : i32
      %dma_wait3A_1088 = arith.constant 0 : i32
      %dma_wait3A_1089 = tpu.memref_slice %arg7[%dma_wait3A_1085, %dma_wait3A_1087, %dma_wait3A_1088] : memref<8x128x32xf32, #tpu.memory_space<vmem>> -> memref<1x128x32xf32, #tpu.memory_space<vmem>>
      %dma_wait3A_1090 = tpu.memref_squeeze %dma_wait3A_1089 : memref<1x128x32xf32, #tpu.memory_space<vmem>> -> memref<128x32xf32, #tpu.memory_space<vmem>>
      %dma_wait3A_1091 = arith.constant 0 : i32
      %dma_wait3A_1092 = arith.constant 0 : i32
      %dma_wait3A_1093 = tpu.memref_slice %arg4[%dma_wait3A_1091, %dma_wait3A_1086, %dma_wait3A_1092] : memref<16384x200x32xf32, #tpu.memory_space<hbm>> -> memref<128x1x32xf32, #tpu.memory_space<hbm>>
      %dma_wait3A_1094 = tpu.memref_squeeze %dma_wait3A_1093 : memref<128x1x32xf32, #tpu.memory_space<hbm>> -> memref<128x32xf32, #tpu.memory_space<hbm>>
      %dma_wait3A_1095 = arith.constant 0 : i32
      %dma_wait3A_1096 = arith.constant 0 : i32
      %dma_wait3A_1097 = tpu.memref_slice %arg4[%dma_wait3A_1095, %dma_wait3A_1086, %dma_wait3A_1096] : memref<16384x200x32xf32, #tpu.memory_space<hbm>> -> memref<128x1x32xf32, #tpu.memory_space<hbm>>
      %dma_wait3A_1098 = tpu.memref_squeeze %dma_wait3A_1097 : memref<128x1x32xf32, #tpu.memory_space<hbm>> -> memref<128x32xf32, #tpu.memory_space<hbm>>
      %dma_wait3A_1099 = arith.constant 0 : i32
      %dma_wait3A_1100 = arith.constant 0 : i32
      %dma_wait3A_1101 = tpu.memref_slice %arg7[%dma_wait3A_1085, %dma_wait3A_1099, %dma_wait3A_1100] : memref<8x128x32xf32, #tpu.memory_space<vmem>> -> memref<1x128x32xf32, #tpu.memory_space<vmem>>
      %dma_wait3A_1102 = tpu.memref_squeeze %dma_wait3A_1101 : memref<1x128x32xf32, #tpu.memory_space<vmem>> -> memref<128x32xf32, #tpu.memory_space<vmem>>
      tpu.wait_dma2 semaphore(%arg11 : memref<!tpu.dma_semaphore, #tpu.memory_space<semaphore_mem>>) src(%dma_wait3A_1102 : memref<128x32xf32, #tpu.memory_space<vmem>>) dst(%dma_wait3A_1098 : memref<128x32xf32, #tpu.memory_space<hbm>>)
      %dma_wait3A_1103 = arith.constant 4 : i32
      %dma_wait3A_1104 = arith.constant 4 : i32
      %dma_wait3A_1105 = arith.constant 0 : i32
      %dma_wait3A_1106 = arith.constant 0 : i32
      %dma_wait3A_1107 = tpu.memref_slice %arg7[%dma_wait3A_1103, %dma_wait3A_1105, %dma_wait3A_1106] : memref<8x128x32xf32, #tpu.memory_space<vmem>> -> memref<1x128x32xf32, #tpu.memory_space<vmem>>
      %dma_wait3A_1108 = tpu.memref_squeeze %dma_wait3A_1107 : memref<1x128x32xf32, #tpu.memory_space<vmem>> -> memref<128x32xf32, #tpu.memory_space<vmem>>
      %dma_wait3A_1109 = arith.constant 0 : i32
      %dma_wait3A_1110 = arith.constant 0 : i32
      %dma_wait3A_1111 = tpu.memref_slice %arg4[%dma_wait3A_1109, %dma_wait3A_1104, %dma_wait3A_1110] : memref<16384x200x32xf32, #tpu.memory_space<hbm>> -> memref<128x1x32xf32, #tpu.memory_space<hbm>>
      %dma_wait3A_1112 = tpu.memref_squeeze %dma_wait3A_1111 : memref<128x1x32xf32, #tpu.memory_space<hbm>> -> memref<128x32xf32, #tpu.memory_space<hbm>>
      %dma_wait3A_1113 = arith.constant 0 : i32
      %dma_wait3A_1114 = arith.constant 0 : i32
      %dma_wait3A_1115 = tpu.memref_slice %arg4[%dma_wait3A_1113, %dma_wait3A_1104, %dma_wait3A_1114] : memref<16384x200x32xf32, #tpu.memory_space<hbm>> -> memref<128x1x32xf32, #tpu.memory_space<hbm>>
      %dma_wait3A_1116 = tpu.memref_squeeze %dma_wait3A_1115 : memref<128x1x32xf32, #tpu.memory_space<hbm>> -> memref<128x32xf32, #tpu.memory_space<hbm>>
      %dma_wait3A_1117 = arith.constant 0 : i32
      %dma_wait3A_1118 = arith.constant 0 : i32
      %dma_wait3A_1119 = tpu.memref_slice %arg7[%dma_wait3A_1103, %dma_wait3A_1117, %dma_wait3A_1118] : memref<8x128x32xf32, #tpu.memory_space<vmem>> -> memref<1x128x32xf32, #tpu.memory_space<vmem>>
      %dma_wait3A_1120 = tpu.memref_squeeze %dma_wait3A_1119 : memref<1x128x32xf32, #tpu.memory_space<vmem>> -> memref<128x32xf32, #tpu.memory_space<vmem>>
      tpu.wait_dma2 semaphore(%arg11 : memref<!tpu.dma_semaphore, #tpu.memory_space<semaphore_mem>>) src(%dma_wait3A_1120 : memref<128x32xf32, #tpu.memory_space<vmem>>) dst(%dma_wait3A_1116 : memref<128x32xf32, #tpu.memory_space<hbm>>)
      %dma_wait3A_1121 = arith.constant 5 : i32
      %dma_wait3A_1122 = arith.constant 5 : i32
      %dma_wait3A_1123 = arith.constant 0 : i32
      %dma_wait3A_1124 = arith.constant 0 : i32
      %dma_wait3A_1125 = tpu.memref_slice %arg7[%dma_wait3A_1121, %dma_wait3A_1123, %dma_wait3A_1124] : memref<8x128x32xf32, #tpu.memory_space<vmem>> -> memref<1x128x32xf32, #tpu.memory_space<vmem>>
      %dma_wait3A_1126 = tpu.memref_squeeze %dma_wait3A_1125 : memref<1x128x32xf32, #tpu.memory_space<vmem>> -> memref<128x32xf32, #tpu.memory_space<vmem>>
      %dma_wait3A_1127 = arith.constant 0 : i32
      %dma_wait3A_1128 = arith.constant 0 : i32
      %dma_wait3A_1129 = tpu.memref_slice %arg4[%dma_wait3A_1127, %dma_wait3A_1122, %dma_wait3A_1128] : memref<16384x200x32xf32, #tpu.memory_space<hbm>> -> memref<128x1x32xf32, #tpu.memory_space<hbm>>
      %dma_wait3A_1130 = tpu.memref_squeeze %dma_wait3A_1129 : memref<128x1x32xf32, #tpu.memory_space<hbm>> -> memref<128x32xf32, #tpu.memory_space<hbm>>
      %dma_wait3A_1131 = arith.constant 0 : i32
      %dma_wait3A_1132 = arith.constant 0 : i32
      %dma_wait3A_1133 = tpu.memref_slice %arg4[%dma_wait3A_1131, %dma_wait3A_1122, %dma_wait3A_1132] : memref<16384x200x32xf32, #tpu.memory_space<hbm>> -> memref<128x1x32xf32, #tpu.memory_space<hbm>>
      %dma_wait3A_1134 = tpu.memref_squeeze %dma_wait3A_1133 : memref<128x1x32xf32, #tpu.memory_space<hbm>> -> memref<128x32xf32, #tpu.memory_space<hbm>>
      %dma_wait3A_1135 = arith.constant 0 : i32
      %dma_wait3A_1136 = arith.constant 0 : i32
      %dma_wait3A_1137 = tpu.memref_slice %arg7[%dma_wait3A_1121, %dma_wait3A_1135, %dma_wait3A_1136] : memref<8x128x32xf32, #tpu.memory_space<vmem>> -> memref<1x128x32xf32, #tpu.memory_space<vmem>>
      %dma_wait3A_1138 = tpu.memref_squeeze %dma_wait3A_1137 : memref<1x128x32xf32, #tpu.memory_space<vmem>> -> memref<128x32xf32, #tpu.memory_space<vmem>>
      tpu.wait_dma2 semaphore(%arg11 : memref<!tpu.dma_semaphore, #tpu.memory_space<semaphore_mem>>) src(%dma_wait3A_1138 : memref<128x32xf32, #tpu.memory_space<vmem>>) dst(%dma_wait3A_1134 : memref<128x32xf32, #tpu.memory_space<hbm>>)
      %dma_wait3A_1139 = arith.constant 6 : i32
      %dma_wait3A_1140 = arith.constant 6 : i32
      %dma_wait3A_1141 = arith.constant 0 : i32
      %dma_wait3A_1142 = arith.constant 0 : i32
      %dma_wait3A_1143 = tpu.memref_slice %arg7[%dma_wait3A_1139, %dma_wait3A_1141, %dma_wait3A_1142] : memref<8x128x32xf32, #tpu.memory_space<vmem>> -> memref<1x128x32xf32, #tpu.memory_space<vmem>>
      %dma_wait3A_1144 = tpu.memref_squeeze %dma_wait3A_1143 : memref<1x128x32xf32, #tpu.memory_space<vmem>> -> memref<128x32xf32, #tpu.memory_space<vmem>>
      %dma_wait3A_1145 = arith.constant 0 : i32
      %dma_wait3A_1146 = arith.constant 0 : i32
      %dma_wait3A_1147 = tpu.memref_slice %arg4[%dma_wait3A_1145, %dma_wait3A_1140, %dma_wait3A_1146] : memref<16384x200x32xf32, #tpu.memory_space<hbm>> -> memref<128x1x32xf32, #tpu.memory_space<hbm>>
      %dma_wait3A_1148 = tpu.memref_squeeze %dma_wait3A_1147 : memref<128x1x32xf32, #tpu.memory_space<hbm>> -> memref<128x32xf32, #tpu.memory_space<hbm>>
      %dma_wait3A_1149 = arith.constant 0 : i32
      %dma_wait3A_1150 = arith.constant 0 : i32
      %dma_wait3A_1151 = tpu.memref_slice %arg4[%dma_wait3A_1149, %dma_wait3A_1140, %dma_wait3A_1150] : memref<16384x200x32xf32, #tpu.memory_space<hbm>> -> memref<128x1x32xf32, #tpu.memory_space<hbm>>
      %dma_wait3A_1152 = tpu.memref_squeeze %dma_wait3A_1151 : memref<128x1x32xf32, #tpu.memory_space<hbm>> -> memref<128x32xf32, #tpu.memory_space<hbm>>
      %dma_wait3A_1153 = arith.constant 0 : i32
      %dma_wait3A_1154 = arith.constant 0 : i32
      %dma_wait3A_1155 = tpu.memref_slice %arg7[%dma_wait3A_1139, %dma_wait3A_1153, %dma_wait3A_1154] : memref<8x128x32xf32, #tpu.memory_space<vmem>> -> memref<1x128x32xf32, #tpu.memory_space<vmem>>
      %dma_wait3A_1156 = tpu.memref_squeeze %dma_wait3A_1155 : memref<1x128x32xf32, #tpu.memory_space<vmem>> -> memref<128x32xf32, #tpu.memory_space<vmem>>
      tpu.wait_dma2 semaphore(%arg11 : memref<!tpu.dma_semaphore, #tpu.memory_space<semaphore_mem>>) src(%dma_wait3A_1156 : memref<128x32xf32, #tpu.memory_space<vmem>>) dst(%dma_wait3A_1152 : memref<128x32xf32, #tpu.memory_space<hbm>>)
      %dma_wait3A_1157 = arith.constant 7 : i32
      %dma_wait3A_1158 = arith.constant 7 : i32
      %dma_wait3A_1159 = arith.constant 0 : i32
      %dma_wait3A_1160 = arith.constant 0 : i32
      %dma_wait3A_1161 = tpu.memref_slice %arg7[%dma_wait3A_1157, %dma_wait3A_1159, %dma_wait3A_1160] : memref<8x128x32xf32, #tpu.memory_space<vmem>> -> memref<1x128x32xf32, #tpu.memory_space<vmem>>
      %dma_wait3A_1162 = tpu.memref_squeeze %dma_wait3A_1161 : memref<1x128x32xf32, #tpu.memory_space<vmem>> -> memref<128x32xf32, #tpu.memory_space<vmem>>
      %dma_wait3A_1163 = arith.constant 0 : i32
      %dma_wait3A_1164 = arith.constant 0 : i32
      %dma_wait3A_1165 = tpu.memref_slice %arg4[%dma_wait3A_1163, %dma_wait3A_1158, %dma_wait3A_1164] : memref<16384x200x32xf32, #tpu.memory_space<hbm>> -> memref<128x1x32xf32, #tpu.memory_space<hbm>>
      %dma_wait3A_1166 = tpu.memref_squeeze %dma_wait3A_1165 : memref<128x1x32xf32, #tpu.memory_space<hbm>> -> memref<128x32xf32, #tpu.memory_space<hbm>>
      %dma_wait3A_1167 = arith.constant 0 : i32
      %dma_wait3A_1168 = arith.constant 0 : i32
      %dma_wait3A_1169 = tpu.memref_slice %arg4[%dma_wait3A_1167, %dma_wait3A_1158, %dma_wait3A_1168] : memref<16384x200x32xf32, #tpu.memory_space<hbm>> -> memref<128x1x32xf32, #tpu.memory_space<hbm>>
      %dma_wait3A_1170 = tpu.memref_squeeze %dma_wait3A_1169 : memref<128x1x32xf32, #tpu.memory_space<hbm>> -> memref<128x32xf32, #tpu.memory_space<hbm>>
      %dma_wait3A_1171 = arith.constant 0 : i32
      %dma_wait3A_1172 = arith.constant 0 : i32
      %dma_wait3A_1173 = tpu.memref_slice %arg7[%dma_wait3A_1157, %dma_wait3A_1171, %dma_wait3A_1172] : memref<8x128x32xf32, #tpu.memory_space<vmem>> -> memref<1x128x32xf32, #tpu.memory_space<vmem>>
      %dma_wait3A_1174 = tpu.memref_squeeze %dma_wait3A_1173 : memref<1x128x32xf32, #tpu.memory_space<vmem>> -> memref<128x32xf32, #tpu.memory_space<vmem>>
      tpu.wait_dma2 semaphore(%arg11 : memref<!tpu.dma_semaphore, #tpu.memory_space<semaphore_mem>>) src(%dma_wait3A_1174 : memref<128x32xf32, #tpu.memory_space<vmem>>) dst(%dma_wait3A_1170 : memref<128x32xf32, #tpu.memory_space<hbm>>)
      %dma_start3A_1175 = arith.constant 0 : i32
      %dma_start3A_1176 = arith.constant 0 : i32
      %dma_start3A_1177 = arith.constant 0 : i32
      %dma_start3A_1178 = arith.constant 0 : i32
      %dma_start3A_1179 = tpu.memref_slice %arg7[%dma_start3A_1176, %dma_start3A_1177, %dma_start3A_1178] : memref<8x128x32xf32, #tpu.memory_space<vmem>> -> memref<1x128x32xf32, #tpu.memory_space<vmem>>
      %dma_start3A_1180 = tpu.memref_squeeze %dma_start3A_1179 : memref<1x128x32xf32, #tpu.memory_space<vmem>> -> memref<128x32xf32, #tpu.memory_space<vmem>>
      %dma_start3A_1181 = arith.constant 0 : i32
      %dma_start3A_1182 = tpu.memref_slice %arg5[%dma_start3A_1175, %dma_start3A_1181] : memref<8x128xi32, #tpu.memory_space<vmem>> -> memref<1x128xi32, #tpu.memory_space<vmem>>
      %dma_start3A_1183 = tpu.memref_squeeze %dma_start3A_1182 : memref<1x128xi32, #tpu.memory_space<vmem>> -> memref<128xi32, #tpu.memory_space<vmem>>
      %dma_start3A_1184 = arith.constant 0 : i32
      %dma_start3A_1185 = arith.constant 0 : i32
      %dma_start3A_1186 = tpu.memref_slice %arg3[%dma_start3A_1184, %dma_start3A_1185] : memref<1000000x32xf32, #tpu.memory_space<hbm>> -> memref<1000000x32xf32, #tpu.memory_space<hbm>>
      tpu.enqueue_indirect_dma source(%dma_start3A_1186 : memref<1000000x32xf32, #tpu.memory_space<hbm>>) target(%dma_start3A_1180 : memref<128x32xf32, #tpu.memory_space<vmem>>) offsets(%dma_start3A_1183 : memref<128xi32, #tpu.memory_space<vmem>>) semaphore(%arg9 : memref<!tpu.dma_semaphore, #tpu.memory_space<semaphore_mem>>)
      %dma_start3A_1187 = arith.constant 1 : i32
      %dma_start3A_1188 = arith.constant 1 : i32
      %dma_start3A_1189 = arith.constant 0 : i32
      %dma_start3A_1190 = arith.constant 0 : i32
      %dma_start3A_1191 = tpu.memref_slice %arg7[%dma_start3A_1188, %dma_start3A_1189, %dma_start3A_1190] : memref<8x128x32xf32, #tpu.memory_space<vmem>> -> memref<1x128x32xf32, #tpu.memory_space<vmem>>
      %dma_start3A_1192 = tpu.memref_squeeze %dma_start3A_1191 : memref<1x128x32xf32, #tpu.memory_space<vmem>> -> memref<128x32xf32, #tpu.memory_space<vmem>>
      %dma_start3A_1193 = arith.constant 0 : i32
      %dma_start3A_1194 = tpu.memref_slice %arg5[%dma_start3A_1187, %dma_start3A_1193] : memref<8x128xi32, #tpu.memory_space<vmem>> -> memref<1x128xi32, #tpu.memory_space<vmem>>
      %dma_start3A_1195 = tpu.memref_squeeze %dma_start3A_1194 : memref<1x128xi32, #tpu.memory_space<vmem>> -> memref<128xi32, #tpu.memory_space<vmem>>
      %dma_start3A_1196 = arith.constant 0 : i32
      %dma_start3A_1197 = arith.constant 0 : i32
      %dma_start3A_1198 = tpu.memref_slice %arg3[%dma_start3A_1196, %dma_start3A_1197] : memref<1000000x32xf32, #tpu.memory_space<hbm>> -> memref<1000000x32xf32, #tpu.memory_space<hbm>>
      tpu.enqueue_indirect_dma source(%dma_start3A_1198 : memref<1000000x32xf32, #tpu.memory_space<hbm>>) target(%dma_start3A_1192 : memref<128x32xf32, #tpu.memory_space<vmem>>) offsets(%dma_start3A_1195 : memref<128xi32, #tpu.memory_space<vmem>>) semaphore(%arg9 : memref<!tpu.dma_semaphore, #tpu.memory_space<semaphore_mem>>)
      %dma_start3A_1199 = arith.constant 2 : i32
      %dma_start3A_1200 = arith.constant 2 : i32
      %dma_start3A_1201 = arith.constant 0 : i32
      %dma_start3A_1202 = arith.constant 0 : i32
      %dma_start3A_1203 = tpu.memref_slice %arg7[%dma_start3A_1200, %dma_start3A_1201, %dma_start3A_1202] : memref<8x128x32xf32, #tpu.memory_space<vmem>> -> memref<1x128x32xf32, #tpu.memory_space<vmem>>
      %dma_start3A_1204 = tpu.memref_squeeze %dma_start3A_1203 : memref<1x128x32xf32, #tpu.memory_space<vmem>> -> memref<128x32xf32, #tpu.memory_space<vmem>>
      %dma_start3A_1205 = arith.constant 0 : i32
      %dma_start3A_1206 = tpu.memref_slice %arg5[%dma_start3A_1199, %dma_start3A_1205] : memref<8x128xi32, #tpu.memory_space<vmem>> -> memref<1x128xi32, #tpu.memory_space<vmem>>
      %dma_start3A_1207 = tpu.memref_squeeze %dma_start3A_1206 : memref<1x128xi32, #tpu.memory_space<vmem>> -> memref<128xi32, #tpu.memory_space<vmem>>
      %dma_start3A_1208 = arith.constant 0 : i32
      %dma_start3A_1209 = arith.constant 0 : i32
      %dma_start3A_1210 = tpu.memref_slice %arg3[%dma_start3A_1208, %dma_start3A_1209] : memref<1000000x32xf32, #tpu.memory_space<hbm>> -> memref<1000000x32xf32, #tpu.memory_space<hbm>>
      tpu.enqueue_indirect_dma source(%dma_start3A_1210 : memref<1000000x32xf32, #tpu.memory_space<hbm>>) target(%dma_start3A_1204 : memref<128x32xf32, #tpu.memory_space<vmem>>) offsets(%dma_start3A_1207 : memref<128xi32, #tpu.memory_space<vmem>>) semaphore(%arg9 : memref<!tpu.dma_semaphore, #tpu.memory_space<semaphore_mem>>)
      %dma_start3A_1211 = arith.constant 3 : i32
      %dma_start3A_1212 = arith.constant 3 : i32
      %dma_start3A_1213 = arith.constant 0 : i32
      %dma_start3A_1214 = arith.constant 0 : i32
      %dma_start3A_1215 = tpu.memref_slice %arg7[%dma_start3A_1212, %dma_start3A_1213, %dma_start3A_1214] : memref<8x128x32xf32, #tpu.memory_space<vmem>> -> memref<1x128x32xf32, #tpu.memory_space<vmem>>
      %dma_start3A_1216 = tpu.memref_squeeze %dma_start3A_1215 : memref<1x128x32xf32, #tpu.memory_space<vmem>> -> memref<128x32xf32, #tpu.memory_space<vmem>>
      %dma_start3A_1217 = arith.constant 0 : i32
      %dma_start3A_1218 = tpu.memref_slice %arg5[%dma_start3A_1211, %dma_start3A_1217] : memref<8x128xi32, #tpu.memory_space<vmem>> -> memref<1x128xi32, #tpu.memory_space<vmem>>
      %dma_start3A_1219 = tpu.memref_squeeze %dma_start3A_1218 : memref<1x128xi32, #tpu.memory_space<vmem>> -> memref<128xi32, #tpu.memory_space<vmem>>
      %dma_start3A_1220 = arith.constant 0 : i32
      %dma_start3A_1221 = arith.constant 0 : i32
      %dma_start3A_1222 = tpu.memref_slice %arg3[%dma_start3A_1220, %dma_start3A_1221] : memref<1000000x32xf32, #tpu.memory_space<hbm>> -> memref<1000000x32xf32, #tpu.memory_space<hbm>>
      tpu.enqueue_indirect_dma source(%dma_start3A_1222 : memref<1000000x32xf32, #tpu.memory_space<hbm>>) target(%dma_start3A_1216 : memref<128x32xf32, #tpu.memory_space<vmem>>) offsets(%dma_start3A_1219 : memref<128xi32, #tpu.memory_space<vmem>>) semaphore(%arg9 : memref<!tpu.dma_semaphore, #tpu.memory_space<semaphore_mem>>)
      %dma_start3A_1223 = arith.constant 4 : i32
      %dma_start3A_1224 = arith.constant 4 : i32
      %dma_start3A_1225 = arith.constant 0 : i32
      %dma_start3A_1226 = arith.constant 0 : i32
      %dma_start3A_1227 = tpu.memref_slice %arg7[%dma_start3A_1224, %dma_start3A_1225, %dma_start3A_1226] : memref<8x128x32xf32, #tpu.memory_space<vmem>> -> memref<1x128x32xf32, #tpu.memory_space<vmem>>
      %dma_start3A_1228 = tpu.memref_squeeze %dma_start3A_1227 : memref<1x128x32xf32, #tpu.memory_space<vmem>> -> memref<128x32xf32, #tpu.memory_space<vmem>>
      %dma_start3A_1229 = arith.constant 0 : i32
      %dma_start3A_1230 = tpu.memref_slice %arg5[%dma_start3A_1223, %dma_start3A_1229] : memref<8x128xi32, #tpu.memory_space<vmem>> -> memref<1x128xi32, #tpu.memory_space<vmem>>
      %dma_start3A_1231 = tpu.memref_squeeze %dma_start3A_1230 : memref<1x128xi32, #tpu.memory_space<vmem>> -> memref<128xi32, #tpu.memory_space<vmem>>
      %dma_start3A_1232 = arith.constant 0 : i32
      %dma_start3A_1233 = arith.constant 0 : i32
      %dma_start3A_1234 = tpu.memref_slice %arg3[%dma_start3A_1232, %dma_start3A_1233] : memref<1000000x32xf32, #tpu.memory_space<hbm>> -> memref<1000000x32xf32, #tpu.memory_space<hbm>>
      tpu.enqueue_indirect_dma source(%dma_start3A_1234 : memref<1000000x32xf32, #tpu.memory_space<hbm>>) target(%dma_start3A_1228 : memref<128x32xf32, #tpu.memory_space<vmem>>) offsets(%dma_start3A_1231 : memref<128xi32, #tpu.memory_space<vmem>>) semaphore(%arg9 : memref<!tpu.dma_semaphore, #tpu.memory_space<semaphore_mem>>)
      %dma_start3A_1235 = arith.constant 5 : i32
      %dma_start3A_1236 = arith.constant 5 : i32
      %dma_start3A_1237 = arith.constant 0 : i32
      %dma_start3A_1238 = arith.constant 0 : i32
      %dma_start3A_1239 = tpu.memref_slice %arg7[%dma_start3A_1236, %dma_start3A_1237, %dma_start3A_1238] : memref<8x128x32xf32, #tpu.memory_space<vmem>> -> memref<1x128x32xf32, #tpu.memory_space<vmem>>
      %dma_start3A_1240 = tpu.memref_squeeze %dma_start3A_1239 : memref<1x128x32xf32, #tpu.memory_space<vmem>> -> memref<128x32xf32, #tpu.memory_space<vmem>>
      %dma_start3A_1241 = arith.constant 0 : i32
      %dma_start3A_1242 = tpu.memref_slice %arg5[%dma_start3A_1235, %dma_start3A_1241] : memref<8x128xi32, #tpu.memory_space<vmem>> -> memref<1x128xi32, #tpu.memory_space<vmem>>
      %dma_start3A_1243 = tpu.memref_squeeze %dma_start3A_1242 : memref<1x128xi32, #tpu.memory_space<vmem>> -> memref<128xi32, #tpu.memory_space<vmem>>
      %dma_start3A_1244 = arith.constant 0 : i32
      %dma_start3A_1245 = arith.constant 0 : i32
      %dma_start3A_1246 = tpu.memref_slice %arg3[%dma_start3A_1244, %dma_start3A_1245] : memref<1000000x32xf32, #tpu.memory_space<hbm>> -> memref<1000000x32xf32, #tpu.memory_space<hbm>>
      tpu.enqueue_indirect_dma source(%dma_start3A_1246 : memref<1000000x32xf32, #tpu.memory_space<hbm>>) target(%dma_start3A_1240 : memref<128x32xf32, #tpu.memory_space<vmem>>) offsets(%dma_start3A_1243 : memref<128xi32, #tpu.memory_space<vmem>>) semaphore(%arg9 : memref<!tpu.dma_semaphore, #tpu.memory_space<semaphore_mem>>)
      %dma_start3A_1247 = arith.constant 6 : i32
      %dma_start3A_1248 = arith.constant 6 : i32
      %dma_start3A_1249 = arith.constant 0 : i32
      %dma_start3A_1250 = arith.constant 0 : i32
      %dma_start3A_1251 = tpu.memref_slice %arg7[%dma_start3A_1248, %dma_start3A_1249, %dma_start3A_1250] : memref<8x128x32xf32, #tpu.memory_space<vmem>> -> memref<1x128x32xf32, #tpu.memory_space<vmem>>
      %dma_start3A_1252 = tpu.memref_squeeze %dma_start3A_1251 : memref<1x128x32xf32, #tpu.memory_space<vmem>> -> memref<128x32xf32, #tpu.memory_space<vmem>>
      %dma_start3A_1253 = arith.constant 0 : i32
      %dma_start3A_1254 = tpu.memref_slice %arg5[%dma_start3A_1247, %dma_start3A_1253] : memref<8x128xi32, #tpu.memory_space<vmem>> -> memref<1x128xi32, #tpu.memory_space<vmem>>
      %dma_start3A_1255 = tpu.memref_squeeze %dma_start3A_1254 : memref<1x128xi32, #tpu.memory_space<vmem>> -> memref<128xi32, #tpu.memory_space<vmem>>
      %dma_start3A_1256 = arith.constant 0 : i32
      %dma_start3A_1257 = arith.constant 0 : i32
      %dma_start3A_1258 = tpu.memref_slice %arg3[%dma_start3A_1256, %dma_start3A_1257] : memref<1000000x32xf32, #tpu.memory_space<hbm>> -> memref<1000000x32xf32, #tpu.memory_space<hbm>>
      tpu.enqueue_indirect_dma source(%dma_start3A_1258 : memref<1000000x32xf32, #tpu.memory_space<hbm>>) target(%dma_start3A_1252 : memref<128x32xf32, #tpu.memory_space<vmem>>) offsets(%dma_start3A_1255 : memref<128xi32, #tpu.memory_space<vmem>>) semaphore(%arg9 : memref<!tpu.dma_semaphore, #tpu.memory_space<semaphore_mem>>)
      %dma_start3A_1259 = arith.constant 7 : i32
      %dma_start3A_1260 = arith.constant 7 : i32
      %dma_start3A_1261 = arith.constant 0 : i32
      %dma_start3A_1262 = arith.constant 0 : i32
      %dma_start3A_1263 = tpu.memref_slice %arg7[%dma_start3A_1260, %dma_start3A_1261, %dma_start3A_1262] : memref<8x128x32xf32, #tpu.memory_space<vmem>> -> memref<1x128x32xf32, #tpu.memory_space<vmem>>
      %dma_start3A_1264 = tpu.memref_squeeze %dma_start3A_1263 : memref<1x128x32xf32, #tpu.memory_space<vmem>> -> memref<128x32xf32, #tpu.memory_space<vmem>>
      %dma_start3A_1265 = arith.constant 0 : i32
      %dma_start3A_1266 = tpu.memref_slice %arg5[%dma_start3A_1259, %dma_start3A_1265] : memref<8x128xi32, #tpu.memory_space<vmem>> -> memref<1x128xi32, #tpu.memory_space<vmem>>
      %dma_start3A_1267 = tpu.memref_squeeze %dma_start3A_1266 : memref<1x128xi32, #tpu.memory_space<vmem>> -> memref<128xi32, #tpu.memory_space<vmem>>
      %dma_start3A_1268 = arith.constant 0 : i32
      %dma_start3A_1269 = arith.constant 0 : i32
      %dma_start3A_1270 = tpu.memref_slice %arg3[%dma_start3A_1268, %dma_start3A_1269] : memref<1000000x32xf32, #tpu.memory_space<hbm>> -> memref<1000000x32xf32, #tpu.memory_space<hbm>>
      tpu.enqueue_indirect_dma source(%dma_start3A_1270 : memref<1000000x32xf32, #tpu.memory_space<hbm>>) target(%dma_start3A_1264 : memref<128x32xf32, #tpu.memory_space<vmem>>) offsets(%dma_start3A_1267 : memref<128xi32, #tpu.memory_space<vmem>>) semaphore(%arg9 : memref<!tpu.dma_semaphore, #tpu.memory_space<semaphore_mem>>)
      %dma_wait3A_1271 = arith.constant 0 : i32
      %dma_wait3A_1272 = arith.constant 0 : i32
      %dma_wait3A_1273 = arith.constant 0 : i32
      %dma_wait3A_1274 = arith.constant 0 : i32
      %dma_wait3A_1275 = tpu.memref_slice %arg8[%dma_wait3A_1272, %dma_wait3A_1273, %dma_wait3A_1274] : memref<8x128x32xf32, #tpu.memory_space<vmem>> -> memref<1x128x32xf32, #tpu.memory_space<vmem>>
      %dma_wait3A_1276 = tpu.memref_squeeze %dma_wait3A_1275 : memref<1x128x32xf32, #tpu.memory_space<vmem>> -> memref<128x32xf32, #tpu.memory_space<vmem>>
      %dma_wait3A_1277 = arith.constant 0 : i32
      %dma_wait3A_1278 = tpu.memref_slice %arg6[%dma_wait3A_1271, %dma_wait3A_1277] : memref<8x128xi32, #tpu.memory_space<vmem>> -> memref<1x128xi32, #tpu.memory_space<vmem>>
      %dma_wait3A_1279 = tpu.memref_squeeze %dma_wait3A_1278 : memref<1x128xi32, #tpu.memory_space<vmem>> -> memref<128xi32, #tpu.memory_space<vmem>>
      %dma_wait3A_1280 = arith.constant 0 : i32
      %dma_wait3A_1281 = arith.constant 0 : i32
      %dma_wait3A_1282 = tpu.memref_slice %arg3[%dma_wait3A_1280, %dma_wait3A_1281] : memref<1000000x32xf32, #tpu.memory_space<hbm>> -> memref<1000000x32xf32, #tpu.memory_space<hbm>>
      tpu.wait_indirect_dma semaphore(%arg10 : memref<!tpu.dma_semaphore, #tpu.memory_space<semaphore_mem>>) src(%dma_wait3A_1282 : memref<1000000x32xf32, #tpu.memory_space<hbm>>) dst(%dma_wait3A_1276 : memref<128x32xf32, #tpu.memory_space<vmem>>)
      %dma_wait3A_1283 = arith.constant 1 : i32
      %dma_wait3A_1284 = arith.constant 1 : i32
      %dma_wait3A_1285 = arith.constant 0 : i32
      %dma_wait3A_1286 = arith.constant 0 : i32
      %dma_wait3A_1287 = tpu.memref_slice %arg8[%dma_wait3A_1284, %dma_wait3A_1285, %dma_wait3A_1286] : memref<8x128x32xf32, #tpu.memory_space<vmem>> -> memref<1x128x32xf32, #tpu.memory_space<vmem>>
      %dma_wait3A_1288 = tpu.memref_squeeze %dma_wait3A_1287 : memref<1x128x32xf32, #tpu.memory_space<vmem>> -> memref<128x32xf32, #tpu.memory_space<vmem>>
      %dma_wait3A_1289 = arith.constant 0 : i32
      %dma_wait3A_1290 = tpu.memref_slice %arg6[%dma_wait3A_1283, %dma_wait3A_1289] : memref<8x128xi32, #tpu.memory_space<vmem>> -> memref<1x128xi32, #tpu.memory_space<vmem>>
      %dma_wait3A_1291 = tpu.memref_squeeze %dma_wait3A_1290 : memref<1x128xi32, #tpu.memory_space<vmem>> -> memref<128xi32, #tpu.memory_space<vmem>>
      %dma_wait3A_1292 = arith.constant 0 : i32
      %dma_wait3A_1293 = arith.constant 0 : i32
      %dma_wait3A_1294 = tpu.memref_slice %arg3[%dma_wait3A_1292, %dma_wait3A_1293] : memref<1000000x32xf32, #tpu.memory_space<hbm>> -> memref<1000000x32xf32, #tpu.memory_space<hbm>>
      tpu.wait_indirect_dma semaphore(%arg10 : memref<!tpu.dma_semaphore, #tpu.memory_space<semaphore_mem>>) src(%dma_wait3A_1294 : memref<1000000x32xf32, #tpu.memory_space<hbm>>) dst(%dma_wait3A_1288 : memref<128x32xf32, #tpu.memory_space<vmem>>)
      %dma_wait3A_1295 = arith.constant 2 : i32
      %dma_wait3A_1296 = arith.constant 2 : i32
      %dma_wait3A_1297 = arith.constant 0 : i32
      %dma_wait3A_1298 = arith.constant 0 : i32
      %dma_wait3A_1299 = tpu.memref_slice %arg8[%dma_wait3A_1296, %dma_wait3A_1297, %dma_wait3A_1298] : memref<8x128x32xf32, #tpu.memory_space<vmem>> -> memref<1x128x32xf32, #tpu.memory_space<vmem>>
      %dma_wait3A_1300 = tpu.memref_squeeze %dma_wait3A_1299 : memref<1x128x32xf32, #tpu.memory_space<vmem>> -> memref<128x32xf32, #tpu.memory_space<vmem>>
      %dma_wait3A_1301 = arith.constant 0 : i32
      %dma_wait3A_1302 = tpu.memref_slice %arg6[%dma_wait3A_1295, %dma_wait3A_1301] : memref<8x128xi32, #tpu.memory_space<vmem>> -> memref<1x128xi32, #tpu.memory_space<vmem>>
      %dma_wait3A_1303 = tpu.memref_squeeze %dma_wait3A_1302 : memref<1x128xi32, #tpu.memory_space<vmem>> -> memref<128xi32, #tpu.memory_space<vmem>>
      %dma_wait3A_1304 = arith.constant 0 : i32
      %dma_wait3A_1305 = arith.constant 0 : i32
      %dma_wait3A_1306 = tpu.memref_slice %arg3[%dma_wait3A_1304, %dma_wait3A_1305] : memref<1000000x32xf32, #tpu.memory_space<hbm>> -> memref<1000000x32xf32, #tpu.memory_space<hbm>>
      tpu.wait_indirect_dma semaphore(%arg10 : memref<!tpu.dma_semaphore, #tpu.memory_space<semaphore_mem>>) src(%dma_wait3A_1306 : memref<1000000x32xf32, #tpu.memory_space<hbm>>) dst(%dma_wait3A_1300 : memref<128x32xf32, #tpu.memory_space<vmem>>)
      %dma_wait3A_1307 = arith.constant 3 : i32
      %dma_wait3A_1308 = arith.constant 3 : i32
      %dma_wait3A_1309 = arith.constant 0 : i32
      %dma_wait3A_1310 = arith.constant 0 : i32
      %dma_wait3A_1311 = tpu.memref_slice %arg8[%dma_wait3A_1308, %dma_wait3A_1309, %dma_wait3A_1310] : memref<8x128x32xf32, #tpu.memory_space<vmem>> -> memref<1x128x32xf32, #tpu.memory_space<vmem>>
      %dma_wait3A_1312 = tpu.memref_squeeze %dma_wait3A_1311 : memref<1x128x32xf32, #tpu.memory_space<vmem>> -> memref<128x32xf32, #tpu.memory_space<vmem>>
      %dma_wait3A_1313 = arith.constant 0 : i32
      %dma_wait3A_1314 = tpu.memref_slice %arg6[%dma_wait3A_1307, %dma_wait3A_1313] : memref<8x128xi32, #tpu.memory_space<vmem>> -> memref<1x128xi32, #tpu.memory_space<vmem>>
      %dma_wait3A_1315 = tpu.memref_squeeze %dma_wait3A_1314 : memref<1x128xi32, #tpu.memory_space<vmem>> -> memref<128xi32, #tpu.memory_space<vmem>>
      %dma_wait3A_1316 = arith.constant 0 : i32
      %dma_wait3A_1317 = arith.constant 0 : i32
      %dma_wait3A_1318 = tpu.memref_slice %arg3[%dma_wait3A_1316, %dma_wait3A_1317] : memref<1000000x32xf32, #tpu.memory_space<hbm>> -> memref<1000000x32xf32, #tpu.memory_space<hbm>>
      tpu.wait_indirect_dma semaphore(%arg10 : memref<!tpu.dma_semaphore, #tpu.memory_space<semaphore_mem>>) src(%dma_wait3A_1318 : memref<1000000x32xf32, #tpu.memory_space<hbm>>) dst(%dma_wait3A_1312 : memref<128x32xf32, #tpu.memory_space<vmem>>)
      %dma_wait3A_1319 = arith.constant 4 : i32
      %dma_wait3A_1320 = arith.constant 4 : i32
      %dma_wait3A_1321 = arith.constant 0 : i32
      %dma_wait3A_1322 = arith.constant 0 : i32
      %dma_wait3A_1323 = tpu.memref_slice %arg8[%dma_wait3A_1320, %dma_wait3A_1321, %dma_wait3A_1322] : memref<8x128x32xf32, #tpu.memory_space<vmem>> -> memref<1x128x32xf32, #tpu.memory_space<vmem>>
      %dma_wait3A_1324 = tpu.memref_squeeze %dma_wait3A_1323 : memref<1x128x32xf32, #tpu.memory_space<vmem>> -> memref<128x32xf32, #tpu.memory_space<vmem>>
      %dma_wait3A_1325 = arith.constant 0 : i32
      %dma_wait3A_1326 = tpu.memref_slice %arg6[%dma_wait3A_1319, %dma_wait3A_1325] : memref<8x128xi32, #tpu.memory_space<vmem>> -> memref<1x128xi32, #tpu.memory_space<vmem>>
      %dma_wait3A_1327 = tpu.memref_squeeze %dma_wait3A_1326 : memref<1x128xi32, #tpu.memory_space<vmem>> -> memref<128xi32, #tpu.memory_space<vmem>>
      %dma_wait3A_1328 = arith.constant 0 : i32
      %dma_wait3A_1329 = arith.constant 0 : i32
      %dma_wait3A_1330 = tpu.memref_slice %arg3[%dma_wait3A_1328, %dma_wait3A_1329] : memref<1000000x32xf32, #tpu.memory_space<hbm>> -> memref<1000000x32xf32, #tpu.memory_space<hbm>>
      tpu.wait_indirect_dma semaphore(%arg10 : memref<!tpu.dma_semaphore, #tpu.memory_space<semaphore_mem>>) src(%dma_wait3A_1330 : memref<1000000x32xf32, #tpu.memory_space<hbm>>) dst(%dma_wait3A_1324 : memref<128x32xf32, #tpu.memory_space<vmem>>)
      %dma_wait3A_1331 = arith.constant 5 : i32
      %dma_wait3A_1332 = arith.constant 5 : i32
      %dma_wait3A_1333 = arith.constant 0 : i32
      %dma_wait3A_1334 = arith.constant 0 : i32
      %dma_wait3A_1335 = tpu.memref_slice %arg8[%dma_wait3A_1332, %dma_wait3A_1333, %dma_wait3A_1334] : memref<8x128x32xf32, #tpu.memory_space<vmem>> -> memref<1x128x32xf32, #tpu.memory_space<vmem>>
      %dma_wait3A_1336 = tpu.memref_squeeze %dma_wait3A_1335 : memref<1x128x32xf32, #tpu.memory_space<vmem>> -> memref<128x32xf32, #tpu.memory_space<vmem>>
      %dma_wait3A_1337 = arith.constant 0 : i32
      %dma_wait3A_1338 = tpu.memref_slice %arg6[%dma_wait3A_1331, %dma_wait3A_1337] : memref<8x128xi32, #tpu.memory_space<vmem>> -> memref<1x128xi32, #tpu.memory_space<vmem>>
      %dma_wait3A_1339 = tpu.memref_squeeze %dma_wait3A_1338 : memref<1x128xi32, #tpu.memory_space<vmem>> -> memref<128xi32, #tpu.memory_space<vmem>>
      %dma_wait3A_1340 = arith.constant 0 : i32
      %dma_wait3A_1341 = arith.constant 0 : i32
      %dma_wait3A_1342 = tpu.memref_slice %arg3[%dma_wait3A_1340, %dma_wait3A_1341] : memref<1000000x32xf32, #tpu.memory_space<hbm>> -> memref<1000000x32xf32, #tpu.memory_space<hbm>>
      tpu.wait_indirect_dma semaphore(%arg10 : memref<!tpu.dma_semaphore, #tpu.memory_space<semaphore_mem>>) src(%dma_wait3A_1342 : memref<1000000x32xf32, #tpu.memory_space<hbm>>) dst(%dma_wait3A_1336 : memref<128x32xf32, #tpu.memory_space<vmem>>)
      %dma_wait3A_1343 = arith.constant 6 : i32
      %dma_wait3A_1344 = arith.constant 6 : i32
      %dma_wait3A_1345 = arith.constant 0 : i32
      %dma_wait3A_1346 = arith.constant 0 : i32
      %dma_wait3A_1347 = tpu.memref_slice %arg8[%dma_wait3A_1344, %dma_wait3A_1345, %dma_wait3A_1346] : memref<8x128x32xf32, #tpu.memory_space<vmem>> -> memref<1x128x32xf32, #tpu.memory_space<vmem>>
      %dma_wait3A_1348 = tpu.memref_squeeze %dma_wait3A_1347 : memref<1x128x32xf32, #tpu.memory_space<vmem>> -> memref<128x32xf32, #tpu.memory_space<vmem>>
      %dma_wait3A_1349 = arith.constant 0 : i32
      %dma_wait3A_1350 = tpu.memref_slice %arg6[%dma_wait3A_1343, %dma_wait3A_1349] : memref<8x128xi32, #tpu.memory_space<vmem>> -> memref<1x128xi32, #tpu.memory_space<vmem>>
      %dma_wait3A_1351 = tpu.memref_squeeze %dma_wait3A_1350 : memref<1x128xi32, #tpu.memory_space<vmem>> -> memref<128xi32, #tpu.memory_space<vmem>>
      %dma_wait3A_1352 = arith.constant 0 : i32
      %dma_wait3A_1353 = arith.constant 0 : i32
      %dma_wait3A_1354 = tpu.memref_slice %arg3[%dma_wait3A_1352, %dma_wait3A_1353] : memref<1000000x32xf32, #tpu.memory_space<hbm>> -> memref<1000000x32xf32, #tpu.memory_space<hbm>>
      tpu.wait_indirect_dma semaphore(%arg10 : memref<!tpu.dma_semaphore, #tpu.memory_space<semaphore_mem>>) src(%dma_wait3A_1354 : memref<1000000x32xf32, #tpu.memory_space<hbm>>) dst(%dma_wait3A_1348 : memref<128x32xf32, #tpu.memory_space<vmem>>)
      %dma_wait3A_1355 = arith.constant 7 : i32
      %dma_wait3A_1356 = arith.constant 7 : i32
      %dma_wait3A_1357 = arith.constant 0 : i32
      %dma_wait3A_1358 = arith.constant 0 : i32
      %dma_wait3A_1359 = tpu.memref_slice %arg8[%dma_wait3A_1356, %dma_wait3A_1357, %dma_wait3A_1358] : memref<8x128x32xf32, #tpu.memory_space<vmem>> -> memref<1x128x32xf32, #tpu.memory_space<vmem>>
      %dma_wait3A_1360 = tpu.memref_squeeze %dma_wait3A_1359 : memref<1x128x32xf32, #tpu.memory_space<vmem>> -> memref<128x32xf32, #tpu.memory_space<vmem>>
      %dma_wait3A_1361 = arith.constant 0 : i32
      %dma_wait3A_1362 = tpu.memref_slice %arg6[%dma_wait3A_1355, %dma_wait3A_1361] : memref<8x128xi32, #tpu.memory_space<vmem>> -> memref<1x128xi32, #tpu.memory_space<vmem>>
      %dma_wait3A_1363 = tpu.memref_squeeze %dma_wait3A_1362 : memref<1x128xi32, #tpu.memory_space<vmem>> -> memref<128xi32, #tpu.memory_space<vmem>>
      %dma_wait3A_1364 = arith.constant 0 : i32
      %dma_wait3A_1365 = arith.constant 0 : i32
      %dma_wait3A_1366 = tpu.memref_slice %arg3[%dma_wait3A_1364, %dma_wait3A_1365] : memref<1000000x32xf32, #tpu.memory_space<hbm>> -> memref<1000000x32xf32, #tpu.memory_space<hbm>>
      tpu.wait_indirect_dma semaphore(%arg10 : memref<!tpu.dma_semaphore, #tpu.memory_space<semaphore_mem>>) src(%dma_wait3A_1366 : memref<1000000x32xf32, #tpu.memory_space<hbm>>) dst(%dma_wait3A_1360 : memref<128x32xf32, #tpu.memory_space<vmem>>)
      %sub3A_1367 = arith.constant 1 : i32
      %sub3A_1368 = arith.subi %add3A_992, %sub3A_1367 : i32
      %jit3A_1369 = arith.constant 25 : i32
      %div3A_1370 = arith.divsi %sub3A_1368, %jit3A_1369 : i32
      %sign3A_1371 = arith.constant 0 : i32
      %sign3A_1372 = arith.cmpi sgt, %sub3A_1368, %sign3A_1371 : i32
      %sign3A_1373 = arith.extui %sign3A_1372 : i1 to i32
      %sign3A_1374 = arith.constant 0 : i32
      %sign3A_1375 = arith.cmpi slt, %sub3A_1368, %sign3A_1374 : i32
      %sign3A_1376 = arith.extui %sign3A_1375 : i1 to i32
      %sign3A_1377 = arith.subi %sign3A_1373, %sign3A_1376 : i32
      %sign3A_1378 = arith.constant 0 : i32
      %sign3A_1379 = arith.cmpi sgt, %jit3A_1369, %sign3A_1378 : i32
      %sign3A_1380 = arith.extui %sign3A_1379 : i1 to i32
      %sign3A_1381 = arith.constant 0 : i32
      %sign3A_1382 = arith.cmpi slt, %jit3A_1369, %sign3A_1381 : i32
      %sign3A_1383 = arith.extui %sign3A_1382 : i1 to i32
      %sign3A_1384 = arith.subi %sign3A_1380, %sign3A_1383 : i32
      %ne3A_1385 = arith.cmpi ne, %sign3A_1377, %sign3A_1384 : i32
      %rem3A_1386 = arith.remsi %sub3A_1368, %jit3A_1369 : i32
      %ne3A_1387 = arith.constant 0 : i32
      %ne3A_1388 = arith.cmpi ne, %rem3A_1386, %ne3A_1387 : i32
      %and3A_1389 = arith.andi %ne3A_1385, %ne3A_1388 : i1
      %sub3A_1390 = arith.constant 1 : i32
      %sub3A_1391 = arith.subi %div3A_1370, %sub3A_1390 : i32
      %select_n3A_1392 = arith.select %and3A_1389, %sub3A_1391, %div3A_1370 : i32
      %jit3A_1393 = arith.constant 25 : i32
      %eq3A_1394 = arith.constant 0 : i32
      %eq3A_1395 = arith.cmpi eq, %jit3A_1393, %eq3A_1394 : i32
      %jit3A_1396 = arith.constant 1 : i32
      %select_n3A_1397 = arith.select %eq3A_1395, %jit3A_1396, %jit3A_1393 : i32
      %rem3A_1398 = arith.remsi %sub3A_1368, %select_n3A_1397 : i32
      %ne3A_1399 = arith.constant 0 : i32
      %ne3A_1400 = arith.cmpi ne, %rem3A_1398, %ne3A_1399 : i32
      %lt3A_1401 = arith.constant 0 : i32
      %lt3A_1402 = arith.cmpi slt, %rem3A_1398, %lt3A_1401 : i32
      %lt3A_1403 = arith.constant 0 : i32
      %lt3A_1404 = arith.cmpi slt, %select_n3A_1397, %lt3A_1403 : i32
      %ne3A_1405 = arith.xori %lt3A_1402, %lt3A_1404 : i1
      %and3A_1406 = arith.andi %ne3A_1405, %ne3A_1400 : i1
      %add3A_1407 = arith.addi %rem3A_1398, %select_n3A_1397 : i32
      %select_n3A_1408 = arith.select %and3A_1406, %add3A_1407, %rem3A_1398 : i32
      %mul3A_1409 = arith.constant 4 : i32
      %mul3A_1410 = arith.muli %mul3A_1409, %add3A : i32
      %add3A_1411 = arith.addi %mul3A_1410, %select_n3A_1392 : i32
      %mul3A_1412 = arith.constant 128 : i32
      %mul3A_1413 = arith.muli %add3A_1411, %mul3A_1412 : i32
      %mul3A_1414 = arith.constant 8 : i32
      %mul3A_1415 = arith.muli %mul3A_1414, %select_n3A_1408 : i32
      %add3A_1416 = arith.constant 0 : i32
      %add3A_1417 = arith.addi %mul3A_1415, %add3A_1416 : i32
      %dma_start3A_1418 = arith.constant 0 : i32
      %dma_start3A_1419 = arith.constant 0 : i32
      %dma_start3A_1420 = arith.constant 0 : i32
      %dma_start3A_1421 = tpu.memref_slice %arg8[%dma_start3A_1418, %dma_start3A_1419, %dma_start3A_1420] : memref<8x128x32xf32, #tpu.memory_space<vmem>> -> memref<1x128x32xf32, #tpu.memory_space<vmem>>
      %dma_start3A_1422 = tpu.memref_squeeze %dma_start3A_1421 : memref<1x128x32xf32, #tpu.memory_space<vmem>> -> memref<128x32xf32, #tpu.memory_space<vmem>>
      %dma_start3A_1423 = arith.constant 0 : i32
      %dma_start3A_1424 = tpu.memref_slice %arg4[%mul3A_1413, %add3A_1417, %dma_start3A_1423] : memref<16384x200x32xf32, #tpu.memory_space<hbm>> -> memref<128x1x32xf32, #tpu.memory_space<hbm>>
      %dma_start3A_1425 = tpu.memref_squeeze %dma_start3A_1424 : memref<128x1x32xf32, #tpu.memory_space<hbm>> -> memref<128x32xf32, #tpu.memory_space<hbm>>
      %dma_start3A_1426 = arith.constant 0 : i32
      %dma_start3A_1427 = tpu.memref_slice %arg4[%mul3A_1413, %add3A_1417, %dma_start3A_1426] : memref<16384x200x32xf32, #tpu.memory_space<hbm>> -> memref<128x1x32xf32, #tpu.memory_space<hbm>>
      %dma_start3A_1428 = tpu.memref_squeeze %dma_start3A_1427 : memref<128x1x32xf32, #tpu.memory_space<hbm>> -> memref<128x32xf32, #tpu.memory_space<hbm>>
      %dma_start3A_1429 = arith.constant 0 : i32
      %dma_start3A_1430 = arith.constant 0 : i32
      %dma_start3A_1431 = tpu.memref_slice %arg8[%dma_start3A_1418, %dma_start3A_1429, %dma_start3A_1430] : memref<8x128x32xf32, #tpu.memory_space<vmem>> -> memref<1x128x32xf32, #tpu.memory_space<vmem>>
      %dma_start3A_1432 = tpu.memref_squeeze %dma_start3A_1431 : memref<1x128x32xf32, #tpu.memory_space<vmem>> -> memref<128x32xf32, #tpu.memory_space<vmem>>
      tpu.enqueue_dma source(%dma_start3A_1432 : memref<128x32xf32, #tpu.memory_space<vmem>>) target(%dma_start3A_1428 : memref<128x32xf32, #tpu.memory_space<hbm>>) target_semaphore(%arg12 : memref<!tpu.dma_semaphore, #tpu.memory_space<semaphore_mem>>)
      %mul3A_1433 = arith.constant 128 : i32
      %mul3A_1434 = arith.muli %add3A_1411, %mul3A_1433 : i32
      %mul3A_1435 = arith.constant 8 : i32
      %mul3A_1436 = arith.muli %mul3A_1435, %select_n3A_1408 : i32
      %add3A_1437 = arith.constant 1 : i32
      %add3A_1438 = arith.addi %mul3A_1436, %add3A_1437 : i32
      %dma_start3A_1439 = arith.constant 1 : i32
      %dma_start3A_1440 = arith.constant 0 : i32
      %dma_start3A_1441 = arith.constant 0 : i32
      %dma_start3A_1442 = tpu.memref_slice %arg8[%dma_start3A_1439, %dma_start3A_1440, %dma_start3A_1441] : memref<8x128x32xf32, #tpu.memory_space<vmem>> -> memref<1x128x32xf32, #tpu.memory_space<vmem>>
      %dma_start3A_1443 = tpu.memref_squeeze %dma_start3A_1442 : memref<1x128x32xf32, #tpu.memory_space<vmem>> -> memref<128x32xf32, #tpu.memory_space<vmem>>
      %dma_start3A_1444 = arith.constant 0 : i32
      %dma_start3A_1445 = tpu.memref_slice %arg4[%mul3A_1434, %add3A_1438, %dma_start3A_1444] : memref<16384x200x32xf32, #tpu.memory_space<hbm>> -> memref<128x1x32xf32, #tpu.memory_space<hbm>>
      %dma_start3A_1446 = tpu.memref_squeeze %dma_start3A_1445 : memref<128x1x32xf32, #tpu.memory_space<hbm>> -> memref<128x32xf32, #tpu.memory_space<hbm>>
      %dma_start3A_1447 = arith.constant 0 : i32
      %dma_start3A_1448 = tpu.memref_slice %arg4[%mul3A_1434, %add3A_1438, %dma_start3A_1447] : memref<16384x200x32xf32, #tpu.memory_space<hbm>> -> memref<128x1x32xf32, #tpu.memory_space<hbm>>
      %dma_start3A_1449 = tpu.memref_squeeze %dma_start3A_1448 : memref<128x1x32xf32, #tpu.memory_space<hbm>> -> memref<128x32xf32, #tpu.memory_space<hbm>>
      %dma_start3A_1450 = arith.constant 0 : i32
      %dma_start3A_1451 = arith.constant 0 : i32
      %dma_start3A_1452 = tpu.memref_slice %arg8[%dma_start3A_1439, %dma_start3A_1450, %dma_start3A_1451] : memref<8x128x32xf32, #tpu.memory_space<vmem>> -> memref<1x128x32xf32, #tpu.memory_space<vmem>>
      %dma_start3A_1453 = tpu.memref_squeeze %dma_start3A_1452 : memref<1x128x32xf32, #tpu.memory_space<vmem>> -> memref<128x32xf32, #tpu.memory_space<vmem>>
      tpu.enqueue_dma source(%dma_start3A_1453 : memref<128x32xf32, #tpu.memory_space<vmem>>) target(%dma_start3A_1449 : memref<128x32xf32, #tpu.memory_space<hbm>>) target_semaphore(%arg12 : memref<!tpu.dma_semaphore, #tpu.memory_space<semaphore_mem>>)
      %mul3A_1454 = arith.constant 128 : i32
      %mul3A_1455 = arith.muli %add3A_1411, %mul3A_1454 : i32
      %mul3A_1456 = arith.constant 8 : i32
      %mul3A_1457 = arith.muli %mul3A_1456, %select_n3A_1408 : i32
      %add3A_1458 = arith.constant 2 : i32
      %add3A_1459 = arith.addi %mul3A_1457, %add3A_1458 : i32
      %dma_start3A_1460 = arith.constant 2 : i32
      %dma_start3A_1461 = arith.constant 0 : i32
      %dma_start3A_1462 = arith.constant 0 : i32
      %dma_start3A_1463 = tpu.memref_slice %arg8[%dma_start3A_1460, %dma_start3A_1461, %dma_start3A_1462] : memref<8x128x32xf32, #tpu.memory_space<vmem>> -> memref<1x128x32xf32, #tpu.memory_space<vmem>>
      %dma_start3A_1464 = tpu.memref_squeeze %dma_start3A_1463 : memref<1x128x32xf32, #tpu.memory_space<vmem>> -> memref<128x32xf32, #tpu.memory_space<vmem>>
      %dma_start3A_1465 = arith.constant 0 : i32
      %dma_start3A_1466 = tpu.memref_slice %arg4[%mul3A_1455, %add3A_1459, %dma_start3A_1465] : memref<16384x200x32xf32, #tpu.memory_space<hbm>> -> memref<128x1x32xf32, #tpu.memory_space<hbm>>
      %dma_start3A_1467 = tpu.memref_squeeze %dma_start3A_1466 : memref<128x1x32xf32, #tpu.memory_space<hbm>> -> memref<128x32xf32, #tpu.memory_space<hbm>>
      %dma_start3A_1468 = arith.constant 0 : i32
      %dma_start3A_1469 = tpu.memref_slice %arg4[%mul3A_1455, %add3A_1459, %dma_start3A_1468] : memref<16384x200x32xf32, #tpu.memory_space<hbm>> -> memref<128x1x32xf32, #tpu.memory_space<hbm>>
      %dma_start3A_1470 = tpu.memref_squeeze %dma_start3A_1469 : memref<128x1x32xf32, #tpu.memory_space<hbm>> -> memref<128x32xf32, #tpu.memory_space<hbm>>
      %dma_start3A_1471 = arith.constant 0 : i32
      %dma_start3A_1472 = arith.constant 0 : i32
      %dma_start3A_1473 = tpu.memref_slice %arg8[%dma_start3A_1460, %dma_start3A_1471, %dma_start3A_1472] : memref<8x128x32xf32, #tpu.memory_space<vmem>> -> memref<1x128x32xf32, #tpu.memory_space<vmem>>
      %dma_start3A_1474 = tpu.memref_squeeze %dma_start3A_1473 : memref<1x128x32xf32, #tpu.memory_space<vmem>> -> memref<128x32xf32, #tpu.memory_space<vmem>>
      tpu.enqueue_dma source(%dma_start3A_1474 : memref<128x32xf32, #tpu.memory_space<vmem>>) target(%dma_start3A_1470 : memref<128x32xf32, #tpu.memory_space<hbm>>) target_semaphore(%arg12 : memref<!tpu.dma_semaphore, #tpu.memory_space<semaphore_mem>>)
      %mul3A_1475 = arith.constant 128 : i32
      %mul3A_1476 = arith.muli %add3A_1411, %mul3A_1475 : i32
      %mul3A_1477 = arith.constant 8 : i32
      %mul3A_1478 = arith.muli %mul3A_1477, %select_n3A_1408 : i32
      %add3A_1479 = arith.constant 3 : i32
      %add3A_1480 = arith.addi %mul3A_1478, %add3A_1479 : i32
      %dma_start3A_1481 = arith.constant 3 : i32
      %dma_start3A_1482 = arith.constant 0 : i32
      %dma_start3A_1483 = arith.constant 0 : i32
      %dma_start3A_1484 = tpu.memref_slice %arg8[%dma_start3A_1481, %dma_start3A_1482, %dma_start3A_1483] : memref<8x128x32xf32, #tpu.memory_space<vmem>> -> memref<1x128x32xf32, #tpu.memory_space<vmem>>
      %dma_start3A_1485 = tpu.memref_squeeze %dma_start3A_1484 : memref<1x128x32xf32, #tpu.memory_space<vmem>> -> memref<128x32xf32, #tpu.memory_space<vmem>>
      %dma_start3A_1486 = arith.constant 0 : i32
      %dma_start3A_1487 = tpu.memref_slice %arg4[%mul3A_1476, %add3A_1480, %dma_start3A_1486] : memref<16384x200x32xf32, #tpu.memory_space<hbm>> -> memref<128x1x32xf32, #tpu.memory_space<hbm>>
      %dma_start3A_1488 = tpu.memref_squeeze %dma_start3A_1487 : memref<128x1x32xf32, #tpu.memory_space<hbm>> -> memref<128x32xf32, #tpu.memory_space<hbm>>
      %dma_start3A_1489 = arith.constant 0 : i32
      %dma_start3A_1490 = tpu.memref_slice %arg4[%mul3A_1476, %add3A_1480, %dma_start3A_1489] : memref<16384x200x32xf32, #tpu.memory_space<hbm>> -> memref<128x1x32xf32, #tpu.memory_space<hbm>>
      %dma_start3A_1491 = tpu.memref_squeeze %dma_start3A_1490 : memref<128x1x32xf32, #tpu.memory_space<hbm>> -> memref<128x32xf32, #tpu.memory_space<hbm>>
      %dma_start3A_1492 = arith.constant 0 : i32
      %dma_start3A_1493 = arith.constant 0 : i32
      %dma_start3A_1494 = tpu.memref_slice %arg8[%dma_start3A_1481, %dma_start3A_1492, %dma_start3A_1493] : memref<8x128x32xf32, #tpu.memory_space<vmem>> -> memref<1x128x32xf32, #tpu.memory_space<vmem>>
      %dma_start3A_1495 = tpu.memref_squeeze %dma_start3A_1494 : memref<1x128x32xf32, #tpu.memory_space<vmem>> -> memref<128x32xf32, #tpu.memory_space<vmem>>
      tpu.enqueue_dma source(%dma_start3A_1495 : memref<128x32xf32, #tpu.memory_space<vmem>>) target(%dma_start3A_1491 : memref<128x32xf32, #tpu.memory_space<hbm>>) target_semaphore(%arg12 : memref<!tpu.dma_semaphore, #tpu.memory_space<semaphore_mem>>)
      %mul3A_1496 = arith.constant 128 : i32
      %mul3A_1497 = arith.muli %add3A_1411, %mul3A_1496 : i32
      %mul3A_1498 = arith.constant 8 : i32
      %mul3A_1499 = arith.muli %mul3A_1498, %select_n3A_1408 : i32
      %add3A_1500 = arith.constant 4 : i32
      %add3A_1501 = arith.addi %mul3A_1499, %add3A_1500 : i32
      %dma_start3A_1502 = arith.constant 4 : i32
      %dma_start3A_1503 = arith.constant 0 : i32
      %dma_start3A_1504 = arith.constant 0 : i32
      %dma_start3A_1505 = tpu.memref_slice %arg8[%dma_start3A_1502, %dma_start3A_1503, %dma_start3A_1504] : memref<8x128x32xf32, #tpu.memory_space<vmem>> -> memref<1x128x32xf32, #tpu.memory_space<vmem>>
      %dma_start3A_1506 = tpu.memref_squeeze %dma_start3A_1505 : memref<1x128x32xf32, #tpu.memory_space<vmem>> -> memref<128x32xf32, #tpu.memory_space<vmem>>
      %dma_start3A_1507 = arith.constant 0 : i32
      %dma_start3A_1508 = tpu.memref_slice %arg4[%mul3A_1497, %add3A_1501, %dma_start3A_1507] : memref<16384x200x32xf32, #tpu.memory_space<hbm>> -> memref<128x1x32xf32, #tpu.memory_space<hbm>>
      %dma_start3A_1509 = tpu.memref_squeeze %dma_start3A_1508 : memref<128x1x32xf32, #tpu.memory_space<hbm>> -> memref<128x32xf32, #tpu.memory_space<hbm>>
      %dma_start3A_1510 = arith.constant 0 : i32
      %dma_start3A_1511 = tpu.memref_slice %arg4[%mul3A_1497, %add3A_1501, %dma_start3A_1510] : memref<16384x200x32xf32, #tpu.memory_space<hbm>> -> memref<128x1x32xf32, #tpu.memory_space<hbm>>
      %dma_start3A_1512 = tpu.memref_squeeze %dma_start3A_1511 : memref<128x1x32xf32, #tpu.memory_space<hbm>> -> memref<128x32xf32, #tpu.memory_space<hbm>>
      %dma_start3A_1513 = arith.constant 0 : i32
      %dma_start3A_1514 = arith.constant 0 : i32
      %dma_start3A_1515 = tpu.memref_slice %arg8[%dma_start3A_1502, %dma_start3A_1513, %dma_start3A_1514] : memref<8x128x32xf32, #tpu.memory_space<vmem>> -> memref<1x128x32xf32, #tpu.memory_space<vmem>>
      %dma_start3A_1516 = tpu.memref_squeeze %dma_start3A_1515 : memref<1x128x32xf32, #tpu.memory_space<vmem>> -> memref<128x32xf32, #tpu.memory_space<vmem>>
      tpu.enqueue_dma source(%dma_start3A_1516 : memref<128x32xf32, #tpu.memory_space<vmem>>) target(%dma_start3A_1512 : memref<128x32xf32, #tpu.memory_space<hbm>>) target_semaphore(%arg12 : memref<!tpu.dma_semaphore, #tpu.memory_space<semaphore_mem>>)
      %mul3A_1517 = arith.constant 128 : i32
      %mul3A_1518 = arith.muli %add3A_1411, %mul3A_1517 : i32
      %mul3A_1519 = arith.constant 8 : i32
      %mul3A_1520 = arith.muli %mul3A_1519, %select_n3A_1408 : i32
      %add3A_1521 = arith.constant 5 : i32
      %add3A_1522 = arith.addi %mul3A_1520, %add3A_1521 : i32
      %dma_start3A_1523 = arith.constant 5 : i32
      %dma_start3A_1524 = arith.constant 0 : i32
      %dma_start3A_1525 = arith.constant 0 : i32
      %dma_start3A_1526 = tpu.memref_slice %arg8[%dma_start3A_1523, %dma_start3A_1524, %dma_start3A_1525] : memref<8x128x32xf32, #tpu.memory_space<vmem>> -> memref<1x128x32xf32, #tpu.memory_space<vmem>>
      %dma_start3A_1527 = tpu.memref_squeeze %dma_start3A_1526 : memref<1x128x32xf32, #tpu.memory_space<vmem>> -> memref<128x32xf32, #tpu.memory_space<vmem>>
      %dma_start3A_1528 = arith.constant 0 : i32
      %dma_start3A_1529 = tpu.memref_slice %arg4[%mul3A_1518, %add3A_1522, %dma_start3A_1528] : memref<16384x200x32xf32, #tpu.memory_space<hbm>> -> memref<128x1x32xf32, #tpu.memory_space<hbm>>
      %dma_start3A_1530 = tpu.memref_squeeze %dma_start3A_1529 : memref<128x1x32xf32, #tpu.memory_space<hbm>> -> memref<128x32xf32, #tpu.memory_space<hbm>>
      %dma_start3A_1531 = arith.constant 0 : i32
      %dma_start3A_1532 = tpu.memref_slice %arg4[%mul3A_1518, %add3A_1522, %dma_start3A_1531] : memref<16384x200x32xf32, #tpu.memory_space<hbm>> -> memref<128x1x32xf32, #tpu.memory_space<hbm>>
      %dma_start3A_1533 = tpu.memref_squeeze %dma_start3A_1532 : memref<128x1x32xf32, #tpu.memory_space<hbm>> -> memref<128x32xf32, #tpu.memory_space<hbm>>
      %dma_start3A_1534 = arith.constant 0 : i32
      %dma_start3A_1535 = arith.constant 0 : i32
      %dma_start3A_1536 = tpu.memref_slice %arg8[%dma_start3A_1523, %dma_start3A_1534, %dma_start3A_1535] : memref<8x128x32xf32, #tpu.memory_space<vmem>> -> memref<1x128x32xf32, #tpu.memory_space<vmem>>
      %dma_start3A_1537 = tpu.memref_squeeze %dma_start3A_1536 : memref<1x128x32xf32, #tpu.memory_space<vmem>> -> memref<128x32xf32, #tpu.memory_space<vmem>>
      tpu.enqueue_dma source(%dma_start3A_1537 : memref<128x32xf32, #tpu.memory_space<vmem>>) target(%dma_start3A_1533 : memref<128x32xf32, #tpu.memory_space<hbm>>) target_semaphore(%arg12 : memref<!tpu.dma_semaphore, #tpu.memory_space<semaphore_mem>>)
      %mul3A_1538 = arith.constant 128 : i32
      %mul3A_1539 = arith.muli %add3A_1411, %mul3A_1538 : i32
      %mul3A_1540 = arith.constant 8 : i32
      %mul3A_1541 = arith.muli %mul3A_1540, %select_n3A_1408 : i32
      %add3A_1542 = arith.constant 6 : i32
      %add3A_1543 = arith.addi %mul3A_1541, %add3A_1542 : i32
      %dma_start3A_1544 = arith.constant 6 : i32
      %dma_start3A_1545 = arith.constant 0 : i32
      %dma_start3A_1546 = arith.constant 0 : i32
      %dma_start3A_1547 = tpu.memref_slice %arg8[%dma_start3A_1544, %dma_start3A_1545, %dma_start3A_1546] : memref<8x128x32xf32, #tpu.memory_space<vmem>> -> memref<1x128x32xf32, #tpu.memory_space<vmem>>
      %dma_start3A_1548 = tpu.memref_squeeze %dma_start3A_1547 : memref<1x128x32xf32, #tpu.memory_space<vmem>> -> memref<128x32xf32, #tpu.memory_space<vmem>>
      %dma_start3A_1549 = arith.constant 0 : i32
      %dma_start3A_1550 = tpu.memref_slice %arg4[%mul3A_1539, %add3A_1543, %dma_start3A_1549] : memref<16384x200x32xf32, #tpu.memory_space<hbm>> -> memref<128x1x32xf32, #tpu.memory_space<hbm>>
      %dma_start3A_1551 = tpu.memref_squeeze %dma_start3A_1550 : memref<128x1x32xf32, #tpu.memory_space<hbm>> -> memref<128x32xf32, #tpu.memory_space<hbm>>
      %dma_start3A_1552 = arith.constant 0 : i32
      %dma_start3A_1553 = tpu.memref_slice %arg4[%mul3A_1539, %add3A_1543, %dma_start3A_1552] : memref<16384x200x32xf32, #tpu.memory_space<hbm>> -> memref<128x1x32xf32, #tpu.memory_space<hbm>>
      %dma_start3A_1554 = tpu.memref_squeeze %dma_start3A_1553 : memref<128x1x32xf32, #tpu.memory_space<hbm>> -> memref<128x32xf32, #tpu.memory_space<hbm>>
      %dma_start3A_1555 = arith.constant 0 : i32
      %dma_start3A_1556 = arith.constant 0 : i32
      %dma_start3A_1557 = tpu.memref_slice %arg8[%dma_start3A_1544, %dma_start3A_1555, %dma_start3A_1556] : memref<8x128x32xf32, #tpu.memory_space<vmem>> -> memref<1x128x32xf32, #tpu.memory_space<vmem>>
      %dma_start3A_1558 = tpu.memref_squeeze %dma_start3A_1557 : memref<1x128x32xf32, #tpu.memory_space<vmem>> -> memref<128x32xf32, #tpu.memory_space<vmem>>
      tpu.enqueue_dma source(%dma_start3A_1558 : memref<128x32xf32, #tpu.memory_space<vmem>>) target(%dma_start3A_1554 : memref<128x32xf32, #tpu.memory_space<hbm>>) target_semaphore(%arg12 : memref<!tpu.dma_semaphore, #tpu.memory_space<semaphore_mem>>)
      %mul3A_1559 = arith.constant 128 : i32
      %mul3A_1560 = arith.muli %add3A_1411, %mul3A_1559 : i32
      %mul3A_1561 = arith.constant 8 : i32
      %mul3A_1562 = arith.muli %mul3A_1561, %select_n3A_1408 : i32
      %add3A_1563 = arith.constant 7 : i32
      %add3A_1564 = arith.addi %mul3A_1562, %add3A_1563 : i32
      %dma_start3A_1565 = arith.constant 7 : i32
      %dma_start3A_1566 = arith.constant 0 : i32
      %dma_start3A_1567 = arith.constant 0 : i32
      %dma_start3A_1568 = tpu.memref_slice %arg8[%dma_start3A_1565, %dma_start3A_1566, %dma_start3A_1567] : memref<8x128x32xf32, #tpu.memory_space<vmem>> -> memref<1x128x32xf32, #tpu.memory_space<vmem>>
      %dma_start3A_1569 = tpu.memref_squeeze %dma_start3A_1568 : memref<1x128x32xf32, #tpu.memory_space<vmem>> -> memref<128x32xf32, #tpu.memory_space<vmem>>
      %dma_start3A_1570 = arith.constant 0 : i32
      %dma_start3A_1571 = tpu.memref_slice %arg4[%mul3A_1560, %add3A_1564, %dma_start3A_1570] : memref<16384x200x32xf32, #tpu.memory_space<hbm>> -> memref<128x1x32xf32, #tpu.memory_space<hbm>>
      %dma_start3A_1572 = tpu.memref_squeeze %dma_start3A_1571 : memref<128x1x32xf32, #tpu.memory_space<hbm>> -> memref<128x32xf32, #tpu.memory_space<hbm>>
      %dma_start3A_1573 = arith.constant 0 : i32
      %dma_start3A_1574 = tpu.memref_slice %arg4[%mul3A_1560, %add3A_1564, %dma_start3A_1573] : memref<16384x200x32xf32, #tpu.memory_space<hbm>> -> memref<128x1x32xf32, #tpu.memory_space<hbm>>
      %dma_start3A_1575 = tpu.memref_squeeze %dma_start3A_1574 : memref<128x1x32xf32, #tpu.memory_space<hbm>> -> memref<128x32xf32, #tpu.memory_space<hbm>>
      %dma_start3A_1576 = arith.constant 0 : i32
      %dma_start3A_1577 = arith.constant 0 : i32
      %dma_start3A_1578 = tpu.memref_slice %arg8[%dma_start3A_1565, %dma_start3A_1576, %dma_start3A_1577] : memref<8x128x32xf32, #tpu.memory_space<vmem>> -> memref<1x128x32xf32, #tpu.memory_space<vmem>>
      %dma_start3A_1579 = tpu.memref_squeeze %dma_start3A_1578 : memref<1x128x32xf32, #tpu.memory_space<vmem>> -> memref<128x32xf32, #tpu.memory_space<vmem>>
      tpu.enqueue_dma source(%dma_start3A_1579 : memref<128x32xf32, #tpu.memory_space<vmem>>) target(%dma_start3A_1575 : memref<128x32xf32, #tpu.memory_space<hbm>>) target_semaphore(%arg12 : memref<!tpu.dma_semaphore, #tpu.memory_space<semaphore_mem>>)
      %mul3A_1580 = arith.constant 2 : i32
      %mul3A_1581 = arith.muli %mul3A_1580, %scan3A_988 : i32
      %add3A_1582 = arith.constant 1 : i32
      %add3A_1583 = arith.addi %mul3A_1581, %add3A_1582 : i32
      %jit3A_1584 = arith.constant 25 : i32
      %div3A_1585 = arith.divsi %add3A_1583, %jit3A_1584 : i32
      %sign3A_1586 = arith.constant 0 : i32
      %sign3A_1587 = arith.cmpi sgt, %add3A_1583, %sign3A_1586 : i32
      %sign3A_1588 = arith.extui %sign3A_1587 : i1 to i32
      %sign3A_1589 = arith.constant 0 : i32
      %sign3A_1590 = arith.cmpi slt, %add3A_1583, %sign3A_1589 : i32
      %sign3A_1591 = arith.extui %sign3A_1590 : i1 to i32
      %sign3A_1592 = arith.subi %sign3A_1588, %sign3A_1591 : i32
      %sign3A_1593 = arith.constant 0 : i32
      %sign3A_1594 = arith.cmpi sgt, %jit3A_1584, %sign3A_1593 : i32
      %sign3A_1595 = arith.extui %sign3A_1594 : i1 to i32
      %sign3A_1596 = arith.constant 0 : i32
      %sign3A_1597 = arith.cmpi slt, %jit3A_1584, %sign3A_1596 : i32
      %sign3A_1598 = arith.extui %sign3A_1597 : i1 to i32
      %sign3A_1599 = arith.subi %sign3A_1595, %sign3A_1598 : i32
      %ne3A_1600 = arith.cmpi ne, %sign3A_1592, %sign3A_1599 : i32
      %rem3A_1601 = arith.remsi %add3A_1583, %jit3A_1584 : i32
      %ne3A_1602 = arith.constant 0 : i32
      %ne3A_1603 = arith.cmpi ne, %rem3A_1601, %ne3A_1602 : i32
      %and3A_1604 = arith.andi %ne3A_1600, %ne3A_1603 : i1
      %sub3A_1605 = arith.constant 1 : i32
      %sub3A_1606 = arith.subi %div3A_1585, %sub3A_1605 : i32
      %select_n3A_1607 = arith.select %and3A_1604, %sub3A_1606, %div3A_1585 : i32
      %jit3A_1608 = arith.constant 25 : i32
      %eq3A_1609 = arith.constant 0 : i32
      %eq3A_1610 = arith.cmpi eq, %jit3A_1608, %eq3A_1609 : i32
      %jit3A_1611 = arith.constant 1 : i32
      %select_n3A_1612 = arith.select %eq3A_1610, %jit3A_1611, %jit3A_1608 : i32
      %rem3A_1613 = arith.remsi %add3A_1583, %select_n3A_1612 : i32
      %ne3A_1614 = arith.constant 0 : i32
      %ne3A_1615 = arith.cmpi ne, %rem3A_1613, %ne3A_1614 : i32
      %lt3A_1616 = arith.constant 0 : i32
      %lt3A_1617 = arith.cmpi slt, %rem3A_1613, %lt3A_1616 : i32
      %lt3A_1618 = arith.constant 0 : i32
      %lt3A_1619 = arith.cmpi slt, %select_n3A_1612, %lt3A_1618 : i32
      %ne3A_1620 = arith.xori %lt3A_1617, %lt3A_1619 : i1
      %and3A_1621 = arith.andi %ne3A_1620, %ne3A_1615 : i1
      %add3A_1622 = arith.addi %rem3A_1613, %select_n3A_1612 : i32
      %select_n3A_1623 = arith.select %and3A_1621, %add3A_1622, %rem3A_1613 : i32
      %mul3A_1624 = arith.constant 4 : i32
      %mul3A_1625 = arith.muli %mul3A_1624, %add3A : i32
      %add3A_1626 = arith.addi %mul3A_1625, %select_n3A_1607 : i32
      %mul3A_1627 = arith.constant 128 : i32
      %mul3A_1628 = arith.muli %select_n3A_1623, %mul3A_1627 : i32
      %add3A_1629 = arith.addi %mul3A_1628, %add3A_1626 : i32
      %mul3A_1630 = arith.constant 8 : i32
      %mul3A_1631 = arith.muli %add3A_1629, %mul3A_1630 : i32
      "tpu.region"() ({
        %run_scoped3A = tpu.sem_alloc : memref<!tpu.dma_semaphore, #tpu.memory_space<semaphore_mem>>
        %dma_start3A_2181 = arith.constant 0 : i32
        %dma_start3A_2182 = tpu.memref_slice %arg2[%mul3A_1631, %dma_start3A_2181] : memref<25600x128xi32, #tpu.memory_space<hbm>> -> memref<8x128xi32, #tpu.memory_space<hbm>>
        %dma_start3A_2183 = arith.constant 0 : i32
        %dma_start3A_2184 = tpu.memref_slice %arg2[%mul3A_1631, %dma_start3A_2183] : memref<25600x128xi32, #tpu.memory_space<hbm>> -> memref<8x128xi32, #tpu.memory_space<hbm>>
        tpu.enqueue_dma source(%dma_start3A_2184 : memref<8x128xi32, #tpu.memory_space<hbm>>) target(%arg6 : memref<8x128xi32, #tpu.memory_space<vmem>>) target_semaphore(%run_scoped3A : memref<!tpu.dma_semaphore, #tpu.memory_space<semaphore_mem>>)
        %dma_wait3A_2185 = arith.constant 0 : i32
        %dma_wait3A_2186 = tpu.memref_slice %arg2[%mul3A_1631, %dma_wait3A_2185] : memref<25600x128xi32, #tpu.memory_space<hbm>> -> memref<8x128xi32, #tpu.memory_space<hbm>>
        %dma_wait3A_2187 = arith.constant 0 : i32
        %dma_wait3A_2188 = tpu.memref_slice %arg2[%mul3A_1631, %dma_wait3A_2187] : memref<25600x128xi32, #tpu.memory_space<hbm>> -> memref<8x128xi32, #tpu.memory_space<hbm>>
        tpu.wait_dma2 semaphore(%run_scoped3A : memref<!tpu.dma_semaphore, #tpu.memory_space<semaphore_mem>>) src(%dma_wait3A_2188 : memref<8x128xi32, #tpu.memory_space<hbm>>) dst(%arg6 : memref<8x128xi32, #tpu.memory_space<vmem>>)
        tpu.yield
      }) : () -> ()
      %dma_wait3A_1632 = arith.constant 0 : i32
      %dma_wait3A_1633 = arith.constant 0 : i32
      %dma_wait3A_1634 = arith.constant 0 : i32
      %dma_wait3A_1635 = arith.constant 0 : i32
      %dma_wait3A_1636 = tpu.memref_slice %arg8[%dma_wait3A_1632, %dma_wait3A_1634, %dma_wait3A_1635] : memref<8x128x32xf32, #tpu.memory_space<vmem>> -> memref<1x128x32xf32, #tpu.memory_space<vmem>>
      %dma_wait3A_1637 = tpu.memref_squeeze %dma_wait3A_1636 : memref<1x128x32xf32, #tpu.memory_space<vmem>> -> memref<128x32xf32, #tpu.memory_space<vmem>>
      %dma_wait3A_1638 = arith.constant 0 : i32
      %dma_wait3A_1639 = arith.constant 0 : i32
      %dma_wait3A_1640 = tpu.memref_slice %arg4[%dma_wait3A_1638, %dma_wait3A_1633, %dma_wait3A_1639] : memref<16384x200x32xf32, #tpu.memory_space<hbm>> -> memref<128x1x32xf32, #tpu.memory_space<hbm>>
      %dma_wait3A_1641 = tpu.memref_squeeze %dma_wait3A_1640 : memref<128x1x32xf32, #tpu.memory_space<hbm>> -> memref<128x32xf32, #tpu.memory_space<hbm>>
      %dma_wait3A_1642 = arith.constant 0 : i32
      %dma_wait3A_1643 = arith.constant 0 : i32
      %dma_wait3A_1644 = tpu.memref_slice %arg4[%dma_wait3A_1642, %dma_wait3A_1633, %dma_wait3A_1643] : memref<16384x200x32xf32, #tpu.memory_space<hbm>> -> memref<128x1x32xf32, #tpu.memory_space<hbm>>
      %dma_wait3A_1645 = tpu.memref_squeeze %dma_wait3A_1644 : memref<128x1x32xf32, #tpu.memory_space<hbm>> -> memref<128x32xf32, #tpu.memory_space<hbm>>
      %dma_wait3A_1646 = arith.constant 0 : i32
      %dma_wait3A_1647 = arith.constant 0 : i32
      %dma_wait3A_1648 = tpu.memref_slice %arg8[%dma_wait3A_1632, %dma_wait3A_1646, %dma_wait3A_1647] : memref<8x128x32xf32, #tpu.memory_space<vmem>> -> memref<1x128x32xf32, #tpu.memory_space<vmem>>
      %dma_wait3A_1649 = tpu.memref_squeeze %dma_wait3A_1648 : memref<1x128x32xf32, #tpu.memory_space<vmem>> -> memref<128x32xf32, #tpu.memory_space<vmem>>
      tpu.wait_dma2 semaphore(%arg12 : memref<!tpu.dma_semaphore, #tpu.memory_space<semaphore_mem>>) src(%dma_wait3A_1649 : memref<128x32xf32, #tpu.memory_space<vmem>>) dst(%dma_wait3A_1645 : memref<128x32xf32, #tpu.memory_space<hbm>>)
      %dma_wait3A_1650 = arith.constant 1 : i32
      %dma_wait3A_1651 = arith.constant 1 : i32
      %dma_wait3A_1652 = arith.constant 0 : i32
      %dma_wait3A_1653 = arith.constant 0 : i32
      %dma_wait3A_1654 = tpu.memref_slice %arg8[%dma_wait3A_1650, %dma_wait3A_1652, %dma_wait3A_1653] : memref<8x128x32xf32, #tpu.memory_space<vmem>> -> memref<1x128x32xf32, #tpu.memory_space<vmem>>
      %dma_wait3A_1655 = tpu.memref_squeeze %dma_wait3A_1654 : memref<1x128x32xf32, #tpu.memory_space<vmem>> -> memref<128x32xf32, #tpu.memory_space<vmem>>
      %dma_wait3A_1656 = arith.constant 0 : i32
      %dma_wait3A_1657 = arith.constant 0 : i32
      %dma_wait3A_1658 = tpu.memref_slice %arg4[%dma_wait3A_1656, %dma_wait3A_1651, %dma_wait3A_1657] : memref<16384x200x32xf32, #tpu.memory_space<hbm>> -> memref<128x1x32xf32, #tpu.memory_space<hbm>>
      %dma_wait3A_1659 = tpu.memref_squeeze %dma_wait3A_1658 : memref<128x1x32xf32, #tpu.memory_space<hbm>> -> memref<128x32xf32, #tpu.memory_space<hbm>>
      %dma_wait3A_1660 = arith.constant 0 : i32
      %dma_wait3A_1661 = arith.constant 0 : i32
      %dma_wait3A_1662 = tpu.memref_slice %arg4[%dma_wait3A_1660, %dma_wait3A_1651, %dma_wait3A_1661] : memref<16384x200x32xf32, #tpu.memory_space<hbm>> -> memref<128x1x32xf32, #tpu.memory_space<hbm>>
      %dma_wait3A_1663 = tpu.memref_squeeze %dma_wait3A_1662 : memref<128x1x32xf32, #tpu.memory_space<hbm>> -> memref<128x32xf32, #tpu.memory_space<hbm>>
      %dma_wait3A_1664 = arith.constant 0 : i32
      %dma_wait3A_1665 = arith.constant 0 : i32
      %dma_wait3A_1666 = tpu.memref_slice %arg8[%dma_wait3A_1650, %dma_wait3A_1664, %dma_wait3A_1665] : memref<8x128x32xf32, #tpu.memory_space<vmem>> -> memref<1x128x32xf32, #tpu.memory_space<vmem>>
      %dma_wait3A_1667 = tpu.memref_squeeze %dma_wait3A_1666 : memref<1x128x32xf32, #tpu.memory_space<vmem>> -> memref<128x32xf32, #tpu.memory_space<vmem>>
      tpu.wait_dma2 semaphore(%arg12 : memref<!tpu.dma_semaphore, #tpu.memory_space<semaphore_mem>>) src(%dma_wait3A_1667 : memref<128x32xf32, #tpu.memory_space<vmem>>) dst(%dma_wait3A_1663 : memref<128x32xf32, #tpu.memory_space<hbm>>)
      %dma_wait3A_1668 = arith.constant 2 : i32
      %dma_wait3A_1669 = arith.constant 2 : i32
      %dma_wait3A_1670 = arith.constant 0 : i32
      %dma_wait3A_1671 = arith.constant 0 : i32
      %dma_wait3A_1672 = tpu.memref_slice %arg8[%dma_wait3A_1668, %dma_wait3A_1670, %dma_wait3A_1671] : memref<8x128x32xf32, #tpu.memory_space<vmem>> -> memref<1x128x32xf32, #tpu.memory_space<vmem>>
      %dma_wait3A_1673 = tpu.memref_squeeze %dma_wait3A_1672 : memref<1x128x32xf32, #tpu.memory_space<vmem>> -> memref<128x32xf32, #tpu.memory_space<vmem>>
      %dma_wait3A_1674 = arith.constant 0 : i32
      %dma_wait3A_1675 = arith.constant 0 : i32
      %dma_wait3A_1676 = tpu.memref_slice %arg4[%dma_wait3A_1674, %dma_wait3A_1669, %dma_wait3A_1675] : memref<16384x200x32xf32, #tpu.memory_space<hbm>> -> memref<128x1x32xf32, #tpu.memory_space<hbm>>
      %dma_wait3A_1677 = tpu.memref_squeeze %dma_wait3A_1676 : memref<128x1x32xf32, #tpu.memory_space<hbm>> -> memref<128x32xf32, #tpu.memory_space<hbm>>
      %dma_wait3A_1678 = arith.constant 0 : i32
      %dma_wait3A_1679 = arith.constant 0 : i32
      %dma_wait3A_1680 = tpu.memref_slice %arg4[%dma_wait3A_1678, %dma_wait3A_1669, %dma_wait3A_1679] : memref<16384x200x32xf32, #tpu.memory_space<hbm>> -> memref<128x1x32xf32, #tpu.memory_space<hbm>>
      %dma_wait3A_1681 = tpu.memref_squeeze %dma_wait3A_1680 : memref<128x1x32xf32, #tpu.memory_space<hbm>> -> memref<128x32xf32, #tpu.memory_space<hbm>>
      %dma_wait3A_1682 = arith.constant 0 : i32
      %dma_wait3A_1683 = arith.constant 0 : i32
      %dma_wait3A_1684 = tpu.memref_slice %arg8[%dma_wait3A_1668, %dma_wait3A_1682, %dma_wait3A_1683] : memref<8x128x32xf32, #tpu.memory_space<vmem>> -> memref<1x128x32xf32, #tpu.memory_space<vmem>>
      %dma_wait3A_1685 = tpu.memref_squeeze %dma_wait3A_1684 : memref<1x128x32xf32, #tpu.memory_space<vmem>> -> memref<128x32xf32, #tpu.memory_space<vmem>>
      tpu.wait_dma2 semaphore(%arg12 : memref<!tpu.dma_semaphore, #tpu.memory_space<semaphore_mem>>) src(%dma_wait3A_1685 : memref<128x32xf32, #tpu.memory_space<vmem>>) dst(%dma_wait3A_1681 : memref<128x32xf32, #tpu.memory_space<hbm>>)
      %dma_wait3A_1686 = arith.constant 3 : i32
      %dma_wait3A_1687 = arith.constant 3 : i32
      %dma_wait3A_1688 = arith.constant 0 : i32
      %dma_wait3A_1689 = arith.constant 0 : i32
      %dma_wait3A_1690 = tpu.memref_slice %arg8[%dma_wait3A_1686, %dma_wait3A_1688, %dma_wait3A_1689] : memref<8x128x32xf32, #tpu.memory_space<vmem>> -> memref<1x128x32xf32, #tpu.memory_space<vmem>>
      %dma_wait3A_1691 = tpu.memref_squeeze %dma_wait3A_1690 : memref<1x128x32xf32, #tpu.memory_space<vmem>> -> memref<128x32xf32, #tpu.memory_space<vmem>>
      %dma_wait3A_1692 = arith.constant 0 : i32
      %dma_wait3A_1693 = arith.constant 0 : i32
      %dma_wait3A_1694 = tpu.memref_slice %arg4[%dma_wait3A_1692, %dma_wait3A_1687, %dma_wait3A_1693] : memref<16384x200x32xf32, #tpu.memory_space<hbm>> -> memref<128x1x32xf32, #tpu.memory_space<hbm>>
      %dma_wait3A_1695 = tpu.memref_squeeze %dma_wait3A_1694 : memref<128x1x32xf32, #tpu.memory_space<hbm>> -> memref<128x32xf32, #tpu.memory_space<hbm>>
      %dma_wait3A_1696 = arith.constant 0 : i32
      %dma_wait3A_1697 = arith.constant 0 : i32
      %dma_wait3A_1698 = tpu.memref_slice %arg4[%dma_wait3A_1696, %dma_wait3A_1687, %dma_wait3A_1697] : memref<16384x200x32xf32, #tpu.memory_space<hbm>> -> memref<128x1x32xf32, #tpu.memory_space<hbm>>
      %dma_wait3A_1699 = tpu.memref_squeeze %dma_wait3A_1698 : memref<128x1x32xf32, #tpu.memory_space<hbm>> -> memref<128x32xf32, #tpu.memory_space<hbm>>
      %dma_wait3A_1700 = arith.constant 0 : i32
      %dma_wait3A_1701 = arith.constant 0 : i32
      %dma_wait3A_1702 = tpu.memref_slice %arg8[%dma_wait3A_1686, %dma_wait3A_1700, %dma_wait3A_1701] : memref<8x128x32xf32, #tpu.memory_space<vmem>> -> memref<1x128x32xf32, #tpu.memory_space<vmem>>
      %dma_wait3A_1703 = tpu.memref_squeeze %dma_wait3A_1702 : memref<1x128x32xf32, #tpu.memory_space<vmem>> -> memref<128x32xf32, #tpu.memory_space<vmem>>
      tpu.wait_dma2 semaphore(%arg12 : memref<!tpu.dma_semaphore, #tpu.memory_space<semaphore_mem>>) src(%dma_wait3A_1703 : memref<128x32xf32, #tpu.memory_space<vmem>>) dst(%dma_wait3A_1699 : memref<128x32xf32, #tpu.memory_space<hbm>>)
      %dma_wait3A_1704 = arith.constant 4 : i32
      %dma_wait3A_1705 = arith.constant 4 : i32
      %dma_wait3A_1706 = arith.constant 0 : i32
      %dma_wait3A_1707 = arith.constant 0 : i32
      %dma_wait3A_1708 = tpu.memref_slice %arg8[%dma_wait3A_1704, %dma_wait3A_1706, %dma_wait3A_1707] : memref<8x128x32xf32, #tpu.memory_space<vmem>> -> memref<1x128x32xf32, #tpu.memory_space<vmem>>
      %dma_wait3A_1709 = tpu.memref_squeeze %dma_wait3A_1708 : memref<1x128x32xf32, #tpu.memory_space<vmem>> -> memref<128x32xf32, #tpu.memory_space<vmem>>
      %dma_wait3A_1710 = arith.constant 0 : i32
      %dma_wait3A_1711 = arith.constant 0 : i32
      %dma_wait3A_1712 = tpu.memref_slice %arg4[%dma_wait3A_1710, %dma_wait3A_1705, %dma_wait3A_1711] : memref<16384x200x32xf32, #tpu.memory_space<hbm>> -> memref<128x1x32xf32, #tpu.memory_space<hbm>>
      %dma_wait3A_1713 = tpu.memref_squeeze %dma_wait3A_1712 : memref<128x1x32xf32, #tpu.memory_space<hbm>> -> memref<128x32xf32, #tpu.memory_space<hbm>>
      %dma_wait3A_1714 = arith.constant 0 : i32
      %dma_wait3A_1715 = arith.constant 0 : i32
      %dma_wait3A_1716 = tpu.memref_slice %arg4[%dma_wait3A_1714, %dma_wait3A_1705, %dma_wait3A_1715] : memref<16384x200x32xf32, #tpu.memory_space<hbm>> -> memref<128x1x32xf32, #tpu.memory_space<hbm>>
      %dma_wait3A_1717 = tpu.memref_squeeze %dma_wait3A_1716 : memref<128x1x32xf32, #tpu.memory_space<hbm>> -> memref<128x32xf32, #tpu.memory_space<hbm>>
      %dma_wait3A_1718 = arith.constant 0 : i32
      %dma_wait3A_1719 = arith.constant 0 : i32
      %dma_wait3A_1720 = tpu.memref_slice %arg8[%dma_wait3A_1704, %dma_wait3A_1718, %dma_wait3A_1719] : memref<8x128x32xf32, #tpu.memory_space<vmem>> -> memref<1x128x32xf32, #tpu.memory_space<vmem>>
      %dma_wait3A_1721 = tpu.memref_squeeze %dma_wait3A_1720 : memref<1x128x32xf32, #tpu.memory_space<vmem>> -> memref<128x32xf32, #tpu.memory_space<vmem>>
      tpu.wait_dma2 semaphore(%arg12 : memref<!tpu.dma_semaphore, #tpu.memory_space<semaphore_mem>>) src(%dma_wait3A_1721 : memref<128x32xf32, #tpu.memory_space<vmem>>) dst(%dma_wait3A_1717 : memref<128x32xf32, #tpu.memory_space<hbm>>)
      %dma_wait3A_1722 = arith.constant 5 : i32
      %dma_wait3A_1723 = arith.constant 5 : i32
      %dma_wait3A_1724 = arith.constant 0 : i32
      %dma_wait3A_1725 = arith.constant 0 : i32
      %dma_wait3A_1726 = tpu.memref_slice %arg8[%dma_wait3A_1722, %dma_wait3A_1724, %dma_wait3A_1725] : memref<8x128x32xf32, #tpu.memory_space<vmem>> -> memref<1x128x32xf32, #tpu.memory_space<vmem>>
      %dma_wait3A_1727 = tpu.memref_squeeze %dma_wait3A_1726 : memref<1x128x32xf32, #tpu.memory_space<vmem>> -> memref<128x32xf32, #tpu.memory_space<vmem>>
      %dma_wait3A_1728 = arith.constant 0 : i32
      %dma_wait3A_1729 = arith.constant 0 : i32
      %dma_wait3A_1730 = tpu.memref_slice %arg4[%dma_wait3A_1728, %dma_wait3A_1723, %dma_wait3A_1729] : memref<16384x200x32xf32, #tpu.memory_space<hbm>> -> memref<128x1x32xf32, #tpu.memory_space<hbm>>
      %dma_wait3A_1731 = tpu.memref_squeeze %dma_wait3A_1730 : memref<128x1x32xf32, #tpu.memory_space<hbm>> -> memref<128x32xf32, #tpu.memory_space<hbm>>
      %dma_wait3A_1732 = arith.constant 0 : i32
      %dma_wait3A_1733 = arith.constant 0 : i32
      %dma_wait3A_1734 = tpu.memref_slice %arg4[%dma_wait3A_1732, %dma_wait3A_1723, %dma_wait3A_1733] : memref<16384x200x32xf32, #tpu.memory_space<hbm>> -> memref<128x1x32xf32, #tpu.memory_space<hbm>>
      %dma_wait3A_1735 = tpu.memref_squeeze %dma_wait3A_1734 : memref<128x1x32xf32, #tpu.memory_space<hbm>> -> memref<128x32xf32, #tpu.memory_space<hbm>>
      %dma_wait3A_1736 = arith.constant 0 : i32
      %dma_wait3A_1737 = arith.constant 0 : i32
      %dma_wait3A_1738 = tpu.memref_slice %arg8[%dma_wait3A_1722, %dma_wait3A_1736, %dma_wait3A_1737] : memref<8x128x32xf32, #tpu.memory_space<vmem>> -> memref<1x128x32xf32, #tpu.memory_space<vmem>>
      %dma_wait3A_1739 = tpu.memref_squeeze %dma_wait3A_1738 : memref<1x128x32xf32, #tpu.memory_space<vmem>> -> memref<128x32xf32, #tpu.memory_space<vmem>>
      tpu.wait_dma2 semaphore(%arg12 : memref<!tpu.dma_semaphore, #tpu.memory_space<semaphore_mem>>) src(%dma_wait3A_1739 : memref<128x32xf32, #tpu.memory_space<vmem>>) dst(%dma_wait3A_1735 : memref<128x32xf32, #tpu.memory_space<hbm>>)
      %dma_wait3A_1740 = arith.constant 6 : i32
      %dma_wait3A_1741 = arith.constant 6 : i32
      %dma_wait3A_1742 = arith.constant 0 : i32
      %dma_wait3A_1743 = arith.constant 0 : i32
      %dma_wait3A_1744 = tpu.memref_slice %arg8[%dma_wait3A_1740, %dma_wait3A_1742, %dma_wait3A_1743] : memref<8x128x32xf32, #tpu.memory_space<vmem>> -> memref<1x128x32xf32, #tpu.memory_space<vmem>>
      %dma_wait3A_1745 = tpu.memref_squeeze %dma_wait3A_1744 : memref<1x128x32xf32, #tpu.memory_space<vmem>> -> memref<128x32xf32, #tpu.memory_space<vmem>>
      %dma_wait3A_1746 = arith.constant 0 : i32
      %dma_wait3A_1747 = arith.constant 0 : i32
      %dma_wait3A_1748 = tpu.memref_slice %arg4[%dma_wait3A_1746, %dma_wait3A_1741, %dma_wait3A_1747] : memref<16384x200x32xf32, #tpu.memory_space<hbm>> -> memref<128x1x32xf32, #tpu.memory_space<hbm>>
      %dma_wait3A_1749 = tpu.memref_squeeze %dma_wait3A_1748 : memref<128x1x32xf32, #tpu.memory_space<hbm>> -> memref<128x32xf32, #tpu.memory_space<hbm>>
      %dma_wait3A_1750 = arith.constant 0 : i32
      %dma_wait3A_1751 = arith.constant 0 : i32
      %dma_wait3A_1752 = tpu.memref_slice %arg4[%dma_wait3A_1750, %dma_wait3A_1741, %dma_wait3A_1751] : memref<16384x200x32xf32, #tpu.memory_space<hbm>> -> memref<128x1x32xf32, #tpu.memory_space<hbm>>
      %dma_wait3A_1753 = tpu.memref_squeeze %dma_wait3A_1752 : memref<128x1x32xf32, #tpu.memory_space<hbm>> -> memref<128x32xf32, #tpu.memory_space<hbm>>
      %dma_wait3A_1754 = arith.constant 0 : i32
      %dma_wait3A_1755 = arith.constant 0 : i32
      %dma_wait3A_1756 = tpu.memref_slice %arg8[%dma_wait3A_1740, %dma_wait3A_1754, %dma_wait3A_1755] : memref<8x128x32xf32, #tpu.memory_space<vmem>> -> memref<1x128x32xf32, #tpu.memory_space<vmem>>
      %dma_wait3A_1757 = tpu.memref_squeeze %dma_wait3A_1756 : memref<1x128x32xf32, #tpu.memory_space<vmem>> -> memref<128x32xf32, #tpu.memory_space<vmem>>
      tpu.wait_dma2 semaphore(%arg12 : memref<!tpu.dma_semaphore, #tpu.memory_space<semaphore_mem>>) src(%dma_wait3A_1757 : memref<128x32xf32, #tpu.memory_space<vmem>>) dst(%dma_wait3A_1753 : memref<128x32xf32, #tpu.memory_space<hbm>>)
      %dma_wait3A_1758 = arith.constant 7 : i32
      %dma_wait3A_1759 = arith.constant 7 : i32
      %dma_wait3A_1760 = arith.constant 0 : i32
      %dma_wait3A_1761 = arith.constant 0 : i32
      %dma_wait3A_1762 = tpu.memref_slice %arg8[%dma_wait3A_1758, %dma_wait3A_1760, %dma_wait3A_1761] : memref<8x128x32xf32, #tpu.memory_space<vmem>> -> memref<1x128x32xf32, #tpu.memory_space<vmem>>
      %dma_wait3A_1763 = tpu.memref_squeeze %dma_wait3A_1762 : memref<1x128x32xf32, #tpu.memory_space<vmem>> -> memref<128x32xf32, #tpu.memory_space<vmem>>
      %dma_wait3A_1764 = arith.constant 0 : i32
      %dma_wait3A_1765 = arith.constant 0 : i32
      %dma_wait3A_1766 = tpu.memref_slice %arg4[%dma_wait3A_1764, %dma_wait3A_1759, %dma_wait3A_1765] : memref<16384x200x32xf32, #tpu.memory_space<hbm>> -> memref<128x1x32xf32, #tpu.memory_space<hbm>>
      %dma_wait3A_1767 = tpu.memref_squeeze %dma_wait3A_1766 : memref<128x1x32xf32, #tpu.memory_space<hbm>> -> memref<128x32xf32, #tpu.memory_space<hbm>>
      %dma_wait3A_1768 = arith.constant 0 : i32
      %dma_wait3A_1769 = arith.constant 0 : i32
      %dma_wait3A_1770 = tpu.memref_slice %arg4[%dma_wait3A_1768, %dma_wait3A_1759, %dma_wait3A_1769] : memref<16384x200x32xf32, #tpu.memory_space<hbm>> -> memref<128x1x32xf32, #tpu.memory_space<hbm>>
      %dma_wait3A_1771 = tpu.memref_squeeze %dma_wait3A_1770 : memref<128x1x32xf32, #tpu.memory_space<hbm>> -> memref<128x32xf32, #tpu.memory_space<hbm>>
      %dma_wait3A_1772 = arith.constant 0 : i32
      %dma_wait3A_1773 = arith.constant 0 : i32
      %dma_wait3A_1774 = tpu.memref_slice %arg8[%dma_wait3A_1758, %dma_wait3A_1772, %dma_wait3A_1773] : memref<8x128x32xf32, #tpu.memory_space<vmem>> -> memref<1x128x32xf32, #tpu.memory_space<vmem>>
      %dma_wait3A_1775 = tpu.memref_squeeze %dma_wait3A_1774 : memref<1x128x32xf32, #tpu.memory_space<vmem>> -> memref<128x32xf32, #tpu.memory_space<vmem>>
      tpu.wait_dma2 semaphore(%arg12 : memref<!tpu.dma_semaphore, #tpu.memory_space<semaphore_mem>>) src(%dma_wait3A_1775 : memref<128x32xf32, #tpu.memory_space<vmem>>) dst(%dma_wait3A_1771 : memref<128x32xf32, #tpu.memory_space<hbm>>)
      %dma_start3A_1776 = arith.constant 0 : i32
      %dma_start3A_1777 = arith.constant 0 : i32
      %dma_start3A_1778 = arith.constant 0 : i32
      %dma_start3A_1779 = arith.constant 0 : i32
      %dma_start3A_1780 = tpu.memref_slice %arg8[%dma_start3A_1777, %dma_start3A_1778, %dma_start3A_1779] : memref<8x128x32xf32, #tpu.memory_space<vmem>> -> memref<1x128x32xf32, #tpu.memory_space<vmem>>
      %dma_start3A_1781 = tpu.memref_squeeze %dma_start3A_1780 : memref<1x128x32xf32, #tpu.memory_space<vmem>> -> memref<128x32xf32, #tpu.memory_space<vmem>>
      %dma_start3A_1782 = arith.constant 0 : i32
      %dma_start3A_1783 = tpu.memref_slice %arg6[%dma_start3A_1776, %dma_start3A_1782] : memref<8x128xi32, #tpu.memory_space<vmem>> -> memref<1x128xi32, #tpu.memory_space<vmem>>
      %dma_start3A_1784 = tpu.memref_squeeze %dma_start3A_1783 : memref<1x128xi32, #tpu.memory_space<vmem>> -> memref<128xi32, #tpu.memory_space<vmem>>
      %dma_start3A_1785 = arith.constant 0 : i32
      %dma_start3A_1786 = arith.constant 0 : i32
      %dma_start3A_1787 = tpu.memref_slice %arg3[%dma_start3A_1785, %dma_start3A_1786] : memref<1000000x32xf32, #tpu.memory_space<hbm>> -> memref<1000000x32xf32, #tpu.memory_space<hbm>>
      tpu.enqueue_indirect_dma source(%dma_start3A_1787 : memref<1000000x32xf32, #tpu.memory_space<hbm>>) target(%dma_start3A_1781 : memref<128x32xf32, #tpu.memory_space<vmem>>) offsets(%dma_start3A_1784 : memref<128xi32, #tpu.memory_space<vmem>>) semaphore(%arg10 : memref<!tpu.dma_semaphore, #tpu.memory_space<semaphore_mem>>)
      %dma_start3A_1788 = arith.constant 1 : i32
      %dma_start3A_1789 = arith.constant 1 : i32
      %dma_start3A_1790 = arith.constant 0 : i32
      %dma_start3A_1791 = arith.constant 0 : i32
      %dma_start3A_1792 = tpu.memref_slice %arg8[%dma_start3A_1789, %dma_start3A_1790, %dma_start3A_1791] : memref<8x128x32xf32, #tpu.memory_space<vmem>> -> memref<1x128x32xf32, #tpu.memory_space<vmem>>
      %dma_start3A_1793 = tpu.memref_squeeze %dma_start3A_1792 : memref<1x128x32xf32, #tpu.memory_space<vmem>> -> memref<128x32xf32, #tpu.memory_space<vmem>>
      %dma_start3A_1794 = arith.constant 0 : i32
      %dma_start3A_1795 = tpu.memref_slice %arg6[%dma_start3A_1788, %dma_start3A_1794] : memref<8x128xi32, #tpu.memory_space<vmem>> -> memref<1x128xi32, #tpu.memory_space<vmem>>
      %dma_start3A_1796 = tpu.memref_squeeze %dma_start3A_1795 : memref<1x128xi32, #tpu.memory_space<vmem>> -> memref<128xi32, #tpu.memory_space<vmem>>
      %dma_start3A_1797 = arith.constant 0 : i32
      %dma_start3A_1798 = arith.constant 0 : i32
      %dma_start3A_1799 = tpu.memref_slice %arg3[%dma_start3A_1797, %dma_start3A_1798] : memref<1000000x32xf32, #tpu.memory_space<hbm>> -> memref<1000000x32xf32, #tpu.memory_space<hbm>>
      tpu.enqueue_indirect_dma source(%dma_start3A_1799 : memref<1000000x32xf32, #tpu.memory_space<hbm>>) target(%dma_start3A_1793 : memref<128x32xf32, #tpu.memory_space<vmem>>) offsets(%dma_start3A_1796 : memref<128xi32, #tpu.memory_space<vmem>>) semaphore(%arg10 : memref<!tpu.dma_semaphore, #tpu.memory_space<semaphore_mem>>)
      %dma_start3A_1800 = arith.constant 2 : i32
      %dma_start3A_1801 = arith.constant 2 : i32
      %dma_start3A_1802 = arith.constant 0 : i32
      %dma_start3A_1803 = arith.constant 0 : i32
      %dma_start3A_1804 = tpu.memref_slice %arg8[%dma_start3A_1801, %dma_start3A_1802, %dma_start3A_1803] : memref<8x128x32xf32, #tpu.memory_space<vmem>> -> memref<1x128x32xf32, #tpu.memory_space<vmem>>
      %dma_start3A_1805 = tpu.memref_squeeze %dma_start3A_1804 : memref<1x128x32xf32, #tpu.memory_space<vmem>> -> memref<128x32xf32, #tpu.memory_space<vmem>>
      %dma_start3A_1806 = arith.constant 0 : i32
      %dma_start3A_1807 = tpu.memref_slice %arg6[%dma_start3A_1800, %dma_start3A_1806] : memref<8x128xi32, #tpu.memory_space<vmem>> -> memref<1x128xi32, #tpu.memory_space<vmem>>
      %dma_start3A_1808 = tpu.memref_squeeze %dma_start3A_1807 : memref<1x128xi32, #tpu.memory_space<vmem>> -> memref<128xi32, #tpu.memory_space<vmem>>
      %dma_start3A_1809 = arith.constant 0 : i32
      %dma_start3A_1810 = arith.constant 0 : i32
      %dma_start3A_1811 = tpu.memref_slice %arg3[%dma_start3A_1809, %dma_start3A_1810] : memref<1000000x32xf32, #tpu.memory_space<hbm>> -> memref<1000000x32xf32, #tpu.memory_space<hbm>>
      tpu.enqueue_indirect_dma source(%dma_start3A_1811 : memref<1000000x32xf32, #tpu.memory_space<hbm>>) target(%dma_start3A_1805 : memref<128x32xf32, #tpu.memory_space<vmem>>) offsets(%dma_start3A_1808 : memref<128xi32, #tpu.memory_space<vmem>>) semaphore(%arg10 : memref<!tpu.dma_semaphore, #tpu.memory_space<semaphore_mem>>)
      %dma_start3A_1812 = arith.constant 3 : i32
      %dma_start3A_1813 = arith.constant 3 : i32
      %dma_start3A_1814 = arith.constant 0 : i32
      %dma_start3A_1815 = arith.constant 0 : i32
      %dma_start3A_1816 = tpu.memref_slice %arg8[%dma_start3A_1813, %dma_start3A_1814, %dma_start3A_1815] : memref<8x128x32xf32, #tpu.memory_space<vmem>> -> memref<1x128x32xf32, #tpu.memory_space<vmem>>
      %dma_start3A_1817 = tpu.memref_squeeze %dma_start3A_1816 : memref<1x128x32xf32, #tpu.memory_space<vmem>> -> memref<128x32xf32, #tpu.memory_space<vmem>>
      %dma_start3A_1818 = arith.constant 0 : i32
      %dma_start3A_1819 = tpu.memref_slice %arg6[%dma_start3A_1812, %dma_start3A_1818] : memref<8x128xi32, #tpu.memory_space<vmem>> -> memref<1x128xi32, #tpu.memory_space<vmem>>
      %dma_start3A_1820 = tpu.memref_squeeze %dma_start3A_1819 : memref<1x128xi32, #tpu.memory_space<vmem>> -> memref<128xi32, #tpu.memory_space<vmem>>
      %dma_start3A_1821 = arith.constant 0 : i32
      %dma_start3A_1822 = arith.constant 0 : i32
      %dma_start3A_1823 = tpu.memref_slice %arg3[%dma_start3A_1821, %dma_start3A_1822] : memref<1000000x32xf32, #tpu.memory_space<hbm>> -> memref<1000000x32xf32, #tpu.memory_space<hbm>>
      tpu.enqueue_indirect_dma source(%dma_start3A_1823 : memref<1000000x32xf32, #tpu.memory_space<hbm>>) target(%dma_start3A_1817 : memref<128x32xf32, #tpu.memory_space<vmem>>) offsets(%dma_start3A_1820 : memref<128xi32, #tpu.memory_space<vmem>>) semaphore(%arg10 : memref<!tpu.dma_semaphore, #tpu.memory_space<semaphore_mem>>)
      %dma_start3A_1824 = arith.constant 4 : i32
      %dma_start3A_1825 = arith.constant 4 : i32
      %dma_start3A_1826 = arith.constant 0 : i32
      %dma_start3A_1827 = arith.constant 0 : i32
      %dma_start3A_1828 = tpu.memref_slice %arg8[%dma_start3A_1825, %dma_start3A_1826, %dma_start3A_1827] : memref<8x128x32xf32, #tpu.memory_space<vmem>> -> memref<1x128x32xf32, #tpu.memory_space<vmem>>
      %dma_start3A_1829 = tpu.memref_squeeze %dma_start3A_1828 : memref<1x128x32xf32, #tpu.memory_space<vmem>> -> memref<128x32xf32, #tpu.memory_space<vmem>>
      %dma_start3A_1830 = arith.constant 0 : i32
      %dma_start3A_1831 = tpu.memref_slice %arg6[%dma_start3A_1824, %dma_start3A_1830] : memref<8x128xi32, #tpu.memory_space<vmem>> -> memref<1x128xi32, #tpu.memory_space<vmem>>
      %dma_start3A_1832 = tpu.memref_squeeze %dma_start3A_1831 : memref<1x128xi32, #tpu.memory_space<vmem>> -> memref<128xi32, #tpu.memory_space<vmem>>
      %dma_start3A_1833 = arith.constant 0 : i32
      %dma_start3A_1834 = arith.constant 0 : i32
      %dma_start3A_1835 = tpu.memref_slice %arg3[%dma_start3A_1833, %dma_start3A_1834] : memref<1000000x32xf32, #tpu.memory_space<hbm>> -> memref<1000000x32xf32, #tpu.memory_space<hbm>>
      tpu.enqueue_indirect_dma source(%dma_start3A_1835 : memref<1000000x32xf32, #tpu.memory_space<hbm>>) target(%dma_start3A_1829 : memref<128x32xf32, #tpu.memory_space<vmem>>) offsets(%dma_start3A_1832 : memref<128xi32, #tpu.memory_space<vmem>>) semaphore(%arg10 : memref<!tpu.dma_semaphore, #tpu.memory_space<semaphore_mem>>)
      %dma_start3A_1836 = arith.constant 5 : i32
      %dma_start3A_1837 = arith.constant 5 : i32
      %dma_start3A_1838 = arith.constant 0 : i32
      %dma_start3A_1839 = arith.constant 0 : i32
      %dma_start3A_1840 = tpu.memref_slice %arg8[%dma_start3A_1837, %dma_start3A_1838, %dma_start3A_1839] : memref<8x128x32xf32, #tpu.memory_space<vmem>> -> memref<1x128x32xf32, #tpu.memory_space<vmem>>
      %dma_start3A_1841 = tpu.memref_squeeze %dma_start3A_1840 : memref<1x128x32xf32, #tpu.memory_space<vmem>> -> memref<128x32xf32, #tpu.memory_space<vmem>>
      %dma_start3A_1842 = arith.constant 0 : i32
      %dma_start3A_1843 = tpu.memref_slice %arg6[%dma_start3A_1836, %dma_start3A_1842] : memref<8x128xi32, #tpu.memory_space<vmem>> -> memref<1x128xi32, #tpu.memory_space<vmem>>
      %dma_start3A_1844 = tpu.memref_squeeze %dma_start3A_1843 : memref<1x128xi32, #tpu.memory_space<vmem>> -> memref<128xi32, #tpu.memory_space<vmem>>
      %dma_start3A_1845 = arith.constant 0 : i32
      %dma_start3A_1846 = arith.constant 0 : i32
      %dma_start3A_1847 = tpu.memref_slice %arg3[%dma_start3A_1845, %dma_start3A_1846] : memref<1000000x32xf32, #tpu.memory_space<hbm>> -> memref<1000000x32xf32, #tpu.memory_space<hbm>>
      tpu.enqueue_indirect_dma source(%dma_start3A_1847 : memref<1000000x32xf32, #tpu.memory_space<hbm>>) target(%dma_start3A_1841 : memref<128x32xf32, #tpu.memory_space<vmem>>) offsets(%dma_start3A_1844 : memref<128xi32, #tpu.memory_space<vmem>>) semaphore(%arg10 : memref<!tpu.dma_semaphore, #tpu.memory_space<semaphore_mem>>)
      %dma_start3A_1848 = arith.constant 6 : i32
      %dma_start3A_1849 = arith.constant 6 : i32
      %dma_start3A_1850 = arith.constant 0 : i32
      %dma_start3A_1851 = arith.constant 0 : i32
      %dma_start3A_1852 = tpu.memref_slice %arg8[%dma_start3A_1849, %dma_start3A_1850, %dma_start3A_1851] : memref<8x128x32xf32, #tpu.memory_space<vmem>> -> memref<1x128x32xf32, #tpu.memory_space<vmem>>
      %dma_start3A_1853 = tpu.memref_squeeze %dma_start3A_1852 : memref<1x128x32xf32, #tpu.memory_space<vmem>> -> memref<128x32xf32, #tpu.memory_space<vmem>>
      %dma_start3A_1854 = arith.constant 0 : i32
      %dma_start3A_1855 = tpu.memref_slice %arg6[%dma_start3A_1848, %dma_start3A_1854] : memref<8x128xi32, #tpu.memory_space<vmem>> -> memref<1x128xi32, #tpu.memory_space<vmem>>
      %dma_start3A_1856 = tpu.memref_squeeze %dma_start3A_1855 : memref<1x128xi32, #tpu.memory_space<vmem>> -> memref<128xi32, #tpu.memory_space<vmem>>
      %dma_start3A_1857 = arith.constant 0 : i32
      %dma_start3A_1858 = arith.constant 0 : i32
      %dma_start3A_1859 = tpu.memref_slice %arg3[%dma_start3A_1857, %dma_start3A_1858] : memref<1000000x32xf32, #tpu.memory_space<hbm>> -> memref<1000000x32xf32, #tpu.memory_space<hbm>>
      tpu.enqueue_indirect_dma source(%dma_start3A_1859 : memref<1000000x32xf32, #tpu.memory_space<hbm>>) target(%dma_start3A_1853 : memref<128x32xf32, #tpu.memory_space<vmem>>) offsets(%dma_start3A_1856 : memref<128xi32, #tpu.memory_space<vmem>>) semaphore(%arg10 : memref<!tpu.dma_semaphore, #tpu.memory_space<semaphore_mem>>)
      %dma_start3A_1860 = arith.constant 7 : i32
      %dma_start3A_1861 = arith.constant 7 : i32
      %dma_start3A_1862 = arith.constant 0 : i32
      %dma_start3A_1863 = arith.constant 0 : i32
      %dma_start3A_1864 = tpu.memref_slice %arg8[%dma_start3A_1861, %dma_start3A_1862, %dma_start3A_1863] : memref<8x128x32xf32, #tpu.memory_space<vmem>> -> memref<1x128x32xf32, #tpu.memory_space<vmem>>
      %dma_start3A_1865 = tpu.memref_squeeze %dma_start3A_1864 : memref<1x128x32xf32, #tpu.memory_space<vmem>> -> memref<128x32xf32, #tpu.memory_space<vmem>>
      %dma_start3A_1866 = arith.constant 0 : i32
      %dma_start3A_1867 = tpu.memref_slice %arg6[%dma_start3A_1860, %dma_start3A_1866] : memref<8x128xi32, #tpu.memory_space<vmem>> -> memref<1x128xi32, #tpu.memory_space<vmem>>
      %dma_start3A_1868 = tpu.memref_squeeze %dma_start3A_1867 : memref<1x128xi32, #tpu.memory_space<vmem>> -> memref<128xi32, #tpu.memory_space<vmem>>
      %dma_start3A_1869 = arith.constant 0 : i32
      %dma_start3A_1870 = arith.constant 0 : i32
      %dma_start3A_1871 = tpu.memref_slice %arg3[%dma_start3A_1869, %dma_start3A_1870] : memref<1000000x32xf32, #tpu.memory_space<hbm>> -> memref<1000000x32xf32, #tpu.memory_space<hbm>>
      tpu.enqueue_indirect_dma source(%dma_start3A_1871 : memref<1000000x32xf32, #tpu.memory_space<hbm>>) target(%dma_start3A_1865 : memref<128x32xf32, #tpu.memory_space<vmem>>) offsets(%dma_start3A_1868 : memref<128xi32, #tpu.memory_space<vmem>>) semaphore(%arg10 : memref<!tpu.dma_semaphore, #tpu.memory_space<semaphore_mem>>)
      %dma_wait3A_1872 = arith.constant 0 : i32
      %dma_wait3A_1873 = arith.constant 0 : i32
      %dma_wait3A_1874 = arith.constant 0 : i32
      %dma_wait3A_1875 = arith.constant 0 : i32
      %dma_wait3A_1876 = tpu.memref_slice %arg7[%dma_wait3A_1873, %dma_wait3A_1874, %dma_wait3A_1875] : memref<8x128x32xf32, #tpu.memory_space<vmem>> -> memref<1x128x32xf32, #tpu.memory_space<vmem>>
      %dma_wait3A_1877 = tpu.memref_squeeze %dma_wait3A_1876 : memref<1x128x32xf32, #tpu.memory_space<vmem>> -> memref<128x32xf32, #tpu.memory_space<vmem>>
      %dma_wait3A_1878 = arith.constant 0 : i32
      %dma_wait3A_1879 = tpu.memref_slice %arg5[%dma_wait3A_1872, %dma_wait3A_1878] : memref<8x128xi32, #tpu.memory_space<vmem>> -> memref<1x128xi32, #tpu.memory_space<vmem>>
      %dma_wait3A_1880 = tpu.memref_squeeze %dma_wait3A_1879 : memref<1x128xi32, #tpu.memory_space<vmem>> -> memref<128xi32, #tpu.memory_space<vmem>>
      %dma_wait3A_1881 = arith.constant 0 : i32
      %dma_wait3A_1882 = arith.constant 0 : i32
      %dma_wait3A_1883 = tpu.memref_slice %arg3[%dma_wait3A_1881, %dma_wait3A_1882] : memref<1000000x32xf32, #tpu.memory_space<hbm>> -> memref<1000000x32xf32, #tpu.memory_space<hbm>>
      tpu.wait_indirect_dma semaphore(%arg9 : memref<!tpu.dma_semaphore, #tpu.memory_space<semaphore_mem>>) src(%dma_wait3A_1883 : memref<1000000x32xf32, #tpu.memory_space<hbm>>) dst(%dma_wait3A_1877 : memref<128x32xf32, #tpu.memory_space<vmem>>)
      %dma_wait3A_1884 = arith.constant 1 : i32
      %dma_wait3A_1885 = arith.constant 1 : i32
      %dma_wait3A_1886 = arith.constant 0 : i32
      %dma_wait3A_1887 = arith.constant 0 : i32
      %dma_wait3A_1888 = tpu.memref_slice %arg7[%dma_wait3A_1885, %dma_wait3A_1886, %dma_wait3A_1887] : memref<8x128x32xf32, #tpu.memory_space<vmem>> -> memref<1x128x32xf32, #tpu.memory_space<vmem>>
      %dma_wait3A_1889 = tpu.memref_squeeze %dma_wait3A_1888 : memref<1x128x32xf32, #tpu.memory_space<vmem>> -> memref<128x32xf32, #tpu.memory_space<vmem>>
      %dma_wait3A_1890 = arith.constant 0 : i32
      %dma_wait3A_1891 = tpu.memref_slice %arg5[%dma_wait3A_1884, %dma_wait3A_1890] : memref<8x128xi32, #tpu.memory_space<vmem>> -> memref<1x128xi32, #tpu.memory_space<vmem>>
      %dma_wait3A_1892 = tpu.memref_squeeze %dma_wait3A_1891 : memref<1x128xi32, #tpu.memory_space<vmem>> -> memref<128xi32, #tpu.memory_space<vmem>>
      %dma_wait3A_1893 = arith.constant 0 : i32
      %dma_wait3A_1894 = arith.constant 0 : i32
      %dma_wait3A_1895 = tpu.memref_slice %arg3[%dma_wait3A_1893, %dma_wait3A_1894] : memref<1000000x32xf32, #tpu.memory_space<hbm>> -> memref<1000000x32xf32, #tpu.memory_space<hbm>>
      tpu.wait_indirect_dma semaphore(%arg9 : memref<!tpu.dma_semaphore, #tpu.memory_space<semaphore_mem>>) src(%dma_wait3A_1895 : memref<1000000x32xf32, #tpu.memory_space<hbm>>) dst(%dma_wait3A_1889 : memref<128x32xf32, #tpu.memory_space<vmem>>)
      %dma_wait3A_1896 = arith.constant 2 : i32
      %dma_wait3A_1897 = arith.constant 2 : i32
      %dma_wait3A_1898 = arith.constant 0 : i32
      %dma_wait3A_1899 = arith.constant 0 : i32
      %dma_wait3A_1900 = tpu.memref_slice %arg7[%dma_wait3A_1897, %dma_wait3A_1898, %dma_wait3A_1899] : memref<8x128x32xf32, #tpu.memory_space<vmem>> -> memref<1x128x32xf32, #tpu.memory_space<vmem>>
      %dma_wait3A_1901 = tpu.memref_squeeze %dma_wait3A_1900 : memref<1x128x32xf32, #tpu.memory_space<vmem>> -> memref<128x32xf32, #tpu.memory_space<vmem>>
      %dma_wait3A_1902 = arith.constant 0 : i32
      %dma_wait3A_1903 = tpu.memref_slice %arg5[%dma_wait3A_1896, %dma_wait3A_1902] : memref<8x128xi32, #tpu.memory_space<vmem>> -> memref<1x128xi32, #tpu.memory_space<vmem>>
      %dma_wait3A_1904 = tpu.memref_squeeze %dma_wait3A_1903 : memref<1x128xi32, #tpu.memory_space<vmem>> -> memref<128xi32, #tpu.memory_space<vmem>>
      %dma_wait3A_1905 = arith.constant 0 : i32
      %dma_wait3A_1906 = arith.constant 0 : i32
      %dma_wait3A_1907 = tpu.memref_slice %arg3[%dma_wait3A_1905, %dma_wait3A_1906] : memref<1000000x32xf32, #tpu.memory_space<hbm>> -> memref<1000000x32xf32, #tpu.memory_space<hbm>>
      tpu.wait_indirect_dma semaphore(%arg9 : memref<!tpu.dma_semaphore, #tpu.memory_space<semaphore_mem>>) src(%dma_wait3A_1907 : memref<1000000x32xf32, #tpu.memory_space<hbm>>) dst(%dma_wait3A_1901 : memref<128x32xf32, #tpu.memory_space<vmem>>)
      %dma_wait3A_1908 = arith.constant 3 : i32
      %dma_wait3A_1909 = arith.constant 3 : i32
      %dma_wait3A_1910 = arith.constant 0 : i32
      %dma_wait3A_1911 = arith.constant 0 : i32
      %dma_wait3A_1912 = tpu.memref_slice %arg7[%dma_wait3A_1909, %dma_wait3A_1910, %dma_wait3A_1911] : memref<8x128x32xf32, #tpu.memory_space<vmem>> -> memref<1x128x32xf32, #tpu.memory_space<vmem>>
      %dma_wait3A_1913 = tpu.memref_squeeze %dma_wait3A_1912 : memref<1x128x32xf32, #tpu.memory_space<vmem>> -> memref<128x32xf32, #tpu.memory_space<vmem>>
      %dma_wait3A_1914 = arith.constant 0 : i32
      %dma_wait3A_1915 = tpu.memref_slice %arg5[%dma_wait3A_1908, %dma_wait3A_1914] : memref<8x128xi32, #tpu.memory_space<vmem>> -> memref<1x128xi32, #tpu.memory_space<vmem>>
      %dma_wait3A_1916 = tpu.memref_squeeze %dma_wait3A_1915 : memref<1x128xi32, #tpu.memory_space<vmem>> -> memref<128xi32, #tpu.memory_space<vmem>>
      %dma_wait3A_1917 = arith.constant 0 : i32
      %dma_wait3A_1918 = arith.constant 0 : i32
      %dma_wait3A_1919 = tpu.memref_slice %arg3[%dma_wait3A_1917, %dma_wait3A_1918] : memref<1000000x32xf32, #tpu.memory_space<hbm>> -> memref<1000000x32xf32, #tpu.memory_space<hbm>>
      tpu.wait_indirect_dma semaphore(%arg9 : memref<!tpu.dma_semaphore, #tpu.memory_space<semaphore_mem>>) src(%dma_wait3A_1919 : memref<1000000x32xf32, #tpu.memory_space<hbm>>) dst(%dma_wait3A_1913 : memref<128x32xf32, #tpu.memory_space<vmem>>)
      %dma_wait3A_1920 = arith.constant 4 : i32
      %dma_wait3A_1921 = arith.constant 4 : i32
      %dma_wait3A_1922 = arith.constant 0 : i32
      %dma_wait3A_1923 = arith.constant 0 : i32
      %dma_wait3A_1924 = tpu.memref_slice %arg7[%dma_wait3A_1921, %dma_wait3A_1922, %dma_wait3A_1923] : memref<8x128x32xf32, #tpu.memory_space<vmem>> -> memref<1x128x32xf32, #tpu.memory_space<vmem>>
      %dma_wait3A_1925 = tpu.memref_squeeze %dma_wait3A_1924 : memref<1x128x32xf32, #tpu.memory_space<vmem>> -> memref<128x32xf32, #tpu.memory_space<vmem>>
      %dma_wait3A_1926 = arith.constant 0 : i32
      %dma_wait3A_1927 = tpu.memref_slice %arg5[%dma_wait3A_1920, %dma_wait3A_1926] : memref<8x128xi32, #tpu.memory_space<vmem>> -> memref<1x128xi32, #tpu.memory_space<vmem>>
      %dma_wait3A_1928 = tpu.memref_squeeze %dma_wait3A_1927 : memref<1x128xi32, #tpu.memory_space<vmem>> -> memref<128xi32, #tpu.memory_space<vmem>>
      %dma_wait3A_1929 = arith.constant 0 : i32
      %dma_wait3A_1930 = arith.constant 0 : i32
      %dma_wait3A_1931 = tpu.memref_slice %arg3[%dma_wait3A_1929, %dma_wait3A_1930] : memref<1000000x32xf32, #tpu.memory_space<hbm>> -> memref<1000000x32xf32, #tpu.memory_space<hbm>>
      tpu.wait_indirect_dma semaphore(%arg9 : memref<!tpu.dma_semaphore, #tpu.memory_space<semaphore_mem>>) src(%dma_wait3A_1931 : memref<1000000x32xf32, #tpu.memory_space<hbm>>) dst(%dma_wait3A_1925 : memref<128x32xf32, #tpu.memory_space<vmem>>)
      %dma_wait3A_1932 = arith.constant 5 : i32
      %dma_wait3A_1933 = arith.constant 5 : i32
      %dma_wait3A_1934 = arith.constant 0 : i32
      %dma_wait3A_1935 = arith.constant 0 : i32
      %dma_wait3A_1936 = tpu.memref_slice %arg7[%dma_wait3A_1933, %dma_wait3A_1934, %dma_wait3A_1935] : memref<8x128x32xf32, #tpu.memory_space<vmem>> -> memref<1x128x32xf32, #tpu.memory_space<vmem>>
      %dma_wait3A_1937 = tpu.memref_squeeze %dma_wait3A_1936 : memref<1x128x32xf32, #tpu.memory_space<vmem>> -> memref<128x32xf32, #tpu.memory_space<vmem>>
      %dma_wait3A_1938 = arith.constant 0 : i32
      %dma_wait3A_1939 = tpu.memref_slice %arg5[%dma_wait3A_1932, %dma_wait3A_1938] : memref<8x128xi32, #tpu.memory_space<vmem>> -> memref<1x128xi32, #tpu.memory_space<vmem>>
      %dma_wait3A_1940 = tpu.memref_squeeze %dma_wait3A_1939 : memref<1x128xi32, #tpu.memory_space<vmem>> -> memref<128xi32, #tpu.memory_space<vmem>>
      %dma_wait3A_1941 = arith.constant 0 : i32
      %dma_wait3A_1942 = arith.constant 0 : i32
      %dma_wait3A_1943 = tpu.memref_slice %arg3[%dma_wait3A_1941, %dma_wait3A_1942] : memref<1000000x32xf32, #tpu.memory_space<hbm>> -> memref<1000000x32xf32, #tpu.memory_space<hbm>>
      tpu.wait_indirect_dma semaphore(%arg9 : memref<!tpu.dma_semaphore, #tpu.memory_space<semaphore_mem>>) src(%dma_wait3A_1943 : memref<1000000x32xf32, #tpu.memory_space<hbm>>) dst(%dma_wait3A_1937 : memref<128x32xf32, #tpu.memory_space<vmem>>)
      %dma_wait3A_1944 = arith.constant 6 : i32
      %dma_wait3A_1945 = arith.constant 6 : i32
      %dma_wait3A_1946 = arith.constant 0 : i32
      %dma_wait3A_1947 = arith.constant 0 : i32
      %dma_wait3A_1948 = tpu.memref_slice %arg7[%dma_wait3A_1945, %dma_wait3A_1946, %dma_wait3A_1947] : memref<8x128x32xf32, #tpu.memory_space<vmem>> -> memref<1x128x32xf32, #tpu.memory_space<vmem>>
      %dma_wait3A_1949 = tpu.memref_squeeze %dma_wait3A_1948 : memref<1x128x32xf32, #tpu.memory_space<vmem>> -> memref<128x32xf32, #tpu.memory_space<vmem>>
      %dma_wait3A_1950 = arith.constant 0 : i32
      %dma_wait3A_1951 = tpu.memref_slice %arg5[%dma_wait3A_1944, %dma_wait3A_1950] : memref<8x128xi32, #tpu.memory_space<vmem>> -> memref<1x128xi32, #tpu.memory_space<vmem>>
      %dma_wait3A_1952 = tpu.memref_squeeze %dma_wait3A_1951 : memref<1x128xi32, #tpu.memory_space<vmem>> -> memref<128xi32, #tpu.memory_space<vmem>>
      %dma_wait3A_1953 = arith.constant 0 : i32
      %dma_wait3A_1954 = arith.constant 0 : i32
      %dma_wait3A_1955 = tpu.memref_slice %arg3[%dma_wait3A_1953, %dma_wait3A_1954] : memref<1000000x32xf32, #tpu.memory_space<hbm>> -> memref<1000000x32xf32, #tpu.memory_space<hbm>>
      tpu.wait_indirect_dma semaphore(%arg9 : memref<!tpu.dma_semaphore, #tpu.memory_space<semaphore_mem>>) src(%dma_wait3A_1955 : memref<1000000x32xf32, #tpu.memory_space<hbm>>) dst(%dma_wait3A_1949 : memref<128x32xf32, #tpu.memory_space<vmem>>)
      %dma_wait3A_1956 = arith.constant 7 : i32
      %dma_wait3A_1957 = arith.constant 7 : i32
      %dma_wait3A_1958 = arith.constant 0 : i32
      %dma_wait3A_1959 = arith.constant 0 : i32
      %dma_wait3A_1960 = tpu.memref_slice %arg7[%dma_wait3A_1957, %dma_wait3A_1958, %dma_wait3A_1959] : memref<8x128x32xf32, #tpu.memory_space<vmem>> -> memref<1x128x32xf32, #tpu.memory_space<vmem>>
      %dma_wait3A_1961 = tpu.memref_squeeze %dma_wait3A_1960 : memref<1x128x32xf32, #tpu.memory_space<vmem>> -> memref<128x32xf32, #tpu.memory_space<vmem>>
      %dma_wait3A_1962 = arith.constant 0 : i32
      %dma_wait3A_1963 = tpu.memref_slice %arg5[%dma_wait3A_1956, %dma_wait3A_1962] : memref<8x128xi32, #tpu.memory_space<vmem>> -> memref<1x128xi32, #tpu.memory_space<vmem>>
      %dma_wait3A_1964 = tpu.memref_squeeze %dma_wait3A_1963 : memref<1x128xi32, #tpu.memory_space<vmem>> -> memref<128xi32, #tpu.memory_space<vmem>>
      %dma_wait3A_1965 = arith.constant 0 : i32
      %dma_wait3A_1966 = arith.constant 0 : i32
      %dma_wait3A_1967 = tpu.memref_slice %arg3[%dma_wait3A_1965, %dma_wait3A_1966] : memref<1000000x32xf32, #tpu.memory_space<hbm>> -> memref<1000000x32xf32, #tpu.memory_space<hbm>>
      tpu.wait_indirect_dma semaphore(%arg9 : memref<!tpu.dma_semaphore, #tpu.memory_space<semaphore_mem>>) src(%dma_wait3A_1967 : memref<1000000x32xf32, #tpu.memory_space<hbm>>) dst(%dma_wait3A_1961 : memref<128x32xf32, #tpu.memory_space<vmem>>)
      %sub3A_1968 = arith.constant 1 : i32
      %sub3A_1969 = arith.subi %add3A_1583, %sub3A_1968 : i32
      %jit3A_1970 = arith.constant 25 : i32
      %div3A_1971 = arith.divsi %sub3A_1969, %jit3A_1970 : i32
      %sign3A_1972 = arith.constant 0 : i32
      %sign3A_1973 = arith.cmpi sgt, %sub3A_1969, %sign3A_1972 : i32
      %sign3A_1974 = arith.extui %sign3A_1973 : i1 to i32
      %sign3A_1975 = arith.constant 0 : i32
      %sign3A_1976 = arith.cmpi slt, %sub3A_1969, %sign3A_1975 : i32
      %sign3A_1977 = arith.extui %sign3A_1976 : i1 to i32
      %sign3A_1978 = arith.subi %sign3A_1974, %sign3A_1977 : i32
      %sign3A_1979 = arith.constant 0 : i32
      %sign3A_1980 = arith.cmpi sgt, %jit3A_1970, %sign3A_1979 : i32
      %sign3A_1981 = arith.extui %sign3A_1980 : i1 to i32
      %sign3A_1982 = arith.constant 0 : i32
      %sign3A_1983 = arith.cmpi slt, %jit3A_1970, %sign3A_1982 : i32
      %sign3A_1984 = arith.extui %sign3A_1983 : i1 to i32
      %sign3A_1985 = arith.subi %sign3A_1981, %sign3A_1984 : i32
      %ne3A_1986 = arith.cmpi ne, %sign3A_1978, %sign3A_1985 : i32
      %rem3A_1987 = arith.remsi %sub3A_1969, %jit3A_1970 : i32
      %ne3A_1988 = arith.constant 0 : i32
      %ne3A_1989 = arith.cmpi ne, %rem3A_1987, %ne3A_1988 : i32
      %and3A_1990 = arith.andi %ne3A_1986, %ne3A_1989 : i1
      %sub3A_1991 = arith.constant 1 : i32
      %sub3A_1992 = arith.subi %div3A_1971, %sub3A_1991 : i32
      %select_n3A_1993 = arith.select %and3A_1990, %sub3A_1992, %div3A_1971 : i32
      %jit3A_1994 = arith.constant 25 : i32
      %eq3A_1995 = arith.constant 0 : i32
      %eq3A_1996 = arith.cmpi eq, %jit3A_1994, %eq3A_1995 : i32
      %jit3A_1997 = arith.constant 1 : i32
      %select_n3A_1998 = arith.select %eq3A_1996, %jit3A_1997, %jit3A_1994 : i32
      %rem3A_1999 = arith.remsi %sub3A_1969, %select_n3A_1998 : i32
      %ne3A_2000 = arith.constant 0 : i32
      %ne3A_2001 = arith.cmpi ne, %rem3A_1999, %ne3A_2000 : i32
      %lt3A_2002 = arith.constant 0 : i32
      %lt3A_2003 = arith.cmpi slt, %rem3A_1999, %lt3A_2002 : i32
      %lt3A_2004 = arith.constant 0 : i32
      %lt3A_2005 = arith.cmpi slt, %select_n3A_1998, %lt3A_2004 : i32
      %ne3A_2006 = arith.xori %lt3A_2003, %lt3A_2005 : i1
      %and3A_2007 = arith.andi %ne3A_2006, %ne3A_2001 : i1
      %add3A_2008 = arith.addi %rem3A_1999, %select_n3A_1998 : i32
      %select_n3A_2009 = arith.select %and3A_2007, %add3A_2008, %rem3A_1999 : i32
      %mul3A_2010 = arith.constant 4 : i32
      %mul3A_2011 = arith.muli %mul3A_2010, %add3A : i32
      %add3A_2012 = arith.addi %mul3A_2011, %select_n3A_1993 : i32
      %mul3A_2013 = arith.constant 128 : i32
      %mul3A_2014 = arith.muli %add3A_2012, %mul3A_2013 : i32
      %mul3A_2015 = arith.constant 8 : i32
      %mul3A_2016 = arith.muli %mul3A_2015, %select_n3A_2009 : i32
      %add3A_2017 = arith.constant 0 : i32
      %add3A_2018 = arith.addi %mul3A_2016, %add3A_2017 : i32
      %dma_start3A_2019 = arith.constant 0 : i32
      %dma_start3A_2020 = arith.constant 0 : i32
      %dma_start3A_2021 = arith.constant 0 : i32
      %dma_start3A_2022 = tpu.memref_slice %arg7[%dma_start3A_2019, %dma_start3A_2020, %dma_start3A_2021] : memref<8x128x32xf32, #tpu.memory_space<vmem>> -> memref<1x128x32xf32, #tpu.memory_space<vmem>>
      %dma_start3A_2023 = tpu.memref_squeeze %dma_start3A_2022 : memref<1x128x32xf32, #tpu.memory_space<vmem>> -> memref<128x32xf32, #tpu.memory_space<vmem>>
      %dma_start3A_2024 = arith.constant 0 : i32
      %dma_start3A_2025 = tpu.memref_slice %arg4[%mul3A_2014, %add3A_2018, %dma_start3A_2024] : memref<16384x200x32xf32, #tpu.memory_space<hbm>> -> memref<128x1x32xf32, #tpu.memory_space<hbm>>
      %dma_start3A_2026 = tpu.memref_squeeze %dma_start3A_2025 : memref<128x1x32xf32, #tpu.memory_space<hbm>> -> memref<128x32xf32, #tpu.memory_space<hbm>>
      %dma_start3A_2027 = arith.constant 0 : i32
      %dma_start3A_2028 = tpu.memref_slice %arg4[%mul3A_2014, %add3A_2018, %dma_start3A_2027] : memref<16384x200x32xf32, #tpu.memory_space<hbm>> -> memref<128x1x32xf32, #tpu.memory_space<hbm>>
      %dma_start3A_2029 = tpu.memref_squeeze %dma_start3A_2028 : memref<128x1x32xf32, #tpu.memory_space<hbm>> -> memref<128x32xf32, #tpu.memory_space<hbm>>
      %dma_start3A_2030 = arith.constant 0 : i32
      %dma_start3A_2031 = arith.constant 0 : i32
      %dma_start3A_2032 = tpu.memref_slice %arg7[%dma_start3A_2019, %dma_start3A_2030, %dma_start3A_2031] : memref<8x128x32xf32, #tpu.memory_space<vmem>> -> memref<1x128x32xf32, #tpu.memory_space<vmem>>
      %dma_start3A_2033 = tpu.memref_squeeze %dma_start3A_2032 : memref<1x128x32xf32, #tpu.memory_space<vmem>> -> memref<128x32xf32, #tpu.memory_space<vmem>>
      tpu.enqueue_dma source(%dma_start3A_2033 : memref<128x32xf32, #tpu.memory_space<vmem>>) target(%dma_start3A_2029 : memref<128x32xf32, #tpu.memory_space<hbm>>) target_semaphore(%arg11 : memref<!tpu.dma_semaphore, #tpu.memory_space<semaphore_mem>>)
      %mul3A_2034 = arith.constant 128 : i32
      %mul3A_2035 = arith.muli %add3A_2012, %mul3A_2034 : i32
      %mul3A_2036 = arith.constant 8 : i32
      %mul3A_2037 = arith.muli %mul3A_2036, %select_n3A_2009 : i32
      %add3A_2038 = arith.constant 1 : i32
      %add3A_2039 = arith.addi %mul3A_2037, %add3A_2038 : i32
      %dma_start3A_2040 = arith.constant 1 : i32
      %dma_start3A_2041 = arith.constant 0 : i32
      %dma_start3A_2042 = arith.constant 0 : i32
      %dma_start3A_2043 = tpu.memref_slice %arg7[%dma_start3A_2040, %dma_start3A_2041, %dma_start3A_2042] : memref<8x128x32xf32, #tpu.memory_space<vmem>> -> memref<1x128x32xf32, #tpu.memory_space<vmem>>
      %dma_start3A_2044 = tpu.memref_squeeze %dma_start3A_2043 : memref<1x128x32xf32, #tpu.memory_space<vmem>> -> memref<128x32xf32, #tpu.memory_space<vmem>>
      %dma_start3A_2045 = arith.constant 0 : i32
      %dma_start3A_2046 = tpu.memref_slice %arg4[%mul3A_2035, %add3A_2039, %dma_start3A_2045] : memref<16384x200x32xf32, #tpu.memory_space<hbm>> -> memref<128x1x32xf32, #tpu.memory_space<hbm>>
      %dma_start3A_2047 = tpu.memref_squeeze %dma_start3A_2046 : memref<128x1x32xf32, #tpu.memory_space<hbm>> -> memref<128x32xf32, #tpu.memory_space<hbm>>
      %dma_start3A_2048 = arith.constant 0 : i32
      %dma_start3A_2049 = tpu.memref_slice %arg4[%mul3A_2035, %add3A_2039, %dma_start3A_2048] : memref<16384x200x32xf32, #tpu.memory_space<hbm>> -> memref<128x1x32xf32, #tpu.memory_space<hbm>>
      %dma_start3A_2050 = tpu.memref_squeeze %dma_start3A_2049 : memref<128x1x32xf32, #tpu.memory_space<hbm>> -> memref<128x32xf32, #tpu.memory_space<hbm>>
      %dma_start3A_2051 = arith.constant 0 : i32
      %dma_start3A_2052 = arith.constant 0 : i32
      %dma_start3A_2053 = tpu.memref_slice %arg7[%dma_start3A_2040, %dma_start3A_2051, %dma_start3A_2052] : memref<8x128x32xf32, #tpu.memory_space<vmem>> -> memref<1x128x32xf32, #tpu.memory_space<vmem>>
      %dma_start3A_2054 = tpu.memref_squeeze %dma_start3A_2053 : memref<1x128x32xf32, #tpu.memory_space<vmem>> -> memref<128x32xf32, #tpu.memory_space<vmem>>
      tpu.enqueue_dma source(%dma_start3A_2054 : memref<128x32xf32, #tpu.memory_space<vmem>>) target(%dma_start3A_2050 : memref<128x32xf32, #tpu.memory_space<hbm>>) target_semaphore(%arg11 : memref<!tpu.dma_semaphore, #tpu.memory_space<semaphore_mem>>)
      %mul3A_2055 = arith.constant 128 : i32
      %mul3A_2056 = arith.muli %add3A_2012, %mul3A_2055 : i32
      %mul3A_2057 = arith.constant 8 : i32
      %mul3A_2058 = arith.muli %mul3A_2057, %select_n3A_2009 : i32
      %add3A_2059 = arith.constant 2 : i32
      %add3A_2060 = arith.addi %mul3A_2058, %add3A_2059 : i32
      %dma_start3A_2061 = arith.constant 2 : i32
      %dma_start3A_2062 = arith.constant 0 : i32
      %dma_start3A_2063 = arith.constant 0 : i32
      %dma_start3A_2064 = tpu.memref_slice %arg7[%dma_start3A_2061, %dma_start3A_2062, %dma_start3A_2063] : memref<8x128x32xf32, #tpu.memory_space<vmem>> -> memref<1x128x32xf32, #tpu.memory_space<vmem>>
      %dma_start3A_2065 = tpu.memref_squeeze %dma_start3A_2064 : memref<1x128x32xf32, #tpu.memory_space<vmem>> -> memref<128x32xf32, #tpu.memory_space<vmem>>
      %dma_start3A_2066 = arith.constant 0 : i32
      %dma_start3A_2067 = tpu.memref_slice %arg4[%mul3A_2056, %add3A_2060, %dma_start3A_2066] : memref<16384x200x32xf32, #tpu.memory_space<hbm>> -> memref<128x1x32xf32, #tpu.memory_space<hbm>>
      %dma_start3A_2068 = tpu.memref_squeeze %dma_start3A_2067 : memref<128x1x32xf32, #tpu.memory_space<hbm>> -> memref<128x32xf32, #tpu.memory_space<hbm>>
      %dma_start3A_2069 = arith.constant 0 : i32
      %dma_start3A_2070 = tpu.memref_slice %arg4[%mul3A_2056, %add3A_2060, %dma_start3A_2069] : memref<16384x200x32xf32, #tpu.memory_space<hbm>> -> memref<128x1x32xf32, #tpu.memory_space<hbm>>
      %dma_start3A_2071 = tpu.memref_squeeze %dma_start3A_2070 : memref<128x1x32xf32, #tpu.memory_space<hbm>> -> memref<128x32xf32, #tpu.memory_space<hbm>>
      %dma_start3A_2072 = arith.constant 0 : i32
      %dma_start3A_2073 = arith.constant 0 : i32
      %dma_start3A_2074 = tpu.memref_slice %arg7[%dma_start3A_2061, %dma_start3A_2072, %dma_start3A_2073] : memref<8x128x32xf32, #tpu.memory_space<vmem>> -> memref<1x128x32xf32, #tpu.memory_space<vmem>>
      %dma_start3A_2075 = tpu.memref_squeeze %dma_start3A_2074 : memref<1x128x32xf32, #tpu.memory_space<vmem>> -> memref<128x32xf32, #tpu.memory_space<vmem>>
      tpu.enqueue_dma source(%dma_start3A_2075 : memref<128x32xf32, #tpu.memory_space<vmem>>) target(%dma_start3A_2071 : memref<128x32xf32, #tpu.memory_space<hbm>>) target_semaphore(%arg11 : memref<!tpu.dma_semaphore, #tpu.memory_space<semaphore_mem>>)
      %mul3A_2076 = arith.constant 128 : i32
      %mul3A_2077 = arith.muli %add3A_2012, %mul3A_2076 : i32
      %mul3A_2078 = arith.constant 8 : i32
      %mul3A_2079 = arith.muli %mul3A_2078, %select_n3A_2009 : i32
      %add3A_2080 = arith.constant 3 : i32
      %add3A_2081 = arith.addi %mul3A_2079, %add3A_2080 : i32
      %dma_start3A_2082 = arith.constant 3 : i32
      %dma_start3A_2083 = arith.constant 0 : i32
      %dma_start3A_2084 = arith.constant 0 : i32
      %dma_start3A_2085 = tpu.memref_slice %arg7[%dma_start3A_2082, %dma_start3A_2083, %dma_start3A_2084] : memref<8x128x32xf32, #tpu.memory_space<vmem>> -> memref<1x128x32xf32, #tpu.memory_space<vmem>>
      %dma_start3A_2086 = tpu.memref_squeeze %dma_start3A_2085 : memref<1x128x32xf32, #tpu.memory_space<vmem>> -> memref<128x32xf32, #tpu.memory_space<vmem>>
      %dma_start3A_2087 = arith.constant 0 : i32
      %dma_start3A_2088 = tpu.memref_slice %arg4[%mul3A_2077, %add3A_2081, %dma_start3A_2087] : memref<16384x200x32xf32, #tpu.memory_space<hbm>> -> memref<128x1x32xf32, #tpu.memory_space<hbm>>
      %dma_start3A_2089 = tpu.memref_squeeze %dma_start3A_2088 : memref<128x1x32xf32, #tpu.memory_space<hbm>> -> memref<128x32xf32, #tpu.memory_space<hbm>>
      %dma_start3A_2090 = arith.constant 0 : i32
      %dma_start3A_2091 = tpu.memref_slice %arg4[%mul3A_2077, %add3A_2081, %dma_start3A_2090] : memref<16384x200x32xf32, #tpu.memory_space<hbm>> -> memref<128x1x32xf32, #tpu.memory_space<hbm>>
      %dma_start3A_2092 = tpu.memref_squeeze %dma_start3A_2091 : memref<128x1x32xf32, #tpu.memory_space<hbm>> -> memref<128x32xf32, #tpu.memory_space<hbm>>
      %dma_start3A_2093 = arith.constant 0 : i32
      %dma_start3A_2094 = arith.constant 0 : i32
      %dma_start3A_2095 = tpu.memref_slice %arg7[%dma_start3A_2082, %dma_start3A_2093, %dma_start3A_2094] : memref<8x128x32xf32, #tpu.memory_space<vmem>> -> memref<1x128x32xf32, #tpu.memory_space<vmem>>
      %dma_start3A_2096 = tpu.memref_squeeze %dma_start3A_2095 : memref<1x128x32xf32, #tpu.memory_space<vmem>> -> memref<128x32xf32, #tpu.memory_space<vmem>>
      tpu.enqueue_dma source(%dma_start3A_2096 : memref<128x32xf32, #tpu.memory_space<vmem>>) target(%dma_start3A_2092 : memref<128x32xf32, #tpu.memory_space<hbm>>) target_semaphore(%arg11 : memref<!tpu.dma_semaphore, #tpu.memory_space<semaphore_mem>>)
      %mul3A_2097 = arith.constant 128 : i32
      %mul3A_2098 = arith.muli %add3A_2012, %mul3A_2097 : i32
      %mul3A_2099 = arith.constant 8 : i32
      %mul3A_2100 = arith.muli %mul3A_2099, %select_n3A_2009 : i32
      %add3A_2101 = arith.constant 4 : i32
      %add3A_2102 = arith.addi %mul3A_2100, %add3A_2101 : i32
      %dma_start3A_2103 = arith.constant 4 : i32
      %dma_start3A_2104 = arith.constant 0 : i32
      %dma_start3A_2105 = arith.constant 0 : i32
      %dma_start3A_2106 = tpu.memref_slice %arg7[%dma_start3A_2103, %dma_start3A_2104, %dma_start3A_2105] : memref<8x128x32xf32, #tpu.memory_space<vmem>> -> memref<1x128x32xf32, #tpu.memory_space<vmem>>
      %dma_start3A_2107 = tpu.memref_squeeze %dma_start3A_2106 : memref<1x128x32xf32, #tpu.memory_space<vmem>> -> memref<128x32xf32, #tpu.memory_space<vmem>>
      %dma_start3A_2108 = arith.constant 0 : i32
      %dma_start3A_2109 = tpu.memref_slice %arg4[%mul3A_2098, %add3A_2102, %dma_start3A_2108] : memref<16384x200x32xf32, #tpu.memory_space<hbm>> -> memref<128x1x32xf32, #tpu.memory_space<hbm>>
      %dma_start3A_2110 = tpu.memref_squeeze %dma_start3A_2109 : memref<128x1x32xf32, #tpu.memory_space<hbm>> -> memref<128x32xf32, #tpu.memory_space<hbm>>
      %dma_start3A_2111 = arith.constant 0 : i32
      %dma_start3A_2112 = tpu.memref_slice %arg4[%mul3A_2098, %add3A_2102, %dma_start3A_2111] : memref<16384x200x32xf32, #tpu.memory_space<hbm>> -> memref<128x1x32xf32, #tpu.memory_space<hbm>>
      %dma_start3A_2113 = tpu.memref_squeeze %dma_start3A_2112 : memref<128x1x32xf32, #tpu.memory_space<hbm>> -> memref<128x32xf32, #tpu.memory_space<hbm>>
      %dma_start3A_2114 = arith.constant 0 : i32
      %dma_start3A_2115 = arith.constant 0 : i32
      %dma_start3A_2116 = tpu.memref_slice %arg7[%dma_start3A_2103, %dma_start3A_2114, %dma_start3A_2115] : memref<8x128x32xf32, #tpu.memory_space<vmem>> -> memref<1x128x32xf32, #tpu.memory_space<vmem>>
      %dma_start3A_2117 = tpu.memref_squeeze %dma_start3A_2116 : memref<1x128x32xf32, #tpu.memory_space<vmem>> -> memref<128x32xf32, #tpu.memory_space<vmem>>
      tpu.enqueue_dma source(%dma_start3A_2117 : memref<128x32xf32, #tpu.memory_space<vmem>>) target(%dma_start3A_2113 : memref<128x32xf32, #tpu.memory_space<hbm>>) target_semaphore(%arg11 : memref<!tpu.dma_semaphore, #tpu.memory_space<semaphore_mem>>)
      %mul3A_2118 = arith.constant 128 : i32
      %mul3A_2119 = arith.muli %add3A_2012, %mul3A_2118 : i32
      %mul3A_2120 = arith.constant 8 : i32
      %mul3A_2121 = arith.muli %mul3A_2120, %select_n3A_2009 : i32
      %add3A_2122 = arith.constant 5 : i32
      %add3A_2123 = arith.addi %mul3A_2121, %add3A_2122 : i32
      %dma_start3A_2124 = arith.constant 5 : i32
      %dma_start3A_2125 = arith.constant 0 : i32
      %dma_start3A_2126 = arith.constant 0 : i32
      %dma_start3A_2127 = tpu.memref_slice %arg7[%dma_start3A_2124, %dma_start3A_2125, %dma_start3A_2126] : memref<8x128x32xf32, #tpu.memory_space<vmem>> -> memref<1x128x32xf32, #tpu.memory_space<vmem>>
      %dma_start3A_2128 = tpu.memref_squeeze %dma_start3A_2127 : memref<1x128x32xf32, #tpu.memory_space<vmem>> -> memref<128x32xf32, #tpu.memory_space<vmem>>
      %dma_start3A_2129 = arith.constant 0 : i32
      %dma_start3A_2130 = tpu.memref_slice %arg4[%mul3A_2119, %add3A_2123, %dma_start3A_2129] : memref<16384x200x32xf32, #tpu.memory_space<hbm>> -> memref<128x1x32xf32, #tpu.memory_space<hbm>>
      %dma_start3A_2131 = tpu.memref_squeeze %dma_start3A_2130 : memref<128x1x32xf32, #tpu.memory_space<hbm>> -> memref<128x32xf32, #tpu.memory_space<hbm>>
      %dma_start3A_2132 = arith.constant 0 : i32
      %dma_start3A_2133 = tpu.memref_slice %arg4[%mul3A_2119, %add3A_2123, %dma_start3A_2132] : memref<16384x200x32xf32, #tpu.memory_space<hbm>> -> memref<128x1x32xf32, #tpu.memory_space<hbm>>
      %dma_start3A_2134 = tpu.memref_squeeze %dma_start3A_2133 : memref<128x1x32xf32, #tpu.memory_space<hbm>> -> memref<128x32xf32, #tpu.memory_space<hbm>>
      %dma_start3A_2135 = arith.constant 0 : i32
      %dma_start3A_2136 = arith.constant 0 : i32
      %dma_start3A_2137 = tpu.memref_slice %arg7[%dma_start3A_2124, %dma_start3A_2135, %dma_start3A_2136] : memref<8x128x32xf32, #tpu.memory_space<vmem>> -> memref<1x128x32xf32, #tpu.memory_space<vmem>>
      %dma_start3A_2138 = tpu.memref_squeeze %dma_start3A_2137 : memref<1x128x32xf32, #tpu.memory_space<vmem>> -> memref<128x32xf32, #tpu.memory_space<vmem>>
      tpu.enqueue_dma source(%dma_start3A_2138 : memref<128x32xf32, #tpu.memory_space<vmem>>) target(%dma_start3A_2134 : memref<128x32xf32, #tpu.memory_space<hbm>>) target_semaphore(%arg11 : memref<!tpu.dma_semaphore, #tpu.memory_space<semaphore_mem>>)
      %mul3A_2139 = arith.constant 128 : i32
      %mul3A_2140 = arith.muli %add3A_2012, %mul3A_2139 : i32
      %mul3A_2141 = arith.constant 8 : i32
      %mul3A_2142 = arith.muli %mul3A_2141, %select_n3A_2009 : i32
      %add3A_2143 = arith.constant 6 : i32
      %add3A_2144 = arith.addi %mul3A_2142, %add3A_2143 : i32
      %dma_start3A_2145 = arith.constant 6 : i32
      %dma_start3A_2146 = arith.constant 0 : i32
      %dma_start3A_2147 = arith.constant 0 : i32
      %dma_start3A_2148 = tpu.memref_slice %arg7[%dma_start3A_2145, %dma_start3A_2146, %dma_start3A_2147] : memref<8x128x32xf32, #tpu.memory_space<vmem>> -> memref<1x128x32xf32, #tpu.memory_space<vmem>>
      %dma_start3A_2149 = tpu.memref_squeeze %dma_start3A_2148 : memref<1x128x32xf32, #tpu.memory_space<vmem>> -> memref<128x32xf32, #tpu.memory_space<vmem>>
      %dma_start3A_2150 = arith.constant 0 : i32
      %dma_start3A_2151 = tpu.memref_slice %arg4[%mul3A_2140, %add3A_2144, %dma_start3A_2150] : memref<16384x200x32xf32, #tpu.memory_space<hbm>> -> memref<128x1x32xf32, #tpu.memory_space<hbm>>
      %dma_start3A_2152 = tpu.memref_squeeze %dma_start3A_2151 : memref<128x1x32xf32, #tpu.memory_space<hbm>> -> memref<128x32xf32, #tpu.memory_space<hbm>>
      %dma_start3A_2153 = arith.constant 0 : i32
      %dma_start3A_2154 = tpu.memref_slice %arg4[%mul3A_2140, %add3A_2144, %dma_start3A_2153] : memref<16384x200x32xf32, #tpu.memory_space<hbm>> -> memref<128x1x32xf32, #tpu.memory_space<hbm>>
      %dma_start3A_2155 = tpu.memref_squeeze %dma_start3A_2154 : memref<128x1x32xf32, #tpu.memory_space<hbm>> -> memref<128x32xf32, #tpu.memory_space<hbm>>
      %dma_start3A_2156 = arith.constant 0 : i32
      %dma_start3A_2157 = arith.constant 0 : i32
      %dma_start3A_2158 = tpu.memref_slice %arg7[%dma_start3A_2145, %dma_start3A_2156, %dma_start3A_2157] : memref<8x128x32xf32, #tpu.memory_space<vmem>> -> memref<1x128x32xf32, #tpu.memory_space<vmem>>
      %dma_start3A_2159 = tpu.memref_squeeze %dma_start3A_2158 : memref<1x128x32xf32, #tpu.memory_space<vmem>> -> memref<128x32xf32, #tpu.memory_space<vmem>>
      tpu.enqueue_dma source(%dma_start3A_2159 : memref<128x32xf32, #tpu.memory_space<vmem>>) target(%dma_start3A_2155 : memref<128x32xf32, #tpu.memory_space<hbm>>) target_semaphore(%arg11 : memref<!tpu.dma_semaphore, #tpu.memory_space<semaphore_mem>>)
      %mul3A_2160 = arith.constant 128 : i32
      %mul3A_2161 = arith.muli %add3A_2012, %mul3A_2160 : i32
      %mul3A_2162 = arith.constant 8 : i32
      %mul3A_2163 = arith.muli %mul3A_2162, %select_n3A_2009 : i32
      %add3A_2164 = arith.constant 7 : i32
      %add3A_2165 = arith.addi %mul3A_2163, %add3A_2164 : i32
      %dma_start3A_2166 = arith.constant 7 : i32
      %dma_start3A_2167 = arith.constant 0 : i32
      %dma_start3A_2168 = arith.constant 0 : i32
      %dma_start3A_2169 = tpu.memref_slice %arg7[%dma_start3A_2166, %dma_start3A_2167, %dma_start3A_2168] : memref<8x128x32xf32, #tpu.memory_space<vmem>> -> memref<1x128x32xf32, #tpu.memory_space<vmem>>
      %dma_start3A_2170 = tpu.memref_squeeze %dma_start3A_2169 : memref<1x128x32xf32, #tpu.memory_space<vmem>> -> memref<128x32xf32, #tpu.memory_space<vmem>>
      %dma_start3A_2171 = arith.constant 0 : i32
      %dma_start3A_2172 = tpu.memref_slice %arg4[%mul3A_2161, %add3A_2165, %dma_start3A_2171] : memref<16384x200x32xf32, #tpu.memory_space<hbm>> -> memref<128x1x32xf32, #tpu.memory_space<hbm>>
      %dma_start3A_2173 = tpu.memref_squeeze %dma_start3A_2172 : memref<128x1x32xf32, #tpu.memory_space<hbm>> -> memref<128x32xf32, #tpu.memory_space<hbm>>
      %dma_start3A_2174 = arith.constant 0 : i32
      %dma_start3A_2175 = tpu.memref_slice %arg4[%mul3A_2161, %add3A_2165, %dma_start3A_2174] : memref<16384x200x32xf32, #tpu.memory_space<hbm>> -> memref<128x1x32xf32, #tpu.memory_space<hbm>>
      %dma_start3A_2176 = tpu.memref_squeeze %dma_start3A_2175 : memref<128x1x32xf32, #tpu.memory_space<hbm>> -> memref<128x32xf32, #tpu.memory_space<hbm>>
      %dma_start3A_2177 = arith.constant 0 : i32
      %dma_start3A_2178 = arith.constant 0 : i32
      %dma_start3A_2179 = tpu.memref_slice %arg7[%dma_start3A_2166, %dma_start3A_2177, %dma_start3A_2178] : memref<8x128x32xf32, #tpu.memory_space<vmem>> -> memref<1x128x32xf32, #tpu.memory_space<vmem>>
      %dma_start3A_2180 = tpu.memref_squeeze %dma_start3A_2179 : memref<1x128x32xf32, #tpu.memory_space<vmem>> -> memref<128x32xf32, #tpu.memory_space<vmem>>
      tpu.enqueue_dma source(%dma_start3A_2180 : memref<128x32xf32, #tpu.memory_space<vmem>>) target(%dma_start3A_2176 : memref<128x32xf32, #tpu.memory_space<hbm>>) target_semaphore(%arg11 : memref<!tpu.dma_semaphore, #tpu.memory_space<semaphore_mem>>)
    }
    %scan3A_455 = arith.constant 49 : i32
    %dma_wait3A_456 = arith.constant 0 : i32
    %dma_wait3A_457 = arith.constant 0 : i32
    %dma_wait3A_458 = arith.constant 0 : i32
    %dma_wait3A_459 = arith.constant 0 : i32
    %dma_wait3A_460 = tpu.memref_slice %arg8[%dma_wait3A_457, %dma_wait3A_458, %dma_wait3A_459] : memref<8x128x32xf32, #tpu.memory_space<vmem>> -> memref<1x128x32xf32, #tpu.memory_space<vmem>>
    %dma_wait3A_461 = tpu.memref_squeeze %dma_wait3A_460 : memref<1x128x32xf32, #tpu.memory_space<vmem>> -> memref<128x32xf32, #tpu.memory_space<vmem>>
    %dma_wait3A_462 = arith.constant 0 : i32
    %dma_wait3A_463 = tpu.memref_slice %arg6[%dma_wait3A_456, %dma_wait3A_462] : memref<8x128xi32, #tpu.memory_space<vmem>> -> memref<1x128xi32, #tpu.memory_space<vmem>>
    %dma_wait3A_464 = tpu.memref_squeeze %dma_wait3A_463 : memref<1x128xi32, #tpu.memory_space<vmem>> -> memref<128xi32, #tpu.memory_space<vmem>>
    %dma_wait3A_465 = arith.constant 0 : i32
    %dma_wait3A_466 = arith.constant 0 : i32
    %dma_wait3A_467 = tpu.memref_slice %arg3[%dma_wait3A_465, %dma_wait3A_466] : memref<1000000x32xf32, #tpu.memory_space<hbm>> -> memref<1000000x32xf32, #tpu.memory_space<hbm>>
    tpu.wait_indirect_dma semaphore(%arg10 : memref<!tpu.dma_semaphore, #tpu.memory_space<semaphore_mem>>) src(%dma_wait3A_467 : memref<1000000x32xf32, #tpu.memory_space<hbm>>) dst(%dma_wait3A_461 : memref<128x32xf32, #tpu.memory_space<vmem>>)
    %dma_wait3A_468 = arith.constant 1 : i32
    %dma_wait3A_469 = arith.constant 1 : i32
    %dma_wait3A_470 = arith.constant 0 : i32
    %dma_wait3A_471 = arith.constant 0 : i32
    %dma_wait3A_472 = tpu.memref_slice %arg8[%dma_wait3A_469, %dma_wait3A_470, %dma_wait3A_471] : memref<8x128x32xf32, #tpu.memory_space<vmem>> -> memref<1x128x32xf32, #tpu.memory_space<vmem>>
    %dma_wait3A_473 = tpu.memref_squeeze %dma_wait3A_472 : memref<1x128x32xf32, #tpu.memory_space<vmem>> -> memref<128x32xf32, #tpu.memory_space<vmem>>
    %dma_wait3A_474 = arith.constant 0 : i32
    %dma_wait3A_475 = tpu.memref_slice %arg6[%dma_wait3A_468, %dma_wait3A_474] : memref<8x128xi32, #tpu.memory_space<vmem>> -> memref<1x128xi32, #tpu.memory_space<vmem>>
    %dma_wait3A_476 = tpu.memref_squeeze %dma_wait3A_475 : memref<1x128xi32, #tpu.memory_space<vmem>> -> memref<128xi32, #tpu.memory_space<vmem>>
    %dma_wait3A_477 = arith.constant 0 : i32
    %dma_wait3A_478 = arith.constant 0 : i32
    %dma_wait3A_479 = tpu.memref_slice %arg3[%dma_wait3A_477, %dma_wait3A_478] : memref<1000000x32xf32, #tpu.memory_space<hbm>> -> memref<1000000x32xf32, #tpu.memory_space<hbm>>
    tpu.wait_indirect_dma semaphore(%arg10 : memref<!tpu.dma_semaphore, #tpu.memory_space<semaphore_mem>>) src(%dma_wait3A_479 : memref<1000000x32xf32, #tpu.memory_space<hbm>>) dst(%dma_wait3A_473 : memref<128x32xf32, #tpu.memory_space<vmem>>)
    %dma_wait3A_480 = arith.constant 2 : i32
    %dma_wait3A_481 = arith.constant 2 : i32
    %dma_wait3A_482 = arith.constant 0 : i32
    %dma_wait3A_483 = arith.constant 0 : i32
    %dma_wait3A_484 = tpu.memref_slice %arg8[%dma_wait3A_481, %dma_wait3A_482, %dma_wait3A_483] : memref<8x128x32xf32, #tpu.memory_space<vmem>> -> memref<1x128x32xf32, #tpu.memory_space<vmem>>
    %dma_wait3A_485 = tpu.memref_squeeze %dma_wait3A_484 : memref<1x128x32xf32, #tpu.memory_space<vmem>> -> memref<128x32xf32, #tpu.memory_space<vmem>>
    %dma_wait3A_486 = arith.constant 0 : i32
    %dma_wait3A_487 = tpu.memref_slice %arg6[%dma_wait3A_480, %dma_wait3A_486] : memref<8x128xi32, #tpu.memory_space<vmem>> -> memref<1x128xi32, #tpu.memory_space<vmem>>
    %dma_wait3A_488 = tpu.memref_squeeze %dma_wait3A_487 : memref<1x128xi32, #tpu.memory_space<vmem>> -> memref<128xi32, #tpu.memory_space<vmem>>
    %dma_wait3A_489 = arith.constant 0 : i32
    %dma_wait3A_490 = arith.constant 0 : i32
    %dma_wait3A_491 = tpu.memref_slice %arg3[%dma_wait3A_489, %dma_wait3A_490] : memref<1000000x32xf32, #tpu.memory_space<hbm>> -> memref<1000000x32xf32, #tpu.memory_space<hbm>>
    tpu.wait_indirect_dma semaphore(%arg10 : memref<!tpu.dma_semaphore, #tpu.memory_space<semaphore_mem>>) src(%dma_wait3A_491 : memref<1000000x32xf32, #tpu.memory_space<hbm>>) dst(%dma_wait3A_485 : memref<128x32xf32, #tpu.memory_space<vmem>>)
    %dma_wait3A_492 = arith.constant 3 : i32
    %dma_wait3A_493 = arith.constant 3 : i32
    %dma_wait3A_494 = arith.constant 0 : i32
    %dma_wait3A_495 = arith.constant 0 : i32
    %dma_wait3A_496 = tpu.memref_slice %arg8[%dma_wait3A_493, %dma_wait3A_494, %dma_wait3A_495] : memref<8x128x32xf32, #tpu.memory_space<vmem>> -> memref<1x128x32xf32, #tpu.memory_space<vmem>>
    %dma_wait3A_497 = tpu.memref_squeeze %dma_wait3A_496 : memref<1x128x32xf32, #tpu.memory_space<vmem>> -> memref<128x32xf32, #tpu.memory_space<vmem>>
    %dma_wait3A_498 = arith.constant 0 : i32
    %dma_wait3A_499 = tpu.memref_slice %arg6[%dma_wait3A_492, %dma_wait3A_498] : memref<8x128xi32, #tpu.memory_space<vmem>> -> memref<1x128xi32, #tpu.memory_space<vmem>>
    %dma_wait3A_500 = tpu.memref_squeeze %dma_wait3A_499 : memref<1x128xi32, #tpu.memory_space<vmem>> -> memref<128xi32, #tpu.memory_space<vmem>>
    %dma_wait3A_501 = arith.constant 0 : i32
    %dma_wait3A_502 = arith.constant 0 : i32
    %dma_wait3A_503 = tpu.memref_slice %arg3[%dma_wait3A_501, %dma_wait3A_502] : memref<1000000x32xf32, #tpu.memory_space<hbm>> -> memref<1000000x32xf32, #tpu.memory_space<hbm>>
    tpu.wait_indirect_dma semaphore(%arg10 : memref<!tpu.dma_semaphore, #tpu.memory_space<semaphore_mem>>) src(%dma_wait3A_503 : memref<1000000x32xf32, #tpu.memory_space<hbm>>) dst(%dma_wait3A_497 : memref<128x32xf32, #tpu.memory_space<vmem>>)
    %dma_wait3A_504 = arith.constant 4 : i32
    %dma_wait3A_505 = arith.constant 4 : i32
    %dma_wait3A_506 = arith.constant 0 : i32
    %dma_wait3A_507 = arith.constant 0 : i32
    %dma_wait3A_508 = tpu.memref_slice %arg8[%dma_wait3A_505, %dma_wait3A_506, %dma_wait3A_507] : memref<8x128x32xf32, #tpu.memory_space<vmem>> -> memref<1x128x32xf32, #tpu.memory_space<vmem>>
    %dma_wait3A_509 = tpu.memref_squeeze %dma_wait3A_508 : memref<1x128x32xf32, #tpu.memory_space<vmem>> -> memref<128x32xf32, #tpu.memory_space<vmem>>
    %dma_wait3A_510 = arith.constant 0 : i32
    %dma_wait3A_511 = tpu.memref_slice %arg6[%dma_wait3A_504, %dma_wait3A_510] : memref<8x128xi32, #tpu.memory_space<vmem>> -> memref<1x128xi32, #tpu.memory_space<vmem>>
    %dma_wait3A_512 = tpu.memref_squeeze %dma_wait3A_511 : memref<1x128xi32, #tpu.memory_space<vmem>> -> memref<128xi32, #tpu.memory_space<vmem>>
    %dma_wait3A_513 = arith.constant 0 : i32
    %dma_wait3A_514 = arith.constant 0 : i32
    %dma_wait3A_515 = tpu.memref_slice %arg3[%dma_wait3A_513, %dma_wait3A_514] : memref<1000000x32xf32, #tpu.memory_space<hbm>> -> memref<1000000x32xf32, #tpu.memory_space<hbm>>
    tpu.wait_indirect_dma semaphore(%arg10 : memref<!tpu.dma_semaphore, #tpu.memory_space<semaphore_mem>>) src(%dma_wait3A_515 : memref<1000000x32xf32, #tpu.memory_space<hbm>>) dst(%dma_wait3A_509 : memref<128x32xf32, #tpu.memory_space<vmem>>)
    %dma_wait3A_516 = arith.constant 5 : i32
    %dma_wait3A_517 = arith.constant 5 : i32
    %dma_wait3A_518 = arith.constant 0 : i32
    %dma_wait3A_519 = arith.constant 0 : i32
    %dma_wait3A_520 = tpu.memref_slice %arg8[%dma_wait3A_517, %dma_wait3A_518, %dma_wait3A_519] : memref<8x128x32xf32, #tpu.memory_space<vmem>> -> memref<1x128x32xf32, #tpu.memory_space<vmem>>
    %dma_wait3A_521 = tpu.memref_squeeze %dma_wait3A_520 : memref<1x128x32xf32, #tpu.memory_space<vmem>> -> memref<128x32xf32, #tpu.memory_space<vmem>>
    %dma_wait3A_522 = arith.constant 0 : i32
    %dma_wait3A_523 = tpu.memref_slice %arg6[%dma_wait3A_516, %dma_wait3A_522] : memref<8x128xi32, #tpu.memory_space<vmem>> -> memref<1x128xi32, #tpu.memory_space<vmem>>
    %dma_wait3A_524 = tpu.memref_squeeze %dma_wait3A_523 : memref<1x128xi32, #tpu.memory_space<vmem>> -> memref<128xi32, #tpu.memory_space<vmem>>
    %dma_wait3A_525 = arith.constant 0 : i32
    %dma_wait3A_526 = arith.constant 0 : i32
    %dma_wait3A_527 = tpu.memref_slice %arg3[%dma_wait3A_525, %dma_wait3A_526] : memref<1000000x32xf32, #tpu.memory_space<hbm>> -> memref<1000000x32xf32, #tpu.memory_space<hbm>>
    tpu.wait_indirect_dma semaphore(%arg10 : memref<!tpu.dma_semaphore, #tpu.memory_space<semaphore_mem>>) src(%dma_wait3A_527 : memref<1000000x32xf32, #tpu.memory_space<hbm>>) dst(%dma_wait3A_521 : memref<128x32xf32, #tpu.memory_space<vmem>>)
    %dma_wait3A_528 = arith.constant 6 : i32
    %dma_wait3A_529 = arith.constant 6 : i32
    %dma_wait3A_530 = arith.constant 0 : i32
    %dma_wait3A_531 = arith.constant 0 : i32
    %dma_wait3A_532 = tpu.memref_slice %arg8[%dma_wait3A_529, %dma_wait3A_530, %dma_wait3A_531] : memref<8x128x32xf32, #tpu.memory_space<vmem>> -> memref<1x128x32xf32, #tpu.memory_space<vmem>>
    %dma_wait3A_533 = tpu.memref_squeeze %dma_wait3A_532 : memref<1x128x32xf32, #tpu.memory_space<vmem>> -> memref<128x32xf32, #tpu.memory_space<vmem>>
    %dma_wait3A_534 = arith.constant 0 : i32
    %dma_wait3A_535 = tpu.memref_slice %arg6[%dma_wait3A_528, %dma_wait3A_534] : memref<8x128xi32, #tpu.memory_space<vmem>> -> memref<1x128xi32, #tpu.memory_space<vmem>>
    %dma_wait3A_536 = tpu.memref_squeeze %dma_wait3A_535 : memref<1x128xi32, #tpu.memory_space<vmem>> -> memref<128xi32, #tpu.memory_space<vmem>>
    %dma_wait3A_537 = arith.constant 0 : i32
    %dma_wait3A_538 = arith.constant 0 : i32
    %dma_wait3A_539 = tpu.memref_slice %arg3[%dma_wait3A_537, %dma_wait3A_538] : memref<1000000x32xf32, #tpu.memory_space<hbm>> -> memref<1000000x32xf32, #tpu.memory_space<hbm>>
    tpu.wait_indirect_dma semaphore(%arg10 : memref<!tpu.dma_semaphore, #tpu.memory_space<semaphore_mem>>) src(%dma_wait3A_539 : memref<1000000x32xf32, #tpu.memory_space<hbm>>) dst(%dma_wait3A_533 : memref<128x32xf32, #tpu.memory_space<vmem>>)
    %dma_wait3A_540 = arith.constant 7 : i32
    %dma_wait3A_541 = arith.constant 7 : i32
    %dma_wait3A_542 = arith.constant 0 : i32
    %dma_wait3A_543 = arith.constant 0 : i32
    %dma_wait3A_544 = tpu.memref_slice %arg8[%dma_wait3A_541, %dma_wait3A_542, %dma_wait3A_543] : memref<8x128x32xf32, #tpu.memory_space<vmem>> -> memref<1x128x32xf32, #tpu.memory_space<vmem>>
    %dma_wait3A_545 = tpu.memref_squeeze %dma_wait3A_544 : memref<1x128x32xf32, #tpu.memory_space<vmem>> -> memref<128x32xf32, #tpu.memory_space<vmem>>
    %dma_wait3A_546 = arith.constant 0 : i32
    %dma_wait3A_547 = tpu.memref_slice %arg6[%dma_wait3A_540, %dma_wait3A_546] : memref<8x128xi32, #tpu.memory_space<vmem>> -> memref<1x128xi32, #tpu.memory_space<vmem>>
    %dma_wait3A_548 = tpu.memref_squeeze %dma_wait3A_547 : memref<1x128xi32, #tpu.memory_space<vmem>> -> memref<128xi32, #tpu.memory_space<vmem>>
    %dma_wait3A_549 = arith.constant 0 : i32
    %dma_wait3A_550 = arith.constant 0 : i32
    %dma_wait3A_551 = tpu.memref_slice %arg3[%dma_wait3A_549, %dma_wait3A_550] : memref<1000000x32xf32, #tpu.memory_space<hbm>> -> memref<1000000x32xf32, #tpu.memory_space<hbm>>
    tpu.wait_indirect_dma semaphore(%arg10 : memref<!tpu.dma_semaphore, #tpu.memory_space<semaphore_mem>>) src(%dma_wait3A_551 : memref<1000000x32xf32, #tpu.memory_space<hbm>>) dst(%dma_wait3A_545 : memref<128x32xf32, #tpu.memory_space<vmem>>)
    %mul3A_552 = arith.constant 4 : i32
    %mul3A_553 = arith.muli %mul3A_552, %add3A : i32
    %add3A_554 = arith.constant 3 : i32
    %add3A_555 = arith.addi %mul3A_553, %add3A_554 : i32
    %mul3A_556 = arith.constant 128 : i32
    %mul3A_557 = arith.muli %add3A_555, %mul3A_556 : i32
    %dma_start3A_558 = arith.constant 0 : i32
    %dma_start3A_559 = arith.constant 192 : i32
    %dma_start3A_560 = arith.constant 0 : i32
    %dma_start3A_561 = arith.constant 0 : i32
    %dma_start3A_562 = tpu.memref_slice %arg8[%dma_start3A_558, %dma_start3A_560, %dma_start3A_561] : memref<8x128x32xf32, #tpu.memory_space<vmem>> -> memref<1x128x32xf32, #tpu.memory_space<vmem>>
    %dma_start3A_563 = tpu.memref_squeeze %dma_start3A_562 : memref<1x128x32xf32, #tpu.memory_space<vmem>> -> memref<128x32xf32, #tpu.memory_space<vmem>>
    %dma_start3A_564 = arith.constant 0 : i32
    %dma_start3A_565 = tpu.memref_slice %arg4[%mul3A_557, %dma_start3A_559, %dma_start3A_564] : memref<16384x200x32xf32, #tpu.memory_space<hbm>> -> memref<128x1x32xf32, #tpu.memory_space<hbm>>
    %dma_start3A_566 = tpu.memref_squeeze %dma_start3A_565 : memref<128x1x32xf32, #tpu.memory_space<hbm>> -> memref<128x32xf32, #tpu.memory_space<hbm>>
    %dma_start3A_567 = arith.constant 0 : i32
    %dma_start3A_568 = tpu.memref_slice %arg4[%mul3A_557, %dma_start3A_559, %dma_start3A_567] : memref<16384x200x32xf32, #tpu.memory_space<hbm>> -> memref<128x1x32xf32, #tpu.memory_space<hbm>>
    %dma_start3A_569 = tpu.memref_squeeze %dma_start3A_568 : memref<128x1x32xf32, #tpu.memory_space<hbm>> -> memref<128x32xf32, #tpu.memory_space<hbm>>
    %dma_start3A_570 = arith.constant 0 : i32
    %dma_start3A_571 = arith.constant 0 : i32
    %dma_start3A_572 = tpu.memref_slice %arg8[%dma_start3A_558, %dma_start3A_570, %dma_start3A_571] : memref<8x128x32xf32, #tpu.memory_space<vmem>> -> memref<1x128x32xf32, #tpu.memory_space<vmem>>
    %dma_start3A_573 = tpu.memref_squeeze %dma_start3A_572 : memref<1x128x32xf32, #tpu.memory_space<vmem>> -> memref<128x32xf32, #tpu.memory_space<vmem>>
    tpu.enqueue_dma source(%dma_start3A_573 : memref<128x32xf32, #tpu.memory_space<vmem>>) target(%dma_start3A_569 : memref<128x32xf32, #tpu.memory_space<hbm>>) target_semaphore(%arg12 : memref<!tpu.dma_semaphore, #tpu.memory_space<semaphore_mem>>)
    %mul3A_574 = arith.constant 128 : i32
    %mul3A_575 = arith.muli %add3A_555, %mul3A_574 : i32
    %dma_start3A_576 = arith.constant 1 : i32
    %dma_start3A_577 = arith.constant 193 : i32
    %dma_start3A_578 = arith.constant 0 : i32
    %dma_start3A_579 = arith.constant 0 : i32
    %dma_start3A_580 = tpu.memref_slice %arg8[%dma_start3A_576, %dma_start3A_578, %dma_start3A_579] : memref<8x128x32xf32, #tpu.memory_space<vmem>> -> memref<1x128x32xf32, #tpu.memory_space<vmem>>
    %dma_start3A_581 = tpu.memref_squeeze %dma_start3A_580 : memref<1x128x32xf32, #tpu.memory_space<vmem>> -> memref<128x32xf32, #tpu.memory_space<vmem>>
    %dma_start3A_582 = arith.constant 0 : i32
    %dma_start3A_583 = tpu.memref_slice %arg4[%mul3A_575, %dma_start3A_577, %dma_start3A_582] : memref<16384x200x32xf32, #tpu.memory_space<hbm>> -> memref<128x1x32xf32, #tpu.memory_space<hbm>>
    %dma_start3A_584 = tpu.memref_squeeze %dma_start3A_583 : memref<128x1x32xf32, #tpu.memory_space<hbm>> -> memref<128x32xf32, #tpu.memory_space<hbm>>
    %dma_start3A_585 = arith.constant 0 : i32
    %dma_start3A_586 = tpu.memref_slice %arg4[%mul3A_575, %dma_start3A_577, %dma_start3A_585] : memref<16384x200x32xf32, #tpu.memory_space<hbm>> -> memref<128x1x32xf32, #tpu.memory_space<hbm>>
    %dma_start3A_587 = tpu.memref_squeeze %dma_start3A_586 : memref<128x1x32xf32, #tpu.memory_space<hbm>> -> memref<128x32xf32, #tpu.memory_space<hbm>>
    %dma_start3A_588 = arith.constant 0 : i32
    %dma_start3A_589 = arith.constant 0 : i32
    %dma_start3A_590 = tpu.memref_slice %arg8[%dma_start3A_576, %dma_start3A_588, %dma_start3A_589] : memref<8x128x32xf32, #tpu.memory_space<vmem>> -> memref<1x128x32xf32, #tpu.memory_space<vmem>>
    %dma_start3A_591 = tpu.memref_squeeze %dma_start3A_590 : memref<1x128x32xf32, #tpu.memory_space<vmem>> -> memref<128x32xf32, #tpu.memory_space<vmem>>
    tpu.enqueue_dma source(%dma_start3A_591 : memref<128x32xf32, #tpu.memory_space<vmem>>) target(%dma_start3A_587 : memref<128x32xf32, #tpu.memory_space<hbm>>) target_semaphore(%arg12 : memref<!tpu.dma_semaphore, #tpu.memory_space<semaphore_mem>>)
    %mul3A_592 = arith.constant 128 : i32
    %mul3A_593 = arith.muli %add3A_555, %mul3A_592 : i32
    %dma_start3A_594 = arith.constant 2 : i32
    %dma_start3A_595 = arith.constant 194 : i32
    %dma_start3A_596 = arith.constant 0 : i32
    %dma_start3A_597 = arith.constant 0 : i32
    %dma_start3A_598 = tpu.memref_slice %arg8[%dma_start3A_594, %dma_start3A_596, %dma_start3A_597] : memref<8x128x32xf32, #tpu.memory_space<vmem>> -> memref<1x128x32xf32, #tpu.memory_space<vmem>>
    %dma_start3A_599 = tpu.memref_squeeze %dma_start3A_598 : memref<1x128x32xf32, #tpu.memory_space<vmem>> -> memref<128x32xf32, #tpu.memory_space<vmem>>
    %dma_start3A_600 = arith.constant 0 : i32
    %dma_start3A_601 = tpu.memref_slice %arg4[%mul3A_593, %dma_start3A_595, %dma_start3A_600] : memref<16384x200x32xf32, #tpu.memory_space<hbm>> -> memref<128x1x32xf32, #tpu.memory_space<hbm>>
    %dma_start3A_602 = tpu.memref_squeeze %dma_start3A_601 : memref<128x1x32xf32, #tpu.memory_space<hbm>> -> memref<128x32xf32, #tpu.memory_space<hbm>>
    %dma_start3A_603 = arith.constant 0 : i32
    %dma_start3A_604 = tpu.memref_slice %arg4[%mul3A_593, %dma_start3A_595, %dma_start3A_603] : memref<16384x200x32xf32, #tpu.memory_space<hbm>> -> memref<128x1x32xf32, #tpu.memory_space<hbm>>
    %dma_start3A_605 = tpu.memref_squeeze %dma_start3A_604 : memref<128x1x32xf32, #tpu.memory_space<hbm>> -> memref<128x32xf32, #tpu.memory_space<hbm>>
    %dma_start3A_606 = arith.constant 0 : i32
    %dma_start3A_607 = arith.constant 0 : i32
    %dma_start3A_608 = tpu.memref_slice %arg8[%dma_start3A_594, %dma_start3A_606, %dma_start3A_607] : memref<8x128x32xf32, #tpu.memory_space<vmem>> -> memref<1x128x32xf32, #tpu.memory_space<vmem>>
    %dma_start3A_609 = tpu.memref_squeeze %dma_start3A_608 : memref<1x128x32xf32, #tpu.memory_space<vmem>> -> memref<128x32xf32, #tpu.memory_space<vmem>>
    tpu.enqueue_dma source(%dma_start3A_609 : memref<128x32xf32, #tpu.memory_space<vmem>>) target(%dma_start3A_605 : memref<128x32xf32, #tpu.memory_space<hbm>>) target_semaphore(%arg12 : memref<!tpu.dma_semaphore, #tpu.memory_space<semaphore_mem>>)
    %mul3A_610 = arith.constant 128 : i32
    %mul3A_611 = arith.muli %add3A_555, %mul3A_610 : i32
    %dma_start3A_612 = arith.constant 3 : i32
    %dma_start3A_613 = arith.constant 195 : i32
    %dma_start3A_614 = arith.constant 0 : i32
    %dma_start3A_615 = arith.constant 0 : i32
    %dma_start3A_616 = tpu.memref_slice %arg8[%dma_start3A_612, %dma_start3A_614, %dma_start3A_615] : memref<8x128x32xf32, #tpu.memory_space<vmem>> -> memref<1x128x32xf32, #tpu.memory_space<vmem>>
    %dma_start3A_617 = tpu.memref_squeeze %dma_start3A_616 : memref<1x128x32xf32, #tpu.memory_space<vmem>> -> memref<128x32xf32, #tpu.memory_space<vmem>>
    %dma_start3A_618 = arith.constant 0 : i32
    %dma_start3A_619 = tpu.memref_slice %arg4[%mul3A_611, %dma_start3A_613, %dma_start3A_618] : memref<16384x200x32xf32, #tpu.memory_space<hbm>> -> memref<128x1x32xf32, #tpu.memory_space<hbm>>
    %dma_start3A_620 = tpu.memref_squeeze %dma_start3A_619 : memref<128x1x32xf32, #tpu.memory_space<hbm>> -> memref<128x32xf32, #tpu.memory_space<hbm>>
    %dma_start3A_621 = arith.constant 0 : i32
    %dma_start3A_622 = tpu.memref_slice %arg4[%mul3A_611, %dma_start3A_613, %dma_start3A_621] : memref<16384x200x32xf32, #tpu.memory_space<hbm>> -> memref<128x1x32xf32, #tpu.memory_space<hbm>>
    %dma_start3A_623 = tpu.memref_squeeze %dma_start3A_622 : memref<128x1x32xf32, #tpu.memory_space<hbm>> -> memref<128x32xf32, #tpu.memory_space<hbm>>
    %dma_start3A_624 = arith.constant 0 : i32
    %dma_start3A_625 = arith.constant 0 : i32
    %dma_start3A_626 = tpu.memref_slice %arg8[%dma_start3A_612, %dma_start3A_624, %dma_start3A_625] : memref<8x128x32xf32, #tpu.memory_space<vmem>> -> memref<1x128x32xf32, #tpu.memory_space<vmem>>
    %dma_start3A_627 = tpu.memref_squeeze %dma_start3A_626 : memref<1x128x32xf32, #tpu.memory_space<vmem>> -> memref<128x32xf32, #tpu.memory_space<vmem>>
    tpu.enqueue_dma source(%dma_start3A_627 : memref<128x32xf32, #tpu.memory_space<vmem>>) target(%dma_start3A_623 : memref<128x32xf32, #tpu.memory_space<hbm>>) target_semaphore(%arg12 : memref<!tpu.dma_semaphore, #tpu.memory_space<semaphore_mem>>)
    %mul3A_628 = arith.constant 128 : i32
    %mul3A_629 = arith.muli %add3A_555, %mul3A_628 : i32
    %dma_start3A_630 = arith.constant 4 : i32
    %dma_start3A_631 = arith.constant 196 : i32
    %dma_start3A_632 = arith.constant 0 : i32
    %dma_start3A_633 = arith.constant 0 : i32
    %dma_start3A_634 = tpu.memref_slice %arg8[%dma_start3A_630, %dma_start3A_632, %dma_start3A_633] : memref<8x128x32xf32, #tpu.memory_space<vmem>> -> memref<1x128x32xf32, #tpu.memory_space<vmem>>
    %dma_start3A_635 = tpu.memref_squeeze %dma_start3A_634 : memref<1x128x32xf32, #tpu.memory_space<vmem>> -> memref<128x32xf32, #tpu.memory_space<vmem>>
    %dma_start3A_636 = arith.constant 0 : i32
    %dma_start3A_637 = tpu.memref_slice %arg4[%mul3A_629, %dma_start3A_631, %dma_start3A_636] : memref<16384x200x32xf32, #tpu.memory_space<hbm>> -> memref<128x1x32xf32, #tpu.memory_space<hbm>>
    %dma_start3A_638 = tpu.memref_squeeze %dma_start3A_637 : memref<128x1x32xf32, #tpu.memory_space<hbm>> -> memref<128x32xf32, #tpu.memory_space<hbm>>
    %dma_start3A_639 = arith.constant 0 : i32
    %dma_start3A_640 = tpu.memref_slice %arg4[%mul3A_629, %dma_start3A_631, %dma_start3A_639] : memref<16384x200x32xf32, #tpu.memory_space<hbm>> -> memref<128x1x32xf32, #tpu.memory_space<hbm>>
    %dma_start3A_641 = tpu.memref_squeeze %dma_start3A_640 : memref<128x1x32xf32, #tpu.memory_space<hbm>> -> memref<128x32xf32, #tpu.memory_space<hbm>>
    %dma_start3A_642 = arith.constant 0 : i32
    %dma_start3A_643 = arith.constant 0 : i32
    %dma_start3A_644 = tpu.memref_slice %arg8[%dma_start3A_630, %dma_start3A_642, %dma_start3A_643] : memref<8x128x32xf32, #tpu.memory_space<vmem>> -> memref<1x128x32xf32, #tpu.memory_space<vmem>>
    %dma_start3A_645 = tpu.memref_squeeze %dma_start3A_644 : memref<1x128x32xf32, #tpu.memory_space<vmem>> -> memref<128x32xf32, #tpu.memory_space<vmem>>
    tpu.enqueue_dma source(%dma_start3A_645 : memref<128x32xf32, #tpu.memory_space<vmem>>) target(%dma_start3A_641 : memref<128x32xf32, #tpu.memory_space<hbm>>) target_semaphore(%arg12 : memref<!tpu.dma_semaphore, #tpu.memory_space<semaphore_mem>>)
    %mul3A_646 = arith.constant 128 : i32
    %mul3A_647 = arith.muli %add3A_555, %mul3A_646 : i32
    %dma_start3A_648 = arith.constant 5 : i32
    %dma_start3A_649 = arith.constant 197 : i32
    %dma_start3A_650 = arith.constant 0 : i32
    %dma_start3A_651 = arith.constant 0 : i32
    %dma_start3A_652 = tpu.memref_slice %arg8[%dma_start3A_648, %dma_start3A_650, %dma_start3A_651] : memref<8x128x32xf32, #tpu.memory_space<vmem>> -> memref<1x128x32xf32, #tpu.memory_space<vmem>>
    %dma_start3A_653 = tpu.memref_squeeze %dma_start3A_652 : memref<1x128x32xf32, #tpu.memory_space<vmem>> -> memref<128x32xf32, #tpu.memory_space<vmem>>
    %dma_start3A_654 = arith.constant 0 : i32
    %dma_start3A_655 = tpu.memref_slice %arg4[%mul3A_647, %dma_start3A_649, %dma_start3A_654] : memref<16384x200x32xf32, #tpu.memory_space<hbm>> -> memref<128x1x32xf32, #tpu.memory_space<hbm>>
    %dma_start3A_656 = tpu.memref_squeeze %dma_start3A_655 : memref<128x1x32xf32, #tpu.memory_space<hbm>> -> memref<128x32xf32, #tpu.memory_space<hbm>>
    %dma_start3A_657 = arith.constant 0 : i32
    %dma_start3A_658 = tpu.memref_slice %arg4[%mul3A_647, %dma_start3A_649, %dma_start3A_657] : memref<16384x200x32xf32, #tpu.memory_space<hbm>> -> memref<128x1x32xf32, #tpu.memory_space<hbm>>
    %dma_start3A_659 = tpu.memref_squeeze %dma_start3A_658 : memref<128x1x32xf32, #tpu.memory_space<hbm>> -> memref<128x32xf32, #tpu.memory_space<hbm>>
    %dma_start3A_660 = arith.constant 0 : i32
    %dma_start3A_661 = arith.constant 0 : i32
    %dma_start3A_662 = tpu.memref_slice %arg8[%dma_start3A_648, %dma_start3A_660, %dma_start3A_661] : memref<8x128x32xf32, #tpu.memory_space<vmem>> -> memref<1x128x32xf32, #tpu.memory_space<vmem>>
    %dma_start3A_663 = tpu.memref_squeeze %dma_start3A_662 : memref<1x128x32xf32, #tpu.memory_space<vmem>> -> memref<128x32xf32, #tpu.memory_space<vmem>>
    tpu.enqueue_dma source(%dma_start3A_663 : memref<128x32xf32, #tpu.memory_space<vmem>>) target(%dma_start3A_659 : memref<128x32xf32, #tpu.memory_space<hbm>>) target_semaphore(%arg12 : memref<!tpu.dma_semaphore, #tpu.memory_space<semaphore_mem>>)
    %mul3A_664 = arith.constant 128 : i32
    %mul3A_665 = arith.muli %add3A_555, %mul3A_664 : i32
    %dma_start3A_666 = arith.constant 6 : i32
    %dma_start3A_667 = arith.constant 198 : i32
    %dma_start3A_668 = arith.constant 0 : i32
    %dma_start3A_669 = arith.constant 0 : i32
    %dma_start3A_670 = tpu.memref_slice %arg8[%dma_start3A_666, %dma_start3A_668, %dma_start3A_669] : memref<8x128x32xf32, #tpu.memory_space<vmem>> -> memref<1x128x32xf32, #tpu.memory_space<vmem>>
    %dma_start3A_671 = tpu.memref_squeeze %dma_start3A_670 : memref<1x128x32xf32, #tpu.memory_space<vmem>> -> memref<128x32xf32, #tpu.memory_space<vmem>>
    %dma_start3A_672 = arith.constant 0 : i32
    %dma_start3A_673 = tpu.memref_slice %arg4[%mul3A_665, %dma_start3A_667, %dma_start3A_672] : memref<16384x200x32xf32, #tpu.memory_space<hbm>> -> memref<128x1x32xf32, #tpu.memory_space<hbm>>
    %dma_start3A_674 = tpu.memref_squeeze %dma_start3A_673 : memref<128x1x32xf32, #tpu.memory_space<hbm>> -> memref<128x32xf32, #tpu.memory_space<hbm>>
    %dma_start3A_675 = arith.constant 0 : i32
    %dma_start3A_676 = tpu.memref_slice %arg4[%mul3A_665, %dma_start3A_667, %dma_start3A_675] : memref<16384x200x32xf32, #tpu.memory_space<hbm>> -> memref<128x1x32xf32, #tpu.memory_space<hbm>>
    %dma_start3A_677 = tpu.memref_squeeze %dma_start3A_676 : memref<128x1x32xf32, #tpu.memory_space<hbm>> -> memref<128x32xf32, #tpu.memory_space<hbm>>
    %dma_start3A_678 = arith.constant 0 : i32
    %dma_start3A_679 = arith.constant 0 : i32
    %dma_start3A_680 = tpu.memref_slice %arg8[%dma_start3A_666, %dma_start3A_678, %dma_start3A_679] : memref<8x128x32xf32, #tpu.memory_space<vmem>> -> memref<1x128x32xf32, #tpu.memory_space<vmem>>
    %dma_start3A_681 = tpu.memref_squeeze %dma_start3A_680 : memref<1x128x32xf32, #tpu.memory_space<vmem>> -> memref<128x32xf32, #tpu.memory_space<vmem>>
    tpu.enqueue_dma source(%dma_start3A_681 : memref<128x32xf32, #tpu.memory_space<vmem>>) target(%dma_start3A_677 : memref<128x32xf32, #tpu.memory_space<hbm>>) target_semaphore(%arg12 : memref<!tpu.dma_semaphore, #tpu.memory_space<semaphore_mem>>)
    %mul3A_682 = arith.constant 128 : i32
    %mul3A_683 = arith.muli %add3A_555, %mul3A_682 : i32
    %dma_start3A_684 = arith.constant 7 : i32
    %dma_start3A_685 = arith.constant 199 : i32
    %dma_start3A_686 = arith.constant 0 : i32
    %dma_start3A_687 = arith.constant 0 : i32
    %dma_start3A_688 = tpu.memref_slice %arg8[%dma_start3A_684, %dma_start3A_686, %dma_start3A_687] : memref<8x128x32xf32, #tpu.memory_space<vmem>> -> memref<1x128x32xf32, #tpu.memory_space<vmem>>
    %dma_start3A_689 = tpu.memref_squeeze %dma_start3A_688 : memref<1x128x32xf32, #tpu.memory_space<vmem>> -> memref<128x32xf32, #tpu.memory_space<vmem>>
    %dma_start3A_690 = arith.constant 0 : i32
    %dma_start3A_691 = tpu.memref_slice %arg4[%mul3A_683, %dma_start3A_685, %dma_start3A_690] : memref<16384x200x32xf32, #tpu.memory_space<hbm>> -> memref<128x1x32xf32, #tpu.memory_space<hbm>>
    %dma_start3A_692 = tpu.memref_squeeze %dma_start3A_691 : memref<128x1x32xf32, #tpu.memory_space<hbm>> -> memref<128x32xf32, #tpu.memory_space<hbm>>
    %dma_start3A_693 = arith.constant 0 : i32
    %dma_start3A_694 = tpu.memref_slice %arg4[%mul3A_683, %dma_start3A_685, %dma_start3A_693] : memref<16384x200x32xf32, #tpu.memory_space<hbm>> -> memref<128x1x32xf32, #tpu.memory_space<hbm>>
    %dma_start3A_695 = tpu.memref_squeeze %dma_start3A_694 : memref<128x1x32xf32, #tpu.memory_space<hbm>> -> memref<128x32xf32, #tpu.memory_space<hbm>>
    %dma_start3A_696 = arith.constant 0 : i32
    %dma_start3A_697 = arith.constant 0 : i32
    %dma_start3A_698 = tpu.memref_slice %arg8[%dma_start3A_684, %dma_start3A_696, %dma_start3A_697] : memref<8x128x32xf32, #tpu.memory_space<vmem>> -> memref<1x128x32xf32, #tpu.memory_space<vmem>>
    %dma_start3A_699 = tpu.memref_squeeze %dma_start3A_698 : memref<1x128x32xf32, #tpu.memory_space<vmem>> -> memref<128x32xf32, #tpu.memory_space<vmem>>
    tpu.enqueue_dma source(%dma_start3A_699 : memref<128x32xf32, #tpu.memory_space<vmem>>) target(%dma_start3A_695 : memref<128x32xf32, #tpu.memory_space<hbm>>) target_semaphore(%arg12 : memref<!tpu.dma_semaphore, #tpu.memory_space<semaphore_mem>>)
    %dma_wait3A_700 = arith.constant 0 : i32
    %dma_wait3A_701 = arith.constant 0 : i32
    %dma_wait3A_702 = arith.constant 0 : i32
    %dma_wait3A_703 = arith.constant 0 : i32
    %dma_wait3A_704 = tpu.memref_slice %arg7[%dma_wait3A_700, %dma_wait3A_702, %dma_wait3A_703] : memref<8x128x32xf32, #tpu.memory_space<vmem>> -> memref<1x128x32xf32, #tpu.memory_space<vmem>>
    %dma_wait3A_705 = tpu.memref_squeeze %dma_wait3A_704 : memref<1x128x32xf32, #tpu.memory_space<vmem>> -> memref<128x32xf32, #tpu.memory_space<vmem>>
    %dma_wait3A_706 = arith.constant 0 : i32
    %dma_wait3A_707 = arith.constant 0 : i32
    %dma_wait3A_708 = tpu.memref_slice %arg4[%dma_wait3A_706, %dma_wait3A_701, %dma_wait3A_707] : memref<16384x200x32xf32, #tpu.memory_space<hbm>> -> memref<128x1x32xf32, #tpu.memory_space<hbm>>
    %dma_wait3A_709 = tpu.memref_squeeze %dma_wait3A_708 : memref<128x1x32xf32, #tpu.memory_space<hbm>> -> memref<128x32xf32, #tpu.memory_space<hbm>>
    %dma_wait3A_710 = arith.constant 0 : i32
    %dma_wait3A_711 = arith.constant 0 : i32
    %dma_wait3A_712 = tpu.memref_slice %arg4[%dma_wait3A_710, %dma_wait3A_701, %dma_wait3A_711] : memref<16384x200x32xf32, #tpu.memory_space<hbm>> -> memref<128x1x32xf32, #tpu.memory_space<hbm>>
    %dma_wait3A_713 = tpu.memref_squeeze %dma_wait3A_712 : memref<128x1x32xf32, #tpu.memory_space<hbm>> -> memref<128x32xf32, #tpu.memory_space<hbm>>
    %dma_wait3A_714 = arith.constant 0 : i32
    %dma_wait3A_715 = arith.constant 0 : i32
    %dma_wait3A_716 = tpu.memref_slice %arg7[%dma_wait3A_700, %dma_wait3A_714, %dma_wait3A_715] : memref<8x128x32xf32, #tpu.memory_space<vmem>> -> memref<1x128x32xf32, #tpu.memory_space<vmem>>
    %dma_wait3A_717 = tpu.memref_squeeze %dma_wait3A_716 : memref<1x128x32xf32, #tpu.memory_space<vmem>> -> memref<128x32xf32, #tpu.memory_space<vmem>>
    tpu.wait_dma2 semaphore(%arg11 : memref<!tpu.dma_semaphore, #tpu.memory_space<semaphore_mem>>) src(%dma_wait3A_717 : memref<128x32xf32, #tpu.memory_space<vmem>>) dst(%dma_wait3A_713 : memref<128x32xf32, #tpu.memory_space<hbm>>)
    %dma_wait3A_718 = arith.constant 1 : i32
    %dma_wait3A_719 = arith.constant 1 : i32
    %dma_wait3A_720 = arith.constant 0 : i32
    %dma_wait3A_721 = arith.constant 0 : i32
    %dma_wait3A_722 = tpu.memref_slice %arg7[%dma_wait3A_718, %dma_wait3A_720, %dma_wait3A_721] : memref<8x128x32xf32, #tpu.memory_space<vmem>> -> memref<1x128x32xf32, #tpu.memory_space<vmem>>
    %dma_wait3A_723 = tpu.memref_squeeze %dma_wait3A_722 : memref<1x128x32xf32, #tpu.memory_space<vmem>> -> memref<128x32xf32, #tpu.memory_space<vmem>>
    %dma_wait3A_724 = arith.constant 0 : i32
    %dma_wait3A_725 = arith.constant 0 : i32
    %dma_wait3A_726 = tpu.memref_slice %arg4[%dma_wait3A_724, %dma_wait3A_719, %dma_wait3A_725] : memref<16384x200x32xf32, #tpu.memory_space<hbm>> -> memref<128x1x32xf32, #tpu.memory_space<hbm>>
    %dma_wait3A_727 = tpu.memref_squeeze %dma_wait3A_726 : memref<128x1x32xf32, #tpu.memory_space<hbm>> -> memref<128x32xf32, #tpu.memory_space<hbm>>
    %dma_wait3A_728 = arith.constant 0 : i32
    %dma_wait3A_729 = arith.constant 0 : i32
    %dma_wait3A_730 = tpu.memref_slice %arg4[%dma_wait3A_728, %dma_wait3A_719, %dma_wait3A_729] : memref<16384x200x32xf32, #tpu.memory_space<hbm>> -> memref<128x1x32xf32, #tpu.memory_space<hbm>>
    %dma_wait3A_731 = tpu.memref_squeeze %dma_wait3A_730 : memref<128x1x32xf32, #tpu.memory_space<hbm>> -> memref<128x32xf32, #tpu.memory_space<hbm>>
    %dma_wait3A_732 = arith.constant 0 : i32
    %dma_wait3A_733 = arith.constant 0 : i32
    %dma_wait3A_734 = tpu.memref_slice %arg7[%dma_wait3A_718, %dma_wait3A_732, %dma_wait3A_733] : memref<8x128x32xf32, #tpu.memory_space<vmem>> -> memref<1x128x32xf32, #tpu.memory_space<vmem>>
    %dma_wait3A_735 = tpu.memref_squeeze %dma_wait3A_734 : memref<1x128x32xf32, #tpu.memory_space<vmem>> -> memref<128x32xf32, #tpu.memory_space<vmem>>
    tpu.wait_dma2 semaphore(%arg11 : memref<!tpu.dma_semaphore, #tpu.memory_space<semaphore_mem>>) src(%dma_wait3A_735 : memref<128x32xf32, #tpu.memory_space<vmem>>) dst(%dma_wait3A_731 : memref<128x32xf32, #tpu.memory_space<hbm>>)
    %dma_wait3A_736 = arith.constant 2 : i32
    %dma_wait3A_737 = arith.constant 2 : i32
    %dma_wait3A_738 = arith.constant 0 : i32
    %dma_wait3A_739 = arith.constant 0 : i32
    %dma_wait3A_740 = tpu.memref_slice %arg7[%dma_wait3A_736, %dma_wait3A_738, %dma_wait3A_739] : memref<8x128x32xf32, #tpu.memory_space<vmem>> -> memref<1x128x32xf32, #tpu.memory_space<vmem>>
    %dma_wait3A_741 = tpu.memref_squeeze %dma_wait3A_740 : memref<1x128x32xf32, #tpu.memory_space<vmem>> -> memref<128x32xf32, #tpu.memory_space<vmem>>
    %dma_wait3A_742 = arith.constant 0 : i32
    %dma_wait3A_743 = arith.constant 0 : i32
    %dma_wait3A_744 = tpu.memref_slice %arg4[%dma_wait3A_742, %dma_wait3A_737, %dma_wait3A_743] : memref<16384x200x32xf32, #tpu.memory_space<hbm>> -> memref<128x1x32xf32, #tpu.memory_space<hbm>>
    %dma_wait3A_745 = tpu.memref_squeeze %dma_wait3A_744 : memref<128x1x32xf32, #tpu.memory_space<hbm>> -> memref<128x32xf32, #tpu.memory_space<hbm>>
    %dma_wait3A_746 = arith.constant 0 : i32
    %dma_wait3A_747 = arith.constant 0 : i32
    %dma_wait3A_748 = tpu.memref_slice %arg4[%dma_wait3A_746, %dma_wait3A_737, %dma_wait3A_747] : memref<16384x200x32xf32, #tpu.memory_space<hbm>> -> memref<128x1x32xf32, #tpu.memory_space<hbm>>
    %dma_wait3A_749 = tpu.memref_squeeze %dma_wait3A_748 : memref<128x1x32xf32, #tpu.memory_space<hbm>> -> memref<128x32xf32, #tpu.memory_space<hbm>>
    %dma_wait3A_750 = arith.constant 0 : i32
    %dma_wait3A_751 = arith.constant 0 : i32
    %dma_wait3A_752 = tpu.memref_slice %arg7[%dma_wait3A_736, %dma_wait3A_750, %dma_wait3A_751] : memref<8x128x32xf32, #tpu.memory_space<vmem>> -> memref<1x128x32xf32, #tpu.memory_space<vmem>>
    %dma_wait3A_753 = tpu.memref_squeeze %dma_wait3A_752 : memref<1x128x32xf32, #tpu.memory_space<vmem>> -> memref<128x32xf32, #tpu.memory_space<vmem>>
    tpu.wait_dma2 semaphore(%arg11 : memref<!tpu.dma_semaphore, #tpu.memory_space<semaphore_mem>>) src(%dma_wait3A_753 : memref<128x32xf32, #tpu.memory_space<vmem>>) dst(%dma_wait3A_749 : memref<128x32xf32, #tpu.memory_space<hbm>>)
    %dma_wait3A_754 = arith.constant 3 : i32
    %dma_wait3A_755 = arith.constant 3 : i32
    %dma_wait3A_756 = arith.constant 0 : i32
    %dma_wait3A_757 = arith.constant 0 : i32
    %dma_wait3A_758 = tpu.memref_slice %arg7[%dma_wait3A_754, %dma_wait3A_756, %dma_wait3A_757] : memref<8x128x32xf32, #tpu.memory_space<vmem>> -> memref<1x128x32xf32, #tpu.memory_space<vmem>>
    %dma_wait3A_759 = tpu.memref_squeeze %dma_wait3A_758 : memref<1x128x32xf32, #tpu.memory_space<vmem>> -> memref<128x32xf32, #tpu.memory_space<vmem>>
    %dma_wait3A_760 = arith.constant 0 : i32
    %dma_wait3A_761 = arith.constant 0 : i32
    %dma_wait3A_762 = tpu.memref_slice %arg4[%dma_wait3A_760, %dma_wait3A_755, %dma_wait3A_761] : memref<16384x200x32xf32, #tpu.memory_space<hbm>> -> memref<128x1x32xf32, #tpu.memory_space<hbm>>
    %dma_wait3A_763 = tpu.memref_squeeze %dma_wait3A_762 : memref<128x1x32xf32, #tpu.memory_space<hbm>> -> memref<128x32xf32, #tpu.memory_space<hbm>>
    %dma_wait3A_764 = arith.constant 0 : i32
    %dma_wait3A_765 = arith.constant 0 : i32
    %dma_wait3A_766 = tpu.memref_slice %arg4[%dma_wait3A_764, %dma_wait3A_755, %dma_wait3A_765] : memref<16384x200x32xf32, #tpu.memory_space<hbm>> -> memref<128x1x32xf32, #tpu.memory_space<hbm>>
    %dma_wait3A_767 = tpu.memref_squeeze %dma_wait3A_766 : memref<128x1x32xf32, #tpu.memory_space<hbm>> -> memref<128x32xf32, #tpu.memory_space<hbm>>
    %dma_wait3A_768 = arith.constant 0 : i32
    %dma_wait3A_769 = arith.constant 0 : i32
    %dma_wait3A_770 = tpu.memref_slice %arg7[%dma_wait3A_754, %dma_wait3A_768, %dma_wait3A_769] : memref<8x128x32xf32, #tpu.memory_space<vmem>> -> memref<1x128x32xf32, #tpu.memory_space<vmem>>
    %dma_wait3A_771 = tpu.memref_squeeze %dma_wait3A_770 : memref<1x128x32xf32, #tpu.memory_space<vmem>> -> memref<128x32xf32, #tpu.memory_space<vmem>>
    tpu.wait_dma2 semaphore(%arg11 : memref<!tpu.dma_semaphore, #tpu.memory_space<semaphore_mem>>) src(%dma_wait3A_771 : memref<128x32xf32, #tpu.memory_space<vmem>>) dst(%dma_wait3A_767 : memref<128x32xf32, #tpu.memory_space<hbm>>)
    %dma_wait3A_772 = arith.constant 4 : i32
    %dma_wait3A_773 = arith.constant 4 : i32
    %dma_wait3A_774 = arith.constant 0 : i32
    %dma_wait3A_775 = arith.constant 0 : i32
    %dma_wait3A_776 = tpu.memref_slice %arg7[%dma_wait3A_772, %dma_wait3A_774, %dma_wait3A_775] : memref<8x128x32xf32, #tpu.memory_space<vmem>> -> memref<1x128x32xf32, #tpu.memory_space<vmem>>
    %dma_wait3A_777 = tpu.memref_squeeze %dma_wait3A_776 : memref<1x128x32xf32, #tpu.memory_space<vmem>> -> memref<128x32xf32, #tpu.memory_space<vmem>>
    %dma_wait3A_778 = arith.constant 0 : i32
    %dma_wait3A_779 = arith.constant 0 : i32
    %dma_wait3A_780 = tpu.memref_slice %arg4[%dma_wait3A_778, %dma_wait3A_773, %dma_wait3A_779] : memref<16384x200x32xf32, #tpu.memory_space<hbm>> -> memref<128x1x32xf32, #tpu.memory_space<hbm>>
    %dma_wait3A_781 = tpu.memref_squeeze %dma_wait3A_780 : memref<128x1x32xf32, #tpu.memory_space<hbm>> -> memref<128x32xf32, #tpu.memory_space<hbm>>
    %dma_wait3A_782 = arith.constant 0 : i32
    %dma_wait3A_783 = arith.constant 0 : i32
    %dma_wait3A_784 = tpu.memref_slice %arg4[%dma_wait3A_782, %dma_wait3A_773, %dma_wait3A_783] : memref<16384x200x32xf32, #tpu.memory_space<hbm>> -> memref<128x1x32xf32, #tpu.memory_space<hbm>>
    %dma_wait3A_785 = tpu.memref_squeeze %dma_wait3A_784 : memref<128x1x32xf32, #tpu.memory_space<hbm>> -> memref<128x32xf32, #tpu.memory_space<hbm>>
    %dma_wait3A_786 = arith.constant 0 : i32
    %dma_wait3A_787 = arith.constant 0 : i32
    %dma_wait3A_788 = tpu.memref_slice %arg7[%dma_wait3A_772, %dma_wait3A_786, %dma_wait3A_787] : memref<8x128x32xf32, #tpu.memory_space<vmem>> -> memref<1x128x32xf32, #tpu.memory_space<vmem>>
    %dma_wait3A_789 = tpu.memref_squeeze %dma_wait3A_788 : memref<1x128x32xf32, #tpu.memory_space<vmem>> -> memref<128x32xf32, #tpu.memory_space<vmem>>
    tpu.wait_dma2 semaphore(%arg11 : memref<!tpu.dma_semaphore, #tpu.memory_space<semaphore_mem>>) src(%dma_wait3A_789 : memref<128x32xf32, #tpu.memory_space<vmem>>) dst(%dma_wait3A_785 : memref<128x32xf32, #tpu.memory_space<hbm>>)
    %dma_wait3A_790 = arith.constant 5 : i32
    %dma_wait3A_791 = arith.constant 5 : i32
    %dma_wait3A_792 = arith.constant 0 : i32
    %dma_wait3A_793 = arith.constant 0 : i32
    %dma_wait3A_794 = tpu.memref_slice %arg7[%dma_wait3A_790, %dma_wait3A_792, %dma_wait3A_793] : memref<8x128x32xf32, #tpu.memory_space<vmem>> -> memref<1x128x32xf32, #tpu.memory_space<vmem>>
    %dma_wait3A_795 = tpu.memref_squeeze %dma_wait3A_794 : memref<1x128x32xf32, #tpu.memory_space<vmem>> -> memref<128x32xf32, #tpu.memory_space<vmem>>
    %dma_wait3A_796 = arith.constant 0 : i32
    %dma_wait3A_797 = arith.constant 0 : i32
    %dma_wait3A_798 = tpu.memref_slice %arg4[%dma_wait3A_796, %dma_wait3A_791, %dma_wait3A_797] : memref<16384x200x32xf32, #tpu.memory_space<hbm>> -> memref<128x1x32xf32, #tpu.memory_space<hbm>>
    %dma_wait3A_799 = tpu.memref_squeeze %dma_wait3A_798 : memref<128x1x32xf32, #tpu.memory_space<hbm>> -> memref<128x32xf32, #tpu.memory_space<hbm>>
    %dma_wait3A_800 = arith.constant 0 : i32
    %dma_wait3A_801 = arith.constant 0 : i32
    %dma_wait3A_802 = tpu.memref_slice %arg4[%dma_wait3A_800, %dma_wait3A_791, %dma_wait3A_801] : memref<16384x200x32xf32, #tpu.memory_space<hbm>> -> memref<128x1x32xf32, #tpu.memory_space<hbm>>
    %dma_wait3A_803 = tpu.memref_squeeze %dma_wait3A_802 : memref<128x1x32xf32, #tpu.memory_space<hbm>> -> memref<128x32xf32, #tpu.memory_space<hbm>>
    %dma_wait3A_804 = arith.constant 0 : i32
    %dma_wait3A_805 = arith.constant 0 : i32
    %dma_wait3A_806 = tpu.memref_slice %arg7[%dma_wait3A_790, %dma_wait3A_804, %dma_wait3A_805] : memref<8x128x32xf32, #tpu.memory_space<vmem>> -> memref<1x128x32xf32, #tpu.memory_space<vmem>>
    %dma_wait3A_807 = tpu.memref_squeeze %dma_wait3A_806 : memref<1x128x32xf32, #tpu.memory_space<vmem>> -> memref<128x32xf32, #tpu.memory_space<vmem>>
    tpu.wait_dma2 semaphore(%arg11 : memref<!tpu.dma_semaphore, #tpu.memory_space<semaphore_mem>>) src(%dma_wait3A_807 : memref<128x32xf32, #tpu.memory_space<vmem>>) dst(%dma_wait3A_803 : memref<128x32xf32, #tpu.memory_space<hbm>>)
    %dma_wait3A_808 = arith.constant 6 : i32
    %dma_wait3A_809 = arith.constant 6 : i32
    %dma_wait3A_810 = arith.constant 0 : i32
    %dma_wait3A_811 = arith.constant 0 : i32
    %dma_wait3A_812 = tpu.memref_slice %arg7[%dma_wait3A_808, %dma_wait3A_810, %dma_wait3A_811] : memref<8x128x32xf32, #tpu.memory_space<vmem>> -> memref<1x128x32xf32, #tpu.memory_space<vmem>>
    %dma_wait3A_813 = tpu.memref_squeeze %dma_wait3A_812 : memref<1x128x32xf32, #tpu.memory_space<vmem>> -> memref<128x32xf32, #tpu.memory_space<vmem>>
    %dma_wait3A_814 = arith.constant 0 : i32
    %dma_wait3A_815 = arith.constant 0 : i32
    %dma_wait3A_816 = tpu.memref_slice %arg4[%dma_wait3A_814, %dma_wait3A_809, %dma_wait3A_815] : memref<16384x200x32xf32, #tpu.memory_space<hbm>> -> memref<128x1x32xf32, #tpu.memory_space<hbm>>
    %dma_wait3A_817 = tpu.memref_squeeze %dma_wait3A_816 : memref<128x1x32xf32, #tpu.memory_space<hbm>> -> memref<128x32xf32, #tpu.memory_space<hbm>>
    %dma_wait3A_818 = arith.constant 0 : i32
    %dma_wait3A_819 = arith.constant 0 : i32
    %dma_wait3A_820 = tpu.memref_slice %arg4[%dma_wait3A_818, %dma_wait3A_809, %dma_wait3A_819] : memref<16384x200x32xf32, #tpu.memory_space<hbm>> -> memref<128x1x32xf32, #tpu.memory_space<hbm>>
    %dma_wait3A_821 = tpu.memref_squeeze %dma_wait3A_820 : memref<128x1x32xf32, #tpu.memory_space<hbm>> -> memref<128x32xf32, #tpu.memory_space<hbm>>
    %dma_wait3A_822 = arith.constant 0 : i32
    %dma_wait3A_823 = arith.constant 0 : i32
    %dma_wait3A_824 = tpu.memref_slice %arg7[%dma_wait3A_808, %dma_wait3A_822, %dma_wait3A_823] : memref<8x128x32xf32, #tpu.memory_space<vmem>> -> memref<1x128x32xf32, #tpu.memory_space<vmem>>
    %dma_wait3A_825 = tpu.memref_squeeze %dma_wait3A_824 : memref<1x128x32xf32, #tpu.memory_space<vmem>> -> memref<128x32xf32, #tpu.memory_space<vmem>>
    tpu.wait_dma2 semaphore(%arg11 : memref<!tpu.dma_semaphore, #tpu.memory_space<semaphore_mem>>) src(%dma_wait3A_825 : memref<128x32xf32, #tpu.memory_space<vmem>>) dst(%dma_wait3A_821 : memref<128x32xf32, #tpu.memory_space<hbm>>)
    %dma_wait3A_826 = arith.constant 7 : i32
    %dma_wait3A_827 = arith.constant 7 : i32
    %dma_wait3A_828 = arith.constant 0 : i32
    %dma_wait3A_829 = arith.constant 0 : i32
    %dma_wait3A_830 = tpu.memref_slice %arg7[%dma_wait3A_826, %dma_wait3A_828, %dma_wait3A_829] : memref<8x128x32xf32, #tpu.memory_space<vmem>> -> memref<1x128x32xf32, #tpu.memory_space<vmem>>
    %dma_wait3A_831 = tpu.memref_squeeze %dma_wait3A_830 : memref<1x128x32xf32, #tpu.memory_space<vmem>> -> memref<128x32xf32, #tpu.memory_space<vmem>>
    %dma_wait3A_832 = arith.constant 0 : i32
    %dma_wait3A_833 = arith.constant 0 : i32
    %dma_wait3A_834 = tpu.memref_slice %arg4[%dma_wait3A_832, %dma_wait3A_827, %dma_wait3A_833] : memref<16384x200x32xf32, #tpu.memory_space<hbm>> -> memref<128x1x32xf32, #tpu.memory_space<hbm>>
    %dma_wait3A_835 = tpu.memref_squeeze %dma_wait3A_834 : memref<128x1x32xf32, #tpu.memory_space<hbm>> -> memref<128x32xf32, #tpu.memory_space<hbm>>
    %dma_wait3A_836 = arith.constant 0 : i32
    %dma_wait3A_837 = arith.constant 0 : i32
    %dma_wait3A_838 = tpu.memref_slice %arg4[%dma_wait3A_836, %dma_wait3A_827, %dma_wait3A_837] : memref<16384x200x32xf32, #tpu.memory_space<hbm>> -> memref<128x1x32xf32, #tpu.memory_space<hbm>>
    %dma_wait3A_839 = tpu.memref_squeeze %dma_wait3A_838 : memref<128x1x32xf32, #tpu.memory_space<hbm>> -> memref<128x32xf32, #tpu.memory_space<hbm>>
    %dma_wait3A_840 = arith.constant 0 : i32
    %dma_wait3A_841 = arith.constant 0 : i32
    %dma_wait3A_842 = tpu.memref_slice %arg7[%dma_wait3A_826, %dma_wait3A_840, %dma_wait3A_841] : memref<8x128x32xf32, #tpu.memory_space<vmem>> -> memref<1x128x32xf32, #tpu.memory_space<vmem>>
    %dma_wait3A_843 = tpu.memref_squeeze %dma_wait3A_842 : memref<1x128x32xf32, #tpu.memory_space<vmem>> -> memref<128x32xf32, #tpu.memory_space<vmem>>
    tpu.wait_dma2 semaphore(%arg11 : memref<!tpu.dma_semaphore, #tpu.memory_space<semaphore_mem>>) src(%dma_wait3A_843 : memref<128x32xf32, #tpu.memory_space<vmem>>) dst(%dma_wait3A_839 : memref<128x32xf32, #tpu.memory_space<hbm>>)
    %dma_wait3A_844 = arith.constant 0 : i32
    %dma_wait3A_845 = arith.constant 0 : i32
    %dma_wait3A_846 = arith.constant 0 : i32
    %dma_wait3A_847 = arith.constant 0 : i32
    %dma_wait3A_848 = tpu.memref_slice %arg8[%dma_wait3A_844, %dma_wait3A_846, %dma_wait3A_847] : memref<8x128x32xf32, #tpu.memory_space<vmem>> -> memref<1x128x32xf32, #tpu.memory_space<vmem>>
    %dma_wait3A_849 = tpu.memref_squeeze %dma_wait3A_848 : memref<1x128x32xf32, #tpu.memory_space<vmem>> -> memref<128x32xf32, #tpu.memory_space<vmem>>
    %dma_wait3A_850 = arith.constant 0 : i32
    %dma_wait3A_851 = arith.constant 0 : i32
    %dma_wait3A_852 = tpu.memref_slice %arg4[%dma_wait3A_850, %dma_wait3A_845, %dma_wait3A_851] : memref<16384x200x32xf32, #tpu.memory_space<hbm>> -> memref<128x1x32xf32, #tpu.memory_space<hbm>>
    %dma_wait3A_853 = tpu.memref_squeeze %dma_wait3A_852 : memref<128x1x32xf32, #tpu.memory_space<hbm>> -> memref<128x32xf32, #tpu.memory_space<hbm>>
    %dma_wait3A_854 = arith.constant 0 : i32
    %dma_wait3A_855 = arith.constant 0 : i32
    %dma_wait3A_856 = tpu.memref_slice %arg4[%dma_wait3A_854, %dma_wait3A_845, %dma_wait3A_855] : memref<16384x200x32xf32, #tpu.memory_space<hbm>> -> memref<128x1x32xf32, #tpu.memory_space<hbm>>
    %dma_wait3A_857 = tpu.memref_squeeze %dma_wait3A_856 : memref<128x1x32xf32, #tpu.memory_space<hbm>> -> memref<128x32xf32, #tpu.memory_space<hbm>>
    %dma_wait3A_858 = arith.constant 0 : i32
    %dma_wait3A_859 = arith.constant 0 : i32
    %dma_wait3A_860 = tpu.memref_slice %arg8[%dma_wait3A_844, %dma_wait3A_858, %dma_wait3A_859] : memref<8x128x32xf32, #tpu.memory_space<vmem>> -> memref<1x128x32xf32, #tpu.memory_space<vmem>>
    %dma_wait3A_861 = tpu.memref_squeeze %dma_wait3A_860 : memref<1x128x32xf32, #tpu.memory_space<vmem>> -> memref<128x32xf32, #tpu.memory_space<vmem>>
    tpu.wait_dma2 semaphore(%arg12 : memref<!tpu.dma_semaphore, #tpu.memory_space<semaphore_mem>>) src(%dma_wait3A_861 : memref<128x32xf32, #tpu.memory_space<vmem>>) dst(%dma_wait3A_857 : memref<128x32xf32, #tpu.memory_space<hbm>>)
    %dma_wait3A_862 = arith.constant 1 : i32
    %dma_wait3A_863 = arith.constant 1 : i32
    %dma_wait3A_864 = arith.constant 0 : i32
    %dma_wait3A_865 = arith.constant 0 : i32
    %dma_wait3A_866 = tpu.memref_slice %arg8[%dma_wait3A_862, %dma_wait3A_864, %dma_wait3A_865] : memref<8x128x32xf32, #tpu.memory_space<vmem>> -> memref<1x128x32xf32, #tpu.memory_space<vmem>>
    %dma_wait3A_867 = tpu.memref_squeeze %dma_wait3A_866 : memref<1x128x32xf32, #tpu.memory_space<vmem>> -> memref<128x32xf32, #tpu.memory_space<vmem>>
    %dma_wait3A_868 = arith.constant 0 : i32
    %dma_wait3A_869 = arith.constant 0 : i32
    %dma_wait3A_870 = tpu.memref_slice %arg4[%dma_wait3A_868, %dma_wait3A_863, %dma_wait3A_869] : memref<16384x200x32xf32, #tpu.memory_space<hbm>> -> memref<128x1x32xf32, #tpu.memory_space<hbm>>
    %dma_wait3A_871 = tpu.memref_squeeze %dma_wait3A_870 : memref<128x1x32xf32, #tpu.memory_space<hbm>> -> memref<128x32xf32, #tpu.memory_space<hbm>>
    %dma_wait3A_872 = arith.constant 0 : i32
    %dma_wait3A_873 = arith.constant 0 : i32
    %dma_wait3A_874 = tpu.memref_slice %arg4[%dma_wait3A_872, %dma_wait3A_863, %dma_wait3A_873] : memref<16384x200x32xf32, #tpu.memory_space<hbm>> -> memref<128x1x32xf32, #tpu.memory_space<hbm>>
    %dma_wait3A_875 = tpu.memref_squeeze %dma_wait3A_874 : memref<128x1x32xf32, #tpu.memory_space<hbm>> -> memref<128x32xf32, #tpu.memory_space<hbm>>
    %dma_wait3A_876 = arith.constant 0 : i32
    %dma_wait3A_877 = arith.constant 0 : i32
    %dma_wait3A_878 = tpu.memref_slice %arg8[%dma_wait3A_862, %dma_wait3A_876, %dma_wait3A_877] : memref<8x128x32xf32, #tpu.memory_space<vmem>> -> memref<1x128x32xf32, #tpu.memory_space<vmem>>
    %dma_wait3A_879 = tpu.memref_squeeze %dma_wait3A_878 : memref<1x128x32xf32, #tpu.memory_space<vmem>> -> memref<128x32xf32, #tpu.memory_space<vmem>>
    tpu.wait_dma2 semaphore(%arg12 : memref<!tpu.dma_semaphore, #tpu.memory_space<semaphore_mem>>) src(%dma_wait3A_879 : memref<128x32xf32, #tpu.memory_space<vmem>>) dst(%dma_wait3A_875 : memref<128x32xf32, #tpu.memory_space<hbm>>)
    %dma_wait3A_880 = arith.constant 2 : i32
    %dma_wait3A_881 = arith.constant 2 : i32
    %dma_wait3A_882 = arith.constant 0 : i32
    %dma_wait3A_883 = arith.constant 0 : i32
    %dma_wait3A_884 = tpu.memref_slice %arg8[%dma_wait3A_880, %dma_wait3A_882, %dma_wait3A_883] : memref<8x128x32xf32, #tpu.memory_space<vmem>> -> memref<1x128x32xf32, #tpu.memory_space<vmem>>
    %dma_wait3A_885 = tpu.memref_squeeze %dma_wait3A_884 : memref<1x128x32xf32, #tpu.memory_space<vmem>> -> memref<128x32xf32, #tpu.memory_space<vmem>>
    %dma_wait3A_886 = arith.constant 0 : i32
    %dma_wait3A_887 = arith.constant 0 : i32
    %dma_wait3A_888 = tpu.memref_slice %arg4[%dma_wait3A_886, %dma_wait3A_881, %dma_wait3A_887] : memref<16384x200x32xf32, #tpu.memory_space<hbm>> -> memref<128x1x32xf32, #tpu.memory_space<hbm>>
    %dma_wait3A_889 = tpu.memref_squeeze %dma_wait3A_888 : memref<128x1x32xf32, #tpu.memory_space<hbm>> -> memref<128x32xf32, #tpu.memory_space<hbm>>
    %dma_wait3A_890 = arith.constant 0 : i32
    %dma_wait3A_891 = arith.constant 0 : i32
    %dma_wait3A_892 = tpu.memref_slice %arg4[%dma_wait3A_890, %dma_wait3A_881, %dma_wait3A_891] : memref<16384x200x32xf32, #tpu.memory_space<hbm>> -> memref<128x1x32xf32, #tpu.memory_space<hbm>>
    %dma_wait3A_893 = tpu.memref_squeeze %dma_wait3A_892 : memref<128x1x32xf32, #tpu.memory_space<hbm>> -> memref<128x32xf32, #tpu.memory_space<hbm>>
    %dma_wait3A_894 = arith.constant 0 : i32
    %dma_wait3A_895 = arith.constant 0 : i32
    %dma_wait3A_896 = tpu.memref_slice %arg8[%dma_wait3A_880, %dma_wait3A_894, %dma_wait3A_895] : memref<8x128x32xf32, #tpu.memory_space<vmem>> -> memref<1x128x32xf32, #tpu.memory_space<vmem>>
    %dma_wait3A_897 = tpu.memref_squeeze %dma_wait3A_896 : memref<1x128x32xf32, #tpu.memory_space<vmem>> -> memref<128x32xf32, #tpu.memory_space<vmem>>
    tpu.wait_dma2 semaphore(%arg12 : memref<!tpu.dma_semaphore, #tpu.memory_space<semaphore_mem>>) src(%dma_wait3A_897 : memref<128x32xf32, #tpu.memory_space<vmem>>) dst(%dma_wait3A_893 : memref<128x32xf32, #tpu.memory_space<hbm>>)
    %dma_wait3A_898 = arith.constant 3 : i32
    %dma_wait3A_899 = arith.constant 3 : i32
    %dma_wait3A_900 = arith.constant 0 : i32
    %dma_wait3A_901 = arith.constant 0 : i32
    %dma_wait3A_902 = tpu.memref_slice %arg8[%dma_wait3A_898, %dma_wait3A_900, %dma_wait3A_901] : memref<8x128x32xf32, #tpu.memory_space<vmem>> -> memref<1x128x32xf32, #tpu.memory_space<vmem>>
    %dma_wait3A_903 = tpu.memref_squeeze %dma_wait3A_902 : memref<1x128x32xf32, #tpu.memory_space<vmem>> -> memref<128x32xf32, #tpu.memory_space<vmem>>
    %dma_wait3A_904 = arith.constant 0 : i32
    %dma_wait3A_905 = arith.constant 0 : i32
    %dma_wait3A_906 = tpu.memref_slice %arg4[%dma_wait3A_904, %dma_wait3A_899, %dma_wait3A_905] : memref<16384x200x32xf32, #tpu.memory_space<hbm>> -> memref<128x1x32xf32, #tpu.memory_space<hbm>>
    %dma_wait3A_907 = tpu.memref_squeeze %dma_wait3A_906 : memref<128x1x32xf32, #tpu.memory_space<hbm>> -> memref<128x32xf32, #tpu.memory_space<hbm>>
    %dma_wait3A_908 = arith.constant 0 : i32
    %dma_wait3A_909 = arith.constant 0 : i32
    %dma_wait3A_910 = tpu.memref_slice %arg4[%dma_wait3A_908, %dma_wait3A_899, %dma_wait3A_909] : memref<16384x200x32xf32, #tpu.memory_space<hbm>> -> memref<128x1x32xf32, #tpu.memory_space<hbm>>
    %dma_wait3A_911 = tpu.memref_squeeze %dma_wait3A_910 : memref<128x1x32xf32, #tpu.memory_space<hbm>> -> memref<128x32xf32, #tpu.memory_space<hbm>>
    %dma_wait3A_912 = arith.constant 0 : i32
    %dma_wait3A_913 = arith.constant 0 : i32
    %dma_wait3A_914 = tpu.memref_slice %arg8[%dma_wait3A_898, %dma_wait3A_912, %dma_wait3A_913] : memref<8x128x32xf32, #tpu.memory_space<vmem>> -> memref<1x128x32xf32, #tpu.memory_space<vmem>>
    %dma_wait3A_915 = tpu.memref_squeeze %dma_wait3A_914 : memref<1x128x32xf32, #tpu.memory_space<vmem>> -> memref<128x32xf32, #tpu.memory_space<vmem>>
    tpu.wait_dma2 semaphore(%arg12 : memref<!tpu.dma_semaphore, #tpu.memory_space<semaphore_mem>>) src(%dma_wait3A_915 : memref<128x32xf32, #tpu.memory_space<vmem>>) dst(%dma_wait3A_911 : memref<128x32xf32, #tpu.memory_space<hbm>>)
    %dma_wait3A_916 = arith.constant 4 : i32
    %dma_wait3A_917 = arith.constant 4 : i32
    %dma_wait3A_918 = arith.constant 0 : i32
    %dma_wait3A_919 = arith.constant 0 : i32
    %dma_wait3A_920 = tpu.memref_slice %arg8[%dma_wait3A_916, %dma_wait3A_918, %dma_wait3A_919] : memref<8x128x32xf32, #tpu.memory_space<vmem>> -> memref<1x128x32xf32, #tpu.memory_space<vmem>>
    %dma_wait3A_921 = tpu.memref_squeeze %dma_wait3A_920 : memref<1x128x32xf32, #tpu.memory_space<vmem>> -> memref<128x32xf32, #tpu.memory_space<vmem>>
    %dma_wait3A_922 = arith.constant 0 : i32
    %dma_wait3A_923 = arith.constant 0 : i32
    %dma_wait3A_924 = tpu.memref_slice %arg4[%dma_wait3A_922, %dma_wait3A_917, %dma_wait3A_923] : memref<16384x200x32xf32, #tpu.memory_space<hbm>> -> memref<128x1x32xf32, #tpu.memory_space<hbm>>
    %dma_wait3A_925 = tpu.memref_squeeze %dma_wait3A_924 : memref<128x1x32xf32, #tpu.memory_space<hbm>> -> memref<128x32xf32, #tpu.memory_space<hbm>>
    %dma_wait3A_926 = arith.constant 0 : i32
    %dma_wait3A_927 = arith.constant 0 : i32
    %dma_wait3A_928 = tpu.memref_slice %arg4[%dma_wait3A_926, %dma_wait3A_917, %dma_wait3A_927] : memref<16384x200x32xf32, #tpu.memory_space<hbm>> -> memref<128x1x32xf32, #tpu.memory_space<hbm>>
    %dma_wait3A_929 = tpu.memref_squeeze %dma_wait3A_928 : memref<128x1x32xf32, #tpu.memory_space<hbm>> -> memref<128x32xf32, #tpu.memory_space<hbm>>
    %dma_wait3A_930 = arith.constant 0 : i32
    %dma_wait3A_931 = arith.constant 0 : i32
    %dma_wait3A_932 = tpu.memref_slice %arg8[%dma_wait3A_916, %dma_wait3A_930, %dma_wait3A_931] : memref<8x128x32xf32, #tpu.memory_space<vmem>> -> memref<1x128x32xf32, #tpu.memory_space<vmem>>
    %dma_wait3A_933 = tpu.memref_squeeze %dma_wait3A_932 : memref<1x128x32xf32, #tpu.memory_space<vmem>> -> memref<128x32xf32, #tpu.memory_space<vmem>>
    tpu.wait_dma2 semaphore(%arg12 : memref<!tpu.dma_semaphore, #tpu.memory_space<semaphore_mem>>) src(%dma_wait3A_933 : memref<128x32xf32, #tpu.memory_space<vmem>>) dst(%dma_wait3A_929 : memref<128x32xf32, #tpu.memory_space<hbm>>)
    %dma_wait3A_934 = arith.constant 5 : i32
    %dma_wait3A_935 = arith.constant 5 : i32
    %dma_wait3A_936 = arith.constant 0 : i32
    %dma_wait3A_937 = arith.constant 0 : i32
    %dma_wait3A_938 = tpu.memref_slice %arg8[%dma_wait3A_934, %dma_wait3A_936, %dma_wait3A_937] : memref<8x128x32xf32, #tpu.memory_space<vmem>> -> memref<1x128x32xf32, #tpu.memory_space<vmem>>
    %dma_wait3A_939 = tpu.memref_squeeze %dma_wait3A_938 : memref<1x128x32xf32, #tpu.memory_space<vmem>> -> memref<128x32xf32, #tpu.memory_space<vmem>>
    %dma_wait3A_940 = arith.constant 0 : i32
    %dma_wait3A_941 = arith.constant 0 : i32
    %dma_wait3A_942 = tpu.memref_slice %arg4[%dma_wait3A_940, %dma_wait3A_935, %dma_wait3A_941] : memref<16384x200x32xf32, #tpu.memory_space<hbm>> -> memref<128x1x32xf32, #tpu.memory_space<hbm>>
    %dma_wait3A_943 = tpu.memref_squeeze %dma_wait3A_942 : memref<128x1x32xf32, #tpu.memory_space<hbm>> -> memref<128x32xf32, #tpu.memory_space<hbm>>
    %dma_wait3A_944 = arith.constant 0 : i32
    %dma_wait3A_945 = arith.constant 0 : i32
    %dma_wait3A_946 = tpu.memref_slice %arg4[%dma_wait3A_944, %dma_wait3A_935, %dma_wait3A_945] : memref<16384x200x32xf32, #tpu.memory_space<hbm>> -> memref<128x1x32xf32, #tpu.memory_space<hbm>>
    %dma_wait3A_947 = tpu.memref_squeeze %dma_wait3A_946 : memref<128x1x32xf32, #tpu.memory_space<hbm>> -> memref<128x32xf32, #tpu.memory_space<hbm>>
    %dma_wait3A_948 = arith.constant 0 : i32
    %dma_wait3A_949 = arith.constant 0 : i32
    %dma_wait3A_950 = tpu.memref_slice %arg8[%dma_wait3A_934, %dma_wait3A_948, %dma_wait3A_949] : memref<8x128x32xf32, #tpu.memory_space<vmem>> -> memref<1x128x32xf32, #tpu.memory_space<vmem>>
    %dma_wait3A_951 = tpu.memref_squeeze %dma_wait3A_950 : memref<1x128x32xf32, #tpu.memory_space<vmem>> -> memref<128x32xf32, #tpu.memory_space<vmem>>
    tpu.wait_dma2 semaphore(%arg12 : memref<!tpu.dma_semaphore, #tpu.memory_space<semaphore_mem>>) src(%dma_wait3A_951 : memref<128x32xf32, #tpu.memory_space<vmem>>) dst(%dma_wait3A_947 : memref<128x32xf32, #tpu.memory_space<hbm>>)
    %dma_wait3A_952 = arith.constant 6 : i32
    %dma_wait3A_953 = arith.constant 6 : i32
    %dma_wait3A_954 = arith.constant 0 : i32
    %dma_wait3A_955 = arith.constant 0 : i32
    %dma_wait3A_956 = tpu.memref_slice %arg8[%dma_wait3A_952, %dma_wait3A_954, %dma_wait3A_955] : memref<8x128x32xf32, #tpu.memory_space<vmem>> -> memref<1x128x32xf32, #tpu.memory_space<vmem>>
    %dma_wait3A_957 = tpu.memref_squeeze %dma_wait3A_956 : memref<1x128x32xf32, #tpu.memory_space<vmem>> -> memref<128x32xf32, #tpu.memory_space<vmem>>
    %dma_wait3A_958 = arith.constant 0 : i32
    %dma_wait3A_959 = arith.constant 0 : i32
    %dma_wait3A_960 = tpu.memref_slice %arg4[%dma_wait3A_958, %dma_wait3A_953, %dma_wait3A_959] : memref<16384x200x32xf32, #tpu.memory_space<hbm>> -> memref<128x1x32xf32, #tpu.memory_space<hbm>>
    %dma_wait3A_961 = tpu.memref_squeeze %dma_wait3A_960 : memref<128x1x32xf32, #tpu.memory_space<hbm>> -> memref<128x32xf32, #tpu.memory_space<hbm>>
    %dma_wait3A_962 = arith.constant 0 : i32
    %dma_wait3A_963 = arith.constant 0 : i32
    %dma_wait3A_964 = tpu.memref_slice %arg4[%dma_wait3A_962, %dma_wait3A_953, %dma_wait3A_963] : memref<16384x200x32xf32, #tpu.memory_space<hbm>> -> memref<128x1x32xf32, #tpu.memory_space<hbm>>
    %dma_wait3A_965 = tpu.memref_squeeze %dma_wait3A_964 : memref<128x1x32xf32, #tpu.memory_space<hbm>> -> memref<128x32xf32, #tpu.memory_space<hbm>>
    %dma_wait3A_966 = arith.constant 0 : i32
    %dma_wait3A_967 = arith.constant 0 : i32
    %dma_wait3A_968 = tpu.memref_slice %arg8[%dma_wait3A_952, %dma_wait3A_966, %dma_wait3A_967] : memref<8x128x32xf32, #tpu.memory_space<vmem>> -> memref<1x128x32xf32, #tpu.memory_space<vmem>>
    %dma_wait3A_969 = tpu.memref_squeeze %dma_wait3A_968 : memref<1x128x32xf32, #tpu.memory_space<vmem>> -> memref<128x32xf32, #tpu.memory_space<vmem>>
    tpu.wait_dma2 semaphore(%arg12 : memref<!tpu.dma_semaphore, #tpu.memory_space<semaphore_mem>>) src(%dma_wait3A_969 : memref<128x32xf32, #tpu.memory_space<vmem>>) dst(%dma_wait3A_965 : memref<128x32xf32, #tpu.memory_space<hbm>>)
    %dma_wait3A_970 = arith.constant 7 : i32
    %dma_wait3A_971 = arith.constant 7 : i32
    %dma_wait3A_972 = arith.constant 0 : i32
    %dma_wait3A_973 = arith.constant 0 : i32
    %dma_wait3A_974 = tpu.memref_slice %arg8[%dma_wait3A_970, %dma_wait3A_972, %dma_wait3A_973] : memref<8x128x32xf32, #tpu.memory_space<vmem>> -> memref<1x128x32xf32, #tpu.memory_space<vmem>>
    %dma_wait3A_975 = tpu.memref_squeeze %dma_wait3A_974 : memref<1x128x32xf32, #tpu.memory_space<vmem>> -> memref<128x32xf32, #tpu.memory_space<vmem>>
    %dma_wait3A_976 = arith.constant 0 : i32
    %dma_wait3A_977 = arith.constant 0 : i32
    %dma_wait3A_978 = tpu.memref_slice %arg4[%dma_wait3A_976, %dma_wait3A_971, %dma_wait3A_977] : memref<16384x200x32xf32, #tpu.memory_space<hbm>> -> memref<128x1x32xf32, #tpu.memory_space<hbm>>
    %dma_wait3A_979 = tpu.memref_squeeze %dma_wait3A_978 : memref<128x1x32xf32, #tpu.memory_space<hbm>> -> memref<128x32xf32, #tpu.memory_space<hbm>>
    %dma_wait3A_980 = arith.constant 0 : i32
    %dma_wait3A_981 = arith.constant 0 : i32
    %dma_wait3A_982 = tpu.memref_slice %arg4[%dma_wait3A_980, %dma_wait3A_971, %dma_wait3A_981] : memref<16384x200x32xf32, #tpu.memory_space<hbm>> -> memref<128x1x32xf32, #tpu.memory_space<hbm>>
    %dma_wait3A_983 = tpu.memref_squeeze %dma_wait3A_982 : memref<128x1x32xf32, #tpu.memory_space<hbm>> -> memref<128x32xf32, #tpu.memory_space<hbm>>
    %dma_wait3A_984 = arith.constant 0 : i32
    %dma_wait3A_985 = arith.constant 0 : i32
    %dma_wait3A_986 = tpu.memref_slice %arg8[%dma_wait3A_970, %dma_wait3A_984, %dma_wait3A_985] : memref<8x128x32xf32, #tpu.memory_space<vmem>> -> memref<1x128x32xf32, #tpu.memory_space<vmem>>
    %dma_wait3A_987 = tpu.memref_squeeze %dma_wait3A_986 : memref<1x128x32xf32, #tpu.memory_space<vmem>> -> memref<128x32xf32, #tpu.memory_space<vmem>>
    tpu.wait_dma2 semaphore(%arg12 : memref<!tpu.dma_semaphore, #tpu.memory_space<semaphore_mem>>) src(%dma_wait3A_987 : memref<128x32xf32, #tpu.memory_space<vmem>>) dst(%dma_wait3A_983 : memref<128x32xf32, #tpu.memory_space<hbm>>)
    return
  }
}

</mosaic_0001>

<sc_bundles>
// kernel: _run.3.cloned.1.call-start
scs
__scs_entry_jumppad:
0x0: {  	(pc) =	sbr.rel $0x88, $3  }
0x1: {  	(tag) =	ssettag $0x0;
	lr =	simm.s32 $0x1  }
0x2: {  	[smem:$0x3F9F] =	sst lr;
	_ =	strace $0xD0000000  }
0x3: {  	_ = 	snop  }
0x4: {  	_ = 	snop  }
0x5: {  	_ = 	snop  }
0x6: {  	_ = 	snop  }
0x7: {  	_ = 	snop  }
__scs_overlays_trampoline_lowered:
0x8: {  	[smem:$0x3FAE] =	sst s0  }
0x9: {  	[smem:$0x3FAF] =	sst s1  }
0xa: {  	[smem:$0x3FB0] =	sst s2  }
0xb: {  	[smem:$0x3FB1] =	sst s3  }
0xc: {  	[smem:$0x3FB2] =	sst s4  }
0xd: {  	[smem:$0x3FB3] =	sst s5  }
0xe: {  	[smem:$0x3FB4] =	sst s6  }
0xf: {  	[smem:$0x3FB5] =	sst s7  }
0x10: {  	[smem:$0x3FB6] =	sst s8  }
0x11: {  	[smem:$0x3FB7] =	sst s9;
	s0 =	simm.s32 @!p0 $0x0  }
0x12: {  	s1 =	sld [smem:$0x3F9D];
	s0 =	simm.s32 @p0 $0x1  }
0x13: {  	[smem:$0x3FB8] =	sst s0;
	s0 =	simm.s32 @!p1 $0x0  }
0x14: {  	s2 =	sld [smem:$0x3F9C];
	s0 =	simm.s32 @p1 $0x1  }
0x15: {  	[smem:$0x3FB9] =	sst s0;
	s0 =	simm.s32 @!p2 $0x0  }
0x16: {  	s3 =	sld [smem:$0x3FDB];
	s0 =	simm.s32 @p2 $0x1  }
0x17: {  	s4 =	simm.s32 $0x1BF5;
	[smem:$0x3FBB] =	sst s0  }
0x18: {  	s0 =	sld [smem:$0x3F9E];
	_ =	swait.ge [sflag:s4], $0x0  }
0x19: {  	s7 =	sld [smem:$0x3F9F]  }
0x1a: {  	s8 =	sadd.s32 $0xFFFFE003, lr  }
0x1b: {  	s9 =	sadd.s32 $0xFFFFFEF7, lr;
	s5 =	simm.s32 $0xFFFFFFFF;
	p2 =	slt.u32 s8, $0xFFFFF086  }
0x1c: {  	p1 =	slt.u32 s9, $0xF7A;
	s5 =	simm.s32 @!p2 $0x0  }
0x1d: {  	s5 =	simm.s32 @p1 $0x1;
	p0 =	seq.s32 s7, s2  }
0x1e: {  	s7 =	smul.u32 @!p0 $0xF7A, s2;
	p2 =	seq.s32 @!p0 s5, $0x0  }
0x1f: {  	s9 =	smul.u32 $0xF7A, s1;
	s8 =	simm.s32 @!p0 $0x1BF5;
	p2 =	por !p2, p0  }
0x20: {  	[sflag:s8] =	ssyncset.s32 @!p0 $0xFFFFF086;
	s6 =	sadd.s32 @!p0 s3, s7;
	s7 =	simm.s32 @!p0 $0x108  }
0x21: {  	s3 =	sadd.s32 s3, s9;
	s6 =	sadd.s32 @!p0 $0x88, s6;
	s7 =	simm.s32 @p2 $0x1082  }
0x22: {  	[simem:s7], [sflag:s8] =	dma.local @!p0 [hbm:s6], $0xF7A  }
0x23: {  	s9 =	sor.u32 $0xD0000000, s2;
	s6 =	simm.s32 $0x108;
	_ =	swait.ge @!p0 [sflag:s8], $0x0  }
0x24: {  	s3 =	sadd.s32 $0x88, s3;
	s6 =	simm.s32 @!p1 $0x1082;
	[sflag:s4] =	ssyncset.s32 $0xFFFFF086  }
0x25: {  	[simem:s6], [sflag:s4] =	dma.local [hbm:s3], $0xF7A  }
0x26: {  	[smem:$0x3F9F] =	sst s1;
	(tag) =	ssettag s2;
	_ =	strace s9  }
0x27: {  	s1 =	sld [smem:$0x3FAF]  }
0x28: {  	s2 =	sld [smem:$0x3FB0]  }
0x29: {  	s4 =	sld [smem:$0x3FB2]  }
0x2a: {  	p0 =	seq.s32 s5, $0x0;
	s5 =	sld [smem:$0x3FB3]  }
0x2b: {  	s6 =	sld [smem:$0x3FB4]  }
0x2c: {  	s7 =	sld [smem:$0x3FB5]  }
0x2d: {  	s3 =	simm.s32 $0x108;
	s8 =	sld [smem:$0x3FB6]  }
0x2e: {  	s3 =	simm.s32 @!p0 $0x1082;
	s9 =	sld [smem:$0x3FB7]  }
0x2f: {  	lr =	sadd.s32 s0, s3;
	s0 =	sld [smem:$0x3FAE]  }
0x30: {  	s3 =	sld [smem:$0x3FB1]  }
0x31: {  	[smem:$0x3FBA] =	sst s10  }
0x32: {  	s10 =	sld [smem:$0x3FB8];
	_ =	sdelay $0x3  }
0x33: {  	p0 =	seq.s32 s10, $0x1;
	s10 =	sld [smem:$0x3FBA];
	_ =	sdelay $0x3  }
0x34: {  	[smem:$0x3FBA] =	sst s10  }
0x35: {  	s10 =	sld [smem:$0x3FB9];
	_ =	sdelay $0x3  }
0x36: {  	p1 =	seq.s32 s10, $0x1;
	s10 =	sld [smem:$0x3FBA];
	_ =	sdelay $0x3  }
0x37: {  	[smem:$0x3FBA] =	sst s10  }
0x38: {  	s10 =	sld [smem:$0x3FBB]  }
0x39: {  	_ = 	snop;
	(pc) =	sbr.ind lr, $3  }
0x3a: {  	_ = 	snop  }
0x3b: {  	_ = 	snop  }
0x3c: {  	p2 =	seq.s32 s10, $0x1;
	s10 =	sld [smem:$0x3FBA]  }
0x3d: {  	_ =	shalt  }
0x3e: {  	_ =	shalt  }
0x3f: {  	_ =	shalt  }
0x40: {  	_ =	shalt  }
0x41: {  	_ =	shalt  }
0x42: {  	_ =	shalt  }
0x43: {  	_ =	shalt  }
0x44: {  	_ =	shalt  }
0x45: {  	_ =	shalt  }
0x46: {  	_ =	shalt  }
0x47: {  	_ =	shalt  }
0x48: {  	_ =	shalt  }
0x49: {  	_ =	shalt  }
0x4a: {  	_ =	shalt  }
0x4b: {  	_ =	shalt  }
0x4c: {  	_ =	shalt  }
0x4d: {  	_ =	shalt  }
0x4e: {  	_ =	shalt  }
0x4f: {  	_ =	shalt  }
0x50: {  	_ =	shalt  }
0x51: {  	_ =	shalt  }
0x52: {  	_ =	shalt  }
0x53: {  	_ =	shalt  }
0x54: {  	_ =	shalt  }
0x55: {  	_ =	shalt  }
0x56: {  	_ =	shalt  }
0x57: {  	_ =	shalt  }
0x58: {  	_ =	shalt  }
0x59: {  	_ =	shalt  }
0x5a: {  	_ =	shalt  }
0x5b: {  	_ =	shalt  }
0x5c: {  	_ =	shalt  }
0x5d: {  	_ =	shalt  }
0x5e: {  	_ =	shalt  }
0x5f: {  	_ =	shalt  }
0x60: {  	_ =	shalt  }
0x61: {  	_ =	shalt  }
0x62: {  	_ =	shalt  }
0x63: {  	_ =	shalt  }
0x64: {  	_ =	shalt  }
0x65: {  	_ =	shalt  }
0x66: {  	_ =	shalt  }
0x67: {  	_ =	shalt  }
0x68: {  	_ =	shalt  }
0x69: {  	_ =	shalt  }
0x6a: {  	_ =	shalt  }
0x6b: {  	_ =	shalt  }
0x6c: {  	_ =	shalt  }
0x6d: {  	_ =	shalt  }
0x6e: {  	_ =	shalt  }
0x6f: {  	_ =	shalt  }
0x70: {  	_ =	shalt  }
0x71: {  	_ =	shalt  }
0x72: {  	_ =	shalt  }
0x73: {  	_ =	shalt  }
0x74: {  	_ =	shalt  }
0x75: {  	_ =	shalt  }
0x76: {  	_ =	shalt  }
0x77: {  	_ =	shalt  }
0x78: {  	_ =	shalt  }
0x79: {  	_ =	shalt  }
0x7a: {  	_ =	shalt  }
0x7b: {  	_ =	shalt  }
0x7c: {  	_ =	shalt  }
0x7d: {  	_ =	shalt  }
0x7e: {  	_ =	shalt  }
0x7f: {  	_ =	shalt  }
0x80: {  	_ =	shalt  }
0x81: {  	_ =	shalt  }
0x82: {  	_ =	shalt  }
0x83: {  	_ =	shalt  }
0x84: {  	_ =	shalt  }
0x85: {  	_ =	shalt  }
0x86: {  	_ =	shalt  }
0x87: {  	_ =	shalt  }
.Lfunc_end0:
.L_simem_size_0:
called_computation.1_lowered:
.L_overlay_start_0:
0x88: {  	s2 =	sld [smem:$0x3FD9]  }
0x89: {  	s3 =	sld [smem:$0x3FFE];
	_ =	sdelay $0x1  }
0x8a: {  	s1 =	srdreg.scid  }
0x8b: {  	s0 =	sand.u32 $0x1, s1  }
0x8c: {  	s17 =	sshll.u32 s0, $0xA;
	s2 =	sadd.s32 s3, s2  }
0x8d: {  	s2 =	sadd.s32 s2, s17  }
0x8e: {  	[smem:$0x3FC6] =	sst s2  }
0x8f: {  	_ = 	snop  }
0x90: {  	s2 =	sld [smem:$0x3FC9]  }
0x91: {  	s18 =	sld [smem:$0x3FD0];
	(tm) =	ssettm $0x1  }
0x92: {  	s4 =	sld [smem:$0x3FFB];
	_ =	sdelay $0x3  }
0x93: {  	_ =	strace s4  }
0x94: {  	s4 =	sld [smem:$0x3FFC];
	_ =	sdelay $0x3  }
0x95: {  	_ =	strace s4  }
0x96: {  	s4 =	sld [smem:$0x3FFD];
	_ =	sdelay $0x3  }
0x97: {  	_ =	strace s4  }
0x98: {  	_ =	strace $0x8FFFFFFF  }
0x99: {  	s19 =	sld [smem:$0x3FDB];
	_ =	sdelay $0x1  }
0x9a: {  	s5 =	simm.s32 $_scs_section_size  }
0x9b: {  	s6 =	simm.s32 $_size__tile_overlayer_lowered;
	s7 =	simm.s32 $_tile_overlayer_lowered  }
0x9c: {  	s22 =	simm.s32 $0x1BFF;
	s21 =	sshll.u32 s7, $0x1;
	s4 =	sadd.s32 s5, s19  }
0x9d: {  	s8 =	simm.s32 $0x0;
	s20 =	sshll.u32 s6, $0x1;
	s6 =	sadd.s32 s21, s4  }
0x9e: {  	[timem:s8], [sflag:s22] =	dma.local [hbm:s6], s20  }
0x9f: {  	_ =	swait.ge [sflag:s22], s20  }
0xa0: {  	s5 =	ssub.s32 $0x0, s20;
	[sflag:s22] =	ssyncset.done $0x0  }
0xa1: {  	[sflag:s22] =	ssyncadd.s32 s5;
	_ =	sdelay $0x1  }
0xa2: {  	s23 =	simm.s32 $0x1B8B  }
0xa3: {  	_ =	swait.ge [sflag:s23], $0x1  }
0xa4: {  	[sflag:s23] =	ssyncset.done $0x0  }
0xa5: {  	s25 =	simm.s32 $0x1B8E;
	s24 =	sld [smem:$0x3FFE];
	[sflag:s23] =	ssyncadd.s32 $0xFFFFFFFF  }
0xa6: {  	s26 =	simm.s32 $execute0_lowered;
	[smem:$0x3FD2] =	sst s25  }
0xa7: {  	s6 =	sshll.u32 s26, $0x1;
	_ =	strace $0x80000046;
	[dreg:$0x1] =	wrdreg $0xFFFFFFFF  }
0xa8: {  	s28 =	simm.s32 $_size_execute0_lowered;
	s4 =	sadd.s32 s4, s6;
	[dreg:$0x0] =	wrdreg $0x0  }
0xa9: {  	s6 =	sshll.u32 s28, $0x1;
	[dreg:$0x2] =	wrdreg s4  }
0xaa: {  	[dreg:$0x3] =	wrdreg s6  }
0xab: {  	[dreg:$0x4] =	wrdreg $0xC0  }
0xac: {  	_ =	task [dreg:s8], $0x5FFFF  }
0xad: {  	[dreg:$0x1] =	wrdreg $0xFFFFFFFF  }
0xae: {  	[dreg:$0x0] =	wrdreg $0x60  }
0xaf: {  	[dreg:$0x2] =	wrdreg s2  }
0xb0: {  	[dreg:$0x3] =	wrdreg s24  }
0xb1: {  	[dreg:$0x4] =	wrdreg s18  }
0xb2: {  	[dreg:$0x5] =	wrdreg $0x9  }
0xb3: {  	_ =	task.clear_ibuf [dreg:s8], $0x6FFFF;
	_ =	strace $0x90000046  }
0xb4: {  	s29 =	simm.s32 $0x9;
	_ =	strace $0x80000048  }
0xb5: {  	_ =	swait.ge [sflag:s29], $0x1  }
0xb6: {  	[sflag:s29] =	ssyncadd.s32 $0xFFFFFFFF  }
0xb7: {  	_ =	strace $0x90000048  }
0xb8: {  	_ =	sfence  }
0xb9: {  	s30 =	sld [smem:$0x0];
	_ =	sdelay $0x2  }
0xba: {  	s31 =	sshll.u32 s1, $0xD;
	s1 =	sshrl.u32 s1, $0x2  }
0xbb: {  	s3 =	sand.u32 $0x4000, s31;
	s1 =	sadd.s32 s1, s30  }
0xbc: {  	s0 =	sor.u32 s3, s0;
	s1 =	sshll.u32 s1, $0x11  }
0xbd: {  	s0 =	sor.u32 s1, s0  }
0xbe: {  	s0 =	sadd.s32 $0x8F2B, s0  }
0xbf: {  	[sflag:s0] =	ssyncadd.remote.s32 $0x1  }
0xc0: {  	_ =	sfence.sel $0xFFFF  }
0xc1: {  	[dreg:$0x0] =	wrdreg $0xFFFFFFFF;
	(pc) =	sbr.abs _section_cstart, $3  }
0xc2: {  	[dreg:$0x1] =	wrdreg $0xFFFFFFFF  }
0xc3: {  	_ =	task.clear_ibuf [dreg:s8], $0x2FFFF;
	_ =	strace $0x9FFFFFFF  }
0xc4: {  	(tm) =	ssettm $0x7FFFFFFF  }
0xc5: {  	_ =	shalt  }
tec
execute0_lowered:
.L_overlay_start_1:
0x0: {  	(tag) =	ssettag $0x1  }
0x1: {  	s4 =	rddreg [dreg:$0x0]  }
0x2: {  	s0 =	rddreg [dreg:$0x1]  }
0x3: {  	s1 =	srdreg.scid;
	s2 =	stileid.u32  }
0x4: {  	s3 =	rddreg [dreg:$0x2];
	s5 =	simm.s32 $0x0;
	s1 =	sand.u32 $0x1, s1  }
0x5: {  	s2 =	sshll.u32 s2, $0x1;
	[smem:$0x7FF] =	sst s5;
	s5 =	sadd.s32 $0xF42C00, s0  }
0x6: {  	s2 =	sor.u32 s1, s2;
	_ =	strace $0x80000047;
	s12 =	ssub.s32 $0x2, s1  }
0x7: {  	s6 =	smul.u32 $0x320000, s2;
	s7 =	sshll.u32 s2, $0x9;
	s2 =	sshll.u32 s2, $0x2  }
0x8: {  	s1 =	sshrl.u32 s12, $0x1;
	s13 =	sadd.s32 s4, s7;
	[dreg:$0x4] =	wrdreg s2  }
0x9: {  	s0 =	ssub.s32 s12, s1;
	[dreg:$0x9] =	wrdreg s13;
	s1 =	sadd.s32 $0x4000, s13  }
0xa: {  	s6 =	sshrl.u32 s6, $0x3;
	s0 =	smax.u32 s0, $0x1;
	[dreg:$0xb] =	wrdreg s1  }
0xb: {  	s14 =	sadd.s32 s3, s6;
	[dreg:$0x1b] =	wrdreg s0  }
0xc: {  	s15 =	sadd.s32 $0x4, s14;
	[dreg:$0xa] =	wrdreg s14  }
0xd: {  	s16 =	sadd.s32 $0x8, s14;
	[dreg:$0xc] =	wrdreg s15  }
0xe: {  	s17 =	sadd.s32 $0xC, s14;
	[dreg:$0xd] =	wrdreg s16  }
0xf: {  	s18 =	sadd.s32 $0x10, s14;
	[dreg:$0xe] =	wrdreg s17  }
0x10: {  	s19 =	sadd.s32 $0x14, s14;
	[dreg:$0xf] =	wrdreg s18  }
0x11: {  	s20 =	sadd.s32 $0x18, s14;
	[dreg:$0x10] =	wrdreg s19  }
0x12: {  	s21 =	sadd.s32 $0x1C, s14;
	[dreg:$0x11] =	wrdreg s20  }
0x13: {  	s22 =	sadd.s32 $0x4B300, s14;
	[dreg:$0x12] =	wrdreg s21  }
0x14: {  	s23 =	sadd.s32 $0x4B304, s14;
	[dreg:$0x13] =	wrdreg s22  }
0x15: {  	s24 =	sadd.s32 $0x4B308, s14;
	[dreg:$0x14] =	wrdreg s23  }
0x16: {  	s25 =	sadd.s32 $0x4B30C, s14;
	[dreg:$0x15] =	wrdreg s24  }
0x17: {  	s26 =	sadd.s32 $0x4B310, s14;
	[dreg:$0x16] =	wrdreg s25  }
0x18: {  	s31 =	simm.s32 $0x4;
	s28 =	sadd.s32 $0x4B314, s14;
	[dreg:$0x17] =	wrdreg s26  }
0x19: {  	s10 =	simm.s32 $0x1;
	s29 =	sadd.s32 $0x4B318, s14;
	[dreg:$0x18] =	wrdreg s28  }
0x1a: {  	s6 =	simm.s32 $0x2;
	s30 =	sadd.s32 $0x4B31C, s14;
	[dreg:$0x19] =	wrdreg s29  }
0x1b: {  	s1 =	simm.s32 $0x0;
	[dreg:$0x1a] =	wrdreg s30;
	s24 =	simm.s32 $0x3  }
.LBB2_1:
0x1c: {  	[dreg:$0x1c] =	wrdreg s1  }
0x1d: {  	s16 =	simm.s32 $0x0;
	s0 =	rddreg [dreg:$0x9];
	s8 =	simm.s32 $0x5  }
0x1e: {  	[tilespmem:s16], [sflag:$0x5] =	stream.linear.gather [hbm4b:s0+s16], $0x400, $0x38;
	[tilespmem:$0x10800] =	vst v63  }
0x1f: {  	_ =	swait.ge [sflag:s8], $0x400  }
0x20: {  	[sflag:s8] =	ssyncset.done $0x0  }
0x21: {  	s14 =	simm.s32 $0x800;
	s13 =	simm.s32 $0x80;
	[sflag:s8] =	ssyncadd.s32 $0xFFFFFC00  }
0x22: {  	[tilespmem:s14], [sflag:$0x1] =	stream.indirect.gather [hbm4b:s5+s13], $0x20, s16, s13, $0xb8;
	[tilespmem:$0x10800] =	vst v63  }
0x23: {  	s3 =	simm.s32 $0x1800  }
0x24: {  	[tilespmem:s3], [sflag:$0x1] =	stream.indirect.gather [hbm4b:s5+s13], $0x20, s13, s13, $0xb8;
	[tilespmem:$0x10800] =	vst v63  }
0x25: {  	s29 =	simm.s32 $0x100;
	s15 =	simm.s32 $0x2800  }
0x26: {  	[tilespmem:s15], [sflag:$0x1] =	stream.indirect.gather [hbm4b:s5+s13], $0x20, s29, s13, $0xb8;
	[tilespmem:$0x10800] =	vst v63  }
0x27: {  	s28 =	simm.s32 $0x180;
	s17 =	simm.s32 $0x3800  }
0x28: {  	[tilespmem:s17], [sflag:$0x1] =	stream.indirect.gather [hbm4b:s5+s13], $0x20, s28, s13, $0xb8;
	[tilespmem:$0x10800] =	vst v63  }
0x29: {  	s18 =	simm.s32 $0x200;
	s19 =	simm.s32 $0x4800  }
0x2a: {  	[tilespmem:s19], [sflag:$0x1] =	stream.indirect.gather [hbm4b:s5+s13], $0x20, s18, s13, $0xb8;
	[tilespmem:$0x10800] =	vst v63  }
0x2b: {  	s20 =	simm.s32 $0x280;
	s21 =	simm.s32 $0x5800  }
0x2c: {  	[tilespmem:s21], [sflag:$0x1] =	stream.indirect.gather [hbm4b:s5+s13], $0x20, s20, s13, $0xb8;
	[tilespmem:$0x10800] =	vst v63  }
0x2d: {  	s23 =	simm.s32 $0x300;
	s25 =	simm.s32 $0x6800  }
0x2e: {  	[tilespmem:s25], [sflag:$0x1] =	stream.indirect.gather [hbm4b:s5+s13], $0x20, s23, s13, $0xb8;
	[tilespmem:$0x10800] =	vst v63  }
0x2f: {  	s22 =	simm.s32 $0x380;
	s26 =	simm.s32 $0x7800  }
0x30: {  	[tilespmem:s26], [sflag:$0x1] =	stream.indirect.gather [hbm4b:s5+s13], $0x20, s22, s13, $0xb8;
	[tilespmem:$0x10800] =	vst v63  }
0x31: {  	s30 =	simm.s32 $0x400;
	s7 =	rddreg [dreg:$0xb]  }
0x32: {  	[tilespmem:s30], [sflag:$0x5] =	stream.linear.gather [hbm4b:s7+s16], $0x400, $0x38;
	[tilespmem:$0x10800] =	vst v63  }
0x33: {  	_ =	swait.ge [sflag:s8], $0x400  }
0x34: {  	[sflag:s8] =	ssyncset.done $0x0  }
0x35: {  	s9 =	simm.s32 $0x8800;
	[sflag:s8] =	ssyncadd.s32 $0xFFFFFC00  }
0x36: {  	[tilespmem:s9], [sflag:$0x2] =	stream.indirect.gather [hbm4b:s5+s13], $0x20, s30, s13, $0xb8;
	[tilespmem:$0x10800] =	vst v63  }
0x37: {  	s11 =	simm.s32 $0x480;
	s12 =	simm.s32 $0x9800  }
0x38: {  	[tilespmem:s12], [sflag:$0x2] =	stream.indirect.gather [hbm4b:s5+s13], $0x20, s11, s13, $0xb8;
	[tilespmem:$0x10800] =	vst v63  }
0x39: {  	s2 =	simm.s32 $0x500;
	s4 =	simm.s32 $0xA800  }
0x3a: {  	[tilespmem:s4], [sflag:$0x2] =	stream.indirect.gather [hbm4b:s5+s13], $0x20, s2, s13, $0xb8;
	[tilespmem:$0x10800] =	vst v63  }
0x3b: {  	s7 =	simm.s32 $0x580;
	s9 =	simm.s32 $0xB800  }
0x3c: {  	[tilespmem:s9], [sflag:$0x2] =	stream.indirect.gather [hbm4b:s5+s13], $0x20, s7, s13, $0xb8;
	[tilespmem:$0x10800] =	vst v63  }
0x3d: {  	s11 =	simm.s32 $0x600;
	s12 =	simm.s32 $0xC800  }
0x3e: {  	[tilespmem:s12], [sflag:$0x2] =	stream.indirect.gather [hbm4b:s5+s13], $0x20, s11, s13, $0xb8;
	[tilespmem:$0x10800] =	vst v63  }
0x3f: {  	s2 =	simm.s32 $0x680;
	s4 =	simm.s32 $0xD800  }
0x40: {  	[tilespmem:s4], [sflag:$0x2] =	stream.indirect.gather [hbm4b:s5+s13], $0x20, s2, s13, $0xb8;
	[tilespmem:$0x10800] =	vst v63  }
0x41: {  	s7 =	simm.s32 $0x700;
	s9 =	simm.s32 $0xE800  }
0x42: {  	[tilespmem:s9], [sflag:$0x2] =	stream.indirect.gather [hbm4b:s5+s13], $0x20, s7, s13, $0xb8;
	[tilespmem:$0x10800] =	vst v63  }
0x43: {  	s11 =	simm.s32 $0x780;
	s12 =	simm.s32 $0xF800  }
0x44: {  	[tilespmem:s12], [sflag:$0x2] =	stream.indirect.gather [hbm4b:s5+s13], $0x20, s11, s13, $0xb8;
	[tilespmem:$0x10800] =	vst v63  }
0x45: {  	_ =	swait.ge [sflag:s10], $0x1000  }
0x46: {  	[sflag:s10] =	ssyncset.done $0x0  }
0x47: {  	[sflag:s10] =	ssyncadd.s32 $0xFFFFF000  }
0x48: {  	_ =	swait.ge [sflag:s10], $0x1000  }
0x49: {  	[sflag:s10] =	ssyncset.done $0x0  }
0x4a: {  	[sflag:s10] =	ssyncadd.s32 $0xFFFFF000  }
0x4b: {  	_ =	swait.ge [sflag:s10], $0x1000  }
0x4c: {  	[sflag:s10] =	ssyncset.done $0x0  }
0x4d: {  	[sflag:s10] =	ssyncadd.s32 $0xFFFFF000  }
0x4e: {  	_ =	swait.ge [sflag:s10], $0x1000  }
0x4f: {  	[sflag:s10] =	ssyncset.done $0x0  }
0x50: {  	[sflag:s10] =	ssyncadd.s32 $0xFFFFF000  }
0x51: {  	_ =	swait.ge [sflag:s10], $0x1000  }
0x52: {  	[sflag:s10] =	ssyncset.done $0x0  }
0x53: {  	[sflag:s10] =	ssyncadd.s32 $0xFFFFF000  }
0x54: {  	_ =	swait.ge [sflag:s10], $0x1000  }
0x55: {  	[sflag:s10] =	ssyncset.done $0x0  }
0x56: {  	[sflag:s10] =	ssyncadd.s32 $0xFFFFF000  }
0x57: {  	_ =	swait.ge [sflag:s10], $0x1000  }
0x58: {  	[sflag:s10] =	ssyncset.done $0x0  }
0x59: {  	[sflag:s10] =	ssyncadd.s32 $0xFFFFF000  }
0x5a: {  	_ =	swait.ge [sflag:s10], $0x1000  }
0x5b: {  	s4 =	simm.s32 $0x20;
	[sflag:s10] =	ssyncset.done $0x0  }
0x5c: {  	s7 =	simm.s32 $0x1900;
	s2 =	rddreg [dreg:$0xa];
	[sflag:s10] =	ssyncadd.s32 $0xFFFFF000  }
0x5d: {  	[hbm4b:s2+s4] =	stream.strided.scatter [tilespmem:s14], [sflag:$0x3], $0x1000, s7, s4, $0x38;
	[tilespmem:$0x10800] =	vst v63  }
0x5e: {  	s9 =	rddreg [dreg:$0xc]  }
0x5f: {  	[hbm4b:s9+s4] =	stream.strided.scatter [tilespmem:s3], [sflag:$0x3], $0x1000, s7, s4, $0x38;
	[tilespmem:$0x10800] =	vst v63  }
0x60: {  	s11 =	rddreg [dreg:$0xd]  }
0x61: {  	[hbm4b:s11+s4] =	stream.strided.scatter [tilespmem:s15], [sflag:$0x3], $0x1000, s7, s4, $0x38;
	[tilespmem:$0x10800] =	vst v63  }
0x62: {  	s12 =	rddreg [dreg:$0xe]  }
0x63: {  	[hbm4b:s12+s4] =	stream.strided.scatter [tilespmem:s17], [sflag:$0x3], $0x1000, s7, s4, $0x38;
	[tilespmem:$0x10800] =	vst v63  }
0x64: {  	s1 =	rddreg [dreg:$0xf];
	s9 =	simm.s32 $0x2  }
0x65: {  	[hbm4b:s1+s4] =	stream.strided.scatter [tilespmem:s19], [sflag:$0x3], $0x1000, s7, s4, $0x38;
	[tilespmem:$0x10800] =	vst v63  }
0x66: {  	s1 =	sand.u32 $0xFE, s9  }
0x67: {  	s2 =	rddreg [dreg:$0x10];
	s1 =	smul.u32 $0x29, s1  }
0x68: {  	[hbm4b:s2+s4] =	stream.strided.scatter [tilespmem:s21], [sflag:$0x3], $0x1000, s7, s4, $0x38;
	[tilespmem:$0x10800] =	vst v63  }
0x69: {  	s11 =	rddreg [dreg:$0x11];
	s2 =	sshrl.u32 s1, $0xA  }
0x6a: {  	[hbm4b:s11+s4] =	stream.strided.scatter [tilespmem:s25], [sflag:$0x3], $0x1000, s7, s4, $0x38;
	[tilespmem:$0x10800] =	vst v63  }
0x6b: {  	s12 =	rddreg [dreg:$0x12];
	s1 =	smul.u32 $0x19, s2  }
0x6c: {  	[hbm4b:s12+s4] =	stream.strided.scatter [tilespmem:s26], [sflag:$0x3], $0x1000, s7, s4, $0x38;
	[tilespmem:$0x10800] =	vst v63  }
0x6d: {  	s1 =	ssub.s32 $0x2, s1  }
0x6e: {  	s12 =	sand.u32 $0xFF, s1;
	s1 =	rddreg [dreg:$0x4]  }
0x6f: {  	s0 =	rddreg [dreg:$0x0];
	s2 =	sadd.s32 s2, s1;
	s9 =	sshll.u32 s12, $0xE  }
0x70: {  	s9 =	sadd.s32 s0, s9;
	s11 =	sshll.u32 s2, $0x7  }
0x71: {  	s9 =	sadd.s32 s11, s9  }
0x72: {  	[tilespmem:s16], [sflag:$0x5] =	stream.linear.gather [hbm4b:s9+s16], $0x400, $0x38;
	[tilespmem:$0x10800] =	vst v63  }
0x73: {  	_ =	swait.ge [sflag:s8], $0x400  }
0x74: {  	[sflag:s8] =	ssyncset.done $0x0  }
0x75: {  	[sflag:s8] =	ssyncadd.s32 $0xFFFFFC00  }
0x76: {  	_ =	swait.ge [sflag:s24], $0x1000  }
0x77: {  	[sflag:s24] =	ssyncset.done $0x0  }
0x78: {  	[sflag:s24] =	ssyncadd.s32 $0xFFFFF000  }
0x79: {  	_ =	swait.ge [sflag:s24], $0x1000  }
0x7a: {  	[sflag:s24] =	ssyncset.done $0x0  }
0x7b: {  	[sflag:s24] =	ssyncadd.s32 $0xFFFFF000  }
0x7c: {  	_ =	swait.ge [sflag:s24], $0x1000  }
0x7d: {  	[sflag:s24] =	ssyncset.done $0x0  }
0x7e: {  	[sflag:s24] =	ssyncadd.s32 $0xFFFFF000  }
0x7f: {  	_ =	swait.ge [sflag:s24], $0x1000  }
0x80: {  	[sflag:s24] =	ssyncset.done $0x0  }
0x81: {  	[sflag:s24] =	ssyncadd.s32 $0xFFFFF000  }
0x82: {  	_ =	swait.ge [sflag:s24], $0x1000  }
0x83: {  	[sflag:s24] =	ssyncset.done $0x0  }
0x84: {  	[sflag:s24] =	ssyncadd.s32 $0xFFFFF000  }
0x85: {  	_ =	swait.ge [sflag:s24], $0x1000  }
0x86: {  	[sflag:s24] =	ssyncset.done $0x0  }
0x87: {  	[sflag:s24] =	ssyncadd.s32 $0xFFFFF000  }
0x88: {  	_ =	swait.ge [sflag:s24], $0x1000  }
0x89: {  	[sflag:s24] =	ssyncset.done $0x0  }
0x8a: {  	[sflag:s24] =	ssyncadd.s32 $0xFFFFF000  }
0x8b: {  	_ =	swait.ge [sflag:s24], $0x1000  }
0x8c: {  	[sflag:s24] =	ssyncset.done $0x0  }
0x8d: {  	[sflag:s24] =	ssyncadd.s32 $0xFFFFF000  }
0x8e: {  	[tilespmem:s14], [sflag:$0x1] =	stream.indirect.gather [hbm4b:s5+s13], $0x20, s16, s13, $0xb8;
	[tilespmem:$0x10800] =	vst v63  }
0x8f: {  	_ = 	snop  }
0x90: {  	[tilespmem:s3], [sflag:$0x1] =	stream.indirect.gather [hbm4b:s5+s13], $0x20, s13, s13, $0xb8;
	[tilespmem:$0x10800] =	vst v63  }
0x91: {  	_ = 	snop  }
0x92: {  	[tilespmem:s15], [sflag:$0x1] =	stream.indirect.gather [hbm4b:s5+s13], $0x20, s29, s13, $0xb8;
	[tilespmem:$0x10800] =	vst v63  }
0x93: {  	_ = 	snop  }
0x94: {  	[tilespmem:s17], [sflag:$0x1] =	stream.indirect.gather [hbm4b:s5+s13], $0x20, s28, s13, $0xb8;
	[tilespmem:$0x10800] =	vst v63  }
0x95: {  	_ = 	snop  }
0x96: {  	[tilespmem:s19], [sflag:$0x1] =	stream.indirect.gather [hbm4b:s5+s13], $0x20, s18, s13, $0xb8;
	[tilespmem:$0x10800] =	vst v63  }
0x97: {  	_ = 	snop  }
0x98: {  	[tilespmem:s21], [sflag:$0x1] =	stream.indirect.gather [hbm4b:s5+s13], $0x20, s20, s13, $0xb8;
	[tilespmem:$0x10800] =	vst v63  }
0x99: {  	_ = 	snop  }
0x9a: {  	[tilespmem:s25], [sflag:$0x1] =	stream.indirect.gather [hbm4b:s5+s13], $0x20, s23, s13, $0xb8;
	[tilespmem:$0x10800] =	vst v63  }
0x9b: {  	_ = 	snop  }
0x9c: {  	[tilespmem:s26], [sflag:$0x1] =	stream.indirect.gather [hbm4b:s5+s13], $0x20, s22, s13, $0xb8;
	[tilespmem:$0x10800] =	vst v63  }
0x9d: {  	_ =	swait.ge [sflag:s6], $0x1000  }
0x9e: {  	[sflag:s6] =	ssyncset.done $0x0  }
0x9f: {  	[sflag:s6] =	ssyncadd.s32 $0xFFFFF000  }
0xa0: {  	_ =	swait.ge [sflag:s6], $0x1000  }
0xa1: {  	[sflag:s6] =	ssyncset.done $0x0  }
0xa2: {  	[sflag:s6] =	ssyncadd.s32 $0xFFFFF000  }
0xa3: {  	_ =	swait.ge [sflag:s6], $0x1000  }
0xa4: {  	s13 =	simm.s32 $0x1;
	[sflag:s6] =	ssyncset.done $0x0  }
0xa5: {  	s9 =	smul.u32 $0x29, s13;
	[sflag:s6] =	ssyncadd.s32 $0xFFFFF000  }
0xa6: {  	_ =	swait.ge [sflag:s6], $0x1000  }
0xa7: {  	s14 =	sshrl.u32 s9, $0x1F;
	s9 =	sshra.s32 s9, $0xA;
	[sflag:s6] =	ssyncset.done $0x0  }
0xa8: {  	s9 =	sadd.s32 s14, s9;
	[sflag:s6] =	ssyncadd.s32 $0xFFFFF000  }
0xa9: {  	s11 =	smul.u32 $0xFFFFFFE7, s9;
	_ =	swait.ge [sflag:s6], $0x1000  }
0xaa: {  	[sflag:s6] =	ssyncset.done $0x0  }
0xab: {  	s28 =	simm.s32 $0xB800;
	s11 =	sadd.s32 $0x1, s11;
	[sflag:s6] =	ssyncadd.s32 $0xFFFFF000  }
0xac: {  	s18 =	simm.s32 $0x8800;
	s11 =	sshll.u32 s11, $0x18;
	_ =	swait.ge [sflag:s6], $0x1000  }
0xad: {  	s9 =	sadd.s32 s9, s1;
	s11 =	sshra.s32 s11, $0x18;
	[sflag:s6] =	ssyncset.done $0x0  }
0xae: {  	s9 =	smul.u32 $0xC8000, s9;
	s13 =	sshll.u32 s11, $0x8;
	[sflag:s6] =	ssyncadd.s32 $0xFFFFF000  }
0xaf: {  	p0 =	slt.s32 s11, $0x0;
	s11 =	sadd.s32 $0x1900, s13;
	_ =	swait.ge [sflag:s6], $0x1000  }
0xb0: {  	s21 =	simm.s32 $0x9800;
	s13 =	smov.u32 @p0 s11;
	[sflag:s6] =	ssyncset.done $0x0  }
0xb1: {  	s23 =	simm.s32 $0xA800;
	s9 =	sadd.s32 s9, s13;
	[sflag:s6] =	ssyncadd.s32 $0xFFFFF000  }
0xb2: {  	s26 =	sshllo.u32 s10, $0x1;
	s15 =	sshrl.u32 s9, $0x3;
	_ =	swait.ge [sflag:s6], $0x1000  }
0xb3: {  	s13 =	sor.u32 $0x20, s9;
	s17 =	sor.u32 $0x40, s9;
	[sflag:s6] =	ssyncset.done $0x0  }
0xb4: {  	s20 =	sor.u32 $0x60, s9;
	s25 =	sor.u32 $0x80, s9;
	s3 =	rddreg [dreg:$0x2]  }
0xb5: {  	s13 =	sshrl.u32 s13, $0x3;
	[sflag:s6] =	ssyncadd.s32 $0xFFFFF000;
	s11 =	sadd.s32 s3, s15  }
0xb6: {  	[hbm4b:s11+s4] =	stream.strided.scatter [tilespmem:s18], [sflag:$0x4], $0x1000, s7, s4, $0x38;
	[tilespmem:$0x10800] =	vst v63  }
0xb7: {  	s19 =	sshrl.u32 s17, $0x3;
	s22 =	sshrl.u32 s20, $0x3;
	s13 =	sadd.s32 s3, s13  }
0xb8: {  	[hbm4b:s13+s4] =	stream.strided.scatter [tilespmem:s21], [sflag:$0x4], $0x1000, s7, s4, $0x38;
	[tilespmem:$0x10800] =	vst v63  }
0xb9: {  	s17 =	sand.u32 $0xFF, s26;
	s15 =	sor.u32 $0xA0, s9;
	s11 =	sadd.s32 s3, s19  }
0xba: {  	[hbm4b:s11+s4] =	stream.strided.scatter [tilespmem:s23], [sflag:$0x4], $0x1000, s7, s4, $0x38;
	[tilespmem:$0x10800] =	vst v63  }
0xbb: {  	s18 =	simm.s32 $0xC800;
	s13 =	sadd.s32 s3, s22;
	s11 =	sshrl.u32 s25, $0x3  }
0xbc: {  	[hbm4b:s13+s4] =	stream.strided.scatter [tilespmem:s28], [sflag:$0x4], $0x1000, s7, s4, $0x38;
	[tilespmem:$0x10800] =	vst v63  }
0xbd: {  	s11 =	sadd.s32 s3, s11;
	s13 =	sshrl.u32 s15, $0x3;
	s15 =	smul.u32 $0x29, s17  }
0xbe: {  	[hbm4b:s11+s4] =	stream.strided.scatter [tilespmem:s18], [sflag:$0x4], $0x1000, s7, s4, $0x38;
	[tilespmem:$0x10800] =	vst v63  }
0xbf: {  	s20 =	simm.s32 $0xD800;
	s19 =	sshrl.u32 s15, $0xA  }
0xc0: {  	s21 =	sor.u32 $0xC0, s9;
	s13 =	sadd.s32 s3, s13;
	s22 =	smul.u32 $0x19, s19  }
0xc1: {  	[hbm4b:s13+s4] =	stream.strided.scatter [tilespmem:s20], [sflag:$0x4], $0x1000, s7, s4, $0x38;
	[tilespmem:$0x10800] =	vst v63  }
0xc2: {  	s13 =	sshrl.u32 s21, $0x3  }
0xc3: {  	s23 =	simm.s32 $0xE800;
	s14 =	ssub.s32 s26, s22;
	s13 =	sadd.s32 s3, s13  }
0xc4: {  	[hbm4b:s13+s4] =	stream.strided.scatter [tilespmem:s23], [sflag:$0x4], $0x1000, s7, s4, $0x38;
	[tilespmem:$0x10800] =	vst v63  }
0xc5: {  	s9 =	sor.u32 $0xE0, s9;
	s11 =	sadd.s32 s19, s1;
	s25 =	sand.u32 $0xFF, s14  }
0xc6: {  	s9 =	sshrl.u32 s9, $0x3;
	s11 =	sshll.u32 s11, $0x7;
	s13 =	sshll.u32 s25, $0xE  }
0xc7: {  	s9 =	sadd.s32 s3, s9;
	s26 =	simm.s32 $0xF800;
	s11 =	sadd.s32 s13, s11  }
0xc8: {  	[hbm4b:s9+s4] =	stream.strided.scatter [tilespmem:s26], [sflag:$0x4], $0x1000, s7, s4, $0x38;
	[tilespmem:$0x10800] =	vst v63  }
0xc9: {  	s28 =	sadd.s32 s0, s11  }
0xca: {  	[tilespmem:s30], [sflag:$0x5] =	stream.linear.gather [hbm4b:s28+s16], $0x400, $0x38;
	[tilespmem:$0x10800] =	vst v63  }
0xcb: {  	s2 =	smul.u32 $0xC8000, s2;
	_ =	swait.ge [sflag:s8], $0x400  }
0xcc: {  	s30 =	sshll.u32 s12, $0x8;
	[sflag:s8] =	ssyncset.done $0x0  }
0xcd: {  	s29 =	simm.s32 $0x3;
	s1 =	sor.u32 s30, s2;
	[sflag:s8] =	ssyncadd.s32 $0xFFFFFC00  }
0xce: {  	s19 =	simm.s32 $0x2;
	s1 =	sshrl.u32 s1, $0x3;
	_ =	swait.ge [sflag:s31], $0x1000  }
.LBB2_2:
0xcf: {  	[sflag:s31] =	ssyncset.done $0x0;
	s0 =	smov.u32 s29  }
0xd0: {  	[dreg:$0x5] =	wrdreg s0;
	[sflag:s31] =	ssyncadd.s32 $0xFFFFF000  }
0xd1: {  	_ =	swait.ge [sflag:s31], $0x1000  }
0xd2: {  	[sflag:s31] =	ssyncset.done $0x0  }
0xd3: {  	[sflag:s31] =	ssyncadd.s32 $0xFFFFF000  }
0xd4: {  	_ =	swait.ge [sflag:s31], $0x1000  }
0xd5: {  	[sflag:s31] =	ssyncset.done $0x0  }
0xd6: {  	[sflag:s31] =	ssyncadd.s32 $0xFFFFF000  }
0xd7: {  	_ =	swait.ge [sflag:s31], $0x1000  }
0xd8: {  	[sflag:s31] =	ssyncset.done $0x0  }
0xd9: {  	[sflag:s31] =	ssyncadd.s32 $0xFFFFF000  }
0xda: {  	_ =	swait.ge [sflag:s31], $0x1000  }
0xdb: {  	s2 =	sshll.u32 s19, $0x1;
	s20 =	simm.s32 $0x80;
	[sflag:s31] =	ssyncset.done $0x0  }
0xdc: {  	s25 =	simm.s32 $0x400;
	s3 =	simm.s32 $0x8800;
	[sflag:s31] =	ssyncadd.s32 $0xFFFFF000  }
0xdd: {  	s28 =	simm.s32 $0x480;
	s30 =	simm.s32 $0x9800;
	_ =	swait.ge [sflag:s31], $0x1000  }
0xde: {  	s9 =	sand.u32 $0xFE, s2;
	s11 =	sadd.s32 $0xFFFFFFFF, s2;
	[sflag:s31] =	ssyncset.done $0x0  }
0xdf: {  	s9 =	smul.u32 $0x29, s9;
	s13 =	sshll.u32 s11, $0x18;
	[sflag:s31] =	ssyncadd.s32 $0xFFFFF000  }
0xe0: {  	s13 =	sshra.s32 s13, $0x18;
	s26 =	rddreg [dreg:$0x4];
	_ =	swait.ge [sflag:s31], $0x1000  }
0xe1: {  	s9 =	sshrl.u32 s9, $0xA;
	s13 =	smul.u32 $0x29, s13;
	[sflag:s31] =	ssyncset.done $0x0  }
0xe2: {  	s4 =	simm.s32 $0xA800;
	s15 =	smul.u32 $0x19, s9;
	[sflag:s31] =	ssyncadd.s32 $0xFFFFF000  }
0xe3: {  	s23 =	sshrl.u32 s13, $0x1F;
	s13 =	sshra.s32 s13, $0xA;
	_ =	swait.ge [sflag:s31], $0x1000  }
0xe4: {  	s21 =	sadd.s32 s9, s26;
	s9 =	sadd.s32 s23, s13;
	[sflag:s31] =	ssyncset.done $0x0  }
0xe5: {  	s7 =	simm.s32 $0x580;
	s13 =	smul.u32 $0xFFFFFFE7, s9;
	[sflag:s31] =	ssyncadd.s32 $0xFFFFF000  }
0xe6: {  	[tilespmem:s3], [sflag:$0x2] =	stream.indirect.gather [hbm4b:s5+s20], $0x20, s25, s20, $0xb8;
	[tilespmem:$0x10800] =	vst v63  }
0xe7: {  	s8 =	simm.s32 $0xB800;
	s12 =	simm.s32 $0x600;
	s11 =	sadd.s32 s11, s13  }
0xe8: {  	[tilespmem:s30], [sflag:$0x2] =	stream.indirect.gather [hbm4b:s5+s20], $0x20, s28, s20, $0xb8;
	[tilespmem:$0x10800] =	vst v63  }
0xe9: {  	s14 =	simm.s32 $0xC800;
	s11 =	sshll.u32 s11, $0x18;
	s3 =	simm.s32 $0x500  }
0xea: {  	[tilespmem:s4], [sflag:$0x2] =	stream.indirect.gather [hbm4b:s5+s20], $0x20, s3, s20, $0xb8;
	[tilespmem:$0x10800] =	vst v63  }
0xeb: {  	s16 =	simm.s32 $0xD800;
	s17 =	simm.s32 $0x700;
	s11 =	sshra.s32 s11, $0x18  }
0xec: {  	[tilespmem:s8], [sflag:$0x2] =	stream.indirect.gather [hbm4b:s5+s20], $0x20, s7, s20, $0xb8;
	[tilespmem:$0x10800] =	vst v63  }
0xed: {  	s2 =	ssub.s32 s2, s15;
	s15 =	simm.s32 $0x680;
	s13 =	sshll.u32 s11, $0x8  }
0xee: {  	[tilespmem:s14], [sflag:$0x2] =	stream.indirect.gather [hbm4b:s5+s20], $0x20, s12, s20, $0xb8;
	[tilespmem:$0x10800] =	vst v63  }
0xef: {  	s9 =	sadd.s32 s9, s26;
	p1 =	slt.s32 s11, $0x0;
	s11 =	sadd.s32 $0x1900, s13  }
0xf0: {  	[tilespmem:s16], [sflag:$0x2] =	stream.indirect.gather [hbm4b:s5+s20], $0x20, s15, s20, $0xb8;
	[tilespmem:$0x10800] =	vst v63  }
0xf1: {  	s18 =	simm.s32 $0xE800;
	s9 =	smul.u32 $0xC8000, s9;
	s13 =	smov.u32 @p1 s11  }
0xf2: {  	[tilespmem:s18], [sflag:$0x2] =	stream.indirect.gather [hbm4b:s5+s20], $0x20, s17, s20, $0xb8;
	[tilespmem:$0x10800] =	vst v63  }
0xf3: {  	s22 =	sadd.s32 s9, s13;
	s28 =	simm.s32 $0x780;
	s30 =	simm.s32 $0xF800  }
0xf4: {  	[tilespmem:s30], [sflag:$0x2] =	stream.indirect.gather [hbm4b:s5+s20], $0x20, s28, s20, $0xb8;
	[tilespmem:$0x10800] =	vst v63  }
0xf5: {  	s25 =	sand.u32 $0xFF, s2;
	s9 =	sor.u32 $0x40, s22;
	_ =	swait.ge [sflag:s10], $0x1000  }
0xf6: {  	s2 =	sshrl.u32 s9, $0x3;
	s3 =	sor.u32 $0x60, s22;
	[sflag:s10] =	ssyncset.done $0x0  }
0xf7: {  	s7 =	sshrl.u32 s3, $0x3;
	[dreg:$0x8] =	wrdreg s2;
	[sflag:s10] =	ssyncadd.s32 $0xFFFFF000  }
0xf8: {  	_ =	swait.ge [sflag:s10], $0x1000;
	[dreg:$0x7] =	wrdreg s7;
	s7 =	sor.u32 $0xC0, s22  }
0xf9: {  	[sflag:s10] =	ssyncset.done $0x0;
	s12 =	sshrl.u32 s7, $0x3  }
0xfa: {  	[sflag:s10] =	ssyncadd.s32 $0xFFFFF000;
	[dreg:$0x6] =	wrdreg s12  }
0xfb: {  	_ =	swait.ge [sflag:s10], $0x1000  }
0xfc: {  	[sflag:s10] =	ssyncset.done $0x0  }
0xfd: {  	s28 =	rddreg [dreg:$0x2];
	[sflag:s10] =	ssyncadd.s32 $0xFFFFF000  }
0xfe: {  	_ =	swait.ge [sflag:s10], $0x1000  }
0xff: {  	s8 =	sor.u32 $0xA0, s22;
	[sflag:s10] =	ssyncset.done $0x0  }
0x100: {  	s2 =	sshrl.u32 s8, $0x3;
	s8 =	rddreg [dreg:$0x0];
	[sflag:s10] =	ssyncadd.s32 $0xFFFFF000  }
0x101: {  	_ =	swait.ge [sflag:s10], $0x1000  }
0x102: {  	[sflag:s10] =	ssyncset.done $0x0  }
0x103: {  	[sflag:s10] =	ssyncadd.s32 $0xFFFFF000  }
0x104: {  	_ =	swait.ge [sflag:s10], $0x1000  }
0x105: {  	[sflag:s10] =	ssyncset.done $0x0  }
0x106: {  	[sflag:s10] =	ssyncadd.s32 $0xFFFFF000  }
0x107: {  	s23 =	smul.u32 $0xC8000, s21;
	s0 =	sor.u32 $0x20, s22;
	_ =	swait.ge [sflag:s10], $0x1000  }
0x108: {  	s13 =	sshrl.u32 s22, $0x3;
	s11 =	sshrl.u32 s0, $0x3;
	[sflag:s10] =	ssyncset.done $0x0  }
0x109: {  	s3 =	simm.s32 $0x800;
	s14 =	sshll.u32 s25, $0x8;
	[sflag:s10] =	ssyncadd.s32 $0xFFFFF000  }
0x10a: {  	s16 =	sor.u32 s14, s23;
	s14 =	simm.s32 $0x20;
	_ =	swait.ge [sflag:s10], $0x1000  }
0x10b: {  	s18 =	sshll.u32 s25, $0xE;
	s0 =	sadd.s32 s28, s1;
	[sflag:s10] =	ssyncset.done $0x0  }
0x10c: {  	s23 =	sadd.s32 s8, s18;
	s18 =	simm.s32 $0x1900;
	[sflag:s10] =	ssyncadd.s32 $0xFFFFF000  }
0x10d: {  	[hbm4b:s0+s14] =	stream.strided.scatter [tilespmem:s3], [sflag:$0x3], $0x1000, s18, s14, $0x38;
	[tilespmem:$0x10800] =	vst v63  }
0x10e: {  	s4 =	sor.u32 $0x80, s22;
	s30 =	simm.s32 $0x1800;
	s17 =	sadd.s32 $0x4, s0  }
0x10f: {  	[hbm4b:s17+s14] =	stream.strided.scatter [tilespmem:s30], [sflag:$0x3], $0x1000, s18, s14, $0x38;
	[tilespmem:$0x10800] =	vst v63  }
0x110: {  	s15 =	sor.u32 $0xE0, s22;
	s22 =	sadd.s32 $0x8, s0;
	s17 =	simm.s32 $0x2800  }
0x111: {  	[hbm4b:s22+s14] =	stream.strided.scatter [tilespmem:s17], [sflag:$0x3], $0x1000, s18, s14, $0x38;
	[tilespmem:$0x10800] =	vst v63  }
0x112: {  	s25 =	simm.s32 $0x3800;
	s12 =	sadd.s32 $0xC, s0  }
0x113: {  	[hbm4b:s12+s14] =	stream.strided.scatter [tilespmem:s25], [sflag:$0x3], $0x1000, s18, s14, $0x38;
	[tilespmem:$0x10800] =	vst v63  }
0x114: {  	s1 =	sshrl.u32 s16, $0x3;
	s16 =	sadd.s32 $0x10, s0;
	s12 =	simm.s32 $0x4800  }
0x115: {  	[hbm4b:s16+s14] =	stream.strided.scatter [tilespmem:s12], [sflag:$0x3], $0x1000, s18, s14, $0x38;
	[tilespmem:$0x10800] =	vst v63  }
0x116: {  	s9 =	sshrl.u32 s4, $0x3;
	s4 =	sadd.s32 $0x14, s0;
	s16 =	simm.s32 $0x5800  }
0x117: {  	[hbm4b:s4+s14] =	stream.strided.scatter [tilespmem:s16], [sflag:$0x3], $0x1000, s18, s14, $0x38;
	[tilespmem:$0x10800] =	vst v63  }
0x118: {  	s7 =	sadd.s32 $0x18, s0;
	s22 =	simm.s32 $0x6800  }
0x119: {  	[hbm4b:s7+s14] =	stream.strided.scatter [tilespmem:s22], [sflag:$0x3], $0x1000, s18, s14, $0x38;
	[tilespmem:$0x10800] =	vst v63  }
0x11a: {  	s21 =	sshll.u32 s21, $0x7;
	s0 =	sadd.s32 $0x1C, s0;
	s7 =	simm.s32 $0x7800  }
0x11b: {  	[hbm4b:s0+s14] =	stream.strided.scatter [tilespmem:s7], [sflag:$0x3], $0x1000, s18, s14, $0x38;
	[tilespmem:$0x10800] =	vst v63  }
0x11c: {  	s23 =	sadd.s32 s21, s23;
	s21 =	simm.s32 $0x0  }
0x11d: {  	[tilespmem:s21], [sflag:$0x5] =	stream.linear.gather [hbm4b:s23+s21], $0x400, $0x38;
	[tilespmem:$0x10800] =	vst v63  }
0x11e: {  	s23 =	simm.s32 $0x5  }
0x11f: {  	_ =	swait.ge [sflag:s23], $0x400  }
0x120: {  	[sflag:s23] =	ssyncset.done $0x0  }
0x121: {  	[sflag:s23] =	ssyncadd.s32 $0xFFFFFC00  }
0x122: {  	_ =	swait.ge [sflag:s24], $0x1000  }
0x123: {  	[sflag:s24] =	ssyncset.done $0x0  }
0x124: {  	[sflag:s24] =	ssyncadd.s32 $0xFFFFF000  }
0x125: {  	_ =	swait.ge [sflag:s24], $0x1000  }
0x126: {  	[sflag:s24] =	ssyncset.done $0x0  }
0x127: {  	[sflag:s24] =	ssyncadd.s32 $0xFFFFF000  }
0x128: {  	_ =	swait.ge [sflag:s24], $0x1000  }
0x129: {  	[sflag:s24] =	ssyncset.done $0x0  }
0x12a: {  	[sflag:s24] =	ssyncadd.s32 $0xFFFFF000  }
0x12b: {  	_ =	swait.ge [sflag:s24], $0x1000  }
0x12c: {  	[sflag:s24] =	ssyncset.done $0x0  }
0x12d: {  	[sflag:s24] =	ssyncadd.s32 $0xFFFFF000  }
0x12e: {  	_ =	swait.ge [sflag:s24], $0x1000  }
0x12f: {  	[sflag:s24] =	ssyncset.done $0x0  }
0x130: {  	[sflag:s24] =	ssyncadd.s32 $0xFFFFF000  }
0x131: {  	_ =	swait.ge [sflag:s24], $0x1000  }
0x132: {  	[sflag:s24] =	ssyncset.done $0x0  }
0x133: {  	[sflag:s24] =	ssyncadd.s32 $0xFFFFF000  }
0x134: {  	_ =	swait.ge [sflag:s24], $0x1000  }
0x135: {  	[sflag:s24] =	ssyncset.done $0x0  }
0x136: {  	[sflag:s24] =	ssyncadd.s32 $0xFFFFF000  }
0x137: {  	_ =	swait.ge [sflag:s24], $0x1000  }
0x138: {  	[sflag:s24] =	ssyncset.done $0x0  }
0x139: {  	[sflag:s24] =	ssyncadd.s32 $0xFFFFF000  }
0x13a: {  	[tilespmem:s3], [sflag:$0x1] =	stream.indirect.gather [hbm4b:s5+s20], $0x20, s21, s20, $0xb8;
	[tilespmem:$0x10800] =	vst v63  }
0x13b: {  	_ = 	snop  }
0x13c: {  	[tilespmem:s30], [sflag:$0x1] =	stream.indirect.gather [hbm4b:s5+s20], $0x20, s20, s20, $0xb8;
	[tilespmem:$0x10800] =	vst v63  }
0x13d: {  	s3 =	simm.s32 $0x100  }
0x13e: {  	[tilespmem:s17], [sflag:$0x1] =	stream.indirect.gather [hbm4b:s5+s20], $0x20, s3, s20, $0xb8;
	[tilespmem:$0x10800] =	vst v63  }
0x13f: {  	s4 =	simm.s32 $0x180  }
0x140: {  	[tilespmem:s25], [sflag:$0x1] =	stream.indirect.gather [hbm4b:s5+s20], $0x20, s4, s20, $0xb8;
	[tilespmem:$0x10800] =	vst v63  }
0x141: {  	s17 =	simm.s32 $0x200  }
0x142: {  	[tilespmem:s12], [sflag:$0x1] =	stream.indirect.gather [hbm4b:s5+s20], $0x20, s17, s20, $0xb8;
	[tilespmem:$0x10800] =	vst v63  }
0x143: {  	s25 =	simm.s32 $0x280  }
0x144: {  	[tilespmem:s16], [sflag:$0x1] =	stream.indirect.gather [hbm4b:s5+s20], $0x20, s25, s20, $0xb8;
	[tilespmem:$0x10800] =	vst v63  }
0x145: {  	s30 =	simm.s32 $0x300  }
0x146: {  	[tilespmem:s22], [sflag:$0x1] =	stream.indirect.gather [hbm4b:s5+s20], $0x20, s30, s20, $0xb8;
	[tilespmem:$0x10800] =	vst v63  }
0x147: {  	s3 =	simm.s32 $0x380  }
0x148: {  	[tilespmem:s7], [sflag:$0x1] =	stream.indirect.gather [hbm4b:s5+s20], $0x20, s3, s20, $0xb8;
	[tilespmem:$0x10800] =	vst v63  }
0x149: {  	_ =	swait.ge [sflag:s6], $0x1000  }
0x14a: {  	[sflag:s6] =	ssyncset.done $0x0  }
0x14b: {  	[sflag:s6] =	ssyncadd.s32 $0xFFFFF000  }
0x14c: {  	_ =	swait.ge [sflag:s6], $0x1000  }
0x14d: {  	[sflag:s6] =	ssyncset.done $0x0  }
0x14e: {  	[sflag:s6] =	ssyncadd.s32 $0xFFFFF000  }
0x14f: {  	_ =	swait.ge [sflag:s6], $0x1000  }
0x150: {  	[sflag:s6] =	ssyncset.done $0x0  }
0x151: {  	[sflag:s6] =	ssyncadd.s32 $0xFFFFF000  }
0x152: {  	_ =	swait.ge [sflag:s6], $0x1000  }
0x153: {  	[sflag:s6] =	ssyncset.done $0x0  }
0x154: {  	[sflag:s6] =	ssyncadd.s32 $0xFFFFF000  }
0x155: {  	_ =	swait.ge [sflag:s6], $0x1000  }
0x156: {  	[sflag:s6] =	ssyncset.done $0x0  }
0x157: {  	[sflag:s6] =	ssyncadd.s32 $0xFFFFF000  }
0x158: {  	_ =	swait.ge [sflag:s6], $0x1000  }
0x159: {  	[sflag:s6] =	ssyncset.done $0x0  }
0x15a: {  	[sflag:s6] =	ssyncadd.s32 $0xFFFFF000  }
0x15b: {  	s15 =	sshrl.u32 s15, $0x3;
	s4 =	sadd.s32 s28, s13;
	_ =	swait.ge [sflag:s6], $0x1000  }
0x15c: {  	s12 =	sadd.s32 s28, s11;
	s7 =	sshllo.u32 s19, $0x1;
	[sflag:s6] =	ssyncset.done $0x0  }
0x15d: {  	s17 =	simm.s32 $0x8800;
	s13 =	sand.u32 $0xFF, s7;
	[sflag:s6] =	ssyncadd.s32 $0xFFFFF000  }
0x15e: {  	s16 =	smul.u32 $0x29, s13;
	s25 =	rddreg [dreg:$0x5];
	_ =	swait.ge [sflag:s6], $0x1000  }
0x15f: {  	s22 =	simm.s32 $0x9800;
	s13 =	sadd.s32 s28, s9;
	[sflag:s6] =	ssyncset.done $0x0  }
0x160: {  	s20 =	sshrl.u32 s16, $0xA;
	s16 =	simm.s32 $0xC800;
	[sflag:s6] =	ssyncadd.s32 $0xFFFFF000  }
0x161: {  	[hbm4b:s4+s14] =	stream.strided.scatter [tilespmem:s17], [sflag:$0x4], $0x1000, s18, s14, $0x38;
	[tilespmem:$0x10800] =	vst v63  }
0x162: {  	s0 =	sadd.s32 s20, s26;
	s26 =	simm.s32 $0xA800;
	s30 =	rddreg [dreg:$0x8]  }
0x163: {  	[hbm4b:s12+s14] =	stream.strided.scatter [tilespmem:s22], [sflag:$0x4], $0x1000, s18, s14, $0x38;
	[tilespmem:$0x10800] =	vst v63  }
0x164: {  	s19 =	smov.u32 s25;
	s11 =	sadd.s32 s28, s30;
	s30 =	rddreg [dreg:$0x7]  }
0x165: {  	[hbm4b:s11+s14] =	stream.strided.scatter [tilespmem:s26], [sflag:$0x4], $0x1000, s18, s14, $0x38;
	[tilespmem:$0x10800] =	vst v63  }
0x166: {  	s25 =	smul.u32 $0x19, s20;
	s3 =	sadd.s32 s28, s30;
	s11 =	simm.s32 $0xB800  }
0x167: {  	[hbm4b:s3+s14] =	stream.strided.scatter [tilespmem:s11], [sflag:$0x4], $0x1000, s18, s14, $0x38;
	[tilespmem:$0x10800] =	vst v63  }
0x168: {  	s0 =	sshll.u32 s0, $0x7;
	s20 =	simm.s32 $0xD800;
	s4 =	ssub.s32 s7, s25  }
0x169: {  	[hbm4b:s13+s14] =	stream.strided.scatter [tilespmem:s16], [sflag:$0x4], $0x1000, s18, s14, $0x38;
	[tilespmem:$0x10800] =	vst v63  }
0x16a: {  	s17 =	sadd.s32 s28, s2;
	s4 =	sand.u32 $0xFF, s4;
	s22 =	rddreg [dreg:$0x6]  }
0x16b: {  	[hbm4b:s17+s14] =	stream.strided.scatter [tilespmem:s20], [sflag:$0x4], $0x1000, s18, s14, $0x38;
	[tilespmem:$0x10800] =	vst v63  }
0x16c: {  	s25 =	simm.s32 $0xE800;
	s4 =	sshll.u32 s4, $0xE;
	s2 =	sadd.s32 s28, s22  }
0x16d: {  	[hbm4b:s2+s14] =	stream.strided.scatter [tilespmem:s25], [sflag:$0x4], $0x1000, s18, s14, $0x38;
	[tilespmem:$0x10800] =	vst v63  }
0x16e: {  	s0 =	sadd.s32 s4, s0;
	s26 =	sadd.s32 s28, s15;
	s28 =	simm.s32 $0xF800  }
0x16f: {  	[hbm4b:s26+s14] =	stream.strided.scatter [tilespmem:s28], [sflag:$0x4], $0x1000, s18, s14, $0x38;
	[tilespmem:$0x10800] =	vst v63  }
0x170: {  	p0 =	sne.s32 s29, $0x31;
	s30 =	simm.s32 $0x400;
	s0 =	sadd.s32 s8, s0  }
0x171: {  	[tilespmem:s30], [sflag:$0x5] =	stream.linear.gather [hbm4b:s0+s21], $0x400, $0x38;
	[tilespmem:$0x10800] =	vst v63  }
.Ltmp0:
0x172: {  	_ = 	snop;
	(pc) =	sbr.rel @p0 .LBB2_2-.Ltmp0, $4  }
0x173: {  	_ =	swait.ge [sflag:s23], $0x400  }
0x174: {  	[sflag:s23] =	ssyncset.done $0x0  }
0x175: {  	[sflag:s23] =	ssyncadd.s32 $0xFFFFFC00  }
0x176: {  	s29 =	sadd.s32 $0x1, s29;
	_ =	swait.ge [sflag:s31], $0x1000  }
0x177: {  	[sflag:s31] =	ssyncset.done $0x0  }
0x178: {  	[sflag:s31] =	ssyncadd.s32 $0xFFFFF000  }
0x179: {  	_ =	swait.ge [sflag:s31], $0x1000  }
0x17a: {  	[sflag:s31] =	ssyncset.done $0x0  }
0x17b: {  	[sflag:s31] =	ssyncadd.s32 $0xFFFFF000  }
0x17c: {  	_ =	swait.ge [sflag:s31], $0x1000  }
0x17d: {  	[sflag:s31] =	ssyncset.done $0x0  }
0x17e: {  	[sflag:s31] =	ssyncadd.s32 $0xFFFFF000  }
0x17f: {  	_ =	swait.ge [sflag:s31], $0x1000  }
0x180: {  	[sflag:s31] =	ssyncset.done $0x0  }
0x181: {  	[sflag:s31] =	ssyncadd.s32 $0xFFFFF000  }
0x182: {  	_ =	swait.ge [sflag:s31], $0x1000  }
0x183: {  	[sflag:s31] =	ssyncset.done $0x0  }
0x184: {  	[sflag:s31] =	ssyncadd.s32 $0xFFFFF000  }
0x185: {  	_ =	swait.ge [sflag:s31], $0x1000  }
0x186: {  	[sflag:s31] =	ssyncset.done $0x0  }
0x187: {  	[sflag:s31] =	ssyncadd.s32 $0xFFFFF000  }
0x188: {  	_ =	swait.ge [sflag:s31], $0x1000  }
0x189: {  	[sflag:s31] =	ssyncset.done $0x0  }
0x18a: {  	[sflag:s31] =	ssyncadd.s32 $0xFFFFF000  }
0x18b: {  	_ =	swait.ge [sflag:s31], $0x1000  }
0x18c: {  	s14 =	simm.s32 $0x80;
	[sflag:s31] =	ssyncset.done $0x0  }
0x18d: {  	s2 =	simm.s32 $0x400;
	s0 =	simm.s32 $0x8800;
	[sflag:s31] =	ssyncadd.s32 $0xFFFFF000  }
0x18e: {  	[tilespmem:s0], [sflag:$0x2] =	stream.indirect.gather [hbm4b:s5+s14], $0x20, s2, s14, $0xb8;
	[tilespmem:$0x10800] =	vst v63  }
0x18f: {  	s3 =	simm.s32 $0x9800;
	s0 =	simm.s32 $0x480  }
0x190: {  	[tilespmem:s3], [sflag:$0x2] =	stream.indirect.gather [hbm4b:s5+s14], $0x20, s0, s14, $0xb8;
	[tilespmem:$0x10800] =	vst v63  }
0x191: {  	s4 =	simm.s32 $0x500;
	s7 =	simm.s32 $0xA800  }
0x192: {  	[tilespmem:s7], [sflag:$0x2] =	stream.indirect.gather [hbm4b:s5+s14], $0x20, s4, s14, $0xb8;
	[tilespmem:$0x10800] =	vst v63  }
0x193: {  	s8 =	simm.s32 $0x580;
	s9 =	simm.s32 $0xB800  }
0x194: {  	[tilespmem:s9], [sflag:$0x2] =	stream.indirect.gather [hbm4b:s5+s14], $0x20, s8, s14, $0xb8;
	[tilespmem:$0x10800] =	vst v63  }
0x195: {  	s11 =	simm.s32 $0x600;
	s12 =	simm.s32 $0xC800  }
0x196: {  	[tilespmem:s12], [sflag:$0x2] =	stream.indirect.gather [hbm4b:s5+s14], $0x20, s11, s14, $0xb8;
	[tilespmem:$0x10800] =	vst v63  }
0x197: {  	s13 =	simm.s32 $0x680;
	s15 =	simm.s32 $0xD800  }
0x198: {  	[tilespmem:s15], [sflag:$0x2] =	stream.indirect.gather [hbm4b:s5+s14], $0x20, s13, s14, $0xb8;
	[tilespmem:$0x10800] =	vst v63  }
0x199: {  	s16 =	simm.s32 $0x700;
	s17 =	simm.s32 $0xE800  }
0x19a: {  	[tilespmem:s17], [sflag:$0x2] =	stream.indirect.gather [hbm4b:s5+s14], $0x20, s16, s14, $0xb8;
	[tilespmem:$0x10800] =	vst v63  }
0x19b: {  	s18 =	simm.s32 $0x780;
	s20 =	simm.s32 $0xF800  }
0x19c: {  	[tilespmem:s20], [sflag:$0x2] =	stream.indirect.gather [hbm4b:s5+s14], $0x20, s18, s14, $0xb8;
	[tilespmem:$0x10800] =	vst v63  }
0x19d: {  	_ =	swait.ge [sflag:s10], $0x1000  }
0x19e: {  	[sflag:s10] =	ssyncset.done $0x0  }
0x19f: {  	[sflag:s10] =	ssyncadd.s32 $0xFFFFF000  }
0x1a0: {  	_ =	swait.ge [sflag:s10], $0x1000  }
0x1a1: {  	[sflag:s10] =	ssyncset.done $0x0  }
0x1a2: {  	[sflag:s10] =	ssyncadd.s32 $0xFFFFF000  }
0x1a3: {  	_ =	swait.ge [sflag:s10], $0x1000  }
0x1a4: {  	[sflag:s10] =	ssyncset.done $0x0  }
0x1a5: {  	[sflag:s10] =	ssyncadd.s32 $0xFFFFF000  }
0x1a6: {  	_ =	swait.ge [sflag:s10], $0x1000  }
0x1a7: {  	[sflag:s10] =	ssyncset.done $0x0  }
0x1a8: {  	[sflag:s10] =	ssyncadd.s32 $0xFFFFF000  }
0x1a9: {  	_ =	swait.ge [sflag:s10], $0x1000  }
0x1aa: {  	[sflag:s10] =	ssyncset.done $0x0  }
0x1ab: {  	[sflag:s10] =	ssyncadd.s32 $0xFFFFF000  }
0x1ac: {  	_ =	swait.ge [sflag:s10], $0x1000  }
0x1ad: {  	[sflag:s10] =	ssyncset.done $0x0  }
0x1ae: {  	[sflag:s10] =	ssyncadd.s32 $0xFFFFF000  }
0x1af: {  	_ =	swait.ge [sflag:s10], $0x1000  }
0x1b0: {  	[sflag:s10] =	ssyncset.done $0x0  }
0x1b1: {  	[sflag:s10] =	ssyncadd.s32 $0xFFFFF000  }
0x1b2: {  	s22 =	simm.s32 $0x800;
	_ =	swait.ge [sflag:s10], $0x1000  }
0x1b3: {  	s3 =	simm.s32 $0x1900;
	s9 =	sshll.u32 s19, $0x1;
	[sflag:s10] =	ssyncset.done $0x0  }
0x1b4: {  	s21 =	sand.u32 $0xFE, s9;
	s12 =	simm.s32 $0x20;
	s16 =	rddreg [dreg:$0x2]  }
0x1b5: {  	s0 =	smul.u32 $0x29, s21;
	[sflag:s10] =	ssyncadd.s32 $0xFFFFF000;
	s4 =	sadd.s32 s16, s1  }
0x1b6: {  	[hbm4b:s4+s12] =	stream.strided.scatter [tilespmem:s22], [sflag:$0x3], $0x1000, s3, s12, $0x38;
	[tilespmem:$0x10800] =	vst v63  }
0x1b7: {  	s25 =	simm.s32 $0x1800;
	s0 =	sshrl.u32 s0, $0xA;
	s23 =	sadd.s32 $0x4, s4  }
0x1b8: {  	[hbm4b:s23+s12] =	stream.strided.scatter [tilespmem:s25], [sflag:$0x3], $0x1000, s3, s12, $0x38;
	[tilespmem:$0x10800] =	vst v63  }
0x1b9: {  	s28 =	simm.s32 $0x2800;
	s29 =	smul.u32 $0x19, s0;
	s26 =	sadd.s32 $0x8, s4  }
0x1ba: {  	[hbm4b:s26+s12] =	stream.strided.scatter [tilespmem:s28], [sflag:$0x3], $0x1000, s3, s12, $0x38;
	[tilespmem:$0x10800] =	vst v63  }
0x1bb: {  	s30 =	simm.s32 $0x3800;
	s1 =	ssub.s32 s9, s29;
	s7 =	sadd.s32 $0xC, s4  }
0x1bc: {  	[hbm4b:s7+s12] =	stream.strided.scatter [tilespmem:s30], [sflag:$0x3], $0x1000, s3, s12, $0x38;
	[tilespmem:$0x10800] =	vst v63  }
0x1bd: {  	s29 =	simm.s32 $0x4800;
	s8 =	sadd.s32 $0x10, s4;
	s20 =	sand.u32 $0xFF, s1  }
0x1be: {  	[hbm4b:s8+s12] =	stream.strided.scatter [tilespmem:s29], [sflag:$0x3], $0x1000, s3, s12, $0x38;
	[tilespmem:$0x10800] =	vst v63  }
0x1bf: {  	s13 =	sadd.s32 $0x14, s4;
	s23 =	rddreg [dreg:$0x0];
	s28 =	simm.s32 $0x5800  }
0x1c0: {  	[hbm4b:s13+s12] =	stream.strided.scatter [tilespmem:s28], [sflag:$0x3], $0x1000, s3, s12, $0x38;
	[tilespmem:$0x10800] =	vst v63  }
0x1c1: {  	s15 =	sshll.u32 s20, $0xE;
	s25 =	simm.s32 $0x7800;
	s13 =	rddreg [dreg:$0x4]  }
0x1c2: {  	s26 =	simm.s32 $0x6800;
	s7 =	sadd.s32 $0x18, s4;
	s18 =	sadd.s32 s0, s13  }
0x1c3: {  	[hbm4b:s7+s12] =	stream.strided.scatter [tilespmem:s26], [sflag:$0x3], $0x1000, s3, s12, $0x38;
	[tilespmem:$0x10800] =	vst v63  }
0x1c4: {  	s4 =	sadd.s32 $0x1C, s4;
	s0 =	sadd.s32 s23, s15;
	s21 =	sshll.u32 s18, $0x7  }
0x1c5: {  	[hbm4b:s4+s12] =	stream.strided.scatter [tilespmem:s25], [sflag:$0x3], $0x1000, s3, s12, $0x38;
	[tilespmem:$0x10800] =	vst v63  }
0x1c6: {  	s15 =	simm.s32 $0x5;
	s0 =	sadd.s32 s21, s0;
	s21 =	simm.s32 $0x0  }
0x1c7: {  	[tilespmem:s21], [sflag:$0x5] =	stream.linear.gather [hbm4b:s0+s21], $0x400, $0x38;
	[tilespmem:$0x10800] =	vst v63  }
0x1c8: {  	_ =	swait.ge [sflag:s15], $0x400  }
0x1c9: {  	[sflag:s15] =	ssyncset.done $0x0  }
0x1ca: {  	[sflag:s15] =	ssyncadd.s32 $0xFFFFFC00  }
0x1cb: {  	_ =	swait.ge [sflag:s24], $0x1000  }
0x1cc: {  	[sflag:s24] =	ssyncset.done $0x0  }
0x1cd: {  	[sflag:s24] =	ssyncadd.s32 $0xFFFFF000  }
0x1ce: {  	_ =	swait.ge [sflag:s24], $0x1000  }
0x1cf: {  	[sflag:s24] =	ssyncset.done $0x0  }
0x1d0: {  	[sflag:s24] =	ssyncadd.s32 $0xFFFFF000  }
0x1d1: {  	_ =	swait.ge [sflag:s24], $0x1000  }
0x1d2: {  	[sflag:s24] =	ssyncset.done $0x0  }
0x1d3: {  	[sflag:s24] =	ssyncadd.s32 $0xFFFFF000  }
0x1d4: {  	_ =	swait.ge [sflag:s24], $0x1000  }
0x1d5: {  	[sflag:s24] =	ssyncset.done $0x0  }
0x1d6: {  	[sflag:s24] =	ssyncadd.s32 $0xFFFFF000  }
0x1d7: {  	_ =	swait.ge [sflag:s24], $0x1000  }
0x1d8: {  	[sflag:s24] =	ssyncset.done $0x0  }
0x1d9: {  	[sflag:s24] =	ssyncadd.s32 $0xFFFFF000  }
0x1da: {  	_ =	swait.ge [sflag:s24], $0x1000  }
0x1db: {  	[sflag:s24] =	ssyncset.done $0x0  }
0x1dc: {  	[sflag:s24] =	ssyncadd.s32 $0xFFFFF000  }
0x1dd: {  	_ =	swait.ge [sflag:s24], $0x1000  }
0x1de: {  	[sflag:s24] =	ssyncset.done $0x0  }
0x1df: {  	[sflag:s24] =	ssyncadd.s32 $0xFFFFF000  }
0x1e0: {  	_ =	swait.ge [sflag:s24], $0x1000  }
0x1e1: {  	[sflag:s24] =	ssyncset.done $0x0  }
0x1e2: {  	s22 =	simm.s32 $0x800;
	[sflag:s24] =	ssyncadd.s32 $0xFFFFF000  }
0x1e3: {  	[tilespmem:s22], [sflag:$0x1] =	stream.indirect.gather [hbm4b:s5+s14], $0x20, s21, s14, $0xb8;
	[tilespmem:$0x10800] =	vst v63  }
0x1e4: {  	s17 =	simm.s32 $0x1800  }
0x1e5: {  	[tilespmem:s17], [sflag:$0x1] =	stream.indirect.gather [hbm4b:s5+s14], $0x20, s14, s14, $0xb8;
	[tilespmem:$0x10800] =	vst v63  }
0x1e6: {  	s11 =	simm.s32 $0x2800;
	s22 =	simm.s32 $0x100  }
0x1e7: {  	[tilespmem:s11], [sflag:$0x1] =	stream.indirect.gather [hbm4b:s5+s14], $0x20, s22, s14, $0xb8;
	[tilespmem:$0x10800] =	vst v63  }
0x1e8: {  	s1 =	simm.s32 $0x180  }
0x1e9: {  	[tilespmem:s30], [sflag:$0x1] =	stream.indirect.gather [hbm4b:s5+s14], $0x20, s1, s14, $0xb8;
	[tilespmem:$0x10800] =	vst v63  }
0x1ea: {  	s2 =	simm.s32 $0x200  }
0x1eb: {  	[tilespmem:s29], [sflag:$0x1] =	stream.indirect.gather [hbm4b:s5+s14], $0x20, s2, s14, $0xb8;
	[tilespmem:$0x10800] =	vst v63  }
0x1ec: {  	s4 =	simm.s32 $0x280  }
0x1ed: {  	[tilespmem:s28], [sflag:$0x1] =	stream.indirect.gather [hbm4b:s5+s14], $0x20, s4, s14, $0xb8;
	[tilespmem:$0x10800] =	vst v63  }
0x1ee: {  	s7 =	simm.s32 $0x300  }
0x1ef: {  	[tilespmem:s26], [sflag:$0x1] =	stream.indirect.gather [hbm4b:s5+s14], $0x20, s7, s14, $0xb8;
	[tilespmem:$0x10800] =	vst v63  }
0x1f0: {  	s8 =	simm.s32 $0x380  }
0x1f1: {  	[tilespmem:s25], [sflag:$0x1] =	stream.indirect.gather [hbm4b:s5+s14], $0x20, s8, s14, $0xb8;
	[tilespmem:$0x10800] =	vst v63  }
0x1f2: {  	_ =	swait.ge [sflag:s6], $0x1000  }
0x1f3: {  	[sflag:s6] =	ssyncset.done $0x0  }
0x1f4: {  	[sflag:s6] =	ssyncadd.s32 $0xFFFFF000  }
0x1f5: {  	_ =	swait.ge [sflag:s6], $0x1000  }
0x1f6: {  	s11 =	sadd.s32 $0xFFFFFFFF, s9;
	[sflag:s6] =	ssyncset.done $0x0  }
0x1f7: {  	s17 =	sshll.u32 s11, $0x18;
	[sflag:s6] =	ssyncadd.s32 $0xFFFFF000  }
0x1f8: {  	s4 =	sshra.s32 s17, $0x18;
	_ =	swait.ge [sflag:s6], $0x1000  }
0x1f9: {  	s4 =	smul.u32 $0x29, s4;
	[sflag:s6] =	ssyncset.done $0x0  }
0x1fa: {  	[sflag:s6] =	ssyncadd.s32 $0xFFFFF000  }
0x1fb: {  	s1 =	sshrl.u32 s4, $0x1F;
	s4 =	sshra.s32 s4, $0xA;
	_ =	swait.ge [sflag:s6], $0x1000  }
0x1fc: {  	s4 =	sadd.s32 s1, s4;
	[sflag:s6] =	ssyncset.done $0x0  }
0x1fd: {  	s7 =	smul.u32 $0xFFFFFFE7, s4;
	[sflag:s6] =	ssyncadd.s32 $0xFFFFF000  }
0x1fe: {  	_ =	swait.ge [sflag:s6], $0x1000  }
0x1ff: {  	s0 =	sadd.s32 s11, s7;
	[sflag:s6] =	ssyncset.done $0x0  }
0x200: {  	s9 =	sshllo.u32 s19, $0x1;
	s0 =	sshll.u32 s0, $0x18;
	[sflag:s6] =	ssyncadd.s32 $0xFFFFF000  }
0x201: {  	s4 =	sadd.s32 s4, s13;
	s0 =	sshra.s32 s0, $0x18;
	_ =	swait.ge [sflag:s6], $0x1000  }
0x202: {  	s4 =	smul.u32 $0xC8000, s4;
	s7 =	sshll.u32 s0, $0x8;
	[sflag:s6] =	ssyncset.done $0x0  }
0x203: {  	p0 =	slt.s32 s0, $0x0;
	s0 =	sadd.s32 $0x1900, s7;
	[sflag:s6] =	ssyncadd.s32 $0xFFFFF000  }
0x204: {  	s19 =	simm.s32 $0xB800;
	s7 =	smov.u32 @p0 s0;
	_ =	swait.ge [sflag:s6], $0x1000  }
0x205: {  	s17 =	simm.s32 $0x9800;
	s0 =	sadd.s32 s4, s7;
	[sflag:s6] =	ssyncset.done $0x0  }
0x206: {  	s8 =	simm.s32 $0x8800;
	s4 =	sshrl.u32 s0, $0x3;
	[sflag:s6] =	ssyncadd.s32 $0xFFFFF000  }
0x207: {  	s7 =	sor.u32 $0x20, s0;
	s2 =	sor.u32 $0x40, s0;
	_ =	swait.ge [sflag:s6], $0x1000  }
0x208: {  	s1 =	sor.u32 $0x60, s0;
	s7 =	sshrl.u32 s7, $0x3;
	[sflag:s6] =	ssyncset.done $0x0  }
0x209: {  	s4 =	sadd.s32 s16, s4;
	s11 =	sshrl.u32 s2, $0x3;
	[sflag:s6] =	ssyncadd.s32 $0xFFFFF000  }
0x20a: {  	[hbm4b:s4+s12] =	stream.strided.scatter [tilespmem:s8], [sflag:$0x4], $0x1000, s3, s12, $0x38;
	[tilespmem:$0x10800] =	vst v63  }
0x20b: {  	s2 =	sshrl.u32 s1, $0x3;
	s1 =	sor.u32 $0xA0, s0;
	s7 =	sadd.s32 s16, s7  }
0x20c: {  	[hbm4b:s7+s12] =	stream.strided.scatter [tilespmem:s17], [sflag:$0x4], $0x1000, s3, s12, $0x38;
	[tilespmem:$0x10800] =	vst v63  }
0x20d: {  	s4 =	sadd.s32 s16, s11;
	s8 =	simm.s32 $0xA800;
	s11 =	sor.u32 $0x80, s0  }
0x20e: {  	[hbm4b:s4+s12] =	stream.strided.scatter [tilespmem:s8], [sflag:$0x4], $0x1000, s3, s12, $0x38;
	[tilespmem:$0x10800] =	vst v63  }
0x20f: {  	s7 =	sadd.s32 s16, s2;
	s2 =	sand.u32 $0xFF, s9;
	s4 =	sshrl.u32 s11, $0x3  }
0x210: {  	[hbm4b:s7+s12] =	stream.strided.scatter [tilespmem:s19], [sflag:$0x4], $0x1000, s3, s12, $0x38;
	[tilespmem:$0x10800] =	vst v63  }
0x211: {  	s11 =	smul.u32 $0x29, s2;
	s2 =	simm.s32 $0xC800;
	s4 =	sadd.s32 s16, s4  }
0x212: {  	[hbm4b:s4+s12] =	stream.strided.scatter [tilespmem:s2], [sflag:$0x4], $0x1000, s3, s12, $0x38;
	[tilespmem:$0x10800] =	vst v63  }
0x213: {  	s7 =	sshrl.u32 s1, $0x3;
	s4 =	sshrl.u32 s11, $0xA  }
0x214: {  	s1 =	simm.s32 $0xD800;
	s7 =	sadd.s32 s16, s7;
	s11 =	smul.u32 $0x19, s4  }
0x215: {  	[hbm4b:s7+s12] =	stream.strided.scatter [tilespmem:s1], [sflag:$0x4], $0x1000, s3, s12, $0x38;
	[tilespmem:$0x10800] =	vst v63  }
0x216: {  	s4 =	sadd.s32 s4, s13;
	s7 =	sor.u32 $0xC0, s0  }
0x217: {  	s0 =	sor.u32 $0xE0, s0;
	s7 =	sshrl.u32 s7, $0x3;
	s9 =	ssub.s32 s9, s11  }
0x218: {  	s11 =	simm.s32 $0xE800;
	s7 =	sadd.s32 s16, s7;
	s9 =	sand.u32 $0xFF, s9  }
0x219: {  	[hbm4b:s7+s12] =	stream.strided.scatter [tilespmem:s11], [sflag:$0x4], $0x1000, s3, s12, $0x38;
	[tilespmem:$0x10800] =	vst v63  }
0x21a: {  	s4 =	sshll.u32 s4, $0x7;
	s0 =	sshrl.u32 s0, $0x3;
	s7 =	sshll.u32 s9, $0xE  }
0x21b: {  	s0 =	sadd.s32 s16, s0;
	s4 =	sadd.s32 s7, s4;
	s7 =	simm.s32 $0xF800  }
0x21c: {  	[hbm4b:s0+s12] =	stream.strided.scatter [tilespmem:s7], [sflag:$0x4], $0x1000, s3, s12, $0x38;
	[tilespmem:$0x10800] =	vst v63  }
0x21d: {  	s13 =	sadd.s32 s23, s4;
	s23 =	simm.s32 $0x400  }
0x21e: {  	[tilespmem:s23], [sflag:$0x5] =	stream.linear.gather [hbm4b:s13+s21], $0x400, $0x38;
	[tilespmem:$0x10800] =	vst v63  }
0x21f: {  	_ =	swait.ge [sflag:s15], $0x400  }
0x220: {  	[sflag:s15] =	ssyncset.done $0x0  }
0x221: {  	[sflag:s15] =	ssyncadd.s32 $0xFFFFFC00  }
0x222: {  	_ =	swait.ge [sflag:s31], $0x1000  }
0x223: {  	[sflag:s31] =	ssyncset.done $0x0  }
0x224: {  	[sflag:s31] =	ssyncadd.s32 $0xFFFFF000  }
0x225: {  	_ =	swait.ge [sflag:s31], $0x1000  }
0x226: {  	[sflag:s31] =	ssyncset.done $0x0  }
0x227: {  	[sflag:s31] =	ssyncadd.s32 $0xFFFFF000  }
0x228: {  	_ =	swait.ge [sflag:s31], $0x1000  }
0x229: {  	[sflag:s31] =	ssyncset.done $0x0  }
0x22a: {  	[sflag:s31] =	ssyncadd.s32 $0xFFFFF000  }
0x22b: {  	_ =	swait.ge [sflag:s31], $0x1000  }
0x22c: {  	[sflag:s31] =	ssyncset.done $0x0  }
0x22d: {  	[sflag:s31] =	ssyncadd.s32 $0xFFFFF000  }
0x22e: {  	_ =	swait.ge [sflag:s31], $0x1000  }
0x22f: {  	[sflag:s31] =	ssyncset.done $0x0  }
0x230: {  	[sflag:s31] =	ssyncadd.s32 $0xFFFFF000  }
0x231: {  	_ =	swait.ge [sflag:s31], $0x1000  }
0x232: {  	[sflag:s31] =	ssyncset.done $0x0  }
0x233: {  	[sflag:s31] =	ssyncadd.s32 $0xFFFFF000  }
0x234: {  	_ =	swait.ge [sflag:s31], $0x1000  }
0x235: {  	[sflag:s31] =	ssyncset.done $0x0  }
0x236: {  	[sflag:s31] =	ssyncadd.s32 $0xFFFFF000  }
0x237: {  	_ =	swait.ge [sflag:s31], $0x1000  }
0x238: {  	[sflag:s31] =	ssyncset.done $0x0  }
0x239: {  	s15 =	simm.s32 $0x8800;
	[sflag:s31] =	ssyncadd.s32 $0xFFFFF000  }
0x23a: {  	[tilespmem:s15], [sflag:$0x2] =	stream.indirect.gather [hbm4b:s5+s14], $0x20, s23, s14, $0xb8;
	[tilespmem:$0x10800] =	vst v63  }
0x23b: {  	s4 =	simm.s32 $0x480  }
0x23c: {  	[tilespmem:s17], [sflag:$0x2] =	stream.indirect.gather [hbm4b:s5+s14], $0x20, s4, s14, $0xb8;
	[tilespmem:$0x10800] =	vst v63  }
0x23d: {  	s9 =	simm.s32 $0x500  }
0x23e: {  	[tilespmem:s8], [sflag:$0x2] =	stream.indirect.gather [hbm4b:s5+s14], $0x20, s9, s14, $0xb8;
	[tilespmem:$0x10800] =	vst v63  }
0x23f: {  	s13 =	simm.s32 $0x580  }
0x240: {  	[tilespmem:s19], [sflag:$0x2] =	stream.indirect.gather [hbm4b:s5+s14], $0x20, s13, s14, $0xb8;
	[tilespmem:$0x10800] =	vst v63  }
0x241: {  	s21 =	simm.s32 $0x600  }
0x242: {  	[tilespmem:s2], [sflag:$0x2] =	stream.indirect.gather [hbm4b:s5+s14], $0x20, s21, s14, $0xb8;
	[tilespmem:$0x10800] =	vst v63  }
0x243: {  	s23 =	simm.s32 $0x680  }
0x244: {  	[tilespmem:s1], [sflag:$0x2] =	stream.indirect.gather [hbm4b:s5+s14], $0x20, s23, s14, $0xb8;
	[tilespmem:$0x10800] =	vst v63  }
0x245: {  	s1 =	simm.s32 $0x700  }
0x246: {  	[tilespmem:s11], [sflag:$0x2] =	stream.indirect.gather [hbm4b:s5+s14], $0x20, s1, s14, $0xb8;
	[tilespmem:$0x10800] =	vst v63  }
0x247: {  	s4 =	simm.s32 $0x780  }
0x248: {  	[tilespmem:s7], [sflag:$0x2] =	stream.indirect.gather [hbm4b:s5+s14], $0x20, s4, s14, $0xb8;
	[tilespmem:$0x10800] =	vst v63  }
0x249: {  	_ =	swait.ge [sflag:s10], $0x1000  }
0x24a: {  	[sflag:s10] =	ssyncset.done $0x0  }
0x24b: {  	[sflag:s10] =	ssyncadd.s32 $0xFFFFF000  }
0x24c: {  	_ =	swait.ge [sflag:s10], $0x1000  }
0x24d: {  	[sflag:s10] =	ssyncset.done $0x0  }
0x24e: {  	[sflag:s10] =	ssyncadd.s32 $0xFFFFF000  }
0x24f: {  	_ =	swait.ge [sflag:s10], $0x1000  }
0x250: {  	[sflag:s10] =	ssyncset.done $0x0  }
0x251: {  	[sflag:s10] =	ssyncadd.s32 $0xFFFFF000  }
0x252: {  	_ =	swait.ge [sflag:s10], $0x1000  }
0x253: {  	[sflag:s10] =	ssyncset.done $0x0  }
0x254: {  	[sflag:s10] =	ssyncadd.s32 $0xFFFFF000  }
0x255: {  	_ =	swait.ge [sflag:s10], $0x1000  }
0x256: {  	[sflag:s10] =	ssyncset.done $0x0  }
0x257: {  	[sflag:s10] =	ssyncadd.s32 $0xFFFFF000  }
0x258: {  	_ =	swait.ge [sflag:s10], $0x1000  }
0x259: {  	[sflag:s10] =	ssyncset.done $0x0  }
0x25a: {  	[sflag:s10] =	ssyncadd.s32 $0xFFFFF000  }
0x25b: {  	_ =	swait.ge [sflag:s10], $0x1000  }
0x25c: {  	s11 =	smul.u32 $0xC8000, s18;
	[sflag:s10] =	ssyncset.done $0x0  }
0x25d: {  	s14 =	sshll.u32 s20, $0x8;
	[sflag:s10] =	ssyncadd.s32 $0xFFFFF000  }
0x25e: {  	s0 =	sor.u32 s14, s11;
	_ =	swait.ge [sflag:s10], $0x1000  }
0x25f: {  	s0 =	sshrl.u32 s0, $0x3;
	[sflag:s10] =	ssyncset.done $0x0  }
0x260: {  	s18 =	simm.s32 $0x800;
	s0 =	sadd.s32 s16, s0;
	[sflag:s10] =	ssyncadd.s32 $0xFFFFF000  }
0x261: {  	[hbm4b:s0+s12] =	stream.strided.scatter [tilespmem:s18], [sflag:$0x3], $0x1000, s3, s12, $0x38;
	[tilespmem:$0x10800] =	vst v63  }
0x262: {  	s21 =	simm.s32 $0x1800;
	s20 =	sadd.s32 $0x4, s0  }
0x263: {  	[hbm4b:s20+s12] =	stream.strided.scatter [tilespmem:s21], [sflag:$0x3], $0x1000, s3, s12, $0x38;
	[tilespmem:$0x10800] =	vst v63  }
0x264: {  	s22 =	simm.s32 $0x2800;
	s23 =	sadd.s32 $0x8, s0  }
0x265: {  	[hbm4b:s23+s12] =	stream.strided.scatter [tilespmem:s22], [sflag:$0x3], $0x1000, s3, s12, $0x38;
	[tilespmem:$0x10800] =	vst v63  }
0x266: {  	s7 =	sadd.s32 $0xC, s0  }
0x267: {  	[hbm4b:s7+s12] =	stream.strided.scatter [tilespmem:s30], [sflag:$0x3], $0x1000, s3, s12, $0x38;
	[tilespmem:$0x10800] =	vst v63  }
0x268: {  	s11 =	sadd.s32 $0x10, s0  }
0x269: {  	[hbm4b:s11+s12] =	stream.strided.scatter [tilespmem:s29], [sflag:$0x3], $0x1000, s3, s12, $0x38;
	[tilespmem:$0x10800] =	vst v63  }
0x26a: {  	s14 =	sadd.s32 $0x14, s0  }
0x26b: {  	[hbm4b:s14+s12] =	stream.strided.scatter [tilespmem:s28], [sflag:$0x3], $0x1000, s3, s12, $0x38;
	[tilespmem:$0x10800] =	vst v63  }
0x26c: {  	s16 =	sadd.s32 $0x18, s0  }
0x26d: {  	[hbm4b:s16+s12] =	stream.strided.scatter [tilespmem:s26], [sflag:$0x3], $0x1000, s3, s12, $0x38;
	[tilespmem:$0x10800] =	vst v63  }
0x26e: {  	s0 =	sadd.s32 $0x1C, s0  }
0x26f: {  	[hbm4b:s0+s12] =	stream.strided.scatter [tilespmem:s25], [sflag:$0x3], $0x1000, s3, s12, $0x38;
	[tilespmem:$0x10800] =	vst v63  }
0x270: {  	_ =	swait.ge [sflag:s6], $0x1000  }
0x271: {  	[sflag:s6] =	ssyncset.done $0x0  }
0x272: {  	[sflag:s6] =	ssyncadd.s32 $0xFFFFF000  }
0x273: {  	_ =	swait.ge [sflag:s6], $0x1000  }
0x274: {  	[sflag:s6] =	ssyncset.done $0x0  }
0x275: {  	[sflag:s6] =	ssyncadd.s32 $0xFFFFF000  }
0x276: {  	_ =	swait.ge [sflag:s6], $0x1000  }
0x277: {  	[sflag:s6] =	ssyncset.done $0x0  }
0x278: {  	[sflag:s6] =	ssyncadd.s32 $0xFFFFF000  }
0x279: {  	_ =	swait.ge [sflag:s6], $0x1000  }
0x27a: {  	[sflag:s6] =	ssyncset.done $0x0  }
0x27b: {  	[sflag:s6] =	ssyncadd.s32 $0xFFFFF000  }
0x27c: {  	_ =	swait.ge [sflag:s6], $0x1000  }
0x27d: {  	[sflag:s6] =	ssyncset.done $0x0  }
0x27e: {  	[sflag:s6] =	ssyncadd.s32 $0xFFFFF000  }
0x27f: {  	_ =	swait.ge [sflag:s6], $0x1000  }
0x280: {  	[sflag:s6] =	ssyncset.done $0x0  }
0x281: {  	[sflag:s6] =	ssyncadd.s32 $0xFFFFF000  }
0x282: {  	_ =	swait.ge [sflag:s6], $0x1000  }
0x283: {  	[sflag:s6] =	ssyncset.done $0x0  }
0x284: {  	[sflag:s6] =	ssyncadd.s32 $0xFFFFF000  }
0x285: {  	_ =	swait.ge [sflag:s6], $0x1000  }
0x286: {  	[sflag:s6] =	ssyncset.done $0x0  }
0x287: {  	s18 =	rddreg [dreg:$0x13];
	[sflag:s6] =	ssyncadd.s32 $0xFFFFF000  }
0x288: {  	[hbm4b:s18+s12] =	stream.strided.scatter [tilespmem:s15], [sflag:$0x4], $0x1000, s3, s12, $0x38;
	[tilespmem:$0x10800] =	vst v63  }
0x289: {  	s17 =	simm.s32 $0x9800;
	s20 =	rddreg [dreg:$0x14]  }
0x28a: {  	[hbm4b:s20+s12] =	stream.strided.scatter [tilespmem:s17], [sflag:$0x4], $0x1000, s3, s12, $0x38;
	[tilespmem:$0x10800] =	vst v63  }
0x28b: {  	s9 =	simm.s32 $0xA800;
	s21 =	rddreg [dreg:$0x15]  }
0x28c: {  	[hbm4b:s21+s12] =	stream.strided.scatter [tilespmem:s9], [sflag:$0x4], $0x1000, s3, s12, $0x38;
	[tilespmem:$0x10800] =	vst v63  }
0x28d: {  	s19 =	simm.s32 $0xB800;
	s22 =	rddreg [dreg:$0x16]  }
0x28e: {  	[hbm4b:s22+s12] =	stream.strided.scatter [tilespmem:s19], [sflag:$0x4], $0x1000, s3, s12, $0x38;
	[tilespmem:$0x10800] =	vst v63  }
0x28f: {  	s13 =	simm.s32 $0xC800;
	s23 =	rddreg [dreg:$0x17]  }
0x290: {  	[hbm4b:s23+s12] =	stream.strided.scatter [tilespmem:s13], [sflag:$0x4], $0x1000, s3, s12, $0x38;
	[tilespmem:$0x10800] =	vst v63  }
0x291: {  	s2 =	simm.s32 $0xD800;
	s25 =	rddreg [dreg:$0x18]  }
0x292: {  	[hbm4b:s25+s12] =	stream.strided.scatter [tilespmem:s2], [sflag:$0x4], $0x1000, s3, s12, $0x38;
	[tilespmem:$0x10800] =	vst v63  }
0x293: {  	s8 =	simm.s32 $0xE800;
	s26 =	rddreg [dreg:$0x19]  }
0x294: {  	[hbm4b:s26+s12] =	stream.strided.scatter [tilespmem:s8], [sflag:$0x4], $0x1000, s3, s12, $0x38;
	[tilespmem:$0x10800] =	vst v63  }
0x295: {  	s4 =	simm.s32 $0xF800;
	s28 =	rddreg [dreg:$0x1a]  }
0x296: {  	[hbm4b:s28+s12] =	stream.strided.scatter [tilespmem:s4], [sflag:$0x4], $0x1000, s3, s12, $0x38;
	[tilespmem:$0x10800] =	vst v63  }
0x297: {  	_ =	swait.ge [sflag:s24], $0x1000  }
0x298: {  	[sflag:s24] =	ssyncset.done $0x0  }
0x299: {  	[sflag:s24] =	ssyncadd.s32 $0xFFFFF000  }
0x29a: {  	_ =	swait.ge [sflag:s24], $0x1000  }
0x29b: {  	[sflag:s24] =	ssyncset.done $0x0  }
0x29c: {  	[sflag:s24] =	ssyncadd.s32 $0xFFFFF000  }
0x29d: {  	_ =	swait.ge [sflag:s24], $0x1000  }
0x29e: {  	[sflag:s24] =	ssyncset.done $0x0  }
0x29f: {  	[sflag:s24] =	ssyncadd.s32 $0xFFFFF000  }
0x2a0: {  	_ =	swait.ge [sflag:s24], $0x1000  }
0x2a1: {  	[sflag:s24] =	ssyncset.done $0x0  }
0x2a2: {  	[sflag:s24] =	ssyncadd.s32 $0xFFFFF000  }
0x2a3: {  	_ =	swait.ge [sflag:s24], $0x1000  }
0x2a4: {  	[sflag:s24] =	ssyncset.done $0x0  }
0x2a5: {  	[sflag:s24] =	ssyncadd.s32 $0xFFFFF000  }
0x2a6: {  	_ =	swait.ge [sflag:s24], $0x1000  }
0x2a7: {  	[sflag:s24] =	ssyncset.done $0x0  }
0x2a8: {  	[sflag:s24] =	ssyncadd.s32 $0xFFFFF000  }
0x2a9: {  	_ =	swait.ge [sflag:s24], $0x1000  }
0x2aa: {  	[sflag:s24] =	ssyncset.done $0x0  }
0x2ab: {  	[sflag:s24] =	ssyncadd.s32 $0xFFFFF000  }
0x2ac: {  	_ =	swait.ge [sflag:s24], $0x1000  }
0x2ad: {  	[sflag:s24] =	ssyncset.done $0x0  }
0x2ae: {  	[sflag:s24] =	ssyncadd.s32 $0xFFFFF000  }
0x2af: {  	_ =	swait.ge [sflag:s31], $0x1000  }
0x2b0: {  	[sflag:s31] =	ssyncset.done $0x0  }
0x2b1: {  	[sflag:s31] =	ssyncadd.s32 $0xFFFFF000  }
0x2b2: {  	_ =	swait.ge [sflag:s31], $0x1000  }
0x2b3: {  	[sflag:s31] =	ssyncset.done $0x0  }
0x2b4: {  	[sflag:s31] =	ssyncadd.s32 $0xFFFFF000  }
0x2b5: {  	_ =	swait.ge [sflag:s31], $0x1000  }
0x2b6: {  	[sflag:s31] =	ssyncset.done $0x0  }
0x2b7: {  	[sflag:s31] =	ssyncadd.s32 $0xFFFFF000  }
0x2b8: {  	_ =	swait.ge [sflag:s31], $0x1000  }
0x2b9: {  	[sflag:s31] =	ssyncset.done $0x0  }
0x2ba: {  	[sflag:s31] =	ssyncadd.s32 $0xFFFFF000  }
0x2bb: {  	_ =	swait.ge [sflag:s31], $0x1000  }
0x2bc: {  	[sflag:s31] =	ssyncset.done $0x0  }
0x2bd: {  	[sflag:s31] =	ssyncadd.s32 $0xFFFFF000  }
0x2be: {  	_ =	swait.ge [sflag:s31], $0x1000  }
0x2bf: {  	[sflag:s31] =	ssyncset.done $0x0  }
0x2c0: {  	[sflag:s31] =	ssyncadd.s32 $0xFFFFF000  }
0x2c1: {  	_ =	swait.ge [sflag:s31], $0x1000  }
0x2c2: {  	[sflag:s31] =	ssyncset.done $0x0  }
0x2c3: {  	[sflag:s31] =	ssyncadd.s32 $0xFFFFF000  }
0x2c4: {  	_ =	swait.ge [sflag:s31], $0x1000  }
0x2c5: {  	s29 =	rddreg [dreg:$0x1c]  }
0x2c6: {  	s30 =	rddreg [dreg:$0x1b];
	s1 =	sadd.s32 $0x1, s29  }
0x2c7: {  	p0 =	sne.s32 s1, s30  }
.Ltmp1:
0x2c8: {  	_ = 	snop;
	(pc) =	sbr.rel @p0 .LBB2_1-.Ltmp1, $3  }
0x2c9: {  	_ =	sdelay $0x1  }
0x2ca: {  	[sflag:s31] =	ssyncset.done $0x0  }
0x2cb: {  	[sflag:s31] =	ssyncadd.s32 $0xFFFFF000  }
0x2cc: {  	_ =	sfence.sel $0x180000  }
0x2cd: {  	[bflag:$0x0] =	sbarrier.arrive $0xFFFF  }
0x2ce: {  	_ =	strace $0x90000047  }
0x2cf: {  	s0 =	stileid.u32;
	[bflag:$0x2] =	sbarrier.arrive $0xFFFF  }
0x2d0: {  	p0 =	sne.s32 s0, $0x0;
	s0 =	rddreg [dreg:$0x3]  }
0x2d1: {  	s0 =	sadd.s32 @!p0 $0x100000, s0  }
0x2d2: {  	[sflag:s0] =	ssyncadd.tile.s32 @!p0 $0x1;
	_ =	shalt  }
.Lfunc_end2:
_tile_overlayer_lowered:
.L_overlay_start_2:
0x2d3: {  	(tag) =	ssettag $0x2  }
0x2d4: {  	s0 =	rddreg [dreg:$0x0];
	s2 =	stileid.u32  }
0x2d5: {  	s1 =	rddreg [dreg:$0x1];
	p0 =	sne.s32 s2, $0x0  }
0x2d6: {  	s3 =	rddreg [dreg:$0x2];
	[bflag:$0x3] =	sbarrier.arrive $0xFFFF;
	s2 =	simm.s32 @!p0 $0x1C05  }
0x2d7: {  	[timem:s3], [sflag:s2] =	dma.local @!p0 [hbm:s0], s1  }
0x2d8: {  	s0 =	simm.s32 @!p0 $0x5  }
0x2d9: {  	_ =	swait.ge @!p0 [sflag:s0], s1  }
0x2da: {  	s1 =	ssub.s32 @!p0 $0x0, s1;
	[sflag:s0] =	ssyncset.done @!p0 $0x0  }
0x2db: {  	[sflag:s0] =	ssyncadd.s32 @!p0 s1  }
0x2dc: {  	[bflag:$0x3] =	sbarrier.arrive $0xFFFF  }
0x2dd: {  	_ =	shalt  }

// kernel: sparse-core-data-format-call.cloned.1.call-start
scs
called_computation_lowered:
.L_overlay_start_0:
0x0: {  	s2 =	sld [smem:$0x3FD9]  }
0x1: {  	s3 =	sld [smem:$0x3FFE];
	_ =	sdelay $0x1  }
0x2: {  	s1 =	srdreg.scid  }
0x3: {  	s0 =	sand.u32 $0x1, s1  }
0x4: {  	s18 =	sshll.u32 s0, $0xA;
	s2 =	sadd.s32 s3, s2  }
0x5: {  	s2 =	sadd.s32 s2, s18  }
0x6: {  	[smem:$0x3FC6] =	sst s2  }
0x7: {  	_ = 	snop  }
0x8: {  	s2 =	sld [smem:$0x3FD0];
	(tm) =	ssettm $0x1  }
0x9: {  	s19 =	sld [smem:$0x3FFB];
	_ =	sdelay $0x3  }
0xa: {  	_ =	strace s19  }
0xb: {  	s3 =	sld [smem:$0x3FFC];
	_ =	sdelay $0x3  }
0xc: {  	_ =	strace s3  }
0xd: {  	s3 =	sld [smem:$0x3FFD];
	_ =	sdelay $0x3  }
0xe: {  	_ =	strace s3  }
0xf: {  	_ =	strace $0x8FFFFFFF  }
0x10: {  	s20 =	sld [smem:$0x3FDB];
	_ =	sdelay $0x1  }
0x11: {  	s4 =	simm.s32 $_scs_section_size  }
0x12: {  	s5 =	simm.s32 $_size__tile_overlayer_lowered;
	s6 =	simm.s32 $_tile_overlayer_lowered  }
0x13: {  	s23 =	simm.s32 $0x1BFF;
	s22 =	sshll.u32 s6, $0x1;
	s3 =	sadd.s32 s4, s20  }
0x14: {  	s7 =	simm.s32 $0x0;
	s21 =	sshll.u32 s5, $0x1;
	s5 =	sadd.s32 s22, s3  }
0x15: {  	[timem:s7], [sflag:s23] =	dma.local [hbm:s5], s21  }
0x16: {  	_ =	swait.ge [sflag:s23], s21  }
0x17: {  	s4 =	ssub.s32 $0x0, s21;
	[sflag:s23] =	ssyncset.done $0x0  }
0x18: {  	[sflag:s23] =	ssyncadd.s32 s4;
	_ =	sdelay $0x1  }
0x19: {  	s24 =	simm.s32 $0x1B8B  }
0x1a: {  	_ =	swait.ge [sflag:s24], $0x1  }
0x1b: {  	[sflag:s24] =	ssyncset.done $0x0  }
0x1c: {  	s26 =	simm.s32 $0x1B8E;
	s25 =	sld [smem:$0x3FFE];
	[sflag:s24] =	ssyncadd.s32 $0xFFFFFFFF  }
0x1d: {  	s27 =	simm.s32 $execute0_lowered;
	[smem:$0x3FD2] =	sst s26  }
0x1e: {  	s5 =	sshll.u32 s27, $0x1;
	_ =	strace $0x80000049;
	[dreg:$0x1] =	wrdreg $0xFFFFFFFF  }
0x1f: {  	s28 =	simm.s32 $_size_execute0_lowered;
	s3 =	sadd.s32 s3, s5;
	[dreg:$0x0] =	wrdreg $0x0  }
0x20: {  	s5 =	sshll.u32 s28, $0x1;
	[dreg:$0x2] =	wrdreg s3  }
0x21: {  	[dreg:$0x3] =	wrdreg s5  }
0x22: {  	[dreg:$0x4] =	wrdreg $0xC0  }
0x23: {  	_ =	task [dreg:s7], $0x5FFFF  }
0x24: {  	[dreg:$0x1] =	wrdreg $0xFFFFFFFF  }
0x25: {  	[dreg:$0x0] =	wrdreg $0x60  }
0x26: {  	[dreg:$0x2] =	wrdreg s25  }
0x27: {  	[dreg:$0x3] =	wrdreg s2  }
0x28: {  	[dreg:$0x4] =	wrdreg $0x9  }
0x29: {  	_ =	task.clear_ibuf [dreg:s7], $0x5FFFF;
	_ =	strace $0x90000049  }
0x2a: {  	s29 =	simm.s32 $0x9;
	_ =	strace $0x8000004B  }
0x2b: {  	_ =	swait.ge [sflag:s29], $0x1  }
0x2c: {  	[sflag:s29] =	ssyncadd.s32 $0xFFFFFFFF  }
0x2d: {  	_ =	strace $0x9000004B  }
0x2e: {  	_ =	sfence  }
0x2f: {  	s30 =	sld [smem:$0x0];
	_ =	sdelay $0x2  }
0x30: {  	s31 =	sshll.u32 s1, $0xD;
	s1 =	sshrl.u32 s1, $0x2  }
0x31: {  	s3 =	sand.u32 $0x4000, s31;
	s1 =	sadd.s32 s1, s30  }
0x32: {  	s0 =	sor.u32 s3, s0;
	s1 =	sshll.u32 s1, $0x11  }
0x33: {  	s0 =	sor.u32 s1, s0  }
0x34: {  	s0 =	sadd.s32 $0x8F2B, s0  }
0x35: {  	[sflag:s0] =	ssyncadd.remote.s32 $0x1  }
0x36: {  	_ =	sfence.sel $0xFFFF  }
0x37: {  	[dreg:$0x0] =	wrdreg $0xFFFFFFFF;
	(pc) =	sbr.abs _section_cstart, $3  }
0x38: {  	[dreg:$0x1] =	wrdreg $0xFFFFFFFF  }
0x39: {  	_ =	task.clear_ibuf [dreg:s7], $0x2FFFF;
	_ =	strace $0x9FFFFFFF  }
0x3a: {  	(tm) =	ssettm $0x7FFFFFFF  }
0x3b: {  	_ =	shalt  }
tec
execute0_lowered:
.L_overlay_start_1:
0x0: {  	(tag) =	ssettag $0x1  }
0x1: {  	s0 =	srdreg.scid  }
0x2: {  	s1 =	sshll.u32 s0, $0x4  }
0x3: {  	s0 =	stileid.u32;
	s1 =	sand.u32 $0x10, s1  }
0x4: {  	s1 =	sor.u32 s0, s1  }
0x5: {  	s6 =	rddreg [dreg:$0x0];
	s4 =	simm.s32 $0x1;
	s2 =	sshll.u32 s1, $0x7  }
0x6: {  	s7 =	simm.s32 $0x2;
	s12 =	simm.s32 $0x0;
	s1 =	ssub.s32 $0x4000, s2  }
0x7: {  	s8 =	simm.s32 $0x20000;
	s13 =	simm.s32 $0x0;
	s3 =	sand.u32 $0xF80, s1  }
0x8: {  	s9 =	simm.s32 $0x0;
	s5 =	sshrl.u32 s1, $0xC;
	p0 =	sne.s32 s3, $0x0  }
.Ltmp0:
0x9: {  	s1 =	rddreg [dreg:$0x2];
	s4 =	simm.s32 @!p0 $0x0;
	(pc) =	sbr.rel .LBB1_1-.Ltmp0, $4  }
0xa: {  	s11 =	simm.s32 $0x0;
	s3 =	rddreg [dreg:$0x1];
	s5 =	sadd.s32 s4, s5  }
0xb: {  	_ =	strace $0x8000004A;
	s4 =	simm.s32 $0x1;
	s5 =	smul.u32 $0xC8, s5  }
0xc: {  	s6 =	sadd.s32 $0x800, s6;
	s10 =	smov.u32 s2;
	[sflag:s4] =	ssyncpa.u1 $0x0  }
0xd: {  	p0 =	por $0x0, $0x0;
	[sflag:s7] =	ssyncpa.u1 $0x0;
	s7 =	sor.u32 $0x1, s5  }
.LBB1_4:
0xe: {  	s16 =	sshll.u32 s13, $0x3;
	s17 =	sand.u32 $0x78, s13  }
0xf: {  	s30 =	sand.u32 $0xF800, s13;
	s12 =	sshll.u32 s12, $0x10;
	s16 =	sand.u32 $0x3C00, s16  }
0x10: {  	s31 =	sand.u32 $0x7, s13;
	s16 =	sor.u32 s17, s16;
	s17 =	sadd.s32 s3, s30  }
0x11: {  	s13 =	sshll.u32 s31, $0x12;
	s16 =	sshrl.u32 s16, $0x3;
	s12 =	sadd.s32 s12, s17  }
0x12: {  	[tilespmem:s15+$0x0 ss:$0x81] =	vst.msk $0xffff, v0;
	s13 =	sor.u32 $0x400, s13;
	s12 =	sadd.s32 s16, s12  }
0x13: {  	[hbm4b:s12+s13] =	stream.strided.scatter [tilespmem:s14], [sflag:$0x2], $0x1000, s8, s13, $0x20;
	[tilespmem:$0x4040] =	vst v63  }
.LBB1_5:
0x14: {  	s14 =	sadd.s32 $0x1, s9  }
0x15: {  	s12 =	sadd.s32 $0x1000, s10;
	s16 =	smov.u32 s10;
	p2 =	sgt.s32 s14, $0xC7  }
0x16: {  	s16 =	smov.u32 @p2 s12  }
0x17: {  	s14 =	simm.s32 @p2 $0x0;
	p2 =	sgt.s32 s16, $0x3FFF  }
0x18: {  	s16 =	smov.u32 @p2 s2;
	p2 =	sne.s32 s11, s7  }
.Ltmp1:
0x19: {  	p1 =	slt.u32 s11, $0x2;
	(pc) =	sbr.rel @!p2 .LBB1_6-.Ltmp1, $4  }
0x1a: {  	s15 =	simm.s32 @!p1 $0x2  }
0x1b: {  	s13 =	smov.u32 s10;
	p0 =	por !p0, !p0;
	_ =	swait.ge @!p1 [sflag:s15], $0x1000  }
0x1c: {  	s12 =	smov.u32 s9;
	[sflag:s15] =	ssyncset.done @!p1 $0x0;
	s9 =	smov.u32 s14  }
0x1d: {  	s11 =	sadd.s32 $0x1, s11;
	[sflag:s15] =	ssyncadd.s32 @!p1 $0xFFFFF000;
	s10 =	smov.u32 s16  }
.LBB1_1:
0x1e: {  	p1 =	sge.u32 s11, s5  }
0x1f: {  	s14 =	sand.u32 @!p1 $0x1FFFFFF, s9  }
0x20: {  	s15 =	smulhi.u32 @!p1 $0x147AE15, s14;
	_ =	sdelay $0x1  }
0x21: {  	s15 =	smul.u32 @!p1 $0xC8, s15  }
0x22: {  	s16 =	sxor.u32 @!p1 $0xFFFFFFFF, s11;
	s17 =	smul.u32 @!p1 $0xC80, s10  }
0x23: {  	s31 =	sadd.s32 $0xFFFFFFFF, s11;
	s16 =	sshll.u32 @!p1 s16, $0xC;
	s14 =	ssub.s32 @!p1 s14, s15  }
0x24: {  	s15 =	sand.u32 @!p1 $0x1000, s16;
	s16 =	sadd.s32 @!p1 s6, s17;
	s14 =	sshll.u32 @!p1 s14, $0x4  }
0x25: {  	s17 =	simm.s32 @!p1 $0x6400;
	s14 =	sadd.s32 @!p1 s14, s16;
	s16 =	simm.s32 @!p1 $0x20  }
0x26: {  	[tilespmem:s15], [sflag:$0x1] =	stream.strided.gather @!p1 [hbm4b:s14+s16], $0x1000, s17, s16, $0x38;
	[tilespmem:$0x4040] =	vst v63  }
0x27: {  	p1 =	sge.u32 s31, s5  }
.Ltmp2:
0x28: {  	_ = 	snop;
	(pc) =	sbr.rel @p1 .LBB1_5-.Ltmp2, $1  }
0x29: {  	_ =	sdelay $0x3  }
0x2a: {  	s14 =	simm.s32 $0x1  }
0x2b: {  	_ =	swait.ge [sflag:s4], $0x1000;
	s14 =	simm.s32 @!p0 $0x0  }
0x2c: {  	[sflag:s4] =	ssyncset.done $0x0;
	s15 =	sshll.u32 s14, $0xC  }
0x2d: {  	[sflag:s4] =	ssyncadd.s32 $0xFFFFF000;
	s18 =	sor.u32 $0x10, s15  }
0x2e: {  	s14 =	smul.u32 $0x4080, s14;
	v1 =	vld [tilespmem:s18+$0x0]  }
0x2f: {  	s30 =	sand.u32 $0x1, s11;
	v0 =	vld [tilespmem:s18+$0xFFFFFFF0]  }
0x30: {  	s15 =	smul.u32 $0x4080, s30;
	s14 =	sshrl.u32 s14, $0x2  }
0x31: {  	s16 =	sor.u32 $0x2000, s14  }
0x32: {  	s31 =	sshrl.u32 s15, $0x2;
	s15 =	sadd.s32 $0x0, s16  }
0x33: {  	s17 =	simm.s32 $0x4;
	s18 =	sadd.s32 $0x20, s18;
	s14 =	sor.u32 $0x2000, s31;
	[tilespmem:s15+$0x810 ss:$0x81] =	vst.msk $0xffff, v1  }
.LBB1_3:
0x34: {  	v1 =	vld [tilespmem:s18+$0x0];
	p1 =	sne.s32 s17, $0x1FC;
	[tilespmem:s15+$0x0 ss:$0x81] =	vst.msk $0xffff, v0;
	s15 =	smov.u32 s17;
	s17 =	sadd.s32 $0x4, s17  }
.Ltmp3:
0x35: {  	v0 =	vld [tilespmem:s18+$0xFFFFFFF0];
	(pc) =	sbr.rel @p1 .LBB1_3-.Ltmp3, $4  }
0x36: {  	_ = 	snop  }
0x37: {  	s15 =	sshra.s32 s15, $0x2  }
0x38: {  	s15 =	sadd.s32 s15, s16  }
0x39: {  	s18 =	sadd.s32 $0x20, s18;
	[tilespmem:s15+$0x810 ss:$0x81] =	vst.msk $0xffff, v1  }
.Ltmp4:
0x3a: {  	_ = 	snop;
	(pc) =	sbr.rel .LBB1_4-.Ltmp4, $1  }
0x3b: {  	_ =	sdelay $0x3  }
.LBB1_6:
0x3c: {  	_ =	sfence.sel $0x180000  }
0x3d: {  	s2 =	simm.s32 $0x1;
	[bflag:$0x0] =	sbarrier.arrive $0xFFFF  }
0x3e: {  	s31 =	simm.s32 $0x2;
	[sflag:s2] =	ssyncpa.u1 $0x1  }
0x3f: {  	[sflag:s31] =	ssyncpa.u1 $0x1  }
0x40: {  	p0 =	sne.s32 s0, $0x0;
	_ =	strace $0x9000004A  }
0x41: {  	s0 =	sadd.s32 @!p0 $0x100000, s1;
	[bflag:$0x2] =	sbarrier.arrive $0xFFFF  }
0x42: {  	[sflag:s0] =	ssyncadd.tile.s32 @!p0 $0x1;
	_ =	shalt  }
.Lfunc_end1:
_tile_overlayer_lowered:
.L_overlay_start_2:
0x43: {  	(tag) =	ssettag $0x2  }
0x44: {  	s0 =	rddreg [dreg:$0x0];
	s2 =	stileid.u32  }
0x45: {  	s1 =	rddreg [dreg:$0x1];
	p0 =	sne.s32 s2, $0x0  }
0x46: {  	s3 =	rddreg [dreg:$0x2];
	[bflag:$0x3] =	sbarrier.arrive $0xFFFF;
	s2 =	simm.s32 @!p0 $0x1C01  }
0x47: {  	[timem:s3], [sflag:s2] =	dma.local @!p0 [hbm:s0], s1  }
0x48: {  	s0 =	simm.s32 @!p0 $0x1  }
0x49: {  	_ =	swait.ge @!p0 [sflag:s0], s1  }
0x4a: {  	s1 =	ssub.s32 @!p0 $0x0, s1;
	[sflag:s0] =	ssyncset.done @!p0 $0x0  }
0x4b: {  	[sflag:s0] =	ssyncadd.s32 @!p0 s1  }
0x4c: {  	[bflag:$0x3] =	sbarrier.arrive $0xFFFF  }
0x4d: {  	_ =	shalt  }

</sc_bundles>
